<compile_context>
chip_gen: v7x
topology: tpu7x:2x2x1
jax: 0.10.2.dev20260603
libtpu: 0.0.44.dev20260713+nightly
codegen_flags: <defaults>
</compile_context>

<pallas_src>
import functools

import jax
import jax.numpy as jnp
from jax.experimental import pallas as pl
from jax.experimental.pallas import tpu as pltpu
from jax.experimental.pallas import tpu_sc as plsc

H = 128
LN_EPS = 1e-5
BE = 3200
BN = 2000

_F32 = jnp.float32
_BF16 = jnp.bfloat16


def _dot(a, b):
    return jnp.dot(a, b, preferred_element_type=_F32)


def _pack_bf16(x):
    u = jax.lax.bitcast_convert_type(x.astype(_BF16).astype(_F32), jnp.uint32)
    return (u[:, :64] >> 16) | (u[:, 64:] & jnp.uint32(0xFFFF0000))


def _unpack_bf16(p):
    lo = jax.lax.bitcast_convert_type(p << 16, _F32)
    hi = jax.lax.bitcast_convert_type(p & jnp.uint32(0xFFFF0000), _F32)
    return jnp.concatenate([lo, hi], axis=-1)


def _layernorm(x, g, b):
    mu = jnp.mean(x, axis=-1, keepdims=True)
    var = jnp.mean((x - mu) ** 2, axis=-1, keepdims=True)
    return (x - mu) * jax.lax.rsqrt(var + LN_EPS) * g + b



def _chunking(perw):
    idxw = 80 if perw % 80 == 0 else 40
    return idxw, perw // idxw


def _make_gather_body(idxw, kch):
    def body_fn(xs_hbm, xr_hbm, si_hbm, ri_hbm, gs_hbm, gr_hbm,
                idx_s, idx_r, buf0, buf1, buf2, buf3, sem_g, sem_o):
        cid = jax.lax.axis_index("c")
        sid = jax.lax.axis_index("s")
        wid = sid * 2 + cid
        perw = kch * idxw
        ebase = wid * perw
        pltpu.sync_copy(si_hbm.at[pl.ds(ebase, perw)], idx_s)
        pltpu.sync_copy(ri_hbm.at[pl.ds(ebase, perw)], idx_r)

        def pair(j0, j1):
            c0 = pltpu.async_copy(xs_hbm.at[idx_s.at[pl.ds(j0 * idxw, idxw)]], buf0, sem_g)
            c1 = pltpu.async_copy(xr_hbm.at[idx_r.at[pl.ds(j0 * idxw, idxw)]], buf1, sem_g)
            c2 = pltpu.async_copy(xs_hbm.at[idx_s.at[pl.ds(j1 * idxw, idxw)]], buf2, sem_g)
            c3 = pltpu.async_copy(xr_hbm.at[idx_r.at[pl.ds(j1 * idxw, idxw)]], buf3, sem_g)
            c0.wait()
            c1.wait()
            c2.wait()
            c3.wait()
            o0 = pltpu.async_copy(buf0, gs_hbm.at[pl.ds(ebase + j0 * idxw, idxw)], sem_o)
            o1 = pltpu.async_copy(buf1, gr_hbm.at[pl.ds(ebase + j0 * idxw, idxw)], sem_o)
            o2 = pltpu.async_copy(buf2, gs_hbm.at[pl.ds(ebase + j1 * idxw, idxw)], sem_o)
            o3 = pltpu.async_copy(buf3, gr_hbm.at[pl.ds(ebase + j1 * idxw, idxw)], sem_o)
            o0.wait()
            o1.wait()
            o2.wait()
            o3.wait()

        def body(g, carry):
            pair(g * 2, g * 2 + 1)
            return carry

        jax.lax.fori_loop(0, kch // 2, body, 0)
        if kch % 2:
            pair(kch - 1, kch - 1)

    return body_fn


def _sc_gather_pair(xs, xr, si, ri):
    e = si.shape[0]
    dt = xs.dtype
    w = xs.shape[1]
    idxw, kch = _chunking(e // 32)
    out = jax.ShapeDtypeStruct((e, w), dt)
    f = pl.kernel(
        _make_gather_body(idxw, kch),
        out_type=[out, out],
        mesh=plsc.VectorSubcoreMesh(core_axis_name="c", subcore_axis_name="s"),
        scratch_types=[
            pltpu.VMEM((kch * idxw,), jnp.int32),
            pltpu.VMEM((kch * idxw,), jnp.int32),
            pltpu.VMEM((idxw, w), dt),
            pltpu.VMEM((idxw, w), dt),
            pltpu.VMEM((idxw, w), dt),
            pltpu.VMEM((idxw, w), dt),
            pltpu.SemaphoreType.DMA,
            pltpu.SemaphoreType.DMA,
        ],
    )
    return f(xs, xr, si, ri)



_ZROWS = 632


def _make_scatter_body(idxw, kch):
    def body_fn(enew_hbm, ri3d_hbm, zeros_hbm, out_hbm,
                idx_v, rows0, rows1, agg_sh, sem_i):
        cid = jax.lax.axis_index("c")
        sid = jax.lax.axis_index("s")
        wid = sid * 2 + cid
        n = agg_sh.shape[0]
        perw = kch * idxw
        base = wid * perw

        zoff = sid * _ZROWS
        tail = n - 15 * _ZROWS

        @pl.when(sid < 15)
        def _():
            pltpu.sync_copy(zeros_hbm, agg_sh.at[pl.ds(zoff, _ZROWS)])

        @pl.when(sid == 15)
        def _():
            pltpu.sync_copy(zeros_hbm.at[pl.ds(0, tail)],
                            agg_sh.at[pl.ds(15 * _ZROWS, tail)])

        pltpu.sync_copy(ri3d_hbm.at[wid], idx_v)
        plsc.subcore_barrier()

        def pair(j0, j1):
            c0 = pltpu.async_copy(enew_hbm.at[pl.ds(base + j0 * idxw, idxw)],
                                  rows0, sem_i)
            c1 = pltpu.async_copy(enew_hbm.at[pl.ds(base + j1 * idxw, idxw)],
                                  rows1, sem_i)
            c0.wait()
            pltpu.sync_copy(rows0, agg_sh.at[idx_v.at[j0]], add=True)
            c1.wait()
            pltpu.sync_copy(rows1, agg_sh.at[idx_v.at[j1]], add=True)

        def body(g, carry):
            pair(g * 2, g * 2 + 1)
            return carry

        jax.lax.fori_loop(0, kch // 2, body, 0)
        if kch % 2:
            c0 = pltpu.async_copy(
                enew_hbm.at[pl.ds(base + (kch - 1) * idxw, idxw)], rows0, sem_i)
            c0.wait()
            pltpu.sync_copy(rows0, agg_sh.at[idx_v.at[kch - 1]], add=True)

        plsc.subcore_barrier()

        @pl.when(sid < 15)
        def _():
            pltpu.sync_copy(agg_sh.at[pl.ds(zoff, _ZROWS)],
                            out_hbm.at[cid, pl.ds(zoff, _ZROWS)])

        @pl.when(sid == 15)
        def _():
            pltpu.sync_copy(agg_sh.at[pl.ds(15 * _ZROWS, tail)],
                            out_hbm.at[cid, pl.ds(15 * _ZROWS, tail)])

    return body_fn


def _sc_scatter(e_new, ri3d, zeros, n):
    idxw, kch = ri3d.shape[2], ri3d.shape[1]
    f = pl.kernel(
        _make_scatter_body(idxw, kch),
        out_type=jax.ShapeDtypeStruct((2, n, H), _F32),
        mesh=plsc.VectorSubcoreMesh(core_axis_name="c", subcore_axis_name="s"),
        scratch_types=[
            pltpu.VMEM((kch, idxw), jnp.int32),
            pltpu.VMEM((idxw, H), _F32),
            pltpu.VMEM((idxw, H), _F32),
            pltpu.VMEM_SHARED((n, H), _F32),
            pltpu.SemaphoreType.DMA,
        ],
    )
    return f(e_new, ri3d, zeros)



def _enc_node_body(st, nt, pe, w0s, w0t, b0, w1, b1, wsv, wsp, wrv, wrp,
                   v_out, xs_out, xr_out):
    h = jax.nn.relu(_dot(st[...], w0s[...]) + _dot(nt[...], w0t[...]) + b0[...])
    v = _dot(h, w1[...]) + b1[...]
    v_out[...] = v
    pe_v = pe[...]
    xs_out[...] = _dot(v, wsv[...]) + _dot(pe_v, wsp[...])
    xr_out[...] = _dot(v, wrv[...]) + _dot(pe_v, wrp[...])


def _enc_edge_body(mps, mpr, w0d, w0n, b0, w1, b1, e_out):
    d = mps[...] - mpr[...]
    nrm = jnp.sqrt(jnp.sum(d * d, axis=-1, keepdims=True))
    pre = _dot(d, w0d[...]) + nrm * w0n[...] + b0[...]
    h = jax.nn.relu(pre)
    e_out[...] = (_dot(h, w1[...]) + b1[...]).astype(e_out.dtype)


def _gn_edge_body(gs, gr, e, we, b0, w1, b1, g, bn, enew_out, eout_out):
    e_v = e[...].astype(_F32)
    pre = gs[...] + gr[...] + _dot(e_v, we[...]) + b0[...]
    h = jax.nn.relu(pre)
    p = _dot(h, w1[...]) + b1[...]
    en = _layernorm(p, g[...], bn[...])
    enew_out[...] = en
    eout_out[...] = (e_v + en).astype(eout_out.dtype)


def _gn_node_body(v, pe, a0, a1, wv, wp, wa, b0, w1, b1, g, bn,
                  wsv, wsp, wrv, wrp, *outs, last):
    v_v = v[...]
    pe_v = pe[...]
    pre = (_dot(v_v, wv[...]) + _dot(pe_v, wp[...])
           + _dot(a0[...] + a1[...], wa[...]) + b0[...])
    h = jax.nn.relu(pre)
    p = _dot(h, w1[...]) + b1[...]
    vn = _layernorm(p, g[...], bn[...])
    vout = v_v + vn
    outs[0][...] = vout
    if not last:
        outs[1][...] = _dot(vout, wsv[...]) + _dot(pe_v, wsp[...])
        outs[2][...] = _dot(vout, wrv[...]) + _dot(pe_v, wrp[...])



def _row_spec(d):
    return pl.BlockSpec((BN, d), lambda i: (i, 0))


def _erow_spec(d):
    return pl.BlockSpec((BE, d), lambda i: (i, 0))


def _w_spec(a, b):
    return pl.BlockSpec((a, b), lambda i: (0, 0))


def _enc_node(st, nt, pe, w0s, w0t, b0, w1, b1, wsv, wsp, wrv, wrp):
    n = st.shape[0]
    grid = (n // BN,)
    out = jax.ShapeDtypeStruct((n, H), _F32)
    return pl.pallas_call(
        _enc_node_body,
        grid=grid,
        in_specs=[_row_spec(3), _row_spec(9), _row_spec(pe.shape[1]),
                  _w_spec(3, H), _w_spec(9, H), _w_spec(1, H),
                  _w_spec(H, H), _w_spec(1, H),
                  _w_spec(H, H), _w_spec(pe.shape[1], H),
                  _w_spec(H, H), _w_spec(pe.shape[1], H)],
        out_specs=[_row_spec(H), _row_spec(H), _row_spec(H)],
        out_shape=[out, out, out],
    )(st, nt, pe, w0s, w0t, b0, w1, b1, wsv, wsp, wrv, wrp)


def _enc_edge(mps, mpr, w0d, w0n, b0, w1, b1):
    e = mps.shape[0]
    grid = (e // BE,)
    return pl.pallas_call(
        _enc_edge_body,
        grid=grid,
        in_specs=[_erow_spec(2), _erow_spec(2),
                  _w_spec(2, H), _w_spec(1, H), _w_spec(1, H),
                  _w_spec(H, H), _w_spec(1, H)],
        out_specs=_erow_spec(H),
        out_shape=jax.ShapeDtypeStruct((e, H), _BF16),
    )(mps, mpr, w0d, w0n, b0, w1, b1)


def _gn_edge(gs, gr, e_in, we, b0, w1, b1, g, bn, eout_dtype):
    e = gs.shape[0]
    grid = (e // BE,)
    return pl.pallas_call(
        _gn_edge_body,
        grid=grid,
        in_specs=[_erow_spec(H), _erow_spec(H), _erow_spec(H),
                  _w_spec(H, H), _w_spec(1, H), _w_spec(H, H), _w_spec(1, H),
                  _w_spec(1, H), _w_spec(1, H)],
        out_specs=[_erow_spec(H), _erow_spec(H)],
        out_shape=[jax.ShapeDtypeStruct((e, H), _F32),
                   jax.ShapeDtypeStruct((e, H), eout_dtype)],
    )(gs, gr, e_in, we, b0, w1, b1, g, bn)


def _gn_node(v, pe, aggs, wv, wp, wa, b0, w1, b1, g, bn, wsv, wsp, wrv, wrp,
             last):
    n = v.shape[0]
    grid = (n // BN,)
    out = jax.ShapeDtypeStruct((n, H), _F32)
    pd = pe.shape[1]
    body = functools.partial(_gn_node_body, last=last)
    n_out = 1 if last else 3
    res = pl.pallas_call(
        body,
        grid=grid,
        in_specs=[_row_spec(H), _row_spec(pd),
                  _row_spec(H), _row_spec(H),
                  _w_spec(H, H), _w_spec(pd, H), _w_spec(H, H), _w_spec(1, H),
                  _w_spec(H, H), _w_spec(1, H), _w_spec(1, H), _w_spec(1, H),
                  _w_spec(H, H), _w_spec(pd, H), _w_spec(H, H), _w_spec(pd, H)],
        out_specs=[_row_spec(H)] * n_out,
        out_shape=[out] * n_out,
    )(v, pe, *aggs, wv, wp, wa, b0, w1, b1, g, bn, wsv, wsp, wrv, wrp)
    if last:
        return res[0], None, None
    return res



def _b(x):
    return x.reshape(1, H)


def kernel(mesh_pos, edges, states, node_type, pos_enc, params):
    mp = mesh_pos[0]
    s_idx = edges[0, :, 0]
    r_idx = edges[0, :, 1]
    st = states[0]
    nt = node_type[0]
    pe = pos_enc[0]
    n = st.shape[0]
    pd = pe.shape[1]
    e_tot = s_idx.shape[0]
    idxw_f, kch_f = _chunking(e_tot // 32)
    ri3d = r_idx.reshape(32, kch_f, idxw_f)
    zrows = jnp.zeros((_ZROWS, H), _F32)

    gns = params["gns"]

    enw = params["enc_node"]
    en_w0 = enw["l0"]["w"]
    ee = params["enc_edge"]
    ee_w0 = ee["l0"]["w"]

    def edge_l0_split(i):
        w0 = gns[i]["edge"]["l0"]["w"]
        wsv = w0[0:H]
        wsp = w0[H:H + pd]
        wrv = w0[H + pd:2 * H + pd]
        wrp = w0[2 * H + pd:2 * (H + pd)]
        we = w0[2 * (H + pd):]
        return wsv, wsp, wrv, wrp, we

    def node_l0_split(i):
        w0 = gns[i]["node"]["l0"]["w"]
        return w0[0:H], w0[H:H + pd], w0[H + pd:]

    wsv0, wsp0, wrv0, wrp0, we0 = edge_l0_split(0)
    v_cur, xs, xr = _enc_node(
        st, nt, pe,
        en_w0[0:3], en_w0[3:12], _b(enw["l0"]["b"]),
        enw["l1"]["w"], _b(enw["l1"]["b"]),
        wsv0, wsp0, wrv0, wrp0)

    mps = jnp.take(mp, s_idx, axis=0)
    mpr = jnp.take(mp, r_idx, axis=0)
    e_cur = _enc_edge(mps, mpr,
                      ee_w0[0:2], ee_w0[2:3], _b(ee["l0"]["b"]),
                      ee["l1"]["w"], _b(ee["l1"]["b"]))

    for i in range(len(gns)):
        gp = gns[i]
        last = i == len(gns) - 1
        _, _, _, _, we = edge_l0_split(i)

        gs, gr = _sc_gather_pair(xs, xr, s_idx, r_idx)
        e_new, e_cur = _gn_edge(
            gs, gr, e_cur, we, _b(gp["edge"]["l0"]["b"]),
            gp["edge"]["l1"]["w"], _b(gp["edge"]["l1"]["b"]),
            _b(gp["edge"]["g"]), _b(gp["edge"]["bn"]),
            _F32 if last else _BF16)

        agg2 = _sc_scatter(e_new, ri3d, zrows, n)

        wv, wp, wa = node_l0_split(i)
        if last:
            wsv, wsp, wrv, wrp = wsv0, wsp0, wrv0, wrp0
        else:
            wsv, wsp, wrv, wrp, _ = edge_l0_split(i + 1)
        v_cur, xs, xr = _gn_node(
            v_cur, pe, [agg2[0], agg2[1]], wv, wp, wa,
            _b(gp["node"]["l0"]["b"]),
            gp["node"]["l1"]["w"], _b(gp["node"]["l1"]["b"]),
            _b(gp["node"]["g"]), _b(gp["node"]["bn"]),
            wsv, wsp, wrv, wrp, last)

    return (v_cur[None], e_cur[None])

# --- scband reference (transcript-rebuilt; emitter-appended) ---
"""Pipeline reference for scband-encoder-62294205661429 (READ-ONLY COPY).

The authoritative reference and input builder live on the scoring server;
editing this copy changes nothing except your own understanding.
"""

import jax, jax.numpy as jnp
import numpy as np

B = 1
N = 10000
EDG = 320000
STATE = 3
NTYPE = 9
POSL = 7
POSD = POSL * 8  # 56
H = 128
NODE = H + POSD  # 184
NB_GN = 4


def _lin(key, i, o):
    return {"w": (jax.random.normal(key, (i, o), jnp.float32) / np.sqrt(i)).astype(jnp.float32),
            "b": jnp.zeros((o,), jnp.float32)}


def _mlp(key, i, o, layer_norm):
    k1, k2 = jax.random.split(key)
    p = {"l0": _lin(k1, i, H), "l1": _lin(k2, H, o)}
    if layer_norm:
        p["g"] = jnp.ones((o,), jnp.float32)
        p["bn"] = jnp.zeros((o,), jnp.float32)
    return p


def mlp_apply(p, x):
    h = x @ p["l0"]["w"] + p["l0"]["b"]
    h = jax.nn.relu(h)
    h = h @ p["l1"]["w"] + p["l1"]["b"]
    if "g" in p:
        mu = h.mean(-1, keepdims=True)
        var = ((h - mu) ** 2).mean(-1, keepdims=True)
        h = (h - mu) / jnp.sqrt(var + 1e-5) * p["g"] + p["bn"]
    return h


def _make_params(key):
    ks = jax.random.split(key, 2 + NB_GN * 2)
    params = {
        "enc_node": _mlp(ks[0], NTYPE + STATE, H, False),
        "enc_edge": _mlp(ks[1], 3, H, False),
        "gns": [
            {"edge": _mlp(ks[2 + 2 * i], H + 2 * NODE, H, True),
             "node": _mlp(ks[3 + 2 * i], NODE + H, H, True)}
            for i in range(NB_GN)
        ],
    }
    return params


def setup_inputs(seed: int = 0) -> dict:
    key = jax.random.key(seed)
    k1, k2, k3, k4, k5, k6 = jax.random.split(key, 6)
    return {
        "mesh_pos": jax.random.normal(k1, (B, N, 2), jnp.float32),
        "edges": jax.random.randint(k2, (B, EDG, 2), 0, N, jnp.int64) if jax.config.jax_enable_x64 else jax.random.randint(k2, (B, EDG, 2), 0, N).astype(jnp.int32),
        "states": jax.random.normal(k3, (B, N, STATE), jnp.float32),
        "node_type": jax.random.uniform(k4, (B, N, NTYPE), jnp.float32),
        "pos_enc": jax.random.normal(k5, (B, N, POSD), jnp.float32),
        "params": _make_params(k6),
    }


def _gather_nodes(x, idx):
    # x: [B, N, D], idx: [B, E] -> [B, E, D]  (torch.gather along dim=-2)
    return jnp.take_along_axis(x, jnp.repeat(idx[..., None], x.shape[-1], axis=-1), axis=1)


def reference(mesh_pos, edges, states, node_type, pos_enc, params):
    V = jnp.concatenate([states, node_type], axis=-1)
    s_idx = edges[..., 0]
    r_idx = edges[..., 1]
    senders = _gather_nodes(mesh_pos, s_idx)
    receivers = _gather_nodes(mesh_pos, r_idx)
    distance = senders - receivers
    norm = jnp.sqrt((distance ** 2).sum(-1, keepdims=True))
    E = jnp.concatenate([distance, norm], axis=-1)
    V = mlp_apply(params["enc_node"], V)
    E = mlp_apply(params["enc_edge"], E)
    n_nodes = V.shape[1]
    for gp in params["gns"]:
        inpt = jnp.concatenate([V, pos_enc], axis=-1)
        sf = _gather_nodes(inpt, s_idx)
        rf = _gather_nodes(inpt, r_idx)
        e_new = mlp_apply(gp["edge"], jnp.concatenate([sf, rf, E], axis=-1))
        agg = jax.vmap(lambda e, r: jnp.zeros((n_nodes, e.shape[-1]), e.dtype).at[r].add(e))(e_new, r_idx)
        v_new = mlp_apply(gp["node"], jnp.concatenate([inpt, agg], axis=-1))
        V = V + v_new
        E = E + e_new
    return (V, E)

if __name__ == "__main__":
    import jax
    _d = setup_inputs()
    print(jax.jit(kernel)(*tuple(_d.values())))

</pallas_src>

<mosaic_0001>
#map = affine_map<(d0, d1) -> (0, 0)>
#map1 = affine_map<(d0, d1) -> (0)>
module attributes {stable_mosaic.version = 14 : i64} {
  func.func @body_fn(%arg0: i32, %arg1: i32, %arg2: memref<10000x128xf32, #tpu.memory_space<hbm>>, %arg3: memref<10000x128xf32, #tpu.memory_space<hbm>>, %arg4: memref<320000xi32, #tpu.memory_space<hbm>>, %arg5: memref<320000xi32, #tpu.memory_space<hbm>>, %arg6: memref<320000x128xf32, #tpu.memory_space<hbm>>, %arg7: memref<320000x128xf32, #tpu.memory_space<hbm>>, %arg8: memref<10000xi32, #tpu.memory_space<vmem>>, %arg9: memref<10000xi32, #tpu.memory_space<vmem>>, %arg10: memref<80x128xf32, #tpu.memory_space<vmem>>, %arg11: memref<80x128xf32, #tpu.memory_space<vmem>>, %arg12: memref<80x128xf32, #tpu.memory_space<vmem>>, %arg13: memref<80x128xf32, #tpu.memory_space<vmem>>, %arg14: memref<!tpu.dma_semaphore, #tpu.memory_space<semaphore_mem>>, %arg15: memref<!tpu.dma_semaphore, #tpu.memory_space<semaphore_mem>>) attributes {dimension_semantics = [#tpu.dimension_semantics<core_parallel>, #tpu.dimension_semantics<subcore_parallel>], iteration_bounds = array<i64: 2, 16>, scalar_prefetch = 0 : i64, scratch_operands = 8 : i64, tpu.core_type = #tpu.core_type<sc_vector_subcore>, window_params = [{transform_indices = #map}, {transform_indices = #map}, {transform_indices = #map1}, {transform_indices = #map1}, {transform_indices = #map}, {transform_indices = #map}]} {
    %mul3A = arith.constant 2 : i32
    %mul3A_0 = arith.muli %arg1, %mul3A : i32
    %add3A = arith.addi %mul3A_0, %arg0 : i32
    %mul3A_1 = arith.constant 10000 : i32
    %mul3A_2 = arith.muli %add3A, %mul3A_1 : i32
    "tpu.region"() ({
      %run_scoped3A = tpu.sem_alloc : memref<!tpu.dma_semaphore, #tpu.memory_space<semaphore_mem>>
      %dma_start3A_86 = tpu.memref_slice %arg4[%mul3A_2] : memref<320000xi32, #tpu.memory_space<hbm>> -> memref<10000xi32, #tpu.memory_space<hbm>>
      %dma_start3A_87 = tpu.memref_slice %arg4[%mul3A_2] : memref<320000xi32, #tpu.memory_space<hbm>> -> memref<10000xi32, #tpu.memory_space<hbm>>
      tpu.enqueue_dma source(%dma_start3A_87 : memref<10000xi32, #tpu.memory_space<hbm>>) target(%arg8 : memref<10000xi32, #tpu.memory_space<vmem>>) target_semaphore(%run_scoped3A : memref<!tpu.dma_semaphore, #tpu.memory_space<semaphore_mem>>)
      %dma_wait3A_88 = tpu.memref_slice %arg4[%mul3A_2] : memref<320000xi32, #tpu.memory_space<hbm>> -> memref<10000xi32, #tpu.memory_space<hbm>>
      %dma_wait3A_89 = tpu.memref_slice %arg4[%mul3A_2] : memref<320000xi32, #tpu.memory_space<hbm>> -> memref<10000xi32, #tpu.memory_space<hbm>>
      tpu.wait_dma2 semaphore(%run_scoped3A : memref<!tpu.dma_semaphore, #tpu.memory_space<semaphore_mem>>) src(%dma_wait3A_89 : memref<10000xi32, #tpu.memory_space<hbm>>) dst(%arg8 : memref<10000xi32, #tpu.memory_space<vmem>>)
      tpu.yield
    }) : () -> ()
    "tpu.region"() ({
      %run_scoped3A = tpu.sem_alloc : memref<!tpu.dma_semaphore, #tpu.memory_space<semaphore_mem>>
      %dma_start3A_86 = tpu.memref_slice %arg5[%mul3A_2] : memref<320000xi32, #tpu.memory_space<hbm>> -> memref<10000xi32, #tpu.memory_space<hbm>>
      %dma_start3A_87 = tpu.memref_slice %arg5[%mul3A_2] : memref<320000xi32, #tpu.memory_space<hbm>> -> memref<10000xi32, #tpu.memory_space<hbm>>
      tpu.enqueue_dma source(%dma_start3A_87 : memref<10000xi32, #tpu.memory_space<hbm>>) target(%arg9 : memref<10000xi32, #tpu.memory_space<vmem>>) target_semaphore(%run_scoped3A : memref<!tpu.dma_semaphore, #tpu.memory_space<semaphore_mem>>)
      %dma_wait3A_88 = tpu.memref_slice %arg5[%mul3A_2] : memref<320000xi32, #tpu.memory_space<hbm>> -> memref<10000xi32, #tpu.memory_space<hbm>>
      %dma_wait3A_89 = tpu.memref_slice %arg5[%mul3A_2] : memref<320000xi32, #tpu.memory_space<hbm>> -> memref<10000xi32, #tpu.memory_space<hbm>>
      tpu.wait_dma2 semaphore(%run_scoped3A : memref<!tpu.dma_semaphore, #tpu.memory_space<semaphore_mem>>) src(%dma_wait3A_89 : memref<10000xi32, #tpu.memory_space<hbm>>) dst(%arg9 : memref<10000xi32, #tpu.memory_space<vmem>>)
      tpu.yield
    }) : () -> ()
    %scan3A = arith.constant 0 : i32
    %scan3A_3 = arith.constant 0 : i32
    %scan3A_4 = arith.constant 62 : i32
    %scan3A_5 = arith.addi %scan3A_3, %scan3A_4 : i32
    %scan3A_6 = arith.constant 1 : i32
    scf.for %scan3A_86 = %scan3A_3 to %scan3A_5 step %scan3A_6  : i32 {
      %mul3A_87 = arith.constant 2 : i32
      %mul3A_88 = arith.muli %scan3A_86, %mul3A_87 : i32
      %mul3A_89 = arith.constant 2 : i32
      %mul3A_90 = arith.muli %scan3A_86, %mul3A_89 : i32
      %add3A_91 = arith.constant 1 : i32
      %add3A_92 = arith.addi %mul3A_90, %add3A_91 : i32
      %mul3A_93 = arith.constant 80 : i32
      %mul3A_94 = arith.muli %mul3A_88, %mul3A_93 : i32
      %dma_start3A_95 = tpu.memref_slice %arg8[%mul3A_94] : memref<10000xi32, #tpu.memory_space<vmem>> -> memref<80xi32, #tpu.memory_space<vmem>>
      %dma_start3A_96 = arith.constant 0 : i32
      %dma_start3A_97 = arith.constant 0 : i32
      %dma_start3A_98 = tpu.memref_slice %arg2[%dma_start3A_96, %dma_start3A_97] : memref<10000x128xf32, #tpu.memory_space<hbm>> -> memref<10000x128xf32, #tpu.memory_space<hbm>>
      tpu.enqueue_indirect_dma source(%dma_start3A_98 : memref<10000x128xf32, #tpu.memory_space<hbm>>) target(%arg10 : memref<80x128xf32, #tpu.memory_space<vmem>>) offsets(%dma_start3A_95 : memref<80xi32, #tpu.memory_space<vmem>>) semaphore(%arg14 : memref<!tpu.dma_semaphore, #tpu.memory_space<semaphore_mem>>)
      %mul3A_99 = arith.constant 80 : i32
      %mul3A_100 = arith.muli %mul3A_88, %mul3A_99 : i32
      %dma_start3A_101 = tpu.memref_slice %arg9[%mul3A_100] : memref<10000xi32, #tpu.memory_space<vmem>> -> memref<80xi32, #tpu.memory_space<vmem>>
      %dma_start3A_102 = arith.constant 0 : i32
      %dma_start3A_103 = arith.constant 0 : i32
      %dma_start3A_104 = tpu.memref_slice %arg3[%dma_start3A_102, %dma_start3A_103] : memref<10000x128xf32, #tpu.memory_space<hbm>> -> memref<10000x128xf32, #tpu.memory_space<hbm>>
      tpu.enqueue_indirect_dma source(%dma_start3A_104 : memref<10000x128xf32, #tpu.memory_space<hbm>>) target(%arg11 : memref<80x128xf32, #tpu.memory_space<vmem>>) offsets(%dma_start3A_101 : memref<80xi32, #tpu.memory_space<vmem>>) semaphore(%arg14 : memref<!tpu.dma_semaphore, #tpu.memory_space<semaphore_mem>>)
      %mul3A_105 = arith.constant 80 : i32
      %mul3A_106 = arith.muli %add3A_92, %mul3A_105 : i32
      %dma_start3A_107 = tpu.memref_slice %arg8[%mul3A_106] : memref<10000xi32, #tpu.memory_space<vmem>> -> memref<80xi32, #tpu.memory_space<vmem>>
      %dma_start3A_108 = arith.constant 0 : i32
      %dma_start3A_109 = arith.constant 0 : i32
      %dma_start3A_110 = tpu.memref_slice %arg2[%dma_start3A_108, %dma_start3A_109] : memref<10000x128xf32, #tpu.memory_space<hbm>> -> memref<10000x128xf32, #tpu.memory_space<hbm>>
      tpu.enqueue_indirect_dma source(%dma_start3A_110 : memref<10000x128xf32, #tpu.memory_space<hbm>>) target(%arg12 : memref<80x128xf32, #tpu.memory_space<vmem>>) offsets(%dma_start3A_107 : memref<80xi32, #tpu.memory_space<vmem>>) semaphore(%arg14 : memref<!tpu.dma_semaphore, #tpu.memory_space<semaphore_mem>>)
      %mul3A_111 = arith.constant 80 : i32
      %mul3A_112 = arith.muli %add3A_92, %mul3A_111 : i32
      %dma_start3A_113 = tpu.memref_slice %arg9[%mul3A_112] : memref<10000xi32, #tpu.memory_space<vmem>> -> memref<80xi32, #tpu.memory_space<vmem>>
      %dma_start3A_114 = arith.constant 0 : i32
      %dma_start3A_115 = arith.constant 0 : i32
      %dma_start3A_116 = tpu.memref_slice %arg3[%dma_start3A_114, %dma_start3A_115] : memref<10000x128xf32, #tpu.memory_space<hbm>> -> memref<10000x128xf32, #tpu.memory_space<hbm>>
      tpu.enqueue_indirect_dma source(%dma_start3A_116 : memref<10000x128xf32, #tpu.memory_space<hbm>>) target(%arg13 : memref<80x128xf32, #tpu.memory_space<vmem>>) offsets(%dma_start3A_113 : memref<80xi32, #tpu.memory_space<vmem>>) semaphore(%arg14 : memref<!tpu.dma_semaphore, #tpu.memory_space<semaphore_mem>>)
      %dma_wait3A_117 = tpu.memref_slice %arg8[%mul3A_94] : memref<10000xi32, #tpu.memory_space<vmem>> -> memref<80xi32, #tpu.memory_space<vmem>>
      %dma_wait3A_118 = arith.constant 0 : i32
      %dma_wait3A_119 = arith.constant 0 : i32
      %dma_wait3A_120 = tpu.memref_slice %arg2[%dma_wait3A_118, %dma_wait3A_119] : memref<10000x128xf32, #tpu.memory_space<hbm>> -> memref<10000x128xf32, #tpu.memory_space<hbm>>
      tpu.wait_indirect_dma semaphore(%arg14 : memref<!tpu.dma_semaphore, #tpu.memory_space<semaphore_mem>>) src(%dma_wait3A_120 : memref<10000x128xf32, #tpu.memory_space<hbm>>) dst(%arg10 : memref<80x128xf32, #tpu.memory_space<vmem>>)
      %dma_wait3A_121 = tpu.memref_slice %arg9[%mul3A_100] : memref<10000xi32, #tpu.memory_space<vmem>> -> memref<80xi32, #tpu.memory_space<vmem>>
      %dma_wait3A_122 = arith.constant 0 : i32
      %dma_wait3A_123 = arith.constant 0 : i32
      %dma_wait3A_124 = tpu.memref_slice %arg3[%dma_wait3A_122, %dma_wait3A_123] : memref<10000x128xf32, #tpu.memory_space<hbm>> -> memref<10000x128xf32, #tpu.memory_space<hbm>>
      tpu.wait_indirect_dma semaphore(%arg14 : memref<!tpu.dma_semaphore, #tpu.memory_space<semaphore_mem>>) src(%dma_wait3A_124 : memref<10000x128xf32, #tpu.memory_space<hbm>>) dst(%arg11 : memref<80x128xf32, #tpu.memory_space<vmem>>)
      %dma_wait3A_125 = tpu.memref_slice %arg8[%mul3A_106] : memref<10000xi32, #tpu.memory_space<vmem>> -> memref<80xi32, #tpu.memory_space<vmem>>
      %dma_wait3A_126 = arith.constant 0 : i32
      %dma_wait3A_127 = arith.constant 0 : i32
      %dma_wait3A_128 = tpu.memref_slice %arg2[%dma_wait3A_126, %dma_wait3A_127] : memref<10000x128xf32, #tpu.memory_space<hbm>> -> memref<10000x128xf32, #tpu.memory_space<hbm>>
      tpu.wait_indirect_dma semaphore(%arg14 : memref<!tpu.dma_semaphore, #tpu.memory_space<semaphore_mem>>) src(%dma_wait3A_128 : memref<10000x128xf32, #tpu.memory_space<hbm>>) dst(%arg12 : memref<80x128xf32, #tpu.memory_space<vmem>>)
      %dma_wait3A_129 = tpu.memref_slice %arg9[%mul3A_112] : memref<10000xi32, #tpu.memory_space<vmem>> -> memref<80xi32, #tpu.memory_space<vmem>>
      %dma_wait3A_130 = arith.constant 0 : i32
      %dma_wait3A_131 = arith.constant 0 : i32
      %dma_wait3A_132 = tpu.memref_slice %arg3[%dma_wait3A_130, %dma_wait3A_131] : memref<10000x128xf32, #tpu.memory_space<hbm>> -> memref<10000x128xf32, #tpu.memory_space<hbm>>
      tpu.wait_indirect_dma semaphore(%arg14 : memref<!tpu.dma_semaphore, #tpu.memory_space<semaphore_mem>>) src(%dma_wait3A_132 : memref<10000x128xf32, #tpu.memory_space<hbm>>) dst(%arg13 : memref<80x128xf32, #tpu.memory_space<vmem>>)
      %mul3A_133 = arith.constant 80 : i32
      %mul3A_134 = arith.muli %mul3A_88, %mul3A_133 : i32
      %add3A_135 = arith.addi %mul3A_2, %mul3A_134 : i32
      %dma_start3A_136 = arith.constant 0 : i32
      %dma_start3A_137 = tpu.memref_slice %arg6[%add3A_135, %dma_start3A_136] : memref<320000x128xf32, #tpu.memory_space<hbm>> -> memref<80x128xf32, #tpu.memory_space<hbm>>
      %dma_start3A_138 = arith.constant 0 : i32
      %dma_start3A_139 = tpu.memref_slice %arg6[%add3A_135, %dma_start3A_138] : memref<320000x128xf32, #tpu.memory_space<hbm>> -> memref<80x128xf32, #tpu.memory_space<hbm>>
      tpu.enqueue_dma source(%arg10 : memref<80x128xf32, #tpu.memory_space<vmem>>) target(%dma_start3A_139 : memref<80x128xf32, #tpu.memory_space<hbm>>) target_semaphore(%arg15 : memref<!tpu.dma_semaphore, #tpu.memory_space<semaphore_mem>>)
      %mul3A_140 = arith.constant 80 : i32
      %mul3A_141 = arith.muli %mul3A_88, %mul3A_140 : i32
      %add3A_142 = arith.addi %mul3A_2, %mul3A_141 : i32
      %dma_start3A_143 = arith.constant 0 : i32
      %dma_start3A_144 = tpu.memref_slice %arg7[%add3A_142, %dma_start3A_143] : memref<320000x128xf32, #tpu.memory_space<hbm>> -> memref<80x128xf32, #tpu.memory_space<hbm>>
      %dma_start3A_145 = arith.constant 0 : i32
      %dma_start3A_146 = tpu.memref_slice %arg7[%add3A_142, %dma_start3A_145] : memref<320000x128xf32, #tpu.memory_space<hbm>> -> memref<80x128xf32, #tpu.memory_space<hbm>>
      tpu.enqueue_dma source(%arg11 : memref<80x128xf32, #tpu.memory_space<vmem>>) target(%dma_start3A_146 : memref<80x128xf32, #tpu.memory_space<hbm>>) target_semaphore(%arg15 : memref<!tpu.dma_semaphore, #tpu.memory_space<semaphore_mem>>)
      %mul3A_147 = arith.constant 80 : i32
      %mul3A_148 = arith.muli %add3A_92, %mul3A_147 : i32
      %add3A_149 = arith.addi %mul3A_2, %mul3A_148 : i32
      %dma_start3A_150 = arith.constant 0 : i32
      %dma_start3A_151 = tpu.memref_slice %arg6[%add3A_149, %dma_start3A_150] : memref<320000x128xf32, #tpu.memory_space<hbm>> -> memref<80x128xf32, #tpu.memory_space<hbm>>
      %dma_start3A_152 = arith.constant 0 : i32
      %dma_start3A_153 = tpu.memref_slice %arg6[%add3A_149, %dma_start3A_152] : memref<320000x128xf32, #tpu.memory_space<hbm>> -> memref<80x128xf32, #tpu.memory_space<hbm>>
      tpu.enqueue_dma source(%arg12 : memref<80x128xf32, #tpu.memory_space<vmem>>) target(%dma_start3A_153 : memref<80x128xf32, #tpu.memory_space<hbm>>) target_semaphore(%arg15 : memref<!tpu.dma_semaphore, #tpu.memory_space<semaphore_mem>>)
      %mul3A_154 = arith.constant 80 : i32
      %mul3A_155 = arith.muli %add3A_92, %mul3A_154 : i32
      %add3A_156 = arith.addi %mul3A_2, %mul3A_155 : i32
      %dma_start3A_157 = arith.constant 0 : i32
      %dma_start3A_158 = tpu.memref_slice %arg7[%add3A_156, %dma_start3A_157] : memref<320000x128xf32, #tpu.memory_space<hbm>> -> memref<80x128xf32, #tpu.memory_space<hbm>>
      %dma_start3A_159 = arith.constant 0 : i32
      %dma_start3A_160 = tpu.memref_slice %arg7[%add3A_156, %dma_start3A_159] : memref<320000x128xf32, #tpu.memory_space<hbm>> -> memref<80x128xf32, #tpu.memory_space<hbm>>
      tpu.enqueue_dma source(%arg13 : memref<80x128xf32, #tpu.memory_space<vmem>>) target(%dma_start3A_160 : memref<80x128xf32, #tpu.memory_space<hbm>>) target_semaphore(%arg15 : memref<!tpu.dma_semaphore, #tpu.memory_space<semaphore_mem>>)
      %dma_wait3A_161 = arith.constant 0 : i32
      %dma_wait3A_162 = tpu.memref_slice %arg6[%add3A_135, %dma_wait3A_161] : memref<320000x128xf32, #tpu.memory_space<hbm>> -> memref<80x128xf32, #tpu.memory_space<hbm>>
      %dma_wait3A_163 = arith.constant 0 : i32
      %dma_wait3A_164 = tpu.memref_slice %arg6[%add3A_135, %dma_wait3A_163] : memref<320000x128xf32, #tpu.memory_space<hbm>> -> memref<80x128xf32, #tpu.memory_space<hbm>>
      tpu.wait_dma2 semaphore(%arg15 : memref<!tpu.dma_semaphore, #tpu.memory_space<semaphore_mem>>) src(%arg10 : memref<80x128xf32, #tpu.memory_space<vmem>>) dst(%dma_wait3A_164 : memref<80x128xf32, #tpu.memory_space<hbm>>)
      %dma_wait3A_165 = arith.constant 0 : i32
      %dma_wait3A_166 = tpu.memref_slice %arg7[%add3A_142, %dma_wait3A_165] : memref<320000x128xf32, #tpu.memory_space<hbm>> -> memref<80x128xf32, #tpu.memory_space<hbm>>
      %dma_wait3A_167 = arith.constant 0 : i32
      %dma_wait3A_168 = tpu.memref_slice %arg7[%add3A_142, %dma_wait3A_167] : memref<320000x128xf32, #tpu.memory_space<hbm>> -> memref<80x128xf32, #tpu.memory_space<hbm>>
      tpu.wait_dma2 semaphore(%arg15 : memref<!tpu.dma_semaphore, #tpu.memory_space<semaphore_mem>>) src(%arg11 : memref<80x128xf32, #tpu.memory_space<vmem>>) dst(%dma_wait3A_168 : memref<80x128xf32, #tpu.memory_space<hbm>>)
      %dma_wait3A_169 = arith.constant 0 : i32
      %dma_wait3A_170 = tpu.memref_slice %arg6[%add3A_149, %dma_wait3A_169] : memref<320000x128xf32, #tpu.memory_space<hbm>> -> memref<80x128xf32, #tpu.memory_space<hbm>>
      %dma_wait3A_171 = arith.constant 0 : i32
      %dma_wait3A_172 = tpu.memref_slice %arg6[%add3A_149, %dma_wait3A_171] : memref<320000x128xf32, #tpu.memory_space<hbm>> -> memref<80x128xf32, #tpu.memory_space<hbm>>
      tpu.wait_dma2 semaphore(%arg15 : memref<!tpu.dma_semaphore, #tpu.memory_space<semaphore_mem>>) src(%arg12 : memref<80x128xf32, #tpu.memory_space<vmem>>) dst(%dma_wait3A_172 : memref<80x128xf32, #tpu.memory_space<hbm>>)
      %dma_wait3A_173 = arith.constant 0 : i32
      %dma_wait3A_174 = tpu.memref_slice %arg7[%add3A_156, %dma_wait3A_173] : memref<320000x128xf32, #tpu.memory_space<hbm>> -> memref<80x128xf32, #tpu.memory_space<hbm>>
      %dma_wait3A_175 = arith.constant 0 : i32
      %dma_wait3A_176 = tpu.memref_slice %arg7[%add3A_156, %dma_wait3A_175] : memref<320000x128xf32, #tpu.memory_space<hbm>> -> memref<80x128xf32, #tpu.memory_space<hbm>>
      tpu.wait_dma2 semaphore(%arg15 : memref<!tpu.dma_semaphore, #tpu.memory_space<semaphore_mem>>) src(%arg13 : memref<80x128xf32, #tpu.memory_space<vmem>>) dst(%dma_wait3A_176 : memref<80x128xf32, #tpu.memory_space<hbm>>)
    }
    %scan3A_7 = arith.constant 62 : i32
    %dma_start3A = arith.constant 9920 : i32
    %dma_start3A_8 = tpu.memref_slice %arg8[%dma_start3A] : memref<10000xi32, #tpu.memory_space<vmem>> -> memref<80xi32, #tpu.memory_space<vmem>>
    %dma_start3A_9 = arith.constant 0 : i32
    %dma_start3A_10 = arith.constant 0 : i32
    %dma_start3A_11 = tpu.memref_slice %arg2[%dma_start3A_9, %dma_start3A_10] : memref<10000x128xf32, #tpu.memory_space<hbm>> -> memref<10000x128xf32, #tpu.memory_space<hbm>>
    tpu.enqueue_indirect_dma source(%dma_start3A_11 : memref<10000x128xf32, #tpu.memory_space<hbm>>) target(%arg10 : memref<80x128xf32, #tpu.memory_space<vmem>>) offsets(%dma_start3A_8 : memref<80xi32, #tpu.memory_space<vmem>>) semaphore(%arg14 : memref<!tpu.dma_semaphore, #tpu.memory_space<semaphore_mem>>)
    %dma_start3A_12 = arith.constant 9920 : i32
    %dma_start3A_13 = tpu.memref_slice %arg9[%dma_start3A_12] : memref<10000xi32, #tpu.memory_space<vmem>> -> memref<80xi32, #tpu.memory_space<vmem>>
    %dma_start3A_14 = arith.constant 0 : i32
    %dma_start3A_15 = arith.constant 0 : i32
    %dma_start3A_16 = tpu.memref_slice %arg3[%dma_start3A_14, %dma_start3A_15] : memref<10000x128xf32, #tpu.memory_space<hbm>> -> memref<10000x128xf32, #tpu.memory_space<hbm>>
    tpu.enqueue_indirect_dma source(%dma_start3A_16 : memref<10000x128xf32, #tpu.memory_space<hbm>>) target(%arg11 : memref<80x128xf32, #tpu.memory_space<vmem>>) offsets(%dma_start3A_13 : memref<80xi32, #tpu.memory_space<vmem>>) semaphore(%arg14 : memref<!tpu.dma_semaphore, #tpu.memory_space<semaphore_mem>>)
    %dma_start3A_17 = arith.constant 9920 : i32
    %dma_start3A_18 = tpu.memref_slice %arg8[%dma_start3A_17] : memref<10000xi32, #tpu.memory_space<vmem>> -> memref<80xi32, #tpu.memory_space<vmem>>
    %dma_start3A_19 = arith.constant 0 : i32
    %dma_start3A_20 = arith.constant 0 : i32
    %dma_start3A_21 = tpu.memref_slice %arg2[%dma_start3A_19, %dma_start3A_20] : memref<10000x128xf32, #tpu.memory_space<hbm>> -> memref<10000x128xf32, #tpu.memory_space<hbm>>
    tpu.enqueue_indirect_dma source(%dma_start3A_21 : memref<10000x128xf32, #tpu.memory_space<hbm>>) target(%arg12 : memref<80x128xf32, #tpu.memory_space<vmem>>) offsets(%dma_start3A_18 : memref<80xi32, #tpu.memory_space<vmem>>) semaphore(%arg14 : memref<!tpu.dma_semaphore, #tpu.memory_space<semaphore_mem>>)
    %dma_start3A_22 = arith.constant 9920 : i32
    %dma_start3A_23 = tpu.memref_slice %arg9[%dma_start3A_22] : memref<10000xi32, #tpu.memory_space<vmem>> -> memref<80xi32, #tpu.memory_space<vmem>>
    %dma_start3A_24 = arith.constant 0 : i32
    %dma_start3A_25 = arith.constant 0 : i32
    %dma_start3A_26 = tpu.memref_slice %arg3[%dma_start3A_24, %dma_start3A_25] : memref<10000x128xf32, #tpu.memory_space<hbm>> -> memref<10000x128xf32, #tpu.memory_space<hbm>>
    tpu.enqueue_indirect_dma source(%dma_start3A_26 : memref<10000x128xf32, #tpu.memory_space<hbm>>) target(%arg13 : memref<80x128xf32, #tpu.memory_space<vmem>>) offsets(%dma_start3A_23 : memref<80xi32, #tpu.memory_space<vmem>>) semaphore(%arg14 : memref<!tpu.dma_semaphore, #tpu.memory_space<semaphore_mem>>)
    %dma_wait3A = arith.constant 9920 : i32
    %dma_wait3A_27 = tpu.memref_slice %arg8[%dma_wait3A] : memref<10000xi32, #tpu.memory_space<vmem>> -> memref<80xi32, #tpu.memory_space<vmem>>
    %dma_wait3A_28 = arith.constant 0 : i32
    %dma_wait3A_29 = arith.constant 0 : i32
    %dma_wait3A_30 = tpu.memref_slice %arg2[%dma_wait3A_28, %dma_wait3A_29] : memref<10000x128xf32, #tpu.memory_space<hbm>> -> memref<10000x128xf32, #tpu.memory_space<hbm>>
    tpu.wait_indirect_dma semaphore(%arg14 : memref<!tpu.dma_semaphore, #tpu.memory_space<semaphore_mem>>) src(%dma_wait3A_30 : memref<10000x128xf32, #tpu.memory_space<hbm>>) dst(%arg10 : memref<80x128xf32, #tpu.memory_space<vmem>>)
    %dma_wait3A_31 = arith.constant 9920 : i32
    %dma_wait3A_32 = tpu.memref_slice %arg9[%dma_wait3A_31] : memref<10000xi32, #tpu.memory_space<vmem>> -> memref<80xi32, #tpu.memory_space<vmem>>
    %dma_wait3A_33 = arith.constant 0 : i32
    %dma_wait3A_34 = arith.constant 0 : i32
    %dma_wait3A_35 = tpu.memref_slice %arg3[%dma_wait3A_33, %dma_wait3A_34] : memref<10000x128xf32, #tpu.memory_space<hbm>> -> memref<10000x128xf32, #tpu.memory_space<hbm>>
    tpu.wait_indirect_dma semaphore(%arg14 : memref<!tpu.dma_semaphore, #tpu.memory_space<semaphore_mem>>) src(%dma_wait3A_35 : memref<10000x128xf32, #tpu.memory_space<hbm>>) dst(%arg11 : memref<80x128xf32, #tpu.memory_space<vmem>>)
    %dma_wait3A_36 = arith.constant 9920 : i32
    %dma_wait3A_37 = tpu.memref_slice %arg8[%dma_wait3A_36] : memref<10000xi32, #tpu.memory_space<vmem>> -> memref<80xi32, #tpu.memory_space<vmem>>
    %dma_wait3A_38 = arith.constant 0 : i32
    %dma_wait3A_39 = arith.constant 0 : i32
    %dma_wait3A_40 = tpu.memref_slice %arg2[%dma_wait3A_38, %dma_wait3A_39] : memref<10000x128xf32, #tpu.memory_space<hbm>> -> memref<10000x128xf32, #tpu.memory_space<hbm>>
    tpu.wait_indirect_dma semaphore(%arg14 : memref<!tpu.dma_semaphore, #tpu.memory_space<semaphore_mem>>) src(%dma_wait3A_40 : memref<10000x128xf32, #tpu.memory_space<hbm>>) dst(%arg12 : memref<80x128xf32, #tpu.memory_space<vmem>>)
    %dma_wait3A_41 = arith.constant 9920 : i32
    %dma_wait3A_42 = tpu.memref_slice %arg9[%dma_wait3A_41] : memref<10000xi32, #tpu.memory_space<vmem>> -> memref<80xi32, #tpu.memory_space<vmem>>
    %dma_wait3A_43 = arith.constant 0 : i32
    %dma_wait3A_44 = arith.constant 0 : i32
    %dma_wait3A_45 = tpu.memref_slice %arg3[%dma_wait3A_43, %dma_wait3A_44] : memref<10000x128xf32, #tpu.memory_space<hbm>> -> memref<10000x128xf32, #tpu.memory_space<hbm>>
    tpu.wait_indirect_dma semaphore(%arg14 : memref<!tpu.dma_semaphore, #tpu.memory_space<semaphore_mem>>) src(%dma_wait3A_45 : memref<10000x128xf32, #tpu.memory_space<hbm>>) dst(%arg13 : memref<80x128xf32, #tpu.memory_space<vmem>>)
    %add3A_46 = arith.constant 9920 : i32
    %add3A_47 = arith.addi %mul3A_2, %add3A_46 : i32
    %dma_start3A_48 = arith.constant 0 : i32
    %dma_start3A_49 = tpu.memref_slice %arg6[%add3A_47, %dma_start3A_48] : memref<320000x128xf32, #tpu.memory_space<hbm>> -> memref<80x128xf32, #tpu.memory_space<hbm>>
    %dma_start3A_50 = arith.constant 0 : i32
    %dma_start3A_51 = tpu.memref_slice %arg6[%add3A_47, %dma_start3A_50] : memref<320000x128xf32, #tpu.memory_space<hbm>> -> memref<80x128xf32, #tpu.memory_space<hbm>>
    tpu.enqueue_dma source(%arg10 : memref<80x128xf32, #tpu.memory_space<vmem>>) target(%dma_start3A_51 : memref<80x128xf32, #tpu.memory_space<hbm>>) target_semaphore(%arg15 : memref<!tpu.dma_semaphore, #tpu.memory_space<semaphore_mem>>)
    %add3A_52 = arith.constant 9920 : i32
    %add3A_53 = arith.addi %mul3A_2, %add3A_52 : i32
    %dma_start3A_54 = arith.constant 0 : i32
    %dma_start3A_55 = tpu.memref_slice %arg7[%add3A_53, %dma_start3A_54] : memref<320000x128xf32, #tpu.memory_space<hbm>> -> memref<80x128xf32, #tpu.memory_space<hbm>>
    %dma_start3A_56 = arith.constant 0 : i32
    %dma_start3A_57 = tpu.memref_slice %arg7[%add3A_53, %dma_start3A_56] : memref<320000x128xf32, #tpu.memory_space<hbm>> -> memref<80x128xf32, #tpu.memory_space<hbm>>
    tpu.enqueue_dma source(%arg11 : memref<80x128xf32, #tpu.memory_space<vmem>>) target(%dma_start3A_57 : memref<80x128xf32, #tpu.memory_space<hbm>>) target_semaphore(%arg15 : memref<!tpu.dma_semaphore, #tpu.memory_space<semaphore_mem>>)
    %add3A_58 = arith.constant 9920 : i32
    %add3A_59 = arith.addi %mul3A_2, %add3A_58 : i32
    %dma_start3A_60 = arith.constant 0 : i32
    %dma_start3A_61 = tpu.memref_slice %arg6[%add3A_59, %dma_start3A_60] : memref<320000x128xf32, #tpu.memory_space<hbm>> -> memref<80x128xf32, #tpu.memory_space<hbm>>
    %dma_start3A_62 = arith.constant 0 : i32
    %dma_start3A_63 = tpu.memref_slice %arg6[%add3A_59, %dma_start3A_62] : memref<320000x128xf32, #tpu.memory_space<hbm>> -> memref<80x128xf32, #tpu.memory_space<hbm>>
    tpu.enqueue_dma source(%arg12 : memref<80x128xf32, #tpu.memory_space<vmem>>) target(%dma_start3A_63 : memref<80x128xf32, #tpu.memory_space<hbm>>) target_semaphore(%arg15 : memref<!tpu.dma_semaphore, #tpu.memory_space<semaphore_mem>>)
    %add3A_64 = arith.constant 9920 : i32
    %add3A_65 = arith.addi %mul3A_2, %add3A_64 : i32
    %dma_start3A_66 = arith.constant 0 : i32
    %dma_start3A_67 = tpu.memref_slice %arg7[%add3A_65, %dma_start3A_66] : memref<320000x128xf32, #tpu.memory_space<hbm>> -> memref<80x128xf32, #tpu.memory_space<hbm>>
    %dma_start3A_68 = arith.constant 0 : i32
    %dma_start3A_69 = tpu.memref_slice %arg7[%add3A_65, %dma_start3A_68] : memref<320000x128xf32, #tpu.memory_space<hbm>> -> memref<80x128xf32, #tpu.memory_space<hbm>>
    tpu.enqueue_dma source(%arg13 : memref<80x128xf32, #tpu.memory_space<vmem>>) target(%dma_start3A_69 : memref<80x128xf32, #tpu.memory_space<hbm>>) target_semaphore(%arg15 : memref<!tpu.dma_semaphore, #tpu.memory_space<semaphore_mem>>)
    %dma_wait3A_70 = arith.constant 0 : i32
    %dma_wait3A_71 = tpu.memref_slice %arg6[%add3A_47, %dma_wait3A_70] : memref<320000x128xf32, #tpu.memory_space<hbm>> -> memref<80x128xf32, #tpu.memory_space<hbm>>
    %dma_wait3A_72 = arith.constant 0 : i32
    %dma_wait3A_73 = tpu.memref_slice %arg6[%add3A_47, %dma_wait3A_72] : memref<320000x128xf32, #tpu.memory_space<hbm>> -> memref<80x128xf32, #tpu.memory_space<hbm>>
    tpu.wait_dma2 semaphore(%arg15 : memref<!tpu.dma_semaphore, #tpu.memory_space<semaphore_mem>>) src(%arg10 : memref<80x128xf32, #tpu.memory_space<vmem>>) dst(%dma_wait3A_73 : memref<80x128xf32, #tpu.memory_space<hbm>>)
    %dma_wait3A_74 = arith.constant 0 : i32
    %dma_wait3A_75 = tpu.memref_slice %arg7[%add3A_53, %dma_wait3A_74] : memref<320000x128xf32, #tpu.memory_space<hbm>> -> memref<80x128xf32, #tpu.memory_space<hbm>>
    %dma_wait3A_76 = arith.constant 0 : i32
    %dma_wait3A_77 = tpu.memref_slice %arg7[%add3A_53, %dma_wait3A_76] : memref<320000x128xf32, #tpu.memory_space<hbm>> -> memref<80x128xf32, #tpu.memory_space<hbm>>
    tpu.wait_dma2 semaphore(%arg15 : memref<!tpu.dma_semaphore, #tpu.memory_space<semaphore_mem>>) src(%arg11 : memref<80x128xf32, #tpu.memory_space<vmem>>) dst(%dma_wait3A_77 : memref<80x128xf32, #tpu.memory_space<hbm>>)
    %dma_wait3A_78 = arith.constant 0 : i32
    %dma_wait3A_79 = tpu.memref_slice %arg6[%add3A_59, %dma_wait3A_78] : memref<320000x128xf32, #tpu.memory_space<hbm>> -> memref<80x128xf32, #tpu.memory_space<hbm>>
    %dma_wait3A_80 = arith.constant 0 : i32
    %dma_wait3A_81 = tpu.memref_slice %arg6[%add3A_59, %dma_wait3A_80] : memref<320000x128xf32, #tpu.memory_space<hbm>> -> memref<80x128xf32, #tpu.memory_space<hbm>>
    tpu.wait_dma2 semaphore(%arg15 : memref<!tpu.dma_semaphore, #tpu.memory_space<semaphore_mem>>) src(%arg12 : memref<80x128xf32, #tpu.memory_space<vmem>>) dst(%dma_wait3A_81 : memref<80x128xf32, #tpu.memory_space<hbm>>)
    %dma_wait3A_82 = arith.constant 0 : i32
    %dma_wait3A_83 = tpu.memref_slice %arg7[%add3A_65, %dma_wait3A_82] : memref<320000x128xf32, #tpu.memory_space<hbm>> -> memref<80x128xf32, #tpu.memory_space<hbm>>
    %dma_wait3A_84 = arith.constant 0 : i32
    %dma_wait3A_85 = tpu.memref_slice %arg7[%add3A_65, %dma_wait3A_84] : memref<320000x128xf32, #tpu.memory_space<hbm>> -> memref<80x128xf32, #tpu.memory_space<hbm>>
    tpu.wait_dma2 semaphore(%arg15 : memref<!tpu.dma_semaphore, #tpu.memory_space<semaphore_mem>>) src(%arg13 : memref<80x128xf32, #tpu.memory_space<vmem>>) dst(%dma_wait3A_85 : memref<80x128xf32, #tpu.memory_space<hbm>>)
    return
  }
}

#map = affine_map<(d0, d1) -> (0, 0)>
#map1 = affine_map<(d0, d1) -> (0, 0, 0)>
module attributes {stable_mosaic.version = 14 : i64} {
  func.func @body_fn(%arg0: i32, %arg1: i32, %arg2: memref<320000x128xf32, #tpu.memory_space<hbm>>, %arg3: memref<32x125x80xi32, #tpu.memory_space<hbm>>, %arg4: memref<632x128xf32, #tpu.memory_space<hbm>>, %arg5: memref<2x10000x128xf32, #tpu.memory_space<hbm>>, %arg6: memref<125x80xi32, #tpu.memory_space<vmem>>, %arg7: memref<80x128xf32, #tpu.memory_space<vmem>>, %arg8: memref<80x128xf32, #tpu.memory_space<vmem>>, %arg9: memref<10000x128xf32, #tpu.memory_space<vmem_shared>>, %arg10: memref<!tpu.dma_semaphore, #tpu.memory_space<semaphore_mem>>) attributes {dimension_semantics = [#tpu.dimension_semantics<core_parallel>, #tpu.dimension_semantics<subcore_parallel>], iteration_bounds = array<i64: 2, 16>, scalar_prefetch = 0 : i64, scratch_operands = 5 : i64, tpu.core_type = #tpu.core_type<sc_vector_subcore>, window_params = [{transform_indices = #map}, {transform_indices = #map1}, {transform_indices = #map}, {transform_indices = #map1}]} {
    %mul3A = arith.constant 2 : i32
    %mul3A_0 = arith.muli %arg1, %mul3A : i32
    %add3A = arith.addi %mul3A_0, %arg0 : i32
    %mul3A_1 = arith.constant 10000 : i32
    %mul3A_2 = arith.muli %add3A, %mul3A_1 : i32
    %mul3A_3 = arith.constant 632 : i32
    %mul3A_4 = arith.muli %arg1, %mul3A_3 : i32
    %lt3A = arith.constant 15 : i32
    %lt3A_5 = arith.cmpi slt, %arg1, %lt3A : i32
    %convert_element_type3A = arith.extui %lt3A_5 : i1 to i32
    %cond3A = arith.constant 0 : i32
    %cond3A_6 = arith.cmpi ne, %convert_element_type3A, %cond3A : i32
    scf.if %cond3A_6 {
      "tpu.region"() ({
        %run_scoped3A_35 = tpu.sem_alloc : memref<!tpu.dma_semaphore, #tpu.memory_space<semaphore_mem>>
        %dma_start3A_36 = arith.constant 0 : i32
        %dma_start3A_37 = tpu.memref_slice %arg9[%mul3A_4, %dma_start3A_36] : memref<10000x128xf32, #tpu.memory_space<vmem_shared>> -> memref<632x128xf32, #tpu.memory_space<vmem_shared>>
        tpu.enqueue_dma source(%arg4 : memref<632x128xf32, #tpu.memory_space<hbm>>) target(%dma_start3A_37 : memref<632x128xf32, #tpu.memory_space<vmem_shared>>) target_semaphore(%run_scoped3A_35 : memref<!tpu.dma_semaphore, #tpu.memory_space<semaphore_mem>>)
        %dma_wait3A_38 = arith.constant 0 : i32
        %dma_wait3A_39 = tpu.memref_slice %arg9[%mul3A_4, %dma_wait3A_38] : memref<10000x128xf32, #tpu.memory_space<vmem_shared>> -> memref<632x128xf32, #tpu.memory_space<vmem_shared>>
        tpu.wait_dma2 semaphore(%run_scoped3A_35 : memref<!tpu.dma_semaphore, #tpu.memory_space<semaphore_mem>>) src(%arg4 : memref<632x128xf32, #tpu.memory_space<hbm>>) dst(%dma_wait3A_39 : memref<632x128xf32, #tpu.memory_space<vmem_shared>>)
        tpu.yield
      }) : () -> ()
    } else {
    }
    %eq3A = arith.constant 15 : i32
    %eq3A_7 = arith.cmpi eq, %arg1, %eq3A : i32
    %convert_element_type3A_8 = arith.extui %eq3A_7 : i1 to i32
    %cond3A_9 = arith.constant 0 : i32
    %cond3A_10 = arith.cmpi ne, %convert_element_type3A_8, %cond3A_9 : i32
    scf.if %cond3A_10 {
      "tpu.region"() ({
        %run_scoped3A_35 = tpu.sem_alloc : memref<!tpu.dma_semaphore, #tpu.memory_space<semaphore_mem>>
        %dma_start3A_36 = arith.constant 9480 : i32
        %dma_start3A_37 = arith.constant 0 : i32
        %dma_start3A_38 = tpu.memref_slice %arg9[%dma_start3A_36, %dma_start3A_37] : memref<10000x128xf32, #tpu.memory_space<vmem_shared>> -> memref<520x128xf32, #tpu.memory_space<vmem_shared>>
        %dma_start3A_39 = arith.constant 0 : i32
        %dma_start3A_40 = arith.constant 0 : i32
        %dma_start3A_41 = tpu.memref_slice %arg4[%dma_start3A_39, %dma_start3A_40] : memref<632x128xf32, #tpu.memory_space<hbm>> -> memref<520x128xf32, #tpu.memory_space<hbm>>
        tpu.enqueue_dma source(%dma_start3A_41 : memref<520x128xf32, #tpu.memory_space<hbm>>) target(%dma_start3A_38 : memref<520x128xf32, #tpu.memory_space<vmem_shared>>) target_semaphore(%run_scoped3A_35 : memref<!tpu.dma_semaphore, #tpu.memory_space<semaphore_mem>>)
        %dma_wait3A_42 = arith.constant 9480 : i32
        %dma_wait3A_43 = arith.constant 0 : i32
        %dma_wait3A_44 = tpu.memref_slice %arg9[%dma_wait3A_42, %dma_wait3A_43] : memref<10000x128xf32, #tpu.memory_space<vmem_shared>> -> memref<520x128xf32, #tpu.memory_space<vmem_shared>>
        %dma_wait3A_45 = arith.constant 0 : i32
        %dma_wait3A_46 = arith.constant 0 : i32
        %dma_wait3A_47 = tpu.memref_slice %arg4[%dma_wait3A_45, %dma_wait3A_46] : memref<632x128xf32, #tpu.memory_space<hbm>> -> memref<520x128xf32, #tpu.memory_space<hbm>>
        tpu.wait_dma2 semaphore(%run_scoped3A_35 : memref<!tpu.dma_semaphore, #tpu.memory_space<semaphore_mem>>) src(%dma_wait3A_47 : memref<520x128xf32, #tpu.memory_space<hbm>>) dst(%dma_wait3A_44 : memref<520x128xf32, #tpu.memory_space<vmem_shared>>)
        tpu.yield
      }) : () -> ()
    } else {
    }
    "tpu.region"() ({
      %run_scoped3A_35 = tpu.sem_alloc : memref<!tpu.dma_semaphore, #tpu.memory_space<semaphore_mem>>
      %dma_start3A_36 = arith.constant 0 : i32
      %dma_start3A_37 = arith.constant 0 : i32
      %dma_start3A_38 = tpu.memref_slice %arg3[%add3A, %dma_start3A_36, %dma_start3A_37] : memref<32x125x80xi32, #tpu.memory_space<hbm>> -> memref<1x125x80xi32, #tpu.memory_space<hbm>>
      %dma_start3A_39 = tpu.memref_squeeze %dma_start3A_38 : memref<1x125x80xi32, #tpu.memory_space<hbm>> -> memref<125x80xi32, #tpu.memory_space<hbm>>
      %dma_start3A_40 = arith.constant 0 : i32
      %dma_start3A_41 = arith.constant 0 : i32
      %dma_start3A_42 = tpu.memref_slice %arg3[%add3A, %dma_start3A_40, %dma_start3A_41] : memref<32x125x80xi32, #tpu.memory_space<hbm>> -> memref<1x125x80xi32, #tpu.memory_space<hbm>>
      %dma_start3A_43 = tpu.memref_squeeze %dma_start3A_42 : memref<1x125x80xi32, #tpu.memory_space<hbm>> -> memref<125x80xi32, #tpu.memory_space<hbm>>
      tpu.enqueue_dma source(%dma_start3A_43 : memref<125x80xi32, #tpu.memory_space<hbm>>) target(%arg6 : memref<125x80xi32, #tpu.memory_space<vmem>>) target_semaphore(%run_scoped3A_35 : memref<!tpu.dma_semaphore, #tpu.memory_space<semaphore_mem>>)
      %dma_wait3A_44 = arith.constant 0 : i32
      %dma_wait3A_45 = arith.constant 0 : i32
      %dma_wait3A_46 = tpu.memref_slice %arg3[%add3A, %dma_wait3A_44, %dma_wait3A_45] : memref<32x125x80xi32, #tpu.memory_space<hbm>> -> memref<1x125x80xi32, #tpu.memory_space<hbm>>
      %dma_wait3A_47 = tpu.memref_squeeze %dma_wait3A_46 : memref<1x125x80xi32, #tpu.memory_space<hbm>> -> memref<125x80xi32, #tpu.memory_space<hbm>>
      %dma_wait3A_48 = arith.constant 0 : i32
      %dma_wait3A_49 = arith.constant 0 : i32
      %dma_wait3A_50 = tpu.memref_slice %arg3[%add3A, %dma_wait3A_48, %dma_wait3A_49] : memref<32x125x80xi32, #tpu.memory_space<hbm>> -> memref<1x125x80xi32, #tpu.memory_space<hbm>>
      %dma_wait3A_51 = tpu.memref_squeeze %dma_wait3A_50 : memref<1x125x80xi32, #tpu.memory_space<hbm>> -> memref<125x80xi32, #tpu.memory_space<hbm>>
      tpu.wait_dma2 semaphore(%run_scoped3A_35 : memref<!tpu.dma_semaphore, #tpu.memory_space<semaphore_mem>>) src(%dma_wait3A_51 : memref<125x80xi32, #tpu.memory_space<hbm>>) dst(%arg6 : memref<125x80xi32, #tpu.memory_space<vmem>>)
      tpu.yield
    }) : () -> ()
    %barrier3A = arith.constant 0 : index
    tpu.barrier barrier_id(%barrier3A)
    %scan3A = arith.constant 0 : i32
    %scan3A_11 = arith.constant 0 : i32
    %scan3A_12 = arith.constant 62 : i32
    %scan3A_13 = arith.addi %scan3A_11, %scan3A_12 : i32
    %scan3A_14 = arith.constant 1 : i32
    scf.for %scan3A_35 = %scan3A_11 to %scan3A_13 step %scan3A_14  : i32 {
      %mul3A_36 = arith.constant 2 : i32
      %mul3A_37 = arith.muli %scan3A_35, %mul3A_36 : i32
      %mul3A_38 = arith.constant 2 : i32
      %mul3A_39 = arith.muli %scan3A_35, %mul3A_38 : i32
      %add3A_40 = arith.constant 1 : i32
      %add3A_41 = arith.addi %mul3A_39, %add3A_40 : i32
      %mul3A_42 = arith.constant 80 : i32
      %mul3A_43 = arith.muli %mul3A_37, %mul3A_42 : i32
      %add3A_44 = arith.addi %mul3A_2, %mul3A_43 : i32
      %dma_start3A_45 = arith.constant 0 : i32
      %dma_start3A_46 = tpu.memref_slice %arg2[%add3A_44, %dma_start3A_45] : memref<320000x128xf32, #tpu.memory_space<hbm>> -> memref<80x128xf32, #tpu.memory_space<hbm>>
      %dma_start3A_47 = arith.constant 0 : i32
      %dma_start3A_48 = tpu.memref_slice %arg2[%add3A_44, %dma_start3A_47] : memref<320000x128xf32, #tpu.memory_space<hbm>> -> memref<80x128xf32, #tpu.memory_space<hbm>>
      tpu.enqueue_dma source(%dma_start3A_48 : memref<80x128xf32, #tpu.memory_space<hbm>>) target(%arg7 : memref<80x128xf32, #tpu.memory_space<vmem>>) target_semaphore(%arg10 : memref<!tpu.dma_semaphore, #tpu.memory_space<semaphore_mem>>)
      %mul3A_49 = arith.constant 80 : i32
      %mul3A_50 = arith.muli %add3A_41, %mul3A_49 : i32
      %add3A_51 = arith.addi %mul3A_2, %mul3A_50 : i32
      %dma_start3A_52 = arith.constant 0 : i32
      %dma_start3A_53 = tpu.memref_slice %arg2[%add3A_51, %dma_start3A_52] : memref<320000x128xf32, #tpu.memory_space<hbm>> -> memref<80x128xf32, #tpu.memory_space<hbm>>
      %dma_start3A_54 = arith.constant 0 : i32
      %dma_start3A_55 = tpu.memref_slice %arg2[%add3A_51, %dma_start3A_54] : memref<320000x128xf32, #tpu.memory_space<hbm>> -> memref<80x128xf32, #tpu.memory_space<hbm>>
      tpu.enqueue_dma source(%dma_start3A_55 : memref<80x128xf32, #tpu.memory_space<hbm>>) target(%arg8 : memref<80x128xf32, #tpu.memory_space<vmem>>) target_semaphore(%arg10 : memref<!tpu.dma_semaphore, #tpu.memory_space<semaphore_mem>>)
      %dma_wait3A_56 = arith.constant 0 : i32
      %dma_wait3A_57 = tpu.memref_slice %arg2[%add3A_44, %dma_wait3A_56] : memref<320000x128xf32, #tpu.memory_space<hbm>> -> memref<80x128xf32, #tpu.memory_space<hbm>>
      %dma_wait3A_58 = arith.constant 0 : i32
      %dma_wait3A_59 = tpu.memref_slice %arg2[%add3A_44, %dma_wait3A_58] : memref<320000x128xf32, #tpu.memory_space<hbm>> -> memref<80x128xf32, #tpu.memory_space<hbm>>
      tpu.wait_dma2 semaphore(%arg10 : memref<!tpu.dma_semaphore, #tpu.memory_space<semaphore_mem>>) src(%dma_wait3A_59 : memref<80x128xf32, #tpu.memory_space<hbm>>) dst(%arg7 : memref<80x128xf32, #tpu.memory_space<vmem>>)
      "tpu.region"() ({
        %run_scoped3A_64 = tpu.sem_alloc : memref<!tpu.dma_semaphore, #tpu.memory_space<semaphore_mem>>
        %dma_start3A_65 = arith.constant 0 : i32
        %dma_start3A_66 = tpu.memref_slice %arg6[%mul3A_37, %dma_start3A_65] : memref<125x80xi32, #tpu.memory_space<vmem>> -> memref<1x80xi32, #tpu.memory_space<vmem>>
        %dma_start3A_67 = tpu.memref_squeeze %dma_start3A_66 : memref<1x80xi32, #tpu.memory_space<vmem>> -> memref<80xi32, #tpu.memory_space<vmem>>
        %dma_start3A_68 = arith.constant 0 : i32
        %dma_start3A_69 = arith.constant 0 : i32
        %dma_start3A_70 = tpu.memref_slice %arg9[%dma_start3A_68, %dma_start3A_69] : memref<10000x128xf32, #tpu.memory_space<vmem_shared>> -> memref<10000x128xf32, #tpu.memory_space<vmem_shared>>
        tpu.enqueue_indirect_dma source(%arg7 : memref<80x128xf32, #tpu.memory_space<vmem>>) target(%dma_start3A_70 : memref<10000x128xf32, #tpu.memory_space<vmem_shared>>) offsets(%dma_start3A_67 : memref<80xi32, #tpu.memory_space<vmem>>) semaphore(%run_scoped3A_64 : memref<!tpu.dma_semaphore, #tpu.memory_space<semaphore_mem>>) {add = true}
        %dma_wait3A_71 = arith.constant 0 : i32
        %dma_wait3A_72 = tpu.memref_slice %arg6[%mul3A_37, %dma_wait3A_71] : memref<125x80xi32, #tpu.memory_space<vmem>> -> memref<1x80xi32, #tpu.memory_space<vmem>>
        %dma_wait3A_73 = tpu.memref_squeeze %dma_wait3A_72 : memref<1x80xi32, #tpu.memory_space<vmem>> -> memref<80xi32, #tpu.memory_space<vmem>>
        %dma_wait3A_74 = arith.constant 0 : i32
        %dma_wait3A_75 = arith.constant 0 : i32
        %dma_wait3A_76 = tpu.memref_slice %arg9[%dma_wait3A_74, %dma_wait3A_75] : memref<10000x128xf32, #tpu.memory_space<vmem_shared>> -> memref<10000x128xf32, #tpu.memory_space<vmem_shared>>
        tpu.wait_indirect_dma semaphore(%run_scoped3A_64 : memref<!tpu.dma_semaphore, #tpu.memory_space<semaphore_mem>>) src(%arg7 : memref<80x128xf32, #tpu.memory_space<vmem>>) dst(%dma_wait3A_76 : memref<10000x128xf32, #tpu.memory_space<vmem_shared>>)
        tpu.yield
      }) : () -> ()
      %dma_wait3A_60 = arith.constant 0 : i32
      %dma_wait3A_61 = tpu.memref_slice %arg2[%add3A_51, %dma_wait3A_60] : memref<320000x128xf32, #tpu.memory_space<hbm>> -> memref<80x128xf32, #tpu.memory_space<hbm>>
      %dma_wait3A_62 = arith.constant 0 : i32
      %dma_wait3A_63 = tpu.memref_slice %arg2[%add3A_51, %dma_wait3A_62] : memref<320000x128xf32, #tpu.memory_space<hbm>> -> memref<80x128xf32, #tpu.memory_space<hbm>>
      tpu.wait_dma2 semaphore(%arg10 : memref<!tpu.dma_semaphore, #tpu.memory_space<semaphore_mem>>) src(%dma_wait3A_63 : memref<80x128xf32, #tpu.memory_space<hbm>>) dst(%arg8 : memref<80x128xf32, #tpu.memory_space<vmem>>)
      "tpu.region"() ({
        %run_scoped3A_64 = tpu.sem_alloc : memref<!tpu.dma_semaphore, #tpu.memory_space<semaphore_mem>>
        %dma_start3A_65 = arith.constant 0 : i32
        %dma_start3A_66 = tpu.memref_slice %arg6[%add3A_41, %dma_start3A_65] : memref<125x80xi32, #tpu.memory_space<vmem>> -> memref<1x80xi32, #tpu.memory_space<vmem>>
        %dma_start3A_67 = tpu.memref_squeeze %dma_start3A_66 : memref<1x80xi32, #tpu.memory_space<vmem>> -> memref<80xi32, #tpu.memory_space<vmem>>
        %dma_start3A_68 = arith.constant 0 : i32
        %dma_start3A_69 = arith.constant 0 : i32
        %dma_start3A_70 = tpu.memref_slice %arg9[%dma_start3A_68, %dma_start3A_69] : memref<10000x128xf32, #tpu.memory_space<vmem_shared>> -> memref<10000x128xf32, #tpu.memory_space<vmem_shared>>
        tpu.enqueue_indirect_dma source(%arg8 : memref<80x128xf32, #tpu.memory_space<vmem>>) target(%dma_start3A_70 : memref<10000x128xf32, #tpu.memory_space<vmem_shared>>) offsets(%dma_start3A_67 : memref<80xi32, #tpu.memory_space<vmem>>) semaphore(%run_scoped3A_64 : memref<!tpu.dma_semaphore, #tpu.memory_space<semaphore_mem>>) {add = true}
        %dma_wait3A_71 = arith.constant 0 : i32
        %dma_wait3A_72 = tpu.memref_slice %arg6[%add3A_41, %dma_wait3A_71] : memref<125x80xi32, #tpu.memory_space<vmem>> -> memref<1x80xi32, #tpu.memory_space<vmem>>
        %dma_wait3A_73 = tpu.memref_squeeze %dma_wait3A_72 : memref<1x80xi32, #tpu.memory_space<vmem>> -> memref<80xi32, #tpu.memory_space<vmem>>
        %dma_wait3A_74 = arith.constant 0 : i32
        %dma_wait3A_75 = arith.constant 0 : i32
        %dma_wait3A_76 = tpu.memref_slice %arg9[%dma_wait3A_74, %dma_wait3A_75] : memref<10000x128xf32, #tpu.memory_space<vmem_shared>> -> memref<10000x128xf32, #tpu.memory_space<vmem_shared>>
        tpu.wait_indirect_dma semaphore(%run_scoped3A_64 : memref<!tpu.dma_semaphore, #tpu.memory_space<semaphore_mem>>) src(%arg8 : memref<80x128xf32, #tpu.memory_space<vmem>>) dst(%dma_wait3A_76 : memref<10000x128xf32, #tpu.memory_space<vmem_shared>>)
        tpu.yield
      }) : () -> ()
    }
    %scan3A_15 = arith.constant 62 : i32
    %add3A_16 = arith.constant 9920 : i32
    %add3A_17 = arith.addi %mul3A_2, %add3A_16 : i32
    %dma_start3A = arith.constant 0 : i32
    %dma_start3A_18 = tpu.memref_slice %arg2[%add3A_17, %dma_start3A] : memref<320000x128xf32, #tpu.memory_space<hbm>> -> memref<80x128xf32, #tpu.memory_space<hbm>>
    %dma_start3A_19 = arith.constant 0 : i32
    %dma_start3A_20 = tpu.memref_slice %arg2[%add3A_17, %dma_start3A_19] : memref<320000x128xf32, #tpu.memory_space<hbm>> -> memref<80x128xf32, #tpu.memory_space<hbm>>
    tpu.enqueue_dma source(%dma_start3A_20 : memref<80x128xf32, #tpu.memory_space<hbm>>) target(%arg7 : memref<80x128xf32, #tpu.memory_space<vmem>>) target_semaphore(%arg10 : memref<!tpu.dma_semaphore, #tpu.memory_space<semaphore_mem>>)
    %dma_wait3A = arith.constant 0 : i32
    %dma_wait3A_21 = tpu.memref_slice %arg2[%add3A_17, %dma_wait3A] : memref<320000x128xf32, #tpu.memory_space<hbm>> -> memref<80x128xf32, #tpu.memory_space<hbm>>
    %dma_wait3A_22 = arith.constant 0 : i32
    %dma_wait3A_23 = tpu.memref_slice %arg2[%add3A_17, %dma_wait3A_22] : memref<320000x128xf32, #tpu.memory_space<hbm>> -> memref<80x128xf32, #tpu.memory_space<hbm>>
    tpu.wait_dma2 semaphore(%arg10 : memref<!tpu.dma_semaphore, #tpu.memory_space<semaphore_mem>>) src(%dma_wait3A_23 : memref<80x128xf32, #tpu.memory_space<hbm>>) dst(%arg7 : memref<80x128xf32, #tpu.memory_space<vmem>>)
    %run_scoped3A = arith.constant 124 : i32
    "tpu.region"() ({
      %run_scoped3A_35 = tpu.sem_alloc : memref<!tpu.dma_semaphore, #tpu.memory_space<semaphore_mem>>
      %dma_start3A_36 = arith.constant 0 : i32
      %dma_start3A_37 = tpu.memref_slice %arg6[%run_scoped3A, %dma_start3A_36] : memref<125x80xi32, #tpu.memory_space<vmem>> -> memref<1x80xi32, #tpu.memory_space<vmem>>
      %dma_start3A_38 = tpu.memref_squeeze %dma_start3A_37 : memref<1x80xi32, #tpu.memory_space<vmem>> -> memref<80xi32, #tpu.memory_space<vmem>>
      %dma_start3A_39 = arith.constant 0 : i32
      %dma_start3A_40 = arith.constant 0 : i32
      %dma_start3A_41 = tpu.memref_slice %arg9[%dma_start3A_39, %dma_start3A_40] : memref<10000x128xf32, #tpu.memory_space<vmem_shared>> -> memref<10000x128xf32, #tpu.memory_space<vmem_shared>>
      tpu.enqueue_indirect_dma source(%arg7 : memref<80x128xf32, #tpu.memory_space<vmem>>) target(%dma_start3A_41 : memref<10000x128xf32, #tpu.memory_space<vmem_shared>>) offsets(%dma_start3A_38 : memref<80xi32, #tpu.memory_space<vmem>>) semaphore(%run_scoped3A_35 : memref<!tpu.dma_semaphore, #tpu.memory_space<semaphore_mem>>) {add = true}
      %dma_wait3A_42 = arith.constant 0 : i32
      %dma_wait3A_43 = tpu.memref_slice %arg6[%run_scoped3A, %dma_wait3A_42] : memref<125x80xi32, #tpu.memory_space<vmem>> -> memref<1x80xi32, #tpu.memory_space<vmem>>
      %dma_wait3A_44 = tpu.memref_squeeze %dma_wait3A_43 : memref<1x80xi32, #tpu.memory_space<vmem>> -> memref<80xi32, #tpu.memory_space<vmem>>
      %dma_wait3A_45 = arith.constant 0 : i32
      %dma_wait3A_46 = arith.constant 0 : i32
      %dma_wait3A_47 = tpu.memref_slice %arg9[%dma_wait3A_45, %dma_wait3A_46] : memref<10000x128xf32, #tpu.memory_space<vmem_shared>> -> memref<10000x128xf32, #tpu.memory_space<vmem_shared>>
      tpu.wait_indirect_dma semaphore(%run_scoped3A_35 : memref<!tpu.dma_semaphore, #tpu.memory_space<semaphore_mem>>) src(%arg7 : memref<80x128xf32, #tpu.memory_space<vmem>>) dst(%dma_wait3A_47 : memref<10000x128xf32, #tpu.memory_space<vmem_shared>>)
      tpu.yield
    }) : () -> ()
    %barrier3A_24 = arith.constant 0 : index
    tpu.barrier barrier_id(%barrier3A_24)
    %lt3A_25 = arith.constant 15 : i32
    %lt3A_26 = arith.cmpi slt, %arg1, %lt3A_25 : i32
    %convert_element_type3A_27 = arith.extui %lt3A_26 : i1 to i32
    %cond3A_28 = arith.constant 0 : i32
    %cond3A_29 = arith.cmpi ne, %convert_element_type3A_27, %cond3A_28 : i32
    scf.if %cond3A_29 {
      "tpu.region"() ({
        %run_scoped3A_35 = tpu.sem_alloc : memref<!tpu.dma_semaphore, #tpu.memory_space<semaphore_mem>>
        %dma_start3A_36 = arith.constant 0 : i32
        %dma_start3A_37 = tpu.memref_slice %arg5[%arg0, %mul3A_4, %dma_start3A_36] : memref<2x10000x128xf32, #tpu.memory_space<hbm>> -> memref<1x632x128xf32, #tpu.memory_space<hbm>>
        %dma_start3A_38 = tpu.memref_squeeze %dma_start3A_37 : memref<1x632x128xf32, #tpu.memory_space<hbm>> -> memref<632x128xf32, #tpu.memory_space<hbm>>
        %dma_start3A_39 = arith.constant 0 : i32
        %dma_start3A_40 = tpu.memref_slice %arg9[%mul3A_4, %dma_start3A_39] : memref<10000x128xf32, #tpu.memory_space<vmem_shared>> -> memref<632x128xf32, #tpu.memory_space<vmem_shared>>
        tpu.enqueue_dma source(%dma_start3A_40 : memref<632x128xf32, #tpu.memory_space<vmem_shared>>) target(%dma_start3A_38 : memref<632x128xf32, #tpu.memory_space<hbm>>) target_semaphore(%run_scoped3A_35 : memref<!tpu.dma_semaphore, #tpu.memory_space<semaphore_mem>>)
        %dma_wait3A_41 = arith.constant 0 : i32
        %dma_wait3A_42 = tpu.memref_slice %arg5[%arg0, %mul3A_4, %dma_wait3A_41] : memref<2x10000x128xf32, #tpu.memory_space<hbm>> -> memref<1x632x128xf32, #tpu.memory_space<hbm>>
        %dma_wait3A_43 = tpu.memref_squeeze %dma_wait3A_42 : memref<1x632x128xf32, #tpu.memory_space<hbm>> -> memref<632x128xf32, #tpu.memory_space<hbm>>
        %dma_wait3A_44 = arith.constant 0 : i32
        %dma_wait3A_45 = tpu.memref_slice %arg9[%mul3A_4, %dma_wait3A_44] : memref<10000x128xf32, #tpu.memory_space<vmem_shared>> -> memref<632x128xf32, #tpu.memory_space<vmem_shared>>
        tpu.wait_dma2 semaphore(%run_scoped3A_35 : memref<!tpu.dma_semaphore, #tpu.memory_space<semaphore_mem>>) src(%dma_wait3A_45 : memref<632x128xf32, #tpu.memory_space<vmem_shared>>) dst(%dma_wait3A_43 : memref<632x128xf32, #tpu.memory_space<hbm>>)
        tpu.yield
      }) : () -> ()
    } else {
    }
    %eq3A_30 = arith.constant 15 : i32
    %eq3A_31 = arith.cmpi eq, %arg1, %eq3A_30 : i32
    %convert_element_type3A_32 = arith.extui %eq3A_31 : i1 to i32
    %cond3A_33 = arith.constant 0 : i32
    %cond3A_34 = arith.cmpi ne, %convert_element_type3A_32, %cond3A_33 : i32
    scf.if %cond3A_34 {
      "tpu.region"() ({
        %run_scoped3A_35 = tpu.sem_alloc : memref<!tpu.dma_semaphore, #tpu.memory_space<semaphore_mem>>
        %dma_start3A_36 = arith.constant 9480 : i32
        %dma_start3A_37 = arith.constant 0 : i32
        %dma_start3A_38 = tpu.memref_slice %arg5[%arg0, %dma_start3A_36, %dma_start3A_37] : memref<2x10000x128xf32, #tpu.memory_space<hbm>> -> memref<1x520x128xf32, #tpu.memory_space<hbm>>
        %dma_start3A_39 = tpu.memref_squeeze %dma_start3A_38 : memref<1x520x128xf32, #tpu.memory_space<hbm>> -> memref<520x128xf32, #tpu.memory_space<hbm>>
        %dma_start3A_40 = arith.constant 9480 : i32
        %dma_start3A_41 = arith.constant 0 : i32
        %dma_start3A_42 = tpu.memref_slice %arg9[%dma_start3A_40, %dma_start3A_41] : memref<10000x128xf32, #tpu.memory_space<vmem_shared>> -> memref<520x128xf32, #tpu.memory_space<vmem_shared>>
        tpu.enqueue_dma source(%dma_start3A_42 : memref<520x128xf32, #tpu.memory_space<vmem_shared>>) target(%dma_start3A_39 : memref<520x128xf32, #tpu.memory_space<hbm>>) target_semaphore(%run_scoped3A_35 : memref<!tpu.dma_semaphore, #tpu.memory_space<semaphore_mem>>)
        %dma_wait3A_43 = arith.constant 9480 : i32
        %dma_wait3A_44 = arith.constant 0 : i32
        %dma_wait3A_45 = tpu.memref_slice %arg5[%arg0, %dma_wait3A_43, %dma_wait3A_44] : memref<2x10000x128xf32, #tpu.memory_space<hbm>> -> memref<1x520x128xf32, #tpu.memory_space<hbm>>
        %dma_wait3A_46 = tpu.memref_squeeze %dma_wait3A_45 : memref<1x520x128xf32, #tpu.memory_space<hbm>> -> memref<520x128xf32, #tpu.memory_space<hbm>>
        %dma_wait3A_47 = arith.constant 9480 : i32
        %dma_wait3A_48 = arith.constant 0 : i32
        %dma_wait3A_49 = tpu.memref_slice %arg9[%dma_wait3A_47, %dma_wait3A_48] : memref<10000x128xf32, #tpu.memory_space<vmem_shared>> -> memref<520x128xf32, #tpu.memory_space<vmem_shared>>
        tpu.wait_dma2 semaphore(%run_scoped3A_35 : memref<!tpu.dma_semaphore, #tpu.memory_space<semaphore_mem>>) src(%dma_wait3A_49 : memref<520x128xf32, #tpu.memory_space<vmem_shared>>) dst(%dma_wait3A_46 : memref<520x128xf32, #tpu.memory_space<hbm>>)
        tpu.yield
      }) : () -> ()
    } else {
    }
    return
  }
}

#map = affine_map<(d0, d1) -> (0, 0)>
#map1 = affine_map<(d0, d1) -> (0)>
module attributes {stable_mosaic.version = 14 : i64} {
  func.func @body_fn(%arg0: i32, %arg1: i32, %arg2: memref<10000x128xf32, #tpu.memory_space<hbm>>, %arg3: memref<10000x128xf32, #tpu.memory_space<hbm>>, %arg4: memref<320000xi32, #tpu.memory_space<hbm>>, %arg5: memref<320000xi32, #tpu.memory_space<hbm>>, %arg6: memref<320000x128xf32, #tpu.memory_space<hbm>>, %arg7: memref<320000x128xf32, #tpu.memory_space<hbm>>, %arg8: memref<10000xi32, #tpu.memory_space<vmem>>, %arg9: memref<10000xi32, #tpu.memory_space<vmem>>, %arg10: memref<80x128xf32, #tpu.memory_space<vmem>>, %arg11: memref<80x128xf32, #tpu.memory_space<vmem>>, %arg12: memref<80x128xf32, #tpu.memory_space<vmem>>, %arg13: memref<80x128xf32, #tpu.memory_space<vmem>>, %arg14: memref<!tpu.dma_semaphore, #tpu.memory_space<semaphore_mem>>, %arg15: memref<!tpu.dma_semaphore, #tpu.memory_space<semaphore_mem>>) attributes {dimension_semantics = [#tpu.dimension_semantics<core_parallel>, #tpu.dimension_semantics<subcore_parallel>], iteration_bounds = array<i64: 2, 16>, scalar_prefetch = 0 : i64, scratch_operands = 8 : i64, tpu.core_type = #tpu.core_type<sc_vector_subcore>, window_params = [{transform_indices = #map}, {transform_indices = #map}, {transform_indices = #map1}, {transform_indices = #map1}, {transform_indices = #map}, {transform_indices = #map}]} {
    %mul3A = arith.constant 2 : i32
    %mul3A_0 = arith.muli %arg1, %mul3A : i32
    %add3A = arith.addi %mul3A_0, %arg0 : i32
    %mul3A_1 = arith.constant 10000 : i32
    %mul3A_2 = arith.muli %add3A, %mul3A_1 : i32
    "tpu.region"() ({
      %run_scoped3A = tpu.sem_alloc : memref<!tpu.dma_semaphore, #tpu.memory_space<semaphore_mem>>
      %dma_start3A_86 = tpu.memref_slice %arg4[%mul3A_2] : memref<320000xi32, #tpu.memory_space<hbm>> -> memref<10000xi32, #tpu.memory_space<hbm>>
      %dma_start3A_87 = tpu.memref_slice %arg4[%mul3A_2] : memref<320000xi32, #tpu.memory_space<hbm>> -> memref<10000xi32, #tpu.memory_space<hbm>>
      tpu.enqueue_dma source(%dma_start3A_87 : memref<10000xi32, #tpu.memory_space<hbm>>) target(%arg8 : memref<10000xi32, #tpu.memory_space<vmem>>) target_semaphore(%run_scoped3A : memref<!tpu.dma_semaphore, #tpu.memory_space<semaphore_mem>>)
      %dma_wait3A_88 = tpu.memref_slice %arg4[%mul3A_2] : memref<320000xi32, #tpu.memory_space<hbm>> -> memref<10000xi32, #tpu.memory_space<hbm>>
      %dma_wait3A_89 = tpu.memref_slice %arg4[%mul3A_2] : memref<320000xi32, #tpu.memory_space<hbm>> -> memref<10000xi32, #tpu.memory_space<hbm>>
      tpu.wait_dma2 semaphore(%run_scoped3A : memref<!tpu.dma_semaphore, #tpu.memory_space<semaphore_mem>>) src(%dma_wait3A_89 : memref<10000xi32, #tpu.memory_space<hbm>>) dst(%arg8 : memref<10000xi32, #tpu.memory_space<vmem>>)
      tpu.yield
    }) : () -> ()
    "tpu.region"() ({
      %run_scoped3A = tpu.sem_alloc : memref<!tpu.dma_semaphore, #tpu.memory_space<semaphore_mem>>
      %dma_start3A_86 = tpu.memref_slice %arg5[%mul3A_2] : memref<320000xi32, #tpu.memory_space<hbm>> -> memref<10000xi32, #tpu.memory_space<hbm>>
      %dma_start3A_87 = tpu.memref_slice %arg5[%mul3A_2] : memref<320000xi32, #tpu.memory_space<hbm>> -> memref<10000xi32, #tpu.memory_space<hbm>>
      tpu.enqueue_dma source(%dma_start3A_87 : memref<10000xi32, #tpu.memory_space<hbm>>) target(%arg9 : memref<10000xi32, #tpu.memory_space<vmem>>) target_semaphore(%run_scoped3A : memref<!tpu.dma_semaphore, #tpu.memory_space<semaphore_mem>>)
      %dma_wait3A_88 = tpu.memref_slice %arg5[%mul3A_2] : memref<320000xi32, #tpu.memory_space<hbm>> -> memref<10000xi32, #tpu.memory_space<hbm>>
      %dma_wait3A_89 = tpu.memref_slice %arg5[%mul3A_2] : memref<320000xi32, #tpu.memory_space<hbm>> -> memref<10000xi32, #tpu.memory_space<hbm>>
      tpu.wait_dma2 semaphore(%run_scoped3A : memref<!tpu.dma_semaphore, #tpu.memory_space<semaphore_mem>>) src(%dma_wait3A_89 : memref<10000xi32, #tpu.memory_space<hbm>>) dst(%arg9 : memref<10000xi32, #tpu.memory_space<vmem>>)
      tpu.yield
    }) : () -> ()
    %scan3A = arith.constant 0 : i32
    %scan3A_3 = arith.constant 0 : i32
    %scan3A_4 = arith.constant 62 : i32
    %scan3A_5 = arith.addi %scan3A_3, %scan3A_4 : i32
    %scan3A_6 = arith.constant 1 : i32
    scf.for %scan3A_86 = %scan3A_3 to %scan3A_5 step %scan3A_6  : i32 {
      %mul3A_87 = arith.constant 2 : i32
      %mul3A_88 = arith.muli %scan3A_86, %mul3A_87 : i32
      %mul3A_89 = arith.constant 2 : i32
      %mul3A_90 = arith.muli %scan3A_86, %mul3A_89 : i32
      %add3A_91 = arith.constant 1 : i32
      %add3A_92 = arith.addi %mul3A_90, %add3A_91 : i32
      %mul3A_93 = arith.constant 80 : i32
      %mul3A_94 = arith.muli %mul3A_88, %mul3A_93 : i32
      %dma_start3A_95 = tpu.memref_slice %arg8[%mul3A_94] : memref<10000xi32, #tpu.memory_space<vmem>> -> memref<80xi32, #tpu.memory_space<vmem>>
      %dma_start3A_96 = arith.constant 0 : i32
      %dma_start3A_97 = arith.constant 0 : i32
      %dma_start3A_98 = tpu.memref_slice %arg2[%dma_start3A_96, %dma_start3A_97] : memref<10000x128xf32, #tpu.memory_space<hbm>> -> memref<10000x128xf32, #tpu.memory_space<hbm>>
      tpu.enqueue_indirect_dma source(%dma_start3A_98 : memref<10000x128xf32, #tpu.memory_space<hbm>>) target(%arg10 : memref<80x128xf32, #tpu.memory_space<vmem>>) offsets(%dma_start3A_95 : memref<80xi32, #tpu.memory_space<vmem>>) semaphore(%arg14 : memref<!tpu.dma_semaphore, #tpu.memory_space<semaphore_mem>>)
      %mul3A_99 = arith.constant 80 : i32
      %mul3A_100 = arith.muli %mul3A_88, %mul3A_99 : i32
      %dma_start3A_101 = tpu.memref_slice %arg9[%mul3A_100] : memref<10000xi32, #tpu.memory_space<vmem>> -> memref<80xi32, #tpu.memory_space<vmem>>
      %dma_start3A_102 = arith.constant 0 : i32
      %dma_start3A_103 = arith.constant 0 : i32
      %dma_start3A_104 = tpu.memref_slice %arg3[%dma_start3A_102, %dma_start3A_103] : memref<10000x128xf32, #tpu.memory_space<hbm>> -> memref<10000x128xf32, #tpu.memory_space<hbm>>
      tpu.enqueue_indirect_dma source(%dma_start3A_104 : memref<10000x128xf32, #tpu.memory_space<hbm>>) target(%arg11 : memref<80x128xf32, #tpu.memory_space<vmem>>) offsets(%dma_start3A_101 : memref<80xi32, #tpu.memory_space<vmem>>) semaphore(%arg14 : memref<!tpu.dma_semaphore, #tpu.memory_space<semaphore_mem>>)
      %mul3A_105 = arith.constant 80 : i32
      %mul3A_106 = arith.muli %add3A_92, %mul3A_105 : i32
      %dma_start3A_107 = tpu.memref_slice %arg8[%mul3A_106] : memref<10000xi32, #tpu.memory_space<vmem>> -> memref<80xi32, #tpu.memory_space<vmem>>
      %dma_start3A_108 = arith.constant 0 : i32
      %dma_start3A_109 = arith.constant 0 : i32
      %dma_start3A_110 = tpu.memref_slice %arg2[%dma_start3A_108, %dma_start3A_109] : memref<10000x128xf32, #tpu.memory_space<hbm>> -> memref<10000x128xf32, #tpu.memory_space<hbm>>
      tpu.enqueue_indirect_dma source(%dma_start3A_110 : memref<10000x128xf32, #tpu.memory_space<hbm>>) target(%arg12 : memref<80x128xf32, #tpu.memory_space<vmem>>) offsets(%dma_start3A_107 : memref<80xi32, #tpu.memory_space<vmem>>) semaphore(%arg14 : memref<!tpu.dma_semaphore, #tpu.memory_space<semaphore_mem>>)
      %mul3A_111 = arith.constant 80 : i32
      %mul3A_112 = arith.muli %add3A_92, %mul3A_111 : i32
      %dma_start3A_113 = tpu.memref_slice %arg9[%mul3A_112] : memref<10000xi32, #tpu.memory_space<vmem>> -> memref<80xi32, #tpu.memory_space<vmem>>
      %dma_start3A_114 = arith.constant 0 : i32
      %dma_start3A_115 = arith.constant 0 : i32
      %dma_start3A_116 = tpu.memref_slice %arg3[%dma_start3A_114, %dma_start3A_115] : memref<10000x128xf32, #tpu.memory_space<hbm>> -> memref<10000x128xf32, #tpu.memory_space<hbm>>
      tpu.enqueue_indirect_dma source(%dma_start3A_116 : memref<10000x128xf32, #tpu.memory_space<hbm>>) target(%arg13 : memref<80x128xf32, #tpu.memory_space<vmem>>) offsets(%dma_start3A_113 : memref<80xi32, #tpu.memory_space<vmem>>) semaphore(%arg14 : memref<!tpu.dma_semaphore, #tpu.memory_space<semaphore_mem>>)
      %dma_wait3A_117 = tpu.memref_slice %arg8[%mul3A_94] : memref<10000xi32, #tpu.memory_space<vmem>> -> memref<80xi32, #tpu.memory_space<vmem>>
      %dma_wait3A_118 = arith.constant 0 : i32
      %dma_wait3A_119 = arith.constant 0 : i32
      %dma_wait3A_120 = tpu.memref_slice %arg2[%dma_wait3A_118, %dma_wait3A_119] : memref<10000x128xf32, #tpu.memory_space<hbm>> -> memref<10000x128xf32, #tpu.memory_space<hbm>>
      tpu.wait_indirect_dma semaphore(%arg14 : memref<!tpu.dma_semaphore, #tpu.memory_space<semaphore_mem>>) src(%dma_wait3A_120 : memref<10000x128xf32, #tpu.memory_space<hbm>>) dst(%arg10 : memref<80x128xf32, #tpu.memory_space<vmem>>)
      %dma_wait3A_121 = tpu.memref_slice %arg9[%mul3A_100] : memref<10000xi32, #tpu.memory_space<vmem>> -> memref<80xi32, #tpu.memory_space<vmem>>
      %dma_wait3A_122 = arith.constant 0 : i32
      %dma_wait3A_123 = arith.constant 0 : i32
      %dma_wait3A_124 = tpu.memref_slice %arg3[%dma_wait3A_122, %dma_wait3A_123] : memref<10000x128xf32, #tpu.memory_space<hbm>> -> memref<10000x128xf32, #tpu.memory_space<hbm>>
      tpu.wait_indirect_dma semaphore(%arg14 : memref<!tpu.dma_semaphore, #tpu.memory_space<semaphore_mem>>) src(%dma_wait3A_124 : memref<10000x128xf32, #tpu.memory_space<hbm>>) dst(%arg11 : memref<80x128xf32, #tpu.memory_space<vmem>>)
      %dma_wait3A_125 = tpu.memref_slice %arg8[%mul3A_106] : memref<10000xi32, #tpu.memory_space<vmem>> -> memref<80xi32, #tpu.memory_space<vmem>>
      %dma_wait3A_126 = arith.constant 0 : i32
      %dma_wait3A_127 = arith.constant 0 : i32
      %dma_wait3A_128 = tpu.memref_slice %arg2[%dma_wait3A_126, %dma_wait3A_127] : memref<10000x128xf32, #tpu.memory_space<hbm>> -> memref<10000x128xf32, #tpu.memory_space<hbm>>
      tpu.wait_indirect_dma semaphore(%arg14 : memref<!tpu.dma_semaphore, #tpu.memory_space<semaphore_mem>>) src(%dma_wait3A_128 : memref<10000x128xf32, #tpu.memory_space<hbm>>) dst(%arg12 : memref<80x128xf32, #tpu.memory_space<vmem>>)
      %dma_wait3A_129 = tpu.memref_slice %arg9[%mul3A_112] : memref<10000xi32, #tpu.memory_space<vmem>> -> memref<80xi32, #tpu.memory_space<vmem>>
      %dma_wait3A_130 = arith.constant 0 : i32
      %dma_wait3A_131 = arith.constant 0 : i32
      %dma_wait3A_132 = tpu.memref_slice %arg3[%dma_wait3A_130, %dma_wait3A_131] : memref<10000x128xf32, #tpu.memory_space<hbm>> -> memref<10000x128xf32, #tpu.memory_space<hbm>>
      tpu.wait_indirect_dma semaphore(%arg14 : memref<!tpu.dma_semaphore, #tpu.memory_space<semaphore_mem>>) src(%dma_wait3A_132 : memref<10000x128xf32, #tpu.memory_space<hbm>>) dst(%arg13 : memref<80x128xf32, #tpu.memory_space<vmem>>)
      %mul3A_133 = arith.constant 80 : i32
      %mul3A_134 = arith.muli %mul3A_88, %mul3A_133 : i32
      %add3A_135 = arith.addi %mul3A_2, %mul3A_134 : i32
      %dma_start3A_136 = arith.constant 0 : i32
      %dma_start3A_137 = tpu.memref_slice %arg6[%add3A_135, %dma_start3A_136] : memref<320000x128xf32, #tpu.memory_space<hbm>> -> memref<80x128xf32, #tpu.memory_space<hbm>>
      %dma_start3A_138 = arith.constant 0 : i32
      %dma_start3A_139 = tpu.memref_slice %arg6[%add3A_135, %dma_start3A_138] : memref<320000x128xf32, #tpu.memory_space<hbm>> -> memref<80x128xf32, #tpu.memory_space<hbm>>
      tpu.enqueue_dma source(%arg10 : memref<80x128xf32, #tpu.memory_space<vmem>>) target(%dma_start3A_139 : memref<80x128xf32, #tpu.memory_space<hbm>>) target_semaphore(%arg15 : memref<!tpu.dma_semaphore, #tpu.memory_space<semaphore_mem>>)
      %mul3A_140 = arith.constant 80 : i32
      %mul3A_141 = arith.muli %mul3A_88, %mul3A_140 : i32
      %add3A_142 = arith.addi %mul3A_2, %mul3A_141 : i32
      %dma_start3A_143 = arith.constant 0 : i32
      %dma_start3A_144 = tpu.memref_slice %arg7[%add3A_142, %dma_start3A_143] : memref<320000x128xf32, #tpu.memory_space<hbm>> -> memref<80x128xf32, #tpu.memory_space<hbm>>
      %dma_start3A_145 = arith.constant 0 : i32
      %dma_start3A_146 = tpu.memref_slice %arg7[%add3A_142, %dma_start3A_145] : memref<320000x128xf32, #tpu.memory_space<hbm>> -> memref<80x128xf32, #tpu.memory_space<hbm>>
      tpu.enqueue_dma source(%arg11 : memref<80x128xf32, #tpu.memory_space<vmem>>) target(%dma_start3A_146 : memref<80x128xf32, #tpu.memory_space<hbm>>) target_semaphore(%arg15 : memref<!tpu.dma_semaphore, #tpu.memory_space<semaphore_mem>>)
      %mul3A_147 = arith.constant 80 : i32
      %mul3A_148 = arith.muli %add3A_92, %mul3A_147 : i32
      %add3A_149 = arith.addi %mul3A_2, %mul3A_148 : i32
      %dma_start3A_150 = arith.constant 0 : i32
      %dma_start3A_151 = tpu.memref_slice %arg6[%add3A_149, %dma_start3A_150] : memref<320000x128xf32, #tpu.memory_space<hbm>> -> memref<80x128xf32, #tpu.memory_space<hbm>>
      %dma_start3A_152 = arith.constant 0 : i32
      %dma_start3A_153 = tpu.memref_slice %arg6[%add3A_149, %dma_start3A_152] : memref<320000x128xf32, #tpu.memory_space<hbm>> -> memref<80x128xf32, #tpu.memory_space<hbm>>
      tpu.enqueue_dma source(%arg12 : memref<80x128xf32, #tpu.memory_space<vmem>>) target(%dma_start3A_153 : memref<80x128xf32, #tpu.memory_space<hbm>>) target_semaphore(%arg15 : memref<!tpu.dma_semaphore, #tpu.memory_space<semaphore_mem>>)
      %mul3A_154 = arith.constant 80 : i32
      %mul3A_155 = arith.muli %add3A_92, %mul3A_154 : i32
      %add3A_156 = arith.addi %mul3A_2, %mul3A_155 : i32
      %dma_start3A_157 = arith.constant 0 : i32
      %dma_start3A_158 = tpu.memref_slice %arg7[%add3A_156, %dma_start3A_157] : memref<320000x128xf32, #tpu.memory_space<hbm>> -> memref<80x128xf32, #tpu.memory_space<hbm>>
      %dma_start3A_159 = arith.constant 0 : i32
      %dma_start3A_160 = tpu.memref_slice %arg7[%add3A_156, %dma_start3A_159] : memref<320000x128xf32, #tpu.memory_space<hbm>> -> memref<80x128xf32, #tpu.memory_space<hbm>>
      tpu.enqueue_dma source(%arg13 : memref<80x128xf32, #tpu.memory_space<vmem>>) target(%dma_start3A_160 : memref<80x128xf32, #tpu.memory_space<hbm>>) target_semaphore(%arg15 : memref<!tpu.dma_semaphore, #tpu.memory_space<semaphore_mem>>)
      %dma_wait3A_161 = arith.constant 0 : i32
      %dma_wait3A_162 = tpu.memref_slice %arg6[%add3A_135, %dma_wait3A_161] : memref<320000x128xf32, #tpu.memory_space<hbm>> -> memref<80x128xf32, #tpu.memory_space<hbm>>
      %dma_wait3A_163 = arith.constant 0 : i32
      %dma_wait3A_164 = tpu.memref_slice %arg6[%add3A_135, %dma_wait3A_163] : memref<320000x128xf32, #tpu.memory_space<hbm>> -> memref<80x128xf32, #tpu.memory_space<hbm>>
      tpu.wait_dma2 semaphore(%arg15 : memref<!tpu.dma_semaphore, #tpu.memory_space<semaphore_mem>>) src(%arg10 : memref<80x128xf32, #tpu.memory_space<vmem>>) dst(%dma_wait3A_164 : memref<80x128xf32, #tpu.memory_space<hbm>>)
      %dma_wait3A_165 = arith.constant 0 : i32
      %dma_wait3A_166 = tpu.memref_slice %arg7[%add3A_142, %dma_wait3A_165] : memref<320000x128xf32, #tpu.memory_space<hbm>> -> memref<80x128xf32, #tpu.memory_space<hbm>>
      %dma_wait3A_167 = arith.constant 0 : i32
      %dma_wait3A_168 = tpu.memref_slice %arg7[%add3A_142, %dma_wait3A_167] : memref<320000x128xf32, #tpu.memory_space<hbm>> -> memref<80x128xf32, #tpu.memory_space<hbm>>
      tpu.wait_dma2 semaphore(%arg15 : memref<!tpu.dma_semaphore, #tpu.memory_space<semaphore_mem>>) src(%arg11 : memref<80x128xf32, #tpu.memory_space<vmem>>) dst(%dma_wait3A_168 : memref<80x128xf32, #tpu.memory_space<hbm>>)
      %dma_wait3A_169 = arith.constant 0 : i32
      %dma_wait3A_170 = tpu.memref_slice %arg6[%add3A_149, %dma_wait3A_169] : memref<320000x128xf32, #tpu.memory_space<hbm>> -> memref<80x128xf32, #tpu.memory_space<hbm>>
      %dma_wait3A_171 = arith.constant 0 : i32
      %dma_wait3A_172 = tpu.memref_slice %arg6[%add3A_149, %dma_wait3A_171] : memref<320000x128xf32, #tpu.memory_space<hbm>> -> memref<80x128xf32, #tpu.memory_space<hbm>>
      tpu.wait_dma2 semaphore(%arg15 : memref<!tpu.dma_semaphore, #tpu.memory_space<semaphore_mem>>) src(%arg12 : memref<80x128xf32, #tpu.memory_space<vmem>>) dst(%dma_wait3A_172 : memref<80x128xf32, #tpu.memory_space<hbm>>)
      %dma_wait3A_173 = arith.constant 0 : i32
      %dma_wait3A_174 = tpu.memref_slice %arg7[%add3A_156, %dma_wait3A_173] : memref<320000x128xf32, #tpu.memory_space<hbm>> -> memref<80x128xf32, #tpu.memory_space<hbm>>
      %dma_wait3A_175 = arith.constant 0 : i32
      %dma_wait3A_176 = tpu.memref_slice %arg7[%add3A_156, %dma_wait3A_175] : memref<320000x128xf32, #tpu.memory_space<hbm>> -> memref<80x128xf32, #tpu.memory_space<hbm>>
      tpu.wait_dma2 semaphore(%arg15 : memref<!tpu.dma_semaphore, #tpu.memory_space<semaphore_mem>>) src(%arg13 : memref<80x128xf32, #tpu.memory_space<vmem>>) dst(%dma_wait3A_176 : memref<80x128xf32, #tpu.memory_space<hbm>>)
    }
    %scan3A_7 = arith.constant 62 : i32
    %dma_start3A = arith.constant 9920 : i32
    %dma_start3A_8 = tpu.memref_slice %arg8[%dma_start3A] : memref<10000xi32, #tpu.memory_space<vmem>> -> memref<80xi32, #tpu.memory_space<vmem>>
    %dma_start3A_9 = arith.constant 0 : i32
    %dma_start3A_10 = arith.constant 0 : i32
    %dma_start3A_11 = tpu.memref_slice %arg2[%dma_start3A_9, %dma_start3A_10] : memref<10000x128xf32, #tpu.memory_space<hbm>> -> memref<10000x128xf32, #tpu.memory_space<hbm>>
    tpu.enqueue_indirect_dma source(%dma_start3A_11 : memref<10000x128xf32, #tpu.memory_space<hbm>>) target(%arg10 : memref<80x128xf32, #tpu.memory_space<vmem>>) offsets(%dma_start3A_8 : memref<80xi32, #tpu.memory_space<vmem>>) semaphore(%arg14 : memref<!tpu.dma_semaphore, #tpu.memory_space<semaphore_mem>>)
    %dma_start3A_12 = arith.constant 9920 : i32
    %dma_start3A_13 = tpu.memref_slice %arg9[%dma_start3A_12] : memref<10000xi32, #tpu.memory_space<vmem>> -> memref<80xi32, #tpu.memory_space<vmem>>
    %dma_start3A_14 = arith.constant 0 : i32
    %dma_start3A_15 = arith.constant 0 : i32
    %dma_start3A_16 = tpu.memref_slice %arg3[%dma_start3A_14, %dma_start3A_15] : memref<10000x128xf32, #tpu.memory_space<hbm>> -> memref<10000x128xf32, #tpu.memory_space<hbm>>
    tpu.enqueue_indirect_dma source(%dma_start3A_16 : memref<10000x128xf32, #tpu.memory_space<hbm>>) target(%arg11 : memref<80x128xf32, #tpu.memory_space<vmem>>) offsets(%dma_start3A_13 : memref<80xi32, #tpu.memory_space<vmem>>) semaphore(%arg14 : memref<!tpu.dma_semaphore, #tpu.memory_space<semaphore_mem>>)
    %dma_start3A_17 = arith.constant 9920 : i32
    %dma_start3A_18 = tpu.memref_slice %arg8[%dma_start3A_17] : memref<10000xi32, #tpu.memory_space<vmem>> -> memref<80xi32, #tpu.memory_space<vmem>>
    %dma_start3A_19 = arith.constant 0 : i32
    %dma_start3A_20 = arith.constant 0 : i32
    %dma_start3A_21 = tpu.memref_slice %arg2[%dma_start3A_19, %dma_start3A_20] : memref<10000x128xf32, #tpu.memory_space<hbm>> -> memref<10000x128xf32, #tpu.memory_space<hbm>>
    tpu.enqueue_indirect_dma source(%dma_start3A_21 : memref<10000x128xf32, #tpu.memory_space<hbm>>) target(%arg12 : memref<80x128xf32, #tpu.memory_space<vmem>>) offsets(%dma_start3A_18 : memref<80xi32, #tpu.memory_space<vmem>>) semaphore(%arg14 : memref<!tpu.dma_semaphore, #tpu.memory_space<semaphore_mem>>)
    %dma_start3A_22 = arith.constant 9920 : i32
    %dma_start3A_23 = tpu.memref_slice %arg9[%dma_start3A_22] : memref<10000xi32, #tpu.memory_space<vmem>> -> memref<80xi32, #tpu.memory_space<vmem>>
    %dma_start3A_24 = arith.constant 0 : i32
    %dma_start3A_25 = arith.constant 0 : i32
    %dma_start3A_26 = tpu.memref_slice %arg3[%dma_start3A_24, %dma_start3A_25] : memref<10000x128xf32, #tpu.memory_space<hbm>> -> memref<10000x128xf32, #tpu.memory_space<hbm>>
    tpu.enqueue_indirect_dma source(%dma_start3A_26 : memref<10000x128xf32, #tpu.memory_space<hbm>>) target(%arg13 : memref<80x128xf32, #tpu.memory_space<vmem>>) offsets(%dma_start3A_23 : memref<80xi32, #tpu.memory_space<vmem>>) semaphore(%arg14 : memref<!tpu.dma_semaphore, #tpu.memory_space<semaphore_mem>>)
    %dma_wait3A = arith.constant 9920 : i32
    %dma_wait3A_27 = tpu.memref_slice %arg8[%dma_wait3A] : memref<10000xi32, #tpu.memory_space<vmem>> -> memref<80xi32, #tpu.memory_space<vmem>>
    %dma_wait3A_28 = arith.constant 0 : i32
    %dma_wait3A_29 = arith.constant 0 : i32
    %dma_wait3A_30 = tpu.memref_slice %arg2[%dma_wait3A_28, %dma_wait3A_29] : memref<10000x128xf32, #tpu.memory_space<hbm>> -> memref<10000x128xf32, #tpu.memory_space<hbm>>
    tpu.wait_indirect_dma semaphore(%arg14 : memref<!tpu.dma_semaphore, #tpu.memory_space<semaphore_mem>>) src(%dma_wait3A_30 : memref<10000x128xf32, #tpu.memory_space<hbm>>) dst(%arg10 : memref<80x128xf32, #tpu.memory_space<vmem>>)
    %dma_wait3A_31 = arith.constant 9920 : i32
    %dma_wait3A_32 = tpu.memref_slice %arg9[%dma_wait3A_31] : memref<10000xi32, #tpu.memory_space<vmem>> -> memref<80xi32, #tpu.memory_space<vmem>>
    %dma_wait3A_33 = arith.constant 0 : i32
    %dma_wait3A_34 = arith.constant 0 : i32
    %dma_wait3A_35 = tpu.memref_slice %arg3[%dma_wait3A_33, %dma_wait3A_34] : memref<10000x128xf32, #tpu.memory_space<hbm>> -> memref<10000x128xf32, #tpu.memory_space<hbm>>
    tpu.wait_indirect_dma semaphore(%arg14 : memref<!tpu.dma_semaphore, #tpu.memory_space<semaphore_mem>>) src(%dma_wait3A_35 : memref<10000x128xf32, #tpu.memory_space<hbm>>) dst(%arg11 : memref<80x128xf32, #tpu.memory_space<vmem>>)
    %dma_wait3A_36 = arith.constant 9920 : i32
    %dma_wait3A_37 = tpu.memref_slice %arg8[%dma_wait3A_36] : memref<10000xi32, #tpu.memory_space<vmem>> -> memref<80xi32, #tpu.memory_space<vmem>>
    %dma_wait3A_38 = arith.constant 0 : i32
    %dma_wait3A_39 = arith.constant 0 : i32
    %dma_wait3A_40 = tpu.memref_slice %arg2[%dma_wait3A_38, %dma_wait3A_39] : memref<10000x128xf32, #tpu.memory_space<hbm>> -> memref<10000x128xf32, #tpu.memory_space<hbm>>
    tpu.wait_indirect_dma semaphore(%arg14 : memref<!tpu.dma_semaphore, #tpu.memory_space<semaphore_mem>>) src(%dma_wait3A_40 : memref<10000x128xf32, #tpu.memory_space<hbm>>) dst(%arg12 : memref<80x128xf32, #tpu.memory_space<vmem>>)
    %dma_wait3A_41 = arith.constant 9920 : i32
    %dma_wait3A_42 = tpu.memref_slice %arg9[%dma_wait3A_41] : memref<10000xi32, #tpu.memory_space<vmem>> -> memref<80xi32, #tpu.memory_space<vmem>>
    %dma_wait3A_43 = arith.constant 0 : i32
    %dma_wait3A_44 = arith.constant 0 : i32
    %dma_wait3A_45 = tpu.memref_slice %arg3[%dma_wait3A_43, %dma_wait3A_44] : memref<10000x128xf32, #tpu.memory_space<hbm>> -> memref<10000x128xf32, #tpu.memory_space<hbm>>
    tpu.wait_indirect_dma semaphore(%arg14 : memref<!tpu.dma_semaphore, #tpu.memory_space<semaphore_mem>>) src(%dma_wait3A_45 : memref<10000x128xf32, #tpu.memory_space<hbm>>) dst(%arg13 : memref<80x128xf32, #tpu.memory_space<vmem>>)
    %add3A_46 = arith.constant 9920 : i32
    %add3A_47 = arith.addi %mul3A_2, %add3A_46 : i32
    %dma_start3A_48 = arith.constant 0 : i32
    %dma_start3A_49 = tpu.memref_slice %arg6[%add3A_47, %dma_start3A_48] : memref<320000x128xf32, #tpu.memory_space<hbm>> -> memref<80x128xf32, #tpu.memory_space<hbm>>
    %dma_start3A_50 = arith.constant 0 : i32
    %dma_start3A_51 = tpu.memref_slice %arg6[%add3A_47, %dma_start3A_50] : memref<320000x128xf32, #tpu.memory_space<hbm>> -> memref<80x128xf32, #tpu.memory_space<hbm>>
    tpu.enqueue_dma source(%arg10 : memref<80x128xf32, #tpu.memory_space<vmem>>) target(%dma_start3A_51 : memref<80x128xf32, #tpu.memory_space<hbm>>) target_semaphore(%arg15 : memref<!tpu.dma_semaphore, #tpu.memory_space<semaphore_mem>>)
    %add3A_52 = arith.constant 9920 : i32
    %add3A_53 = arith.addi %mul3A_2, %add3A_52 : i32
    %dma_start3A_54 = arith.constant 0 : i32
    %dma_start3A_55 = tpu.memref_slice %arg7[%add3A_53, %dma_start3A_54] : memref<320000x128xf32, #tpu.memory_space<hbm>> -> memref<80x128xf32, #tpu.memory_space<hbm>>
    %dma_start3A_56 = arith.constant 0 : i32
    %dma_start3A_57 = tpu.memref_slice %arg7[%add3A_53, %dma_start3A_56] : memref<320000x128xf32, #tpu.memory_space<hbm>> -> memref<80x128xf32, #tpu.memory_space<hbm>>
    tpu.enqueue_dma source(%arg11 : memref<80x128xf32, #tpu.memory_space<vmem>>) target(%dma_start3A_57 : memref<80x128xf32, #tpu.memory_space<hbm>>) target_semaphore(%arg15 : memref<!tpu.dma_semaphore, #tpu.memory_space<semaphore_mem>>)
    %add3A_58 = arith.constant 9920 : i32
    %add3A_59 = arith.addi %mul3A_2, %add3A_58 : i32
    %dma_start3A_60 = arith.constant 0 : i32
    %dma_start3A_61 = tpu.memref_slice %arg6[%add3A_59, %dma_start3A_60] : memref<320000x128xf32, #tpu.memory_space<hbm>> -> memref<80x128xf32, #tpu.memory_space<hbm>>
    %dma_start3A_62 = arith.constant 0 : i32
    %dma_start3A_63 = tpu.memref_slice %arg6[%add3A_59, %dma_start3A_62] : memref<320000x128xf32, #tpu.memory_space<hbm>> -> memref<80x128xf32, #tpu.memory_space<hbm>>
    tpu.enqueue_dma source(%arg12 : memref<80x128xf32, #tpu.memory_space<vmem>>) target(%dma_start3A_63 : memref<80x128xf32, #tpu.memory_space<hbm>>) target_semaphore(%arg15 : memref<!tpu.dma_semaphore, #tpu.memory_space<semaphore_mem>>)
    %add3A_64 = arith.constant 9920 : i32
    %add3A_65 = arith.addi %mul3A_2, %add3A_64 : i32
    %dma_start3A_66 = arith.constant 0 : i32
    %dma_start3A_67 = tpu.memref_slice %arg7[%add3A_65, %dma_start3A_66] : memref<320000x128xf32, #tpu.memory_space<hbm>> -> memref<80x128xf32, #tpu.memory_space<hbm>>
    %dma_start3A_68 = arith.constant 0 : i32
    %dma_start3A_69 = tpu.memref_slice %arg7[%add3A_65, %dma_start3A_68] : memref<320000x128xf32, #tpu.memory_space<hbm>> -> memref<80x128xf32, #tpu.memory_space<hbm>>
    tpu.enqueue_dma source(%arg13 : memref<80x128xf32, #tpu.memory_space<vmem>>) target(%dma_start3A_69 : memref<80x128xf32, #tpu.memory_space<hbm>>) target_semaphore(%arg15 : memref<!tpu.dma_semaphore, #tpu.memory_space<semaphore_mem>>)
    %dma_wait3A_70 = arith.constant 0 : i32
    %dma_wait3A_71 = tpu.memref_slice %arg6[%add3A_47, %dma_wait3A_70] : memref<320000x128xf32, #tpu.memory_space<hbm>> -> memref<80x128xf32, #tpu.memory_space<hbm>>
    %dma_wait3A_72 = arith.constant 0 : i32
    %dma_wait3A_73 = tpu.memref_slice %arg6[%add3A_47, %dma_wait3A_72] : memref<320000x128xf32, #tpu.memory_space<hbm>> -> memref<80x128xf32, #tpu.memory_space<hbm>>
    tpu.wait_dma2 semaphore(%arg15 : memref<!tpu.dma_semaphore, #tpu.memory_space<semaphore_mem>>) src(%arg10 : memref<80x128xf32, #tpu.memory_space<vmem>>) dst(%dma_wait3A_73 : memref<80x128xf32, #tpu.memory_space<hbm>>)
    %dma_wait3A_74 = arith.constant 0 : i32
    %dma_wait3A_75 = tpu.memref_slice %arg7[%add3A_53, %dma_wait3A_74] : memref<320000x128xf32, #tpu.memory_space<hbm>> -> memref<80x128xf32, #tpu.memory_space<hbm>>
    %dma_wait3A_76 = arith.constant 0 : i32
    %dma_wait3A_77 = tpu.memref_slice %arg7[%add3A_53, %dma_wait3A_76] : memref<320000x128xf32, #tpu.memory_space<hbm>> -> memref<80x128xf32, #tpu.memory_space<hbm>>
    tpu.wait_dma2 semaphore(%arg15 : memref<!tpu.dma_semaphore, #tpu.memory_space<semaphore_mem>>) src(%arg11 : memref<80x128xf32, #tpu.memory_space<vmem>>) dst(%dma_wait3A_77 : memref<80x128xf32, #tpu.memory_space<hbm>>)
    %dma_wait3A_78 = arith.constant 0 : i32
    %dma_wait3A_79 = tpu.memref_slice %arg6[%add3A_59, %dma_wait3A_78] : memref<320000x128xf32, #tpu.memory_space<hbm>> -> memref<80x128xf32, #tpu.memory_space<hbm>>
    %dma_wait3A_80 = arith.constant 0 : i32
    %dma_wait3A_81 = tpu.memref_slice %arg6[%add3A_59, %dma_wait3A_80] : memref<320000x128xf32, #tpu.memory_space<hbm>> -> memref<80x128xf32, #tpu.memory_space<hbm>>
    tpu.wait_dma2 semaphore(%arg15 : memref<!tpu.dma_semaphore, #tpu.memory_space<semaphore_mem>>) src(%arg12 : memref<80x128xf32, #tpu.memory_space<vmem>>) dst(%dma_wait3A_81 : memref<80x128xf32, #tpu.memory_space<hbm>>)
    %dma_wait3A_82 = arith.constant 0 : i32
    %dma_wait3A_83 = tpu.memref_slice %arg7[%add3A_65, %dma_wait3A_82] : memref<320000x128xf32, #tpu.memory_space<hbm>> -> memref<80x128xf32, #tpu.memory_space<hbm>>
    %dma_wait3A_84 = arith.constant 0 : i32
    %dma_wait3A_85 = tpu.memref_slice %arg7[%add3A_65, %dma_wait3A_84] : memref<320000x128xf32, #tpu.memory_space<hbm>> -> memref<80x128xf32, #tpu.memory_space<hbm>>
    tpu.wait_dma2 semaphore(%arg15 : memref<!tpu.dma_semaphore, #tpu.memory_space<semaphore_mem>>) src(%arg13 : memref<80x128xf32, #tpu.memory_space<vmem>>) dst(%dma_wait3A_85 : memref<80x128xf32, #tpu.memory_space<hbm>>)
    return
  }
}

#map = affine_map<(d0, d1) -> (0, 0)>
#map1 = affine_map<(d0, d1) -> (0, 0, 0)>
module attributes {stable_mosaic.version = 14 : i64} {
  func.func @body_fn(%arg0: i32, %arg1: i32, %arg2: memref<320000x128xf32, #tpu.memory_space<hbm>>, %arg3: memref<32x125x80xi32, #tpu.memory_space<hbm>>, %arg4: memref<632x128xf32, #tpu.memory_space<hbm>>, %arg5: memref<2x10000x128xf32, #tpu.memory_space<hbm>>, %arg6: memref<125x80xi32, #tpu.memory_space<vmem>>, %arg7: memref<80x128xf32, #tpu.memory_space<vmem>>, %arg8: memref<80x128xf32, #tpu.memory_space<vmem>>, %arg9: memref<10000x128xf32, #tpu.memory_space<vmem_shared>>, %arg10: memref<!tpu.dma_semaphore, #tpu.memory_space<semaphore_mem>>) attributes {dimension_semantics = [#tpu.dimension_semantics<core_parallel>, #tpu.dimension_semantics<subcore_parallel>], iteration_bounds = array<i64: 2, 16>, scalar_prefetch = 0 : i64, scratch_operands = 5 : i64, tpu.core_type = #tpu.core_type<sc_vector_subcore>, window_params = [{transform_indices = #map}, {transform_indices = #map1}, {transform_indices = #map}, {transform_indices = #map1}]} {
    %mul3A = arith.constant 2 : i32
    %mul3A_0 = arith.muli %arg1, %mul3A : i32
    %add3A = arith.addi %mul3A_0, %arg0 : i32
    %mul3A_1 = arith.constant 10000 : i32
    %mul3A_2 = arith.muli %add3A, %mul3A_1 : i32
    %mul3A_3 = arith.constant 632 : i32
    %mul3A_4 = arith.muli %arg1, %mul3A_3 : i32
    %lt3A = arith.constant 15 : i32
    %lt3A_5 = arith.cmpi slt, %arg1, %lt3A : i32
    %convert_element_type3A = arith.extui %lt3A_5 : i1 to i32
    %cond3A = arith.constant 0 : i32
    %cond3A_6 = arith.cmpi ne, %convert_element_type3A, %cond3A : i32
    scf.if %cond3A_6 {
      "tpu.region"() ({
        %run_scoped3A_35 = tpu.sem_alloc : memref<!tpu.dma_semaphore, #tpu.memory_space<semaphore_mem>>
        %dma_start3A_36 = arith.constant 0 : i32
        %dma_start3A_37 = tpu.memref_slice %arg9[%mul3A_4, %dma_start3A_36] : memref<10000x128xf32, #tpu.memory_space<vmem_shared>> -> memref<632x128xf32, #tpu.memory_space<vmem_shared>>
        tpu.enqueue_dma source(%arg4 : memref<632x128xf32, #tpu.memory_space<hbm>>) target(%dma_start3A_37 : memref<632x128xf32, #tpu.memory_space<vmem_shared>>) target_semaphore(%run_scoped3A_35 : memref<!tpu.dma_semaphore, #tpu.memory_space<semaphore_mem>>)
        %dma_wait3A_38 = arith.constant 0 : i32
        %dma_wait3A_39 = tpu.memref_slice %arg9[%mul3A_4, %dma_wait3A_38] : memref<10000x128xf32, #tpu.memory_space<vmem_shared>> -> memref<632x128xf32, #tpu.memory_space<vmem_shared>>
        tpu.wait_dma2 semaphore(%run_scoped3A_35 : memref<!tpu.dma_semaphore, #tpu.memory_space<semaphore_mem>>) src(%arg4 : memref<632x128xf32, #tpu.memory_space<hbm>>) dst(%dma_wait3A_39 : memref<632x128xf32, #tpu.memory_space<vmem_shared>>)
        tpu.yield
      }) : () -> ()
    } else {
    }
    %eq3A = arith.constant 15 : i32
    %eq3A_7 = arith.cmpi eq, %arg1, %eq3A : i32
    %convert_element_type3A_8 = arith.extui %eq3A_7 : i1 to i32
    %cond3A_9 = arith.constant 0 : i32
    %cond3A_10 = arith.cmpi ne, %convert_element_type3A_8, %cond3A_9 : i32
    scf.if %cond3A_10 {
      "tpu.region"() ({
        %run_scoped3A_35 = tpu.sem_alloc : memref<!tpu.dma_semaphore, #tpu.memory_space<semaphore_mem>>
        %dma_start3A_36 = arith.constant 9480 : i32
        %dma_start3A_37 = arith.constant 0 : i32
        %dma_start3A_38 = tpu.memref_slice %arg9[%dma_start3A_36, %dma_start3A_37] : memref<10000x128xf32, #tpu.memory_space<vmem_shared>> -> memref<520x128xf32, #tpu.memory_space<vmem_shared>>
        %dma_start3A_39 = arith.constant 0 : i32
        %dma_start3A_40 = arith.constant 0 : i32
        %dma_start3A_41 = tpu.memref_slice %arg4[%dma_start3A_39, %dma_start3A_40] : memref<632x128xf32, #tpu.memory_space<hbm>> -> memref<520x128xf32, #tpu.memory_space<hbm>>
        tpu.enqueue_dma source(%dma_start3A_41 : memref<520x128xf32, #tpu.memory_space<hbm>>) target(%dma_start3A_38 : memref<520x128xf32, #tpu.memory_space<vmem_shared>>) target_semaphore(%run_scoped3A_35 : memref<!tpu.dma_semaphore, #tpu.memory_space<semaphore_mem>>)
        %dma_wait3A_42 = arith.constant 9480 : i32
        %dma_wait3A_43 = arith.constant 0 : i32
        %dma_wait3A_44 = tpu.memref_slice %arg9[%dma_wait3A_42, %dma_wait3A_43] : memref<10000x128xf32, #tpu.memory_space<vmem_shared>> -> memref<520x128xf32, #tpu.memory_space<vmem_shared>>
        %dma_wait3A_45 = arith.constant 0 : i32
        %dma_wait3A_46 = arith.constant 0 : i32
        %dma_wait3A_47 = tpu.memref_slice %arg4[%dma_wait3A_45, %dma_wait3A_46] : memref<632x128xf32, #tpu.memory_space<hbm>> -> memref<520x128xf32, #tpu.memory_space<hbm>>
        tpu.wait_dma2 semaphore(%run_scoped3A_35 : memref<!tpu.dma_semaphore, #tpu.memory_space<semaphore_mem>>) src(%dma_wait3A_47 : memref<520x128xf32, #tpu.memory_space<hbm>>) dst(%dma_wait3A_44 : memref<520x128xf32, #tpu.memory_space<vmem_shared>>)
        tpu.yield
      }) : () -> ()
    } else {
    }
    "tpu.region"() ({
      %run_scoped3A_35 = tpu.sem_alloc : memref<!tpu.dma_semaphore, #tpu.memory_space<semaphore_mem>>
      %dma_start3A_36 = arith.constant 0 : i32
      %dma_start3A_37 = arith.constant 0 : i32
      %dma_start3A_38 = tpu.memref_slice %arg3[%add3A, %dma_start3A_36, %dma_start3A_37] : memref<32x125x80xi32, #tpu.memory_space<hbm>> -> memref<1x125x80xi32, #tpu.memory_space<hbm>>
      %dma_start3A_39 = tpu.memref_squeeze %dma_start3A_38 : memref<1x125x80xi32, #tpu.memory_space<hbm>> -> memref<125x80xi32, #tpu.memory_space<hbm>>
      %dma_start3A_40 = arith.constant 0 : i32
      %dma_start3A_41 = arith.constant 0 : i32
      %dma_start3A_42 = tpu.memref_slice %arg3[%add3A, %dma_start3A_40, %dma_start3A_41] : memref<32x125x80xi32, #tpu.memory_space<hbm>> -> memref<1x125x80xi32, #tpu.memory_space<hbm>>
      %dma_start3A_43 = tpu.memref_squeeze %dma_start3A_42 : memref<1x125x80xi32, #tpu.memory_space<hbm>> -> memref<125x80xi32, #tpu.memory_space<hbm>>
      tpu.enqueue_dma source(%dma_start3A_43 : memref<125x80xi32, #tpu.memory_space<hbm>>) target(%arg6 : memref<125x80xi32, #tpu.memory_space<vmem>>) target_semaphore(%run_scoped3A_35 : memref<!tpu.dma_semaphore, #tpu.memory_space<semaphore_mem>>)
      %dma_wait3A_44 = arith.constant 0 : i32
      %dma_wait3A_45 = arith.constant 0 : i32
      %dma_wait3A_46 = tpu.memref_slice %arg3[%add3A, %dma_wait3A_44, %dma_wait3A_45] : memref<32x125x80xi32, #tpu.memory_space<hbm>> -> memref<1x125x80xi32, #tpu.memory_space<hbm>>
      %dma_wait3A_47 = tpu.memref_squeeze %dma_wait3A_46 : memref<1x125x80xi32, #tpu.memory_space<hbm>> -> memref<125x80xi32, #tpu.memory_space<hbm>>
      %dma_wait3A_48 = arith.constant 0 : i32
      %dma_wait3A_49 = arith.constant 0 : i32
      %dma_wait3A_50 = tpu.memref_slice %arg3[%add3A, %dma_wait3A_48, %dma_wait3A_49] : memref<32x125x80xi32, #tpu.memory_space<hbm>> -> memref<1x125x80xi32, #tpu.memory_space<hbm>>
      %dma_wait3A_51 = tpu.memref_squeeze %dma_wait3A_50 : memref<1x125x80xi32, #tpu.memory_space<hbm>> -> memref<125x80xi32, #tpu.memory_space<hbm>>
      tpu.wait_dma2 semaphore(%run_scoped3A_35 : memref<!tpu.dma_semaphore, #tpu.memory_space<semaphore_mem>>) src(%dma_wait3A_51 : memref<125x80xi32, #tpu.memory_space<hbm>>) dst(%arg6 : memref<125x80xi32, #tpu.memory_space<vmem>>)
      tpu.yield
    }) : () -> ()
    %barrier3A = arith.constant 0 : index
    tpu.barrier barrier_id(%barrier3A)
    %scan3A = arith.constant 0 : i32
    %scan3A_11 = arith.constant 0 : i32
    %scan3A_12 = arith.constant 62 : i32
    %scan3A_13 = arith.addi %scan3A_11, %scan3A_12 : i32
    %scan3A_14 = arith.constant 1 : i32
    scf.for %scan3A_35 = %scan3A_11 to %scan3A_13 step %scan3A_14  : i32 {
      %mul3A_36 = arith.constant 2 : i32
      %mul3A_37 = arith.muli %scan3A_35, %mul3A_36 : i32
      %mul3A_38 = arith.constant 2 : i32
      %mul3A_39 = arith.muli %scan3A_35, %mul3A_38 : i32
      %add3A_40 = arith.constant 1 : i32
      %add3A_41 = arith.addi %mul3A_39, %add3A_40 : i32
      %mul3A_42 = arith.constant 80 : i32
      %mul3A_43 = arith.muli %mul3A_37, %mul3A_42 : i32
      %add3A_44 = arith.addi %mul3A_2, %mul3A_43 : i32
      %dma_start3A_45 = arith.constant 0 : i32
      %dma_start3A_46 = tpu.memref_slice %arg2[%add3A_44, %dma_start3A_45] : memref<320000x128xf32, #tpu.memory_space<hbm>> -> memref<80x128xf32, #tpu.memory_space<hbm>>
      %dma_start3A_47 = arith.constant 0 : i32
      %dma_start3A_48 = tpu.memref_slice %arg2[%add3A_44, %dma_start3A_47] : memref<320000x128xf32, #tpu.memory_space<hbm>> -> memref<80x128xf32, #tpu.memory_space<hbm>>
      tpu.enqueue_dma source(%dma_start3A_48 : memref<80x128xf32, #tpu.memory_space<hbm>>) target(%arg7 : memref<80x128xf32, #tpu.memory_space<vmem>>) target_semaphore(%arg10 : memref<!tpu.dma_semaphore, #tpu.memory_space<semaphore_mem>>)
      %mul3A_49 = arith.constant 80 : i32
      %mul3A_50 = arith.muli %add3A_41, %mul3A_49 : i32
      %add3A_51 = arith.addi %mul3A_2, %mul3A_50 : i32
      %dma_start3A_52 = arith.constant 0 : i32
      %dma_start3A_53 = tpu.memref_slice %arg2[%add3A_51, %dma_start3A_52] : memref<320000x128xf32, #tpu.memory_space<hbm>> -> memref<80x128xf32, #tpu.memory_space<hbm>>
      %dma_start3A_54 = arith.constant 0 : i32
      %dma_start3A_55 = tpu.memref_slice %arg2[%add3A_51, %dma_start3A_54] : memref<320000x128xf32, #tpu.memory_space<hbm>> -> memref<80x128xf32, #tpu.memory_space<hbm>>
      tpu.enqueue_dma source(%dma_start3A_55 : memref<80x128xf32, #tpu.memory_space<hbm>>) target(%arg8 : memref<80x128xf32, #tpu.memory_space<vmem>>) target_semaphore(%arg10 : memref<!tpu.dma_semaphore, #tpu.memory_space<semaphore_mem>>)
      %dma_wait3A_56 = arith.constant 0 : i32
      %dma_wait3A_57 = tpu.memref_slice %arg2[%add3A_44, %dma_wait3A_56] : memref<320000x128xf32, #tpu.memory_space<hbm>> -> memref<80x128xf32, #tpu.memory_space<hbm>>
      %dma_wait3A_58 = arith.constant 0 : i32
      %dma_wait3A_59 = tpu.memref_slice %arg2[%add3A_44, %dma_wait3A_58] : memref<320000x128xf32, #tpu.memory_space<hbm>> -> memref<80x128xf32, #tpu.memory_space<hbm>>
      tpu.wait_dma2 semaphore(%arg10 : memref<!tpu.dma_semaphore, #tpu.memory_space<semaphore_mem>>) src(%dma_wait3A_59 : memref<80x128xf32, #tpu.memory_space<hbm>>) dst(%arg7 : memref<80x128xf32, #tpu.memory_space<vmem>>)
      "tpu.region"() ({
        %run_scoped3A_64 = tpu.sem_alloc : memref<!tpu.dma_semaphore, #tpu.memory_space<semaphore_mem>>
        %dma_start3A_65 = arith.constant 0 : i32
        %dma_start3A_66 = tpu.memref_slice %arg6[%mul3A_37, %dma_start3A_65] : memref<125x80xi32, #tpu.memory_space<vmem>> -> memref<1x80xi32, #tpu.memory_space<vmem>>
        %dma_start3A_67 = tpu.memref_squeeze %dma_start3A_66 : memref<1x80xi32, #tpu.memory_space<vmem>> -> memref<80xi32, #tpu.memory_space<vmem>>
        %dma_start3A_68 = arith.constant 0 : i32
        %dma_start3A_69 = arith.constant 0 : i32
        %dma_start3A_70 = tpu.memref_slice %arg9[%dma_start3A_68, %dma_start3A_69] : memref<10000x128xf32, #tpu.memory_space<vmem_shared>> -> memref<10000x128xf32, #tpu.memory_space<vmem_shared>>
        tpu.enqueue_indirect_dma source(%arg7 : memref<80x128xf32, #tpu.memory_space<vmem>>) target(%dma_start3A_70 : memref<10000x128xf32, #tpu.memory_space<vmem_shared>>) offsets(%dma_start3A_67 : memref<80xi32, #tpu.memory_space<vmem>>) semaphore(%run_scoped3A_64 : memref<!tpu.dma_semaphore, #tpu.memory_space<semaphore_mem>>) {add = true}
        %dma_wait3A_71 = arith.constant 0 : i32
        %dma_wait3A_72 = tpu.memref_slice %arg6[%mul3A_37, %dma_wait3A_71] : memref<125x80xi32, #tpu.memory_space<vmem>> -> memref<1x80xi32, #tpu.memory_space<vmem>>
        %dma_wait3A_73 = tpu.memref_squeeze %dma_wait3A_72 : memref<1x80xi32, #tpu.memory_space<vmem>> -> memref<80xi32, #tpu.memory_space<vmem>>
        %dma_wait3A_74 = arith.constant 0 : i32
        %dma_wait3A_75 = arith.constant 0 : i32
        %dma_wait3A_76 = tpu.memref_slice %arg9[%dma_wait3A_74, %dma_wait3A_75] : memref<10000x128xf32, #tpu.memory_space<vmem_shared>> -> memref<10000x128xf32, #tpu.memory_space<vmem_shared>>
        tpu.wait_indirect_dma semaphore(%run_scoped3A_64 : memref<!tpu.dma_semaphore, #tpu.memory_space<semaphore_mem>>) src(%arg7 : memref<80x128xf32, #tpu.memory_space<vmem>>) dst(%dma_wait3A_76 : memref<10000x128xf32, #tpu.memory_space<vmem_shared>>)
        tpu.yield
      }) : () -> ()
      %dma_wait3A_60 = arith.constant 0 : i32
      %dma_wait3A_61 = tpu.memref_slice %arg2[%add3A_51, %dma_wait3A_60] : memref<320000x128xf32, #tpu.memory_space<hbm>> -> memref<80x128xf32, #tpu.memory_space<hbm>>
      %dma_wait3A_62 = arith.constant 0 : i32
      %dma_wait3A_63 = tpu.memref_slice %arg2[%add3A_51, %dma_wait3A_62] : memref<320000x128xf32, #tpu.memory_space<hbm>> -> memref<80x128xf32, #tpu.memory_space<hbm>>
      tpu.wait_dma2 semaphore(%arg10 : memref<!tpu.dma_semaphore, #tpu.memory_space<semaphore_mem>>) src(%dma_wait3A_63 : memref<80x128xf32, #tpu.memory_space<hbm>>) dst(%arg8 : memref<80x128xf32, #tpu.memory_space<vmem>>)
      "tpu.region"() ({
        %run_scoped3A_64 = tpu.sem_alloc : memref<!tpu.dma_semaphore, #tpu.memory_space<semaphore_mem>>
        %dma_start3A_65 = arith.constant 0 : i32
        %dma_start3A_66 = tpu.memref_slice %arg6[%add3A_41, %dma_start3A_65] : memref<125x80xi32, #tpu.memory_space<vmem>> -> memref<1x80xi32, #tpu.memory_space<vmem>>
        %dma_start3A_67 = tpu.memref_squeeze %dma_start3A_66 : memref<1x80xi32, #tpu.memory_space<vmem>> -> memref<80xi32, #tpu.memory_space<vmem>>
        %dma_start3A_68 = arith.constant 0 : i32
        %dma_start3A_69 = arith.constant 0 : i32
        %dma_start3A_70 = tpu.memref_slice %arg9[%dma_start3A_68, %dma_start3A_69] : memref<10000x128xf32, #tpu.memory_space<vmem_shared>> -> memref<10000x128xf32, #tpu.memory_space<vmem_shared>>
        tpu.enqueue_indirect_dma source(%arg8 : memref<80x128xf32, #tpu.memory_space<vmem>>) target(%dma_start3A_70 : memref<10000x128xf32, #tpu.memory_space<vmem_shared>>) offsets(%dma_start3A_67 : memref<80xi32, #tpu.memory_space<vmem>>) semaphore(%run_scoped3A_64 : memref<!tpu.dma_semaphore, #tpu.memory_space<semaphore_mem>>) {add = true}
        %dma_wait3A_71 = arith.constant 0 : i32
        %dma_wait3A_72 = tpu.memref_slice %arg6[%add3A_41, %dma_wait3A_71] : memref<125x80xi32, #tpu.memory_space<vmem>> -> memref<1x80xi32, #tpu.memory_space<vmem>>
        %dma_wait3A_73 = tpu.memref_squeeze %dma_wait3A_72 : memref<1x80xi32, #tpu.memory_space<vmem>> -> memref<80xi32, #tpu.memory_space<vmem>>
        %dma_wait3A_74 = arith.constant 0 : i32
        %dma_wait3A_75 = arith.constant 0 : i32
        %dma_wait3A_76 = tpu.memref_slice %arg9[%dma_wait3A_74, %dma_wait3A_75] : memref<10000x128xf32, #tpu.memory_space<vmem_shared>> -> memref<10000x128xf32, #tpu.memory_space<vmem_shared>>
        tpu.wait_indirect_dma semaphore(%run_scoped3A_64 : memref<!tpu.dma_semaphore, #tpu.memory_space<semaphore_mem>>) src(%arg8 : memref<80x128xf32, #tpu.memory_space<vmem>>) dst(%dma_wait3A_76 : memref<10000x128xf32, #tpu.memory_space<vmem_shared>>)
        tpu.yield
      }) : () -> ()
    }
    %scan3A_15 = arith.constant 62 : i32
    %add3A_16 = arith.constant 9920 : i32
    %add3A_17 = arith.addi %mul3A_2, %add3A_16 : i32
    %dma_start3A = arith.constant 0 : i32
    %dma_start3A_18 = tpu.memref_slice %arg2[%add3A_17, %dma_start3A] : memref<320000x128xf32, #tpu.memory_space<hbm>> -> memref<80x128xf32, #tpu.memory_space<hbm>>
    %dma_start3A_19 = arith.constant 0 : i32
    %dma_start3A_20 = tpu.memref_slice %arg2[%add3A_17, %dma_start3A_19] : memref<320000x128xf32, #tpu.memory_space<hbm>> -> memref<80x128xf32, #tpu.memory_space<hbm>>
    tpu.enqueue_dma source(%dma_start3A_20 : memref<80x128xf32, #tpu.memory_space<hbm>>) target(%arg7 : memref<80x128xf32, #tpu.memory_space<vmem>>) target_semaphore(%arg10 : memref<!tpu.dma_semaphore, #tpu.memory_space<semaphore_mem>>)
    %dma_wait3A = arith.constant 0 : i32
    %dma_wait3A_21 = tpu.memref_slice %arg2[%add3A_17, %dma_wait3A] : memref<320000x128xf32, #tpu.memory_space<hbm>> -> memref<80x128xf32, #tpu.memory_space<hbm>>
    %dma_wait3A_22 = arith.constant 0 : i32
    %dma_wait3A_23 = tpu.memref_slice %arg2[%add3A_17, %dma_wait3A_22] : memref<320000x128xf32, #tpu.memory_space<hbm>> -> memref<80x128xf32, #tpu.memory_space<hbm>>
    tpu.wait_dma2 semaphore(%arg10 : memref<!tpu.dma_semaphore, #tpu.memory_space<semaphore_mem>>) src(%dma_wait3A_23 : memref<80x128xf32, #tpu.memory_space<hbm>>) dst(%arg7 : memref<80x128xf32, #tpu.memory_space<vmem>>)
    %run_scoped3A = arith.constant 124 : i32
    "tpu.region"() ({
      %run_scoped3A_35 = tpu.sem_alloc : memref<!tpu.dma_semaphore, #tpu.memory_space<semaphore_mem>>
      %dma_start3A_36 = arith.constant 0 : i32
      %dma_start3A_37 = tpu.memref_slice %arg6[%run_scoped3A, %dma_start3A_36] : memref<125x80xi32, #tpu.memory_space<vmem>> -> memref<1x80xi32, #tpu.memory_space<vmem>>
      %dma_start3A_38 = tpu.memref_squeeze %dma_start3A_37 : memref<1x80xi32, #tpu.memory_space<vmem>> -> memref<80xi32, #tpu.memory_space<vmem>>
      %dma_start3A_39 = arith.constant 0 : i32
      %dma_start3A_40 = arith.constant 0 : i32
      %dma_start3A_41 = tpu.memref_slice %arg9[%dma_start3A_39, %dma_start3A_40] : memref<10000x128xf32, #tpu.memory_space<vmem_shared>> -> memref<10000x128xf32, #tpu.memory_space<vmem_shared>>
      tpu.enqueue_indirect_dma source(%arg7 : memref<80x128xf32, #tpu.memory_space<vmem>>) target(%dma_start3A_41 : memref<10000x128xf32, #tpu.memory_space<vmem_shared>>) offsets(%dma_start3A_38 : memref<80xi32, #tpu.memory_space<vmem>>) semaphore(%run_scoped3A_35 : memref<!tpu.dma_semaphore, #tpu.memory_space<semaphore_mem>>) {add = true}
      %dma_wait3A_42 = arith.constant 0 : i32
      %dma_wait3A_43 = tpu.memref_slice %arg6[%run_scoped3A, %dma_wait3A_42] : memref<125x80xi32, #tpu.memory_space<vmem>> -> memref<1x80xi32, #tpu.memory_space<vmem>>
      %dma_wait3A_44 = tpu.memref_squeeze %dma_wait3A_43 : memref<1x80xi32, #tpu.memory_space<vmem>> -> memref<80xi32, #tpu.memory_space<vmem>>
      %dma_wait3A_45 = arith.constant 0 : i32
      %dma_wait3A_46 = arith.constant 0 : i32
      %dma_wait3A_47 = tpu.memref_slice %arg9[%dma_wait3A_45, %dma_wait3A_46] : memref<10000x128xf32, #tpu.memory_space<vmem_shared>> -> memref<10000x128xf32, #tpu.memory_space<vmem_shared>>
      tpu.wait_indirect_dma semaphore(%run_scoped3A_35 : memref<!tpu.dma_semaphore, #tpu.memory_space<semaphore_mem>>) src(%arg7 : memref<80x128xf32, #tpu.memory_space<vmem>>) dst(%dma_wait3A_47 : memref<10000x128xf32, #tpu.memory_space<vmem_shared>>)
      tpu.yield
    }) : () -> ()
    %barrier3A_24 = arith.constant 0 : index
    tpu.barrier barrier_id(%barrier3A_24)
    %lt3A_25 = arith.constant 15 : i32
    %lt3A_26 = arith.cmpi slt, %arg1, %lt3A_25 : i32
    %convert_element_type3A_27 = arith.extui %lt3A_26 : i1 to i32
    %cond3A_28 = arith.constant 0 : i32
    %cond3A_29 = arith.cmpi ne, %convert_element_type3A_27, %cond3A_28 : i32
    scf.if %cond3A_29 {
      "tpu.region"() ({
        %run_scoped3A_35 = tpu.sem_alloc : memref<!tpu.dma_semaphore, #tpu.memory_space<semaphore_mem>>
        %dma_start3A_36 = arith.constant 0 : i32
        %dma_start3A_37 = tpu.memref_slice %arg5[%arg0, %mul3A_4, %dma_start3A_36] : memref<2x10000x128xf32, #tpu.memory_space<hbm>> -> memref<1x632x128xf32, #tpu.memory_space<hbm>>
        %dma_start3A_38 = tpu.memref_squeeze %dma_start3A_37 : memref<1x632x128xf32, #tpu.memory_space<hbm>> -> memref<632x128xf32, #tpu.memory_space<hbm>>
        %dma_start3A_39 = arith.constant 0 : i32
        %dma_start3A_40 = tpu.memref_slice %arg9[%mul3A_4, %dma_start3A_39] : memref<10000x128xf32, #tpu.memory_space<vmem_shared>> -> memref<632x128xf32, #tpu.memory_space<vmem_shared>>
        tpu.enqueue_dma source(%dma_start3A_40 : memref<632x128xf32, #tpu.memory_space<vmem_shared>>) target(%dma_start3A_38 : memref<632x128xf32, #tpu.memory_space<hbm>>) target_semaphore(%run_scoped3A_35 : memref<!tpu.dma_semaphore, #tpu.memory_space<semaphore_mem>>)
        %dma_wait3A_41 = arith.constant 0 : i32
        %dma_wait3A_42 = tpu.memref_slice %arg5[%arg0, %mul3A_4, %dma_wait3A_41] : memref<2x10000x128xf32, #tpu.memory_space<hbm>> -> memref<1x632x128xf32, #tpu.memory_space<hbm>>
        %dma_wait3A_43 = tpu.memref_squeeze %dma_wait3A_42 : memref<1x632x128xf32, #tpu.memory_space<hbm>> -> memref<632x128xf32, #tpu.memory_space<hbm>>
        %dma_wait3A_44 = arith.constant 0 : i32
        %dma_wait3A_45 = tpu.memref_slice %arg9[%mul3A_4, %dma_wait3A_44] : memref<10000x128xf32, #tpu.memory_space<vmem_shared>> -> memref<632x128xf32, #tpu.memory_space<vmem_shared>>
        tpu.wait_dma2 semaphore(%run_scoped3A_35 : memref<!tpu.dma_semaphore, #tpu.memory_space<semaphore_mem>>) src(%dma_wait3A_45 : memref<632x128xf32, #tpu.memory_space<vmem_shared>>) dst(%dma_wait3A_43 : memref<632x128xf32, #tpu.memory_space<hbm>>)
        tpu.yield
      }) : () -> ()
    } else {
    }
    %eq3A_30 = arith.constant 15 : i32
    %eq3A_31 = arith.cmpi eq, %arg1, %eq3A_30 : i32
    %convert_element_type3A_32 = arith.extui %eq3A_31 : i1 to i32
    %cond3A_33 = arith.constant 0 : i32
    %cond3A_34 = arith.cmpi ne, %convert_element_type3A_32, %cond3A_33 : i32
    scf.if %cond3A_34 {
      "tpu.region"() ({
        %run_scoped3A_35 = tpu.sem_alloc : memref<!tpu.dma_semaphore, #tpu.memory_space<semaphore_mem>>
        %dma_start3A_36 = arith.constant 9480 : i32
        %dma_start3A_37 = arith.constant 0 : i32
        %dma_start3A_38 = tpu.memref_slice %arg5[%arg0, %dma_start3A_36, %dma_start3A_37] : memref<2x10000x128xf32, #tpu.memory_space<hbm>> -> memref<1x520x128xf32, #tpu.memory_space<hbm>>
        %dma_start3A_39 = tpu.memref_squeeze %dma_start3A_38 : memref<1x520x128xf32, #tpu.memory_space<hbm>> -> memref<520x128xf32, #tpu.memory_space<hbm>>
        %dma_start3A_40 = arith.constant 9480 : i32
        %dma_start3A_41 = arith.constant 0 : i32
        %dma_start3A_42 = tpu.memref_slice %arg9[%dma_start3A_40, %dma_start3A_41] : memref<10000x128xf32, #tpu.memory_space<vmem_shared>> -> memref<520x128xf32, #tpu.memory_space<vmem_shared>>
        tpu.enqueue_dma source(%dma_start3A_42 : memref<520x128xf32, #tpu.memory_space<vmem_shared>>) target(%dma_start3A_39 : memref<520x128xf32, #tpu.memory_space<hbm>>) target_semaphore(%run_scoped3A_35 : memref<!tpu.dma_semaphore, #tpu.memory_space<semaphore_mem>>)
        %dma_wait3A_43 = arith.constant 9480 : i32
        %dma_wait3A_44 = arith.constant 0 : i32
        %dma_wait3A_45 = tpu.memref_slice %arg5[%arg0, %dma_wait3A_43, %dma_wait3A_44] : memref<2x10000x128xf32, #tpu.memory_space<hbm>> -> memref<1x520x128xf32, #tpu.memory_space<hbm>>
        %dma_wait3A_46 = tpu.memref_squeeze %dma_wait3A_45 : memref<1x520x128xf32, #tpu.memory_space<hbm>> -> memref<520x128xf32, #tpu.memory_space<hbm>>
        %dma_wait3A_47 = arith.constant 9480 : i32
        %dma_wait3A_48 = arith.constant 0 : i32
        %dma_wait3A_49 = tpu.memref_slice %arg9[%dma_wait3A_47, %dma_wait3A_48] : memref<10000x128xf32, #tpu.memory_space<vmem_shared>> -> memref<520x128xf32, #tpu.memory_space<vmem_shared>>
        tpu.wait_dma2 semaphore(%run_scoped3A_35 : memref<!tpu.dma_semaphore, #tpu.memory_space<semaphore_mem>>) src(%dma_wait3A_49 : memref<520x128xf32, #tpu.memory_space<vmem_shared>>) dst(%dma_wait3A_46 : memref<520x128xf32, #tpu.memory_space<hbm>>)
        tpu.yield
      }) : () -> ()
    } else {
    }
    return
  }
}

#map = affine_map<(d0, d1) -> (0, 0)>
#map1 = affine_map<(d0, d1) -> (0)>
module attributes {stable_mosaic.version = 14 : i64} {
  func.func @body_fn(%arg0: i32, %arg1: i32, %arg2: memref<10000x128xf32, #tpu.memory_space<hbm>>, %arg3: memref<10000x128xf32, #tpu.memory_space<hbm>>, %arg4: memref<320000xi32, #tpu.memory_space<hbm>>, %arg5: memref<320000xi32, #tpu.memory_space<hbm>>, %arg6: memref<320000x128xf32, #tpu.memory_space<hbm>>, %arg7: memref<320000x128xf32, #tpu.memory_space<hbm>>, %arg8: memref<10000xi32, #tpu.memory_space<vmem>>, %arg9: memref<10000xi32, #tpu.memory_space<vmem>>, %arg10: memref<80x128xf32, #tpu.memory_space<vmem>>, %arg11: memref<80x128xf32, #tpu.memory_space<vmem>>, %arg12: memref<80x128xf32, #tpu.memory_space<vmem>>, %arg13: memref<80x128xf32, #tpu.memory_space<vmem>>, %arg14: memref<!tpu.dma_semaphore, #tpu.memory_space<semaphore_mem>>, %arg15: memref<!tpu.dma_semaphore, #tpu.memory_space<semaphore_mem>>) attributes {dimension_semantics = [#tpu.dimension_semantics<core_parallel>, #tpu.dimension_semantics<subcore_parallel>], iteration_bounds = array<i64: 2, 16>, scalar_prefetch = 0 : i64, scratch_operands = 8 : i64, tpu.core_type = #tpu.core_type<sc_vector_subcore>, window_params = [{transform_indices = #map}, {transform_indices = #map}, {transform_indices = #map1}, {transform_indices = #map1}, {transform_indices = #map}, {transform_indices = #map}]} {
    %mul3A = arith.constant 2 : i32
    %mul3A_0 = arith.muli %arg1, %mul3A : i32
    %add3A = arith.addi %mul3A_0, %arg0 : i32
    %mul3A_1 = arith.constant 10000 : i32
    %mul3A_2 = arith.muli %add3A, %mul3A_1 : i32
    "tpu.region"() ({
      %run_scoped3A = tpu.sem_alloc : memref<!tpu.dma_semaphore, #tpu.memory_space<semaphore_mem>>
      %dma_start3A_86 = tpu.memref_slice %arg4[%mul3A_2] : memref<320000xi32, #tpu.memory_space<hbm>> -> memref<10000xi32, #tpu.memory_space<hbm>>
      %dma_start3A_87 = tpu.memref_slice %arg4[%mul3A_2] : memref<320000xi32, #tpu.memory_space<hbm>> -> memref<10000xi32, #tpu.memory_space<hbm>>
      tpu.enqueue_dma source(%dma_start3A_87 : memref<10000xi32, #tpu.memory_space<hbm>>) target(%arg8 : memref<10000xi32, #tpu.memory_space<vmem>>) target_semaphore(%run_scoped3A : memref<!tpu.dma_semaphore, #tpu.memory_space<semaphore_mem>>)
      %dma_wait3A_88 = tpu.memref_slice %arg4[%mul3A_2] : memref<320000xi32, #tpu.memory_space<hbm>> -> memref<10000xi32, #tpu.memory_space<hbm>>
      %dma_wait3A_89 = tpu.memref_slice %arg4[%mul3A_2] : memref<320000xi32, #tpu.memory_space<hbm>> -> memref<10000xi32, #tpu.memory_space<hbm>>
      tpu.wait_dma2 semaphore(%run_scoped3A : memref<!tpu.dma_semaphore, #tpu.memory_space<semaphore_mem>>) src(%dma_wait3A_89 : memref<10000xi32, #tpu.memory_space<hbm>>) dst(%arg8 : memref<10000xi32, #tpu.memory_space<vmem>>)
      tpu.yield
    }) : () -> ()
    "tpu.region"() ({
      %run_scoped3A = tpu.sem_alloc : memref<!tpu.dma_semaphore, #tpu.memory_space<semaphore_mem>>
      %dma_start3A_86 = tpu.memref_slice %arg5[%mul3A_2] : memref<320000xi32, #tpu.memory_space<hbm>> -> memref<10000xi32, #tpu.memory_space<hbm>>
      %dma_start3A_87 = tpu.memref_slice %arg5[%mul3A_2] : memref<320000xi32, #tpu.memory_space<hbm>> -> memref<10000xi32, #tpu.memory_space<hbm>>
      tpu.enqueue_dma source(%dma_start3A_87 : memref<10000xi32, #tpu.memory_space<hbm>>) target(%arg9 : memref<10000xi32, #tpu.memory_space<vmem>>) target_semaphore(%run_scoped3A : memref<!tpu.dma_semaphore, #tpu.memory_space<semaphore_mem>>)
      %dma_wait3A_88 = tpu.memref_slice %arg5[%mul3A_2] : memref<320000xi32, #tpu.memory_space<hbm>> -> memref<10000xi32, #tpu.memory_space<hbm>>
      %dma_wait3A_89 = tpu.memref_slice %arg5[%mul3A_2] : memref<320000xi32, #tpu.memory_space<hbm>> -> memref<10000xi32, #tpu.memory_space<hbm>>
      tpu.wait_dma2 semaphore(%run_scoped3A : memref<!tpu.dma_semaphore, #tpu.memory_space<semaphore_mem>>) src(%dma_wait3A_89 : memref<10000xi32, #tpu.memory_space<hbm>>) dst(%arg9 : memref<10000xi32, #tpu.memory_space<vmem>>)
      tpu.yield
    }) : () -> ()
    %scan3A = arith.constant 0 : i32
    %scan3A_3 = arith.constant 0 : i32
    %scan3A_4 = arith.constant 62 : i32
    %scan3A_5 = arith.addi %scan3A_3, %scan3A_4 : i32
    %scan3A_6 = arith.constant 1 : i32
    scf.for %scan3A_86 = %scan3A_3 to %scan3A_5 step %scan3A_6  : i32 {
      %mul3A_87 = arith.constant 2 : i32
      %mul3A_88 = arith.muli %scan3A_86, %mul3A_87 : i32
      %mul3A_89 = arith.constant 2 : i32
      %mul3A_90 = arith.muli %scan3A_86, %mul3A_89 : i32
      %add3A_91 = arith.constant 1 : i32
      %add3A_92 = arith.addi %mul3A_90, %add3A_91 : i32
      %mul3A_93 = arith.constant 80 : i32
      %mul3A_94 = arith.muli %mul3A_88, %mul3A_93 : i32
      %dma_start3A_95 = tpu.memref_slice %arg8[%mul3A_94] : memref<10000xi32, #tpu.memory_space<vmem>> -> memref<80xi32, #tpu.memory_space<vmem>>
      %dma_start3A_96 = arith.constant 0 : i32
      %dma_start3A_97 = arith.constant 0 : i32
      %dma_start3A_98 = tpu.memref_slice %arg2[%dma_start3A_96, %dma_start3A_97] : memref<10000x128xf32, #tpu.memory_space<hbm>> -> memref<10000x128xf32, #tpu.memory_space<hbm>>
      tpu.enqueue_indirect_dma source(%dma_start3A_98 : memref<10000x128xf32, #tpu.memory_space<hbm>>) target(%arg10 : memref<80x128xf32, #tpu.memory_space<vmem>>) offsets(%dma_start3A_95 : memref<80xi32, #tpu.memory_space<vmem>>) semaphore(%arg14 : memref<!tpu.dma_semaphore, #tpu.memory_space<semaphore_mem>>)
      %mul3A_99 = arith.constant 80 : i32
      %mul3A_100 = arith.muli %mul3A_88, %mul3A_99 : i32
      %dma_start3A_101 = tpu.memref_slice %arg9[%mul3A_100] : memref<10000xi32, #tpu.memory_space<vmem>> -> memref<80xi32, #tpu.memory_space<vmem>>
      %dma_start3A_102 = arith.constant 0 : i32
      %dma_start3A_103 = arith.constant 0 : i32
      %dma_start3A_104 = tpu.memref_slice %arg3[%dma_start3A_102, %dma_start3A_103] : memref<10000x128xf32, #tpu.memory_space<hbm>> -> memref<10000x128xf32, #tpu.memory_space<hbm>>
      tpu.enqueue_indirect_dma source(%dma_start3A_104 : memref<10000x128xf32, #tpu.memory_space<hbm>>) target(%arg11 : memref<80x128xf32, #tpu.memory_space<vmem>>) offsets(%dma_start3A_101 : memref<80xi32, #tpu.memory_space<vmem>>) semaphore(%arg14 : memref<!tpu.dma_semaphore, #tpu.memory_space<semaphore_mem>>)
      %mul3A_105 = arith.constant 80 : i32
      %mul3A_106 = arith.muli %add3A_92, %mul3A_105 : i32
      %dma_start3A_107 = tpu.memref_slice %arg8[%mul3A_106] : memref<10000xi32, #tpu.memory_space<vmem>> -> memref<80xi32, #tpu.memory_space<vmem>>
      %dma_start3A_108 = arith.constant 0 : i32
      %dma_start3A_109 = arith.constant 0 : i32
      %dma_start3A_110 = tpu.memref_slice %arg2[%dma_start3A_108, %dma_start3A_109] : memref<10000x128xf32, #tpu.memory_space<hbm>> -> memref<10000x128xf32, #tpu.memory_space<hbm>>
      tpu.enqueue_indirect_dma source(%dma_start3A_110 : memref<10000x128xf32, #tpu.memory_space<hbm>>) target(%arg12 : memref<80x128xf32, #tpu.memory_space<vmem>>) offsets(%dma_start3A_107 : memref<80xi32, #tpu.memory_space<vmem>>) semaphore(%arg14 : memref<!tpu.dma_semaphore, #tpu.memory_space<semaphore_mem>>)
      %mul3A_111 = arith.constant 80 : i32
      %mul3A_112 = arith.muli %add3A_92, %mul3A_111 : i32
      %dma_start3A_113 = tpu.memref_slice %arg9[%mul3A_112] : memref<10000xi32, #tpu.memory_space<vmem>> -> memref<80xi32, #tpu.memory_space<vmem>>
      %dma_start3A_114 = arith.constant 0 : i32
      %dma_start3A_115 = arith.constant 0 : i32
      %dma_start3A_116 = tpu.memref_slice %arg3[%dma_start3A_114, %dma_start3A_115] : memref<10000x128xf32, #tpu.memory_space<hbm>> -> memref<10000x128xf32, #tpu.memory_space<hbm>>
      tpu.enqueue_indirect_dma source(%dma_start3A_116 : memref<10000x128xf32, #tpu.memory_space<hbm>>) target(%arg13 : memref<80x128xf32, #tpu.memory_space<vmem>>) offsets(%dma_start3A_113 : memref<80xi32, #tpu.memory_space<vmem>>) semaphore(%arg14 : memref<!tpu.dma_semaphore, #tpu.memory_space<semaphore_mem>>)
      %dma_wait3A_117 = tpu.memref_slice %arg8[%mul3A_94] : memref<10000xi32, #tpu.memory_space<vmem>> -> memref<80xi32, #tpu.memory_space<vmem>>
      %dma_wait3A_118 = arith.constant 0 : i32
      %dma_wait3A_119 = arith.constant 0 : i32
      %dma_wait3A_120 = tpu.memref_slice %arg2[%dma_wait3A_118, %dma_wait3A_119] : memref<10000x128xf32, #tpu.memory_space<hbm>> -> memref<10000x128xf32, #tpu.memory_space<hbm>>
      tpu.wait_indirect_dma semaphore(%arg14 : memref<!tpu.dma_semaphore, #tpu.memory_space<semaphore_mem>>) src(%dma_wait3A_120 : memref<10000x128xf32, #tpu.memory_space<hbm>>) dst(%arg10 : memref<80x128xf32, #tpu.memory_space<vmem>>)
      %dma_wait3A_121 = tpu.memref_slice %arg9[%mul3A_100] : memref<10000xi32, #tpu.memory_space<vmem>> -> memref<80xi32, #tpu.memory_space<vmem>>
      %dma_wait3A_122 = arith.constant 0 : i32
      %dma_wait3A_123 = arith.constant 0 : i32
      %dma_wait3A_124 = tpu.memref_slice %arg3[%dma_wait3A_122, %dma_wait3A_123] : memref<10000x128xf32, #tpu.memory_space<hbm>> -> memref<10000x128xf32, #tpu.memory_space<hbm>>
      tpu.wait_indirect_dma semaphore(%arg14 : memref<!tpu.dma_semaphore, #tpu.memory_space<semaphore_mem>>) src(%dma_wait3A_124 : memref<10000x128xf32, #tpu.memory_space<hbm>>) dst(%arg11 : memref<80x128xf32, #tpu.memory_space<vmem>>)
      %dma_wait3A_125 = tpu.memref_slice %arg8[%mul3A_106] : memref<10000xi32, #tpu.memory_space<vmem>> -> memref<80xi32, #tpu.memory_space<vmem>>
      %dma_wait3A_126 = arith.constant 0 : i32
      %dma_wait3A_127 = arith.constant 0 : i32
      %dma_wait3A_128 = tpu.memref_slice %arg2[%dma_wait3A_126, %dma_wait3A_127] : memref<10000x128xf32, #tpu.memory_space<hbm>> -> memref<10000x128xf32, #tpu.memory_space<hbm>>
      tpu.wait_indirect_dma semaphore(%arg14 : memref<!tpu.dma_semaphore, #tpu.memory_space<semaphore_mem>>) src(%dma_wait3A_128 : memref<10000x128xf32, #tpu.memory_space<hbm>>) dst(%arg12 : memref<80x128xf32, #tpu.memory_space<vmem>>)
      %dma_wait3A_129 = tpu.memref_slice %arg9[%mul3A_112] : memref<10000xi32, #tpu.memory_space<vmem>> -> memref<80xi32, #tpu.memory_space<vmem>>
      %dma_wait3A_130 = arith.constant 0 : i32
      %dma_wait3A_131 = arith.constant 0 : i32
      %dma_wait3A_132 = tpu.memref_slice %arg3[%dma_wait3A_130, %dma_wait3A_131] : memref<10000x128xf32, #tpu.memory_space<hbm>> -> memref<10000x128xf32, #tpu.memory_space<hbm>>
      tpu.wait_indirect_dma semaphore(%arg14 : memref<!tpu.dma_semaphore, #tpu.memory_space<semaphore_mem>>) src(%dma_wait3A_132 : memref<10000x128xf32, #tpu.memory_space<hbm>>) dst(%arg13 : memref<80x128xf32, #tpu.memory_space<vmem>>)
      %mul3A_133 = arith.constant 80 : i32
      %mul3A_134 = arith.muli %mul3A_88, %mul3A_133 : i32
      %add3A_135 = arith.addi %mul3A_2, %mul3A_134 : i32
      %dma_start3A_136 = arith.constant 0 : i32
      %dma_start3A_137 = tpu.memref_slice %arg6[%add3A_135, %dma_start3A_136] : memref<320000x128xf32, #tpu.memory_space<hbm>> -> memref<80x128xf32, #tpu.memory_space<hbm>>
      %dma_start3A_138 = arith.constant 0 : i32
      %dma_start3A_139 = tpu.memref_slice %arg6[%add3A_135, %dma_start3A_138] : memref<320000x128xf32, #tpu.memory_space<hbm>> -> memref<80x128xf32, #tpu.memory_space<hbm>>
      tpu.enqueue_dma source(%arg10 : memref<80x128xf32, #tpu.memory_space<vmem>>) target(%dma_start3A_139 : memref<80x128xf32, #tpu.memory_space<hbm>>) target_semaphore(%arg15 : memref<!tpu.dma_semaphore, #tpu.memory_space<semaphore_mem>>)
      %mul3A_140 = arith.constant 80 : i32
      %mul3A_141 = arith.muli %mul3A_88, %mul3A_140 : i32
      %add3A_142 = arith.addi %mul3A_2, %mul3A_141 : i32
      %dma_start3A_143 = arith.constant 0 : i32
      %dma_start3A_144 = tpu.memref_slice %arg7[%add3A_142, %dma_start3A_143] : memref<320000x128xf32, #tpu.memory_space<hbm>> -> memref<80x128xf32, #tpu.memory_space<hbm>>
      %dma_start3A_145 = arith.constant 0 : i32
      %dma_start3A_146 = tpu.memref_slice %arg7[%add3A_142, %dma_start3A_145] : memref<320000x128xf32, #tpu.memory_space<hbm>> -> memref<80x128xf32, #tpu.memory_space<hbm>>
      tpu.enqueue_dma source(%arg11 : memref<80x128xf32, #tpu.memory_space<vmem>>) target(%dma_start3A_146 : memref<80x128xf32, #tpu.memory_space<hbm>>) target_semaphore(%arg15 : memref<!tpu.dma_semaphore, #tpu.memory_space<semaphore_mem>>)
      %mul3A_147 = arith.constant 80 : i32
      %mul3A_148 = arith.muli %add3A_92, %mul3A_147 : i32
      %add3A_149 = arith.addi %mul3A_2, %mul3A_148 : i32
      %dma_start3A_150 = arith.constant 0 : i32
      %dma_start3A_151 = tpu.memref_slice %arg6[%add3A_149, %dma_start3A_150] : memref<320000x128xf32, #tpu.memory_space<hbm>> -> memref<80x128xf32, #tpu.memory_space<hbm>>
      %dma_start3A_152 = arith.constant 0 : i32
      %dma_start3A_153 = tpu.memref_slice %arg6[%add3A_149, %dma_start3A_152] : memref<320000x128xf32, #tpu.memory_space<hbm>> -> memref<80x128xf32, #tpu.memory_space<hbm>>
      tpu.enqueue_dma source(%arg12 : memref<80x128xf32, #tpu.memory_space<vmem>>) target(%dma_start3A_153 : memref<80x128xf32, #tpu.memory_space<hbm>>) target_semaphore(%arg15 : memref<!tpu.dma_semaphore, #tpu.memory_space<semaphore_mem>>)
      %mul3A_154 = arith.constant 80 : i32
      %mul3A_155 = arith.muli %add3A_92, %mul3A_154 : i32
      %add3A_156 = arith.addi %mul3A_2, %mul3A_155 : i32
      %dma_start3A_157 = arith.constant 0 : i32
      %dma_start3A_158 = tpu.memref_slice %arg7[%add3A_156, %dma_start3A_157] : memref<320000x128xf32, #tpu.memory_space<hbm>> -> memref<80x128xf32, #tpu.memory_space<hbm>>
      %dma_start3A_159 = arith.constant 0 : i32
      %dma_start3A_160 = tpu.memref_slice %arg7[%add3A_156, %dma_start3A_159] : memref<320000x128xf32, #tpu.memory_space<hbm>> -> memref<80x128xf32, #tpu.memory_space<hbm>>
      tpu.enqueue_dma source(%arg13 : memref<80x128xf32, #tpu.memory_space<vmem>>) target(%dma_start3A_160 : memref<80x128xf32, #tpu.memory_space<hbm>>) target_semaphore(%arg15 : memref<!tpu.dma_semaphore, #tpu.memory_space<semaphore_mem>>)
      %dma_wait3A_161 = arith.constant 0 : i32
      %dma_wait3A_162 = tpu.memref_slice %arg6[%add3A_135, %dma_wait3A_161] : memref<320000x128xf32, #tpu.memory_space<hbm>> -> memref<80x128xf32, #tpu.memory_space<hbm>>
      %dma_wait3A_163 = arith.constant 0 : i32
      %dma_wait3A_164 = tpu.memref_slice %arg6[%add3A_135, %dma_wait3A_163] : memref<320000x128xf32, #tpu.memory_space<hbm>> -> memref<80x128xf32, #tpu.memory_space<hbm>>
      tpu.wait_dma2 semaphore(%arg15 : memref<!tpu.dma_semaphore, #tpu.memory_space<semaphore_mem>>) src(%arg10 : memref<80x128xf32, #tpu.memory_space<vmem>>) dst(%dma_wait3A_164 : memref<80x128xf32, #tpu.memory_space<hbm>>)
      %dma_wait3A_165 = arith.constant 0 : i32
      %dma_wait3A_166 = tpu.memref_slice %arg7[%add3A_142, %dma_wait3A_165] : memref<320000x128xf32, #tpu.memory_space<hbm>> -> memref<80x128xf32, #tpu.memory_space<hbm>>
      %dma_wait3A_167 = arith.constant 0 : i32
      %dma_wait3A_168 = tpu.memref_slice %arg7[%add3A_142, %dma_wait3A_167] : memref<320000x128xf32, #tpu.memory_space<hbm>> -> memref<80x128xf32, #tpu.memory_space<hbm>>
      tpu.wait_dma2 semaphore(%arg15 : memref<!tpu.dma_semaphore, #tpu.memory_space<semaphore_mem>>) src(%arg11 : memref<80x128xf32, #tpu.memory_space<vmem>>) dst(%dma_wait3A_168 : memref<80x128xf32, #tpu.memory_space<hbm>>)
      %dma_wait3A_169 = arith.constant 0 : i32
      %dma_wait3A_170 = tpu.memref_slice %arg6[%add3A_149, %dma_wait3A_169] : memref<320000x128xf32, #tpu.memory_space<hbm>> -> memref<80x128xf32, #tpu.memory_space<hbm>>
      %dma_wait3A_171 = arith.constant 0 : i32
      %dma_wait3A_172 = tpu.memref_slice %arg6[%add3A_149, %dma_wait3A_171] : memref<320000x128xf32, #tpu.memory_space<hbm>> -> memref<80x128xf32, #tpu.memory_space<hbm>>
      tpu.wait_dma2 semaphore(%arg15 : memref<!tpu.dma_semaphore, #tpu.memory_space<semaphore_mem>>) src(%arg12 : memref<80x128xf32, #tpu.memory_space<vmem>>) dst(%dma_wait3A_172 : memref<80x128xf32, #tpu.memory_space<hbm>>)
      %dma_wait3A_173 = arith.constant 0 : i32
      %dma_wait3A_174 = tpu.memref_slice %arg7[%add3A_156, %dma_wait3A_173] : memref<320000x128xf32, #tpu.memory_space<hbm>> -> memref<80x128xf32, #tpu.memory_space<hbm>>
      %dma_wait3A_175 = arith.constant 0 : i32
      %dma_wait3A_176 = tpu.memref_slice %arg7[%add3A_156, %dma_wait3A_175] : memref<320000x128xf32, #tpu.memory_space<hbm>> -> memref<80x128xf32, #tpu.memory_space<hbm>>
      tpu.wait_dma2 semaphore(%arg15 : memref<!tpu.dma_semaphore, #tpu.memory_space<semaphore_mem>>) src(%arg13 : memref<80x128xf32, #tpu.memory_space<vmem>>) dst(%dma_wait3A_176 : memref<80x128xf32, #tpu.memory_space<hbm>>)
    }
    %scan3A_7 = arith.constant 62 : i32
    %dma_start3A = arith.constant 9920 : i32
    %dma_start3A_8 = tpu.memref_slice %arg8[%dma_start3A] : memref<10000xi32, #tpu.memory_space<vmem>> -> memref<80xi32, #tpu.memory_space<vmem>>
    %dma_start3A_9 = arith.constant 0 : i32
    %dma_start3A_10 = arith.constant 0 : i32
    %dma_start3A_11 = tpu.memref_slice %arg2[%dma_start3A_9, %dma_start3A_10] : memref<10000x128xf32, #tpu.memory_space<hbm>> -> memref<10000x128xf32, #tpu.memory_space<hbm>>
    tpu.enqueue_indirect_dma source(%dma_start3A_11 : memref<10000x128xf32, #tpu.memory_space<hbm>>) target(%arg10 : memref<80x128xf32, #tpu.memory_space<vmem>>) offsets(%dma_start3A_8 : memref<80xi32, #tpu.memory_space<vmem>>) semaphore(%arg14 : memref<!tpu.dma_semaphore, #tpu.memory_space<semaphore_mem>>)
    %dma_start3A_12 = arith.constant 9920 : i32
    %dma_start3A_13 = tpu.memref_slice %arg9[%dma_start3A_12] : memref<10000xi32, #tpu.memory_space<vmem>> -> memref<80xi32, #tpu.memory_space<vmem>>
    %dma_start3A_14 = arith.constant 0 : i32
    %dma_start3A_15 = arith.constant 0 : i32
    %dma_start3A_16 = tpu.memref_slice %arg3[%dma_start3A_14, %dma_start3A_15] : memref<10000x128xf32, #tpu.memory_space<hbm>> -> memref<10000x128xf32, #tpu.memory_space<hbm>>
    tpu.enqueue_indirect_dma source(%dma_start3A_16 : memref<10000x128xf32, #tpu.memory_space<hbm>>) target(%arg11 : memref<80x128xf32, #tpu.memory_space<vmem>>) offsets(%dma_start3A_13 : memref<80xi32, #tpu.memory_space<vmem>>) semaphore(%arg14 : memref<!tpu.dma_semaphore, #tpu.memory_space<semaphore_mem>>)
    %dma_start3A_17 = arith.constant 9920 : i32
    %dma_start3A_18 = tpu.memref_slice %arg8[%dma_start3A_17] : memref<10000xi32, #tpu.memory_space<vmem>> -> memref<80xi32, #tpu.memory_space<vmem>>
    %dma_start3A_19 = arith.constant 0 : i32
    %dma_start3A_20 = arith.constant 0 : i32
    %dma_start3A_21 = tpu.memref_slice %arg2[%dma_start3A_19, %dma_start3A_20] : memref<10000x128xf32, #tpu.memory_space<hbm>> -> memref<10000x128xf32, #tpu.memory_space<hbm>>
    tpu.enqueue_indirect_dma source(%dma_start3A_21 : memref<10000x128xf32, #tpu.memory_space<hbm>>) target(%arg12 : memref<80x128xf32, #tpu.memory_space<vmem>>) offsets(%dma_start3A_18 : memref<80xi32, #tpu.memory_space<vmem>>) semaphore(%arg14 : memref<!tpu.dma_semaphore, #tpu.memory_space<semaphore_mem>>)
    %dma_start3A_22 = arith.constant 9920 : i32
    %dma_start3A_23 = tpu.memref_slice %arg9[%dma_start3A_22] : memref<10000xi32, #tpu.memory_space<vmem>> -> memref<80xi32, #tpu.memory_space<vmem>>
    %dma_start3A_24 = arith.constant 0 : i32
    %dma_start3A_25 = arith.constant 0 : i32
    %dma_start3A_26 = tpu.memref_slice %arg3[%dma_start3A_24, %dma_start3A_25] : memref<10000x128xf32, #tpu.memory_space<hbm>> -> memref<10000x128xf32, #tpu.memory_space<hbm>>
    tpu.enqueue_indirect_dma source(%dma_start3A_26 : memref<10000x128xf32, #tpu.memory_space<hbm>>) target(%arg13 : memref<80x128xf32, #tpu.memory_space<vmem>>) offsets(%dma_start3A_23 : memref<80xi32, #tpu.memory_space<vmem>>) semaphore(%arg14 : memref<!tpu.dma_semaphore, #tpu.memory_space<semaphore_mem>>)
    %dma_wait3A = arith.constant 9920 : i32
    %dma_wait3A_27 = tpu.memref_slice %arg8[%dma_wait3A] : memref<10000xi32, #tpu.memory_space<vmem>> -> memref<80xi32, #tpu.memory_space<vmem>>
    %dma_wait3A_28 = arith.constant 0 : i32
    %dma_wait3A_29 = arith.constant 0 : i32
    %dma_wait3A_30 = tpu.memref_slice %arg2[%dma_wait3A_28, %dma_wait3A_29] : memref<10000x128xf32, #tpu.memory_space<hbm>> -> memref<10000x128xf32, #tpu.memory_space<hbm>>
    tpu.wait_indirect_dma semaphore(%arg14 : memref<!tpu.dma_semaphore, #tpu.memory_space<semaphore_mem>>) src(%dma_wait3A_30 : memref<10000x128xf32, #tpu.memory_space<hbm>>) dst(%arg10 : memref<80x128xf32, #tpu.memory_space<vmem>>)
    %dma_wait3A_31 = arith.constant 9920 : i32
    %dma_wait3A_32 = tpu.memref_slice %arg9[%dma_wait3A_31] : memref<10000xi32, #tpu.memory_space<vmem>> -> memref<80xi32, #tpu.memory_space<vmem>>
    %dma_wait3A_33 = arith.constant 0 : i32
    %dma_wait3A_34 = arith.constant 0 : i32
    %dma_wait3A_35 = tpu.memref_slice %arg3[%dma_wait3A_33, %dma_wait3A_34] : memref<10000x128xf32, #tpu.memory_space<hbm>> -> memref<10000x128xf32, #tpu.memory_space<hbm>>
    tpu.wait_indirect_dma semaphore(%arg14 : memref<!tpu.dma_semaphore, #tpu.memory_space<semaphore_mem>>) src(%dma_wait3A_35 : memref<10000x128xf32, #tpu.memory_space<hbm>>) dst(%arg11 : memref<80x128xf32, #tpu.memory_space<vmem>>)
    %dma_wait3A_36 = arith.constant 9920 : i32
    %dma_wait3A_37 = tpu.memref_slice %arg8[%dma_wait3A_36] : memref<10000xi32, #tpu.memory_space<vmem>> -> memref<80xi32, #tpu.memory_space<vmem>>
    %dma_wait3A_38 = arith.constant 0 : i32
    %dma_wait3A_39 = arith.constant 0 : i32
    %dma_wait3A_40 = tpu.memref_slice %arg2[%dma_wait3A_38, %dma_wait3A_39] : memref<10000x128xf32, #tpu.memory_space<hbm>> -> memref<10000x128xf32, #tpu.memory_space<hbm>>
    tpu.wait_indirect_dma semaphore(%arg14 : memref<!tpu.dma_semaphore, #tpu.memory_space<semaphore_mem>>) src(%dma_wait3A_40 : memref<10000x128xf32, #tpu.memory_space<hbm>>) dst(%arg12 : memref<80x128xf32, #tpu.memory_space<vmem>>)
    %dma_wait3A_41 = arith.constant 9920 : i32
    %dma_wait3A_42 = tpu.memref_slice %arg9[%dma_wait3A_41] : memref<10000xi32, #tpu.memory_space<vmem>> -> memref<80xi32, #tpu.memory_space<vmem>>
    %dma_wait3A_43 = arith.constant 0 : i32
    %dma_wait3A_44 = arith.constant 0 : i32
    %dma_wait3A_45 = tpu.memref_slice %arg3[%dma_wait3A_43, %dma_wait3A_44] : memref<10000x128xf32, #tpu.memory_space<hbm>> -> memref<10000x128xf32, #tpu.memory_space<hbm>>
    tpu.wait_indirect_dma semaphore(%arg14 : memref<!tpu.dma_semaphore, #tpu.memory_space<semaphore_mem>>) src(%dma_wait3A_45 : memref<10000x128xf32, #tpu.memory_space<hbm>>) dst(%arg13 : memref<80x128xf32, #tpu.memory_space<vmem>>)
    %add3A_46 = arith.constant 9920 : i32
    %add3A_47 = arith.addi %mul3A_2, %add3A_46 : i32
    %dma_start3A_48 = arith.constant 0 : i32
    %dma_start3A_49 = tpu.memref_slice %arg6[%add3A_47, %dma_start3A_48] : memref<320000x128xf32, #tpu.memory_space<hbm>> -> memref<80x128xf32, #tpu.memory_space<hbm>>
    %dma_start3A_50 = arith.constant 0 : i32
    %dma_start3A_51 = tpu.memref_slice %arg6[%add3A_47, %dma_start3A_50] : memref<320000x128xf32, #tpu.memory_space<hbm>> -> memref<80x128xf32, #tpu.memory_space<hbm>>
    tpu.enqueue_dma source(%arg10 : memref<80x128xf32, #tpu.memory_space<vmem>>) target(%dma_start3A_51 : memref<80x128xf32, #tpu.memory_space<hbm>>) target_semaphore(%arg15 : memref<!tpu.dma_semaphore, #tpu.memory_space<semaphore_mem>>)
    %add3A_52 = arith.constant 9920 : i32
    %add3A_53 = arith.addi %mul3A_2, %add3A_52 : i32
    %dma_start3A_54 = arith.constant 0 : i32
    %dma_start3A_55 = tpu.memref_slice %arg7[%add3A_53, %dma_start3A_54] : memref<320000x128xf32, #tpu.memory_space<hbm>> -> memref<80x128xf32, #tpu.memory_space<hbm>>
    %dma_start3A_56 = arith.constant 0 : i32
    %dma_start3A_57 = tpu.memref_slice %arg7[%add3A_53, %dma_start3A_56] : memref<320000x128xf32, #tpu.memory_space<hbm>> -> memref<80x128xf32, #tpu.memory_space<hbm>>
    tpu.enqueue_dma source(%arg11 : memref<80x128xf32, #tpu.memory_space<vmem>>) target(%dma_start3A_57 : memref<80x128xf32, #tpu.memory_space<hbm>>) target_semaphore(%arg15 : memref<!tpu.dma_semaphore, #tpu.memory_space<semaphore_mem>>)
    %add3A_58 = arith.constant 9920 : i32
    %add3A_59 = arith.addi %mul3A_2, %add3A_58 : i32
    %dma_start3A_60 = arith.constant 0 : i32
    %dma_start3A_61 = tpu.memref_slice %arg6[%add3A_59, %dma_start3A_60] : memref<320000x128xf32, #tpu.memory_space<hbm>> -> memref<80x128xf32, #tpu.memory_space<hbm>>
    %dma_start3A_62 = arith.constant 0 : i32
    %dma_start3A_63 = tpu.memref_slice %arg6[%add3A_59, %dma_start3A_62] : memref<320000x128xf32, #tpu.memory_space<hbm>> -> memref<80x128xf32, #tpu.memory_space<hbm>>
    tpu.enqueue_dma source(%arg12 : memref<80x128xf32, #tpu.memory_space<vmem>>) target(%dma_start3A_63 : memref<80x128xf32, #tpu.memory_space<hbm>>) target_semaphore(%arg15 : memref<!tpu.dma_semaphore, #tpu.memory_space<semaphore_mem>>)
    %add3A_64 = arith.constant 9920 : i32
    %add3A_65 = arith.addi %mul3A_2, %add3A_64 : i32
    %dma_start3A_66 = arith.constant 0 : i32
    %dma_start3A_67 = tpu.memref_slice %arg7[%add3A_65, %dma_start3A_66] : memref<320000x128xf32, #tpu.memory_space<hbm>> -> memref<80x128xf32, #tpu.memory_space<hbm>>
    %dma_start3A_68 = arith.constant 0 : i32
    %dma_start3A_69 = tpu.memref_slice %arg7[%add3A_65, %dma_start3A_68] : memref<320000x128xf32, #tpu.memory_space<hbm>> -> memref<80x128xf32, #tpu.memory_space<hbm>>
    tpu.enqueue_dma source(%arg13 : memref<80x128xf32, #tpu.memory_space<vmem>>) target(%dma_start3A_69 : memref<80x128xf32, #tpu.memory_space<hbm>>) target_semaphore(%arg15 : memref<!tpu.dma_semaphore, #tpu.memory_space<semaphore_mem>>)
    %dma_wait3A_70 = arith.constant 0 : i32
    %dma_wait3A_71 = tpu.memref_slice %arg6[%add3A_47, %dma_wait3A_70] : memref<320000x128xf32, #tpu.memory_space<hbm>> -> memref<80x128xf32, #tpu.memory_space<hbm>>
    %dma_wait3A_72 = arith.constant 0 : i32
    %dma_wait3A_73 = tpu.memref_slice %arg6[%add3A_47, %dma_wait3A_72] : memref<320000x128xf32, #tpu.memory_space<hbm>> -> memref<80x128xf32, #tpu.memory_space<hbm>>
    tpu.wait_dma2 semaphore(%arg15 : memref<!tpu.dma_semaphore, #tpu.memory_space<semaphore_mem>>) src(%arg10 : memref<80x128xf32, #tpu.memory_space<vmem>>) dst(%dma_wait3A_73 : memref<80x128xf32, #tpu.memory_space<hbm>>)
    %dma_wait3A_74 = arith.constant 0 : i32
    %dma_wait3A_75 = tpu.memref_slice %arg7[%add3A_53, %dma_wait3A_74] : memref<320000x128xf32, #tpu.memory_space<hbm>> -> memref<80x128xf32, #tpu.memory_space<hbm>>
    %dma_wait3A_76 = arith.constant 0 : i32
    %dma_wait3A_77 = tpu.memref_slice %arg7[%add3A_53, %dma_wait3A_76] : memref<320000x128xf32, #tpu.memory_space<hbm>> -> memref<80x128xf32, #tpu.memory_space<hbm>>
    tpu.wait_dma2 semaphore(%arg15 : memref<!tpu.dma_semaphore, #tpu.memory_space<semaphore_mem>>) src(%arg11 : memref<80x128xf32, #tpu.memory_space<vmem>>) dst(%dma_wait3A_77 : memref<80x128xf32, #tpu.memory_space<hbm>>)
    %dma_wait3A_78 = arith.constant 0 : i32
    %dma_wait3A_79 = tpu.memref_slice %arg6[%add3A_59, %dma_wait3A_78] : memref<320000x128xf32, #tpu.memory_space<hbm>> -> memref<80x128xf32, #tpu.memory_space<hbm>>
    %dma_wait3A_80 = arith.constant 0 : i32
    %dma_wait3A_81 = tpu.memref_slice %arg6[%add3A_59, %dma_wait3A_80] : memref<320000x128xf32, #tpu.memory_space<hbm>> -> memref<80x128xf32, #tpu.memory_space<hbm>>
    tpu.wait_dma2 semaphore(%arg15 : memref<!tpu.dma_semaphore, #tpu.memory_space<semaphore_mem>>) src(%arg12 : memref<80x128xf32, #tpu.memory_space<vmem>>) dst(%dma_wait3A_81 : memref<80x128xf32, #tpu.memory_space<hbm>>)
    %dma_wait3A_82 = arith.constant 0 : i32
    %dma_wait3A_83 = tpu.memref_slice %arg7[%add3A_65, %dma_wait3A_82] : memref<320000x128xf32, #tpu.memory_space<hbm>> -> memref<80x128xf32, #tpu.memory_space<hbm>>
    %dma_wait3A_84 = arith.constant 0 : i32
    %dma_wait3A_85 = tpu.memref_slice %arg7[%add3A_65, %dma_wait3A_84] : memref<320000x128xf32, #tpu.memory_space<hbm>> -> memref<80x128xf32, #tpu.memory_space<hbm>>
    tpu.wait_dma2 semaphore(%arg15 : memref<!tpu.dma_semaphore, #tpu.memory_space<semaphore_mem>>) src(%arg13 : memref<80x128xf32, #tpu.memory_space<vmem>>) dst(%dma_wait3A_85 : memref<80x128xf32, #tpu.memory_space<hbm>>)
    return
  }
}

#map = affine_map<(d0, d1) -> (0, 0)>
#map1 = affine_map<(d0, d1) -> (0, 0, 0)>
module attributes {stable_mosaic.version = 14 : i64} {
  func.func @body_fn(%arg0: i32, %arg1: i32, %arg2: memref<320000x128xf32, #tpu.memory_space<hbm>>, %arg3: memref<32x125x80xi32, #tpu.memory_space<hbm>>, %arg4: memref<632x128xf32, #tpu.memory_space<hbm>>, %arg5: memref<2x10000x128xf32, #tpu.memory_space<hbm>>, %arg6: memref<125x80xi32, #tpu.memory_space<vmem>>, %arg7: memref<80x128xf32, #tpu.memory_space<vmem>>, %arg8: memref<80x128xf32, #tpu.memory_space<vmem>>, %arg9: memref<10000x128xf32, #tpu.memory_space<vmem_shared>>, %arg10: memref<!tpu.dma_semaphore, #tpu.memory_space<semaphore_mem>>) attributes {dimension_semantics = [#tpu.dimension_semantics<core_parallel>, #tpu.dimension_semantics<subcore_parallel>], iteration_bounds = array<i64: 2, 16>, scalar_prefetch = 0 : i64, scratch_operands = 5 : i64, tpu.core_type = #tpu.core_type<sc_vector_subcore>, window_params = [{transform_indices = #map}, {transform_indices = #map1}, {transform_indices = #map}, {transform_indices = #map1}]} {
    %mul3A = arith.constant 2 : i32
    %mul3A_0 = arith.muli %arg1, %mul3A : i32
    %add3A = arith.addi %mul3A_0, %arg0 : i32
    %mul3A_1 = arith.constant 10000 : i32
    %mul3A_2 = arith.muli %add3A, %mul3A_1 : i32
    %mul3A_3 = arith.constant 632 : i32
    %mul3A_4 = arith.muli %arg1, %mul3A_3 : i32
    %lt3A = arith.constant 15 : i32
    %lt3A_5 = arith.cmpi slt, %arg1, %lt3A : i32
    %convert_element_type3A = arith.extui %lt3A_5 : i1 to i32
    %cond3A = arith.constant 0 : i32
    %cond3A_6 = arith.cmpi ne, %convert_element_type3A, %cond3A : i32
    scf.if %cond3A_6 {
      "tpu.region"() ({
        %run_scoped3A_35 = tpu.sem_alloc : memref<!tpu.dma_semaphore, #tpu.memory_space<semaphore_mem>>
        %dma_start3A_36 = arith.constant 0 : i32
        %dma_start3A_37 = tpu.memref_slice %arg9[%mul3A_4, %dma_start3A_36] : memref<10000x128xf32, #tpu.memory_space<vmem_shared>> -> memref<632x128xf32, #tpu.memory_space<vmem_shared>>
        tpu.enqueue_dma source(%arg4 : memref<632x128xf32, #tpu.memory_space<hbm>>) target(%dma_start3A_37 : memref<632x128xf32, #tpu.memory_space<vmem_shared>>) target_semaphore(%run_scoped3A_35 : memref<!tpu.dma_semaphore, #tpu.memory_space<semaphore_mem>>)
        %dma_wait3A_38 = arith.constant 0 : i32
        %dma_wait3A_39 = tpu.memref_slice %arg9[%mul3A_4, %dma_wait3A_38] : memref<10000x128xf32, #tpu.memory_space<vmem_shared>> -> memref<632x128xf32, #tpu.memory_space<vmem_shared>>
        tpu.wait_dma2 semaphore(%run_scoped3A_35 : memref<!tpu.dma_semaphore, #tpu.memory_space<semaphore_mem>>) src(%arg4 : memref<632x128xf32, #tpu.memory_space<hbm>>) dst(%dma_wait3A_39 : memref<632x128xf32, #tpu.memory_space<vmem_shared>>)
        tpu.yield
      }) : () -> ()
    } else {
    }
    %eq3A = arith.constant 15 : i32
    %eq3A_7 = arith.cmpi eq, %arg1, %eq3A : i32
    %convert_element_type3A_8 = arith.extui %eq3A_7 : i1 to i32
    %cond3A_9 = arith.constant 0 : i32
    %cond3A_10 = arith.cmpi ne, %convert_element_type3A_8, %cond3A_9 : i32
    scf.if %cond3A_10 {
      "tpu.region"() ({
        %run_scoped3A_35 = tpu.sem_alloc : memref<!tpu.dma_semaphore, #tpu.memory_space<semaphore_mem>>
        %dma_start3A_36 = arith.constant 9480 : i32
        %dma_start3A_37 = arith.constant 0 : i32
        %dma_start3A_38 = tpu.memref_slice %arg9[%dma_start3A_36, %dma_start3A_37] : memref<10000x128xf32, #tpu.memory_space<vmem_shared>> -> memref<520x128xf32, #tpu.memory_space<vmem_shared>>
        %dma_start3A_39 = arith.constant 0 : i32
        %dma_start3A_40 = arith.constant 0 : i32
        %dma_start3A_41 = tpu.memref_slice %arg4[%dma_start3A_39, %dma_start3A_40] : memref<632x128xf32, #tpu.memory_space<hbm>> -> memref<520x128xf32, #tpu.memory_space<hbm>>
        tpu.enqueue_dma source(%dma_start3A_41 : memref<520x128xf32, #tpu.memory_space<hbm>>) target(%dma_start3A_38 : memref<520x128xf32, #tpu.memory_space<vmem_shared>>) target_semaphore(%run_scoped3A_35 : memref<!tpu.dma_semaphore, #tpu.memory_space<semaphore_mem>>)
        %dma_wait3A_42 = arith.constant 9480 : i32
        %dma_wait3A_43 = arith.constant 0 : i32
        %dma_wait3A_44 = tpu.memref_slice %arg9[%dma_wait3A_42, %dma_wait3A_43] : memref<10000x128xf32, #tpu.memory_space<vmem_shared>> -> memref<520x128xf32, #tpu.memory_space<vmem_shared>>
        %dma_wait3A_45 = arith.constant 0 : i32
        %dma_wait3A_46 = arith.constant 0 : i32
        %dma_wait3A_47 = tpu.memref_slice %arg4[%dma_wait3A_45, %dma_wait3A_46] : memref<632x128xf32, #tpu.memory_space<hbm>> -> memref<520x128xf32, #tpu.memory_space<hbm>>
        tpu.wait_dma2 semaphore(%run_scoped3A_35 : memref<!tpu.dma_semaphore, #tpu.memory_space<semaphore_mem>>) src(%dma_wait3A_47 : memref<520x128xf32, #tpu.memory_space<hbm>>) dst(%dma_wait3A_44 : memref<520x128xf32, #tpu.memory_space<vmem_shared>>)
        tpu.yield
      }) : () -> ()
    } else {
    }
    "tpu.region"() ({
      %run_scoped3A_35 = tpu.sem_alloc : memref<!tpu.dma_semaphore, #tpu.memory_space<semaphore_mem>>
      %dma_start3A_36 = arith.constant 0 : i32
      %dma_start3A_37 = arith.constant 0 : i32
      %dma_start3A_38 = tpu.memref_slice %arg3[%add3A, %dma_start3A_36, %dma_start3A_37] : memref<32x125x80xi32, #tpu.memory_space<hbm>> -> memref<1x125x80xi32, #tpu.memory_space<hbm>>
      %dma_start3A_39 = tpu.memref_squeeze %dma_start3A_38 : memref<1x125x80xi32, #tpu.memory_space<hbm>> -> memref<125x80xi32, #tpu.memory_space<hbm>>
      %dma_start3A_40 = arith.constant 0 : i32
      %dma_start3A_41 = arith.constant 0 : i32
      %dma_start3A_42 = tpu.memref_slice %arg3[%add3A, %dma_start3A_40, %dma_start3A_41] : memref<32x125x80xi32, #tpu.memory_space<hbm>> -> memref<1x125x80xi32, #tpu.memory_space<hbm>>
      %dma_start3A_43 = tpu.memref_squeeze %dma_start3A_42 : memref<1x125x80xi32, #tpu.memory_space<hbm>> -> memref<125x80xi32, #tpu.memory_space<hbm>>
      tpu.enqueue_dma source(%dma_start3A_43 : memref<125x80xi32, #tpu.memory_space<hbm>>) target(%arg6 : memref<125x80xi32, #tpu.memory_space<vmem>>) target_semaphore(%run_scoped3A_35 : memref<!tpu.dma_semaphore, #tpu.memory_space<semaphore_mem>>)
      %dma_wait3A_44 = arith.constant 0 : i32
      %dma_wait3A_45 = arith.constant 0 : i32
      %dma_wait3A_46 = tpu.memref_slice %arg3[%add3A, %dma_wait3A_44, %dma_wait3A_45] : memref<32x125x80xi32, #tpu.memory_space<hbm>> -> memref<1x125x80xi32, #tpu.memory_space<hbm>>
      %dma_wait3A_47 = tpu.memref_squeeze %dma_wait3A_46 : memref<1x125x80xi32, #tpu.memory_space<hbm>> -> memref<125x80xi32, #tpu.memory_space<hbm>>
      %dma_wait3A_48 = arith.constant 0 : i32
      %dma_wait3A_49 = arith.constant 0 : i32
      %dma_wait3A_50 = tpu.memref_slice %arg3[%add3A, %dma_wait3A_48, %dma_wait3A_49] : memref<32x125x80xi32, #tpu.memory_space<hbm>> -> memref<1x125x80xi32, #tpu.memory_space<hbm>>
      %dma_wait3A_51 = tpu.memref_squeeze %dma_wait3A_50 : memref<1x125x80xi32, #tpu.memory_space<hbm>> -> memref<125x80xi32, #tpu.memory_space<hbm>>
      tpu.wait_dma2 semaphore(%run_scoped3A_35 : memref<!tpu.dma_semaphore, #tpu.memory_space<semaphore_mem>>) src(%dma_wait3A_51 : memref<125x80xi32, #tpu.memory_space<hbm>>) dst(%arg6 : memref<125x80xi32, #tpu.memory_space<vmem>>)
      tpu.yield
    }) : () -> ()
    %barrier3A = arith.constant 0 : index
    tpu.barrier barrier_id(%barrier3A)
    %scan3A = arith.constant 0 : i32
    %scan3A_11 = arith.constant 0 : i32
    %scan3A_12 = arith.constant 62 : i32
    %scan3A_13 = arith.addi %scan3A_11, %scan3A_12 : i32
    %scan3A_14 = arith.constant 1 : i32
    scf.for %scan3A_35 = %scan3A_11 to %scan3A_13 step %scan3A_14  : i32 {
      %mul3A_36 = arith.constant 2 : i32
      %mul3A_37 = arith.muli %scan3A_35, %mul3A_36 : i32
      %mul3A_38 = arith.constant 2 : i32
      %mul3A_39 = arith.muli %scan3A_35, %mul3A_38 : i32
      %add3A_40 = arith.constant 1 : i32
      %add3A_41 = arith.addi %mul3A_39, %add3A_40 : i32
      %mul3A_42 = arith.constant 80 : i32
      %mul3A_43 = arith.muli %mul3A_37, %mul3A_42 : i32
      %add3A_44 = arith.addi %mul3A_2, %mul3A_43 : i32
      %dma_start3A_45 = arith.constant 0 : i32
      %dma_start3A_46 = tpu.memref_slice %arg2[%add3A_44, %dma_start3A_45] : memref<320000x128xf32, #tpu.memory_space<hbm>> -> memref<80x128xf32, #tpu.memory_space<hbm>>
      %dma_start3A_47 = arith.constant 0 : i32
      %dma_start3A_48 = tpu.memref_slice %arg2[%add3A_44, %dma_start3A_47] : memref<320000x128xf32, #tpu.memory_space<hbm>> -> memref<80x128xf32, #tpu.memory_space<hbm>>
      tpu.enqueue_dma source(%dma_start3A_48 : memref<80x128xf32, #tpu.memory_space<hbm>>) target(%arg7 : memref<80x128xf32, #tpu.memory_space<vmem>>) target_semaphore(%arg10 : memref<!tpu.dma_semaphore, #tpu.memory_space<semaphore_mem>>)
      %mul3A_49 = arith.constant 80 : i32
      %mul3A_50 = arith.muli %add3A_41, %mul3A_49 : i32
      %add3A_51 = arith.addi %mul3A_2, %mul3A_50 : i32
      %dma_start3A_52 = arith.constant 0 : i32
      %dma_start3A_53 = tpu.memref_slice %arg2[%add3A_51, %dma_start3A_52] : memref<320000x128xf32, #tpu.memory_space<hbm>> -> memref<80x128xf32, #tpu.memory_space<hbm>>
      %dma_start3A_54 = arith.constant 0 : i32
      %dma_start3A_55 = tpu.memref_slice %arg2[%add3A_51, %dma_start3A_54] : memref<320000x128xf32, #tpu.memory_space<hbm>> -> memref<80x128xf32, #tpu.memory_space<hbm>>
      tpu.enqueue_dma source(%dma_start3A_55 : memref<80x128xf32, #tpu.memory_space<hbm>>) target(%arg8 : memref<80x128xf32, #tpu.memory_space<vmem>>) target_semaphore(%arg10 : memref<!tpu.dma_semaphore, #tpu.memory_space<semaphore_mem>>)
      %dma_wait3A_56 = arith.constant 0 : i32
      %dma_wait3A_57 = tpu.memref_slice %arg2[%add3A_44, %dma_wait3A_56] : memref<320000x128xf32, #tpu.memory_space<hbm>> -> memref<80x128xf32, #tpu.memory_space<hbm>>
      %dma_wait3A_58 = arith.constant 0 : i32
      %dma_wait3A_59 = tpu.memref_slice %arg2[%add3A_44, %dma_wait3A_58] : memref<320000x128xf32, #tpu.memory_space<hbm>> -> memref<80x128xf32, #tpu.memory_space<hbm>>
      tpu.wait_dma2 semaphore(%arg10 : memref<!tpu.dma_semaphore, #tpu.memory_space<semaphore_mem>>) src(%dma_wait3A_59 : memref<80x128xf32, #tpu.memory_space<hbm>>) dst(%arg7 : memref<80x128xf32, #tpu.memory_space<vmem>>)
      "tpu.region"() ({
        %run_scoped3A_64 = tpu.sem_alloc : memref<!tpu.dma_semaphore, #tpu.memory_space<semaphore_mem>>
        %dma_start3A_65 = arith.constant 0 : i32
        %dma_start3A_66 = tpu.memref_slice %arg6[%mul3A_37, %dma_start3A_65] : memref<125x80xi32, #tpu.memory_space<vmem>> -> memref<1x80xi32, #tpu.memory_space<vmem>>
        %dma_start3A_67 = tpu.memref_squeeze %dma_start3A_66 : memref<1x80xi32, #tpu.memory_space<vmem>> -> memref<80xi32, #tpu.memory_space<vmem>>
        %dma_start3A_68 = arith.constant 0 : i32
        %dma_start3A_69 = arith.constant 0 : i32
        %dma_start3A_70 = tpu.memref_slice %arg9[%dma_start3A_68, %dma_start3A_69] : memref<10000x128xf32, #tpu.memory_space<vmem_shared>> -> memref<10000x128xf32, #tpu.memory_space<vmem_shared>>
        tpu.enqueue_indirect_dma source(%arg7 : memref<80x128xf32, #tpu.memory_space<vmem>>) target(%dma_start3A_70 : memref<10000x128xf32, #tpu.memory_space<vmem_shared>>) offsets(%dma_start3A_67 : memref<80xi32, #tpu.memory_space<vmem>>) semaphore(%run_scoped3A_64 : memref<!tpu.dma_semaphore, #tpu.memory_space<semaphore_mem>>) {add = true}
        %dma_wait3A_71 = arith.constant 0 : i32
        %dma_wait3A_72 = tpu.memref_slice %arg6[%mul3A_37, %dma_wait3A_71] : memref<125x80xi32, #tpu.memory_space<vmem>> -> memref<1x80xi32, #tpu.memory_space<vmem>>
        %dma_wait3A_73 = tpu.memref_squeeze %dma_wait3A_72 : memref<1x80xi32, #tpu.memory_space<vmem>> -> memref<80xi32, #tpu.memory_space<vmem>>
        %dma_wait3A_74 = arith.constant 0 : i32
        %dma_wait3A_75 = arith.constant 0 : i32
        %dma_wait3A_76 = tpu.memref_slice %arg9[%dma_wait3A_74, %dma_wait3A_75] : memref<10000x128xf32, #tpu.memory_space<vmem_shared>> -> memref<10000x128xf32, #tpu.memory_space<vmem_shared>>
        tpu.wait_indirect_dma semaphore(%run_scoped3A_64 : memref<!tpu.dma_semaphore, #tpu.memory_space<semaphore_mem>>) src(%arg7 : memref<80x128xf32, #tpu.memory_space<vmem>>) dst(%dma_wait3A_76 : memref<10000x128xf32, #tpu.memory_space<vmem_shared>>)
        tpu.yield
      }) : () -> ()
      %dma_wait3A_60 = arith.constant 0 : i32
      %dma_wait3A_61 = tpu.memref_slice %arg2[%add3A_51, %dma_wait3A_60] : memref<320000x128xf32, #tpu.memory_space<hbm>> -> memref<80x128xf32, #tpu.memory_space<hbm>>
      %dma_wait3A_62 = arith.constant 0 : i32
      %dma_wait3A_63 = tpu.memref_slice %arg2[%add3A_51, %dma_wait3A_62] : memref<320000x128xf32, #tpu.memory_space<hbm>> -> memref<80x128xf32, #tpu.memory_space<hbm>>
      tpu.wait_dma2 semaphore(%arg10 : memref<!tpu.dma_semaphore, #tpu.memory_space<semaphore_mem>>) src(%dma_wait3A_63 : memref<80x128xf32, #tpu.memory_space<hbm>>) dst(%arg8 : memref<80x128xf32, #tpu.memory_space<vmem>>)
      "tpu.region"() ({
        %run_scoped3A_64 = tpu.sem_alloc : memref<!tpu.dma_semaphore, #tpu.memory_space<semaphore_mem>>
        %dma_start3A_65 = arith.constant 0 : i32
        %dma_start3A_66 = tpu.memref_slice %arg6[%add3A_41, %dma_start3A_65] : memref<125x80xi32, #tpu.memory_space<vmem>> -> memref<1x80xi32, #tpu.memory_space<vmem>>
        %dma_start3A_67 = tpu.memref_squeeze %dma_start3A_66 : memref<1x80xi32, #tpu.memory_space<vmem>> -> memref<80xi32, #tpu.memory_space<vmem>>
        %dma_start3A_68 = arith.constant 0 : i32
        %dma_start3A_69 = arith.constant 0 : i32
        %dma_start3A_70 = tpu.memref_slice %arg9[%dma_start3A_68, %dma_start3A_69] : memref<10000x128xf32, #tpu.memory_space<vmem_shared>> -> memref<10000x128xf32, #tpu.memory_space<vmem_shared>>
        tpu.enqueue_indirect_dma source(%arg8 : memref<80x128xf32, #tpu.memory_space<vmem>>) target(%dma_start3A_70 : memref<10000x128xf32, #tpu.memory_space<vmem_shared>>) offsets(%dma_start3A_67 : memref<80xi32, #tpu.memory_space<vmem>>) semaphore(%run_scoped3A_64 : memref<!tpu.dma_semaphore, #tpu.memory_space<semaphore_mem>>) {add = true}
        %dma_wait3A_71 = arith.constant 0 : i32
        %dma_wait3A_72 = tpu.memref_slice %arg6[%add3A_41, %dma_wait3A_71] : memref<125x80xi32, #tpu.memory_space<vmem>> -> memref<1x80xi32, #tpu.memory_space<vmem>>
        %dma_wait3A_73 = tpu.memref_squeeze %dma_wait3A_72 : memref<1x80xi32, #tpu.memory_space<vmem>> -> memref<80xi32, #tpu.memory_space<vmem>>
        %dma_wait3A_74 = arith.constant 0 : i32
        %dma_wait3A_75 = arith.constant 0 : i32
        %dma_wait3A_76 = tpu.memref_slice %arg9[%dma_wait3A_74, %dma_wait3A_75] : memref<10000x128xf32, #tpu.memory_space<vmem_shared>> -> memref<10000x128xf32, #tpu.memory_space<vmem_shared>>
        tpu.wait_indirect_dma semaphore(%run_scoped3A_64 : memref<!tpu.dma_semaphore, #tpu.memory_space<semaphore_mem>>) src(%arg8 : memref<80x128xf32, #tpu.memory_space<vmem>>) dst(%dma_wait3A_76 : memref<10000x128xf32, #tpu.memory_space<vmem_shared>>)
        tpu.yield
      }) : () -> ()
    }
    %scan3A_15 = arith.constant 62 : i32
    %add3A_16 = arith.constant 9920 : i32
    %add3A_17 = arith.addi %mul3A_2, %add3A_16 : i32
    %dma_start3A = arith.constant 0 : i32
    %dma_start3A_18 = tpu.memref_slice %arg2[%add3A_17, %dma_start3A] : memref<320000x128xf32, #tpu.memory_space<hbm>> -> memref<80x128xf32, #tpu.memory_space<hbm>>
    %dma_start3A_19 = arith.constant 0 : i32
    %dma_start3A_20 = tpu.memref_slice %arg2[%add3A_17, %dma_start3A_19] : memref<320000x128xf32, #tpu.memory_space<hbm>> -> memref<80x128xf32, #tpu.memory_space<hbm>>
    tpu.enqueue_dma source(%dma_start3A_20 : memref<80x128xf32, #tpu.memory_space<hbm>>) target(%arg7 : memref<80x128xf32, #tpu.memory_space<vmem>>) target_semaphore(%arg10 : memref<!tpu.dma_semaphore, #tpu.memory_space<semaphore_mem>>)
    %dma_wait3A = arith.constant 0 : i32
    %dma_wait3A_21 = tpu.memref_slice %arg2[%add3A_17, %dma_wait3A] : memref<320000x128xf32, #tpu.memory_space<hbm>> -> memref<80x128xf32, #tpu.memory_space<hbm>>
    %dma_wait3A_22 = arith.constant 0 : i32
    %dma_wait3A_23 = tpu.memref_slice %arg2[%add3A_17, %dma_wait3A_22] : memref<320000x128xf32, #tpu.memory_space<hbm>> -> memref<80x128xf32, #tpu.memory_space<hbm>>
    tpu.wait_dma2 semaphore(%arg10 : memref<!tpu.dma_semaphore, #tpu.memory_space<semaphore_mem>>) src(%dma_wait3A_23 : memref<80x128xf32, #tpu.memory_space<hbm>>) dst(%arg7 : memref<80x128xf32, #tpu.memory_space<vmem>>)
    %run_scoped3A = arith.constant 124 : i32
    "tpu.region"() ({
      %run_scoped3A_35 = tpu.sem_alloc : memref<!tpu.dma_semaphore, #tpu.memory_space<semaphore_mem>>
      %dma_start3A_36 = arith.constant 0 : i32
      %dma_start3A_37 = tpu.memref_slice %arg6[%run_scoped3A, %dma_start3A_36] : memref<125x80xi32, #tpu.memory_space<vmem>> -> memref<1x80xi32, #tpu.memory_space<vmem>>
      %dma_start3A_38 = tpu.memref_squeeze %dma_start3A_37 : memref<1x80xi32, #tpu.memory_space<vmem>> -> memref<80xi32, #tpu.memory_space<vmem>>
      %dma_start3A_39 = arith.constant 0 : i32
      %dma_start3A_40 = arith.constant 0 : i32
      %dma_start3A_41 = tpu.memref_slice %arg9[%dma_start3A_39, %dma_start3A_40] : memref<10000x128xf32, #tpu.memory_space<vmem_shared>> -> memref<10000x128xf32, #tpu.memory_space<vmem_shared>>
      tpu.enqueue_indirect_dma source(%arg7 : memref<80x128xf32, #tpu.memory_space<vmem>>) target(%dma_start3A_41 : memref<10000x128xf32, #tpu.memory_space<vmem_shared>>) offsets(%dma_start3A_38 : memref<80xi32, #tpu.memory_space<vmem>>) semaphore(%run_scoped3A_35 : memref<!tpu.dma_semaphore, #tpu.memory_space<semaphore_mem>>) {add = true}
      %dma_wait3A_42 = arith.constant 0 : i32
      %dma_wait3A_43 = tpu.memref_slice %arg6[%run_scoped3A, %dma_wait3A_42] : memref<125x80xi32, #tpu.memory_space<vmem>> -> memref<1x80xi32, #tpu.memory_space<vmem>>
      %dma_wait3A_44 = tpu.memref_squeeze %dma_wait3A_43 : memref<1x80xi32, #tpu.memory_space<vmem>> -> memref<80xi32, #tpu.memory_space<vmem>>
      %dma_wait3A_45 = arith.constant 0 : i32
      %dma_wait3A_46 = arith.constant 0 : i32
      %dma_wait3A_47 = tpu.memref_slice %arg9[%dma_wait3A_45, %dma_wait3A_46] : memref<10000x128xf32, #tpu.memory_space<vmem_shared>> -> memref<10000x128xf32, #tpu.memory_space<vmem_shared>>
      tpu.wait_indirect_dma semaphore(%run_scoped3A_35 : memref<!tpu.dma_semaphore, #tpu.memory_space<semaphore_mem>>) src(%arg7 : memref<80x128xf32, #tpu.memory_space<vmem>>) dst(%dma_wait3A_47 : memref<10000x128xf32, #tpu.memory_space<vmem_shared>>)
      tpu.yield
    }) : () -> ()
    %barrier3A_24 = arith.constant 0 : index
    tpu.barrier barrier_id(%barrier3A_24)
    %lt3A_25 = arith.constant 15 : i32
    %lt3A_26 = arith.cmpi slt, %arg1, %lt3A_25 : i32
    %convert_element_type3A_27 = arith.extui %lt3A_26 : i1 to i32
    %cond3A_28 = arith.constant 0 : i32
    %cond3A_29 = arith.cmpi ne, %convert_element_type3A_27, %cond3A_28 : i32
    scf.if %cond3A_29 {
      "tpu.region"() ({
        %run_scoped3A_35 = tpu.sem_alloc : memref<!tpu.dma_semaphore, #tpu.memory_space<semaphore_mem>>
        %dma_start3A_36 = arith.constant 0 : i32
        %dma_start3A_37 = tpu.memref_slice %arg5[%arg0, %mul3A_4, %dma_start3A_36] : memref<2x10000x128xf32, #tpu.memory_space<hbm>> -> memref<1x632x128xf32, #tpu.memory_space<hbm>>
        %dma_start3A_38 = tpu.memref_squeeze %dma_start3A_37 : memref<1x632x128xf32, #tpu.memory_space<hbm>> -> memref<632x128xf32, #tpu.memory_space<hbm>>
        %dma_start3A_39 = arith.constant 0 : i32
        %dma_start3A_40 = tpu.memref_slice %arg9[%mul3A_4, %dma_start3A_39] : memref<10000x128xf32, #tpu.memory_space<vmem_shared>> -> memref<632x128xf32, #tpu.memory_space<vmem_shared>>
        tpu.enqueue_dma source(%dma_start3A_40 : memref<632x128xf32, #tpu.memory_space<vmem_shared>>) target(%dma_start3A_38 : memref<632x128xf32, #tpu.memory_space<hbm>>) target_semaphore(%run_scoped3A_35 : memref<!tpu.dma_semaphore, #tpu.memory_space<semaphore_mem>>)
        %dma_wait3A_41 = arith.constant 0 : i32
        %dma_wait3A_42 = tpu.memref_slice %arg5[%arg0, %mul3A_4, %dma_wait3A_41] : memref<2x10000x128xf32, #tpu.memory_space<hbm>> -> memref<1x632x128xf32, #tpu.memory_space<hbm>>
        %dma_wait3A_43 = tpu.memref_squeeze %dma_wait3A_42 : memref<1x632x128xf32, #tpu.memory_space<hbm>> -> memref<632x128xf32, #tpu.memory_space<hbm>>
        %dma_wait3A_44 = arith.constant 0 : i32
        %dma_wait3A_45 = tpu.memref_slice %arg9[%mul3A_4, %dma_wait3A_44] : memref<10000x128xf32, #tpu.memory_space<vmem_shared>> -> memref<632x128xf32, #tpu.memory_space<vmem_shared>>
        tpu.wait_dma2 semaphore(%run_scoped3A_35 : memref<!tpu.dma_semaphore, #tpu.memory_space<semaphore_mem>>) src(%dma_wait3A_45 : memref<632x128xf32, #tpu.memory_space<vmem_shared>>) dst(%dma_wait3A_43 : memref<632x128xf32, #tpu.memory_space<hbm>>)
        tpu.yield
      }) : () -> ()
    } else {
    }
    %eq3A_30 = arith.constant 15 : i32
    %eq3A_31 = arith.cmpi eq, %arg1, %eq3A_30 : i32
    %convert_element_type3A_32 = arith.extui %eq3A_31 : i1 to i32
    %cond3A_33 = arith.constant 0 : i32
    %cond3A_34 = arith.cmpi ne, %convert_element_type3A_32, %cond3A_33 : i32
    scf.if %cond3A_34 {
      "tpu.region"() ({
        %run_scoped3A_35 = tpu.sem_alloc : memref<!tpu.dma_semaphore, #tpu.memory_space<semaphore_mem>>
        %dma_start3A_36 = arith.constant 9480 : i32
        %dma_start3A_37 = arith.constant 0 : i32
        %dma_start3A_38 = tpu.memref_slice %arg5[%arg0, %dma_start3A_36, %dma_start3A_37] : memref<2x10000x128xf32, #tpu.memory_space<hbm>> -> memref<1x520x128xf32, #tpu.memory_space<hbm>>
        %dma_start3A_39 = tpu.memref_squeeze %dma_start3A_38 : memref<1x520x128xf32, #tpu.memory_space<hbm>> -> memref<520x128xf32, #tpu.memory_space<hbm>>
        %dma_start3A_40 = arith.constant 9480 : i32
        %dma_start3A_41 = arith.constant 0 : i32
        %dma_start3A_42 = tpu.memref_slice %arg9[%dma_start3A_40, %dma_start3A_41] : memref<10000x128xf32, #tpu.memory_space<vmem_shared>> -> memref<520x128xf32, #tpu.memory_space<vmem_shared>>
        tpu.enqueue_dma source(%dma_start3A_42 : memref<520x128xf32, #tpu.memory_space<vmem_shared>>) target(%dma_start3A_39 : memref<520x128xf32, #tpu.memory_space<hbm>>) target_semaphore(%run_scoped3A_35 : memref<!tpu.dma_semaphore, #tpu.memory_space<semaphore_mem>>)
        %dma_wait3A_43 = arith.constant 9480 : i32
        %dma_wait3A_44 = arith.constant 0 : i32
        %dma_wait3A_45 = tpu.memref_slice %arg5[%arg0, %dma_wait3A_43, %dma_wait3A_44] : memref<2x10000x128xf32, #tpu.memory_space<hbm>> -> memref<1x520x128xf32, #tpu.memory_space<hbm>>
        %dma_wait3A_46 = tpu.memref_squeeze %dma_wait3A_45 : memref<1x520x128xf32, #tpu.memory_space<hbm>> -> memref<520x128xf32, #tpu.memory_space<hbm>>
        %dma_wait3A_47 = arith.constant 9480 : i32
        %dma_wait3A_48 = arith.constant 0 : i32
        %dma_wait3A_49 = tpu.memref_slice %arg9[%dma_wait3A_47, %dma_wait3A_48] : memref<10000x128xf32, #tpu.memory_space<vmem_shared>> -> memref<520x128xf32, #tpu.memory_space<vmem_shared>>
        tpu.wait_dma2 semaphore(%run_scoped3A_35 : memref<!tpu.dma_semaphore, #tpu.memory_space<semaphore_mem>>) src(%dma_wait3A_49 : memref<520x128xf32, #tpu.memory_space<vmem_shared>>) dst(%dma_wait3A_46 : memref<520x128xf32, #tpu.memory_space<hbm>>)
        tpu.yield
      }) : () -> ()
    } else {
    }
    return
  }
}

#map = affine_map<(d0, d1) -> (0, 0)>
#map1 = affine_map<(d0, d1) -> (0)>
module attributes {stable_mosaic.version = 14 : i64} {
  func.func @body_fn(%arg0: i32, %arg1: i32, %arg2: memref<10000x128xf32, #tpu.memory_space<hbm>>, %arg3: memref<10000x128xf32, #tpu.memory_space<hbm>>, %arg4: memref<320000xi32, #tpu.memory_space<hbm>>, %arg5: memref<320000xi32, #tpu.memory_space<hbm>>, %arg6: memref<320000x128xf32, #tpu.memory_space<hbm>>, %arg7: memref<320000x128xf32, #tpu.memory_space<hbm>>, %arg8: memref<10000xi32, #tpu.memory_space<vmem>>, %arg9: memref<10000xi32, #tpu.memory_space<vmem>>, %arg10: memref<80x128xf32, #tpu.memory_space<vmem>>, %arg11: memref<80x128xf32, #tpu.memory_space<vmem>>, %arg12: memref<80x128xf32, #tpu.memory_space<vmem>>, %arg13: memref<80x128xf32, #tpu.memory_space<vmem>>, %arg14: memref<!tpu.dma_semaphore, #tpu.memory_space<semaphore_mem>>, %arg15: memref<!tpu.dma_semaphore, #tpu.memory_space<semaphore_mem>>) attributes {dimension_semantics = [#tpu.dimension_semantics<core_parallel>, #tpu.dimension_semantics<subcore_parallel>], iteration_bounds = array<i64: 2, 16>, scalar_prefetch = 0 : i64, scratch_operands = 8 : i64, tpu.core_type = #tpu.core_type<sc_vector_subcore>, window_params = [{transform_indices = #map}, {transform_indices = #map}, {transform_indices = #map1}, {transform_indices = #map1}, {transform_indices = #map}, {transform_indices = #map}]} {
    %mul3A = arith.constant 2 : i32
    %mul3A_0 = arith.muli %arg1, %mul3A : i32
    %add3A = arith.addi %mul3A_0, %arg0 : i32
    %mul3A_1 = arith.constant 10000 : i32
    %mul3A_2 = arith.muli %add3A, %mul3A_1 : i32
    "tpu.region"() ({
      %run_scoped3A = tpu.sem_alloc : memref<!tpu.dma_semaphore, #tpu.memory_space<semaphore_mem>>
      %dma_start3A_86 = tpu.memref_slice %arg4[%mul3A_2] : memref<320000xi32, #tpu.memory_space<hbm>> -> memref<10000xi32, #tpu.memory_space<hbm>>
      %dma_start3A_87 = tpu.memref_slice %arg4[%mul3A_2] : memref<320000xi32, #tpu.memory_space<hbm>> -> memref<10000xi32, #tpu.memory_space<hbm>>
      tpu.enqueue_dma source(%dma_start3A_87 : memref<10000xi32, #tpu.memory_space<hbm>>) target(%arg8 : memref<10000xi32, #tpu.memory_space<vmem>>) target_semaphore(%run_scoped3A : memref<!tpu.dma_semaphore, #tpu.memory_space<semaphore_mem>>)
      %dma_wait3A_88 = tpu.memref_slice %arg4[%mul3A_2] : memref<320000xi32, #tpu.memory_space<hbm>> -> memref<10000xi32, #tpu.memory_space<hbm>>
      %dma_wait3A_89 = tpu.memref_slice %arg4[%mul3A_2] : memref<320000xi32, #tpu.memory_space<hbm>> -> memref<10000xi32, #tpu.memory_space<hbm>>
      tpu.wait_dma2 semaphore(%run_scoped3A : memref<!tpu.dma_semaphore, #tpu.memory_space<semaphore_mem>>) src(%dma_wait3A_89 : memref<10000xi32, #tpu.memory_space<hbm>>) dst(%arg8 : memref<10000xi32, #tpu.memory_space<vmem>>)
      tpu.yield
    }) : () -> ()
    "tpu.region"() ({
      %run_scoped3A = tpu.sem_alloc : memref<!tpu.dma_semaphore, #tpu.memory_space<semaphore_mem>>
      %dma_start3A_86 = tpu.memref_slice %arg5[%mul3A_2] : memref<320000xi32, #tpu.memory_space<hbm>> -> memref<10000xi32, #tpu.memory_space<hbm>>
      %dma_start3A_87 = tpu.memref_slice %arg5[%mul3A_2] : memref<320000xi32, #tpu.memory_space<hbm>> -> memref<10000xi32, #tpu.memory_space<hbm>>
      tpu.enqueue_dma source(%dma_start3A_87 : memref<10000xi32, #tpu.memory_space<hbm>>) target(%arg9 : memref<10000xi32, #tpu.memory_space<vmem>>) target_semaphore(%run_scoped3A : memref<!tpu.dma_semaphore, #tpu.memory_space<semaphore_mem>>)
      %dma_wait3A_88 = tpu.memref_slice %arg5[%mul3A_2] : memref<320000xi32, #tpu.memory_space<hbm>> -> memref<10000xi32, #tpu.memory_space<hbm>>
      %dma_wait3A_89 = tpu.memref_slice %arg5[%mul3A_2] : memref<320000xi32, #tpu.memory_space<hbm>> -> memref<10000xi32, #tpu.memory_space<hbm>>
      tpu.wait_dma2 semaphore(%run_scoped3A : memref<!tpu.dma_semaphore, #tpu.memory_space<semaphore_mem>>) src(%dma_wait3A_89 : memref<10000xi32, #tpu.memory_space<hbm>>) dst(%arg9 : memref<10000xi32, #tpu.memory_space<vmem>>)
      tpu.yield
    }) : () -> ()
    %scan3A = arith.constant 0 : i32
    %scan3A_3 = arith.constant 0 : i32
    %scan3A_4 = arith.constant 62 : i32
    %scan3A_5 = arith.addi %scan3A_3, %scan3A_4 : i32
    %scan3A_6 = arith.constant 1 : i32
    scf.for %scan3A_86 = %scan3A_3 to %scan3A_5 step %scan3A_6  : i32 {
      %mul3A_87 = arith.constant 2 : i32
      %mul3A_88 = arith.muli %scan3A_86, %mul3A_87 : i32
      %mul3A_89 = arith.constant 2 : i32
      %mul3A_90 = arith.muli %scan3A_86, %mul3A_89 : i32
      %add3A_91 = arith.constant 1 : i32
      %add3A_92 = arith.addi %mul3A_90, %add3A_91 : i32
      %mul3A_93 = arith.constant 80 : i32
      %mul3A_94 = arith.muli %mul3A_88, %mul3A_93 : i32
      %dma_start3A_95 = tpu.memref_slice %arg8[%mul3A_94] : memref<10000xi32, #tpu.memory_space<vmem>> -> memref<80xi32, #tpu.memory_space<vmem>>
      %dma_start3A_96 = arith.constant 0 : i32
      %dma_start3A_97 = arith.constant 0 : i32
      %dma_start3A_98 = tpu.memref_slice %arg2[%dma_start3A_96, %dma_start3A_97] : memref<10000x128xf32, #tpu.memory_space<hbm>> -> memref<10000x128xf32, #tpu.memory_space<hbm>>
      tpu.enqueue_indirect_dma source(%dma_start3A_98 : memref<10000x128xf32, #tpu.memory_space<hbm>>) target(%arg10 : memref<80x128xf32, #tpu.memory_space<vmem>>) offsets(%dma_start3A_95 : memref<80xi32, #tpu.memory_space<vmem>>) semaphore(%arg14 : memref<!tpu.dma_semaphore, #tpu.memory_space<semaphore_mem>>)
      %mul3A_99 = arith.constant 80 : i32
      %mul3A_100 = arith.muli %mul3A_88, %mul3A_99 : i32
      %dma_start3A_101 = tpu.memref_slice %arg9[%mul3A_100] : memref<10000xi32, #tpu.memory_space<vmem>> -> memref<80xi32, #tpu.memory_space<vmem>>
      %dma_start3A_102 = arith.constant 0 : i32
      %dma_start3A_103 = arith.constant 0 : i32
      %dma_start3A_104 = tpu.memref_slice %arg3[%dma_start3A_102, %dma_start3A_103] : memref<10000x128xf32, #tpu.memory_space<hbm>> -> memref<10000x128xf32, #tpu.memory_space<hbm>>
      tpu.enqueue_indirect_dma source(%dma_start3A_104 : memref<10000x128xf32, #tpu.memory_space<hbm>>) target(%arg11 : memref<80x128xf32, #tpu.memory_space<vmem>>) offsets(%dma_start3A_101 : memref<80xi32, #tpu.memory_space<vmem>>) semaphore(%arg14 : memref<!tpu.dma_semaphore, #tpu.memory_space<semaphore_mem>>)
      %mul3A_105 = arith.constant 80 : i32
      %mul3A_106 = arith.muli %add3A_92, %mul3A_105 : i32
      %dma_start3A_107 = tpu.memref_slice %arg8[%mul3A_106] : memref<10000xi32, #tpu.memory_space<vmem>> -> memref<80xi32, #tpu.memory_space<vmem>>
      %dma_start3A_108 = arith.constant 0 : i32
      %dma_start3A_109 = arith.constant 0 : i32
      %dma_start3A_110 = tpu.memref_slice %arg2[%dma_start3A_108, %dma_start3A_109] : memref<10000x128xf32, #tpu.memory_space<hbm>> -> memref<10000x128xf32, #tpu.memory_space<hbm>>
      tpu.enqueue_indirect_dma source(%dma_start3A_110 : memref<10000x128xf32, #tpu.memory_space<hbm>>) target(%arg12 : memref<80x128xf32, #tpu.memory_space<vmem>>) offsets(%dma_start3A_107 : memref<80xi32, #tpu.memory_space<vmem>>) semaphore(%arg14 : memref<!tpu.dma_semaphore, #tpu.memory_space<semaphore_mem>>)
      %mul3A_111 = arith.constant 80 : i32
      %mul3A_112 = arith.muli %add3A_92, %mul3A_111 : i32
      %dma_start3A_113 = tpu.memref_slice %arg9[%mul3A_112] : memref<10000xi32, #tpu.memory_space<vmem>> -> memref<80xi32, #tpu.memory_space<vmem>>
      %dma_start3A_114 = arith.constant 0 : i32
      %dma_start3A_115 = arith.constant 0 : i32
      %dma_start3A_116 = tpu.memref_slice %arg3[%dma_start3A_114, %dma_start3A_115] : memref<10000x128xf32, #tpu.memory_space<hbm>> -> memref<10000x128xf32, #tpu.memory_space<hbm>>
      tpu.enqueue_indirect_dma source(%dma_start3A_116 : memref<10000x128xf32, #tpu.memory_space<hbm>>) target(%arg13 : memref<80x128xf32, #tpu.memory_space<vmem>>) offsets(%dma_start3A_113 : memref<80xi32, #tpu.memory_space<vmem>>) semaphore(%arg14 : memref<!tpu.dma_semaphore, #tpu.memory_space<semaphore_mem>>)
      %dma_wait3A_117 = tpu.memref_slice %arg8[%mul3A_94] : memref<10000xi32, #tpu.memory_space<vmem>> -> memref<80xi32, #tpu.memory_space<vmem>>
      %dma_wait3A_118 = arith.constant 0 : i32
      %dma_wait3A_119 = arith.constant 0 : i32
      %dma_wait3A_120 = tpu.memref_slice %arg2[%dma_wait3A_118, %dma_wait3A_119] : memref<10000x128xf32, #tpu.memory_space<hbm>> -> memref<10000x128xf32, #tpu.memory_space<hbm>>
      tpu.wait_indirect_dma semaphore(%arg14 : memref<!tpu.dma_semaphore, #tpu.memory_space<semaphore_mem>>) src(%dma_wait3A_120 : memref<10000x128xf32, #tpu.memory_space<hbm>>) dst(%arg10 : memref<80x128xf32, #tpu.memory_space<vmem>>)
      %dma_wait3A_121 = tpu.memref_slice %arg9[%mul3A_100] : memref<10000xi32, #tpu.memory_space<vmem>> -> memref<80xi32, #tpu.memory_space<vmem>>
      %dma_wait3A_122 = arith.constant 0 : i32
      %dma_wait3A_123 = arith.constant 0 : i32
      %dma_wait3A_124 = tpu.memref_slice %arg3[%dma_wait3A_122, %dma_wait3A_123] : memref<10000x128xf32, #tpu.memory_space<hbm>> -> memref<10000x128xf32, #tpu.memory_space<hbm>>
      tpu.wait_indirect_dma semaphore(%arg14 : memref<!tpu.dma_semaphore, #tpu.memory_space<semaphore_mem>>) src(%dma_wait3A_124 : memref<10000x128xf32, #tpu.memory_space<hbm>>) dst(%arg11 : memref<80x128xf32, #tpu.memory_space<vmem>>)
      %dma_wait3A_125 = tpu.memref_slice %arg8[%mul3A_106] : memref<10000xi32, #tpu.memory_space<vmem>> -> memref<80xi32, #tpu.memory_space<vmem>>
      %dma_wait3A_126 = arith.constant 0 : i32
      %dma_wait3A_127 = arith.constant 0 : i32
      %dma_wait3A_128 = tpu.memref_slice %arg2[%dma_wait3A_126, %dma_wait3A_127] : memref<10000x128xf32, #tpu.memory_space<hbm>> -> memref<10000x128xf32, #tpu.memory_space<hbm>>
      tpu.wait_indirect_dma semaphore(%arg14 : memref<!tpu.dma_semaphore, #tpu.memory_space<semaphore_mem>>) src(%dma_wait3A_128 : memref<10000x128xf32, #tpu.memory_space<hbm>>) dst(%arg12 : memref<80x128xf32, #tpu.memory_space<vmem>>)
      %dma_wait3A_129 = tpu.memref_slice %arg9[%mul3A_112] : memref<10000xi32, #tpu.memory_space<vmem>> -> memref<80xi32, #tpu.memory_space<vmem>>
      %dma_wait3A_130 = arith.constant 0 : i32
      %dma_wait3A_131 = arith.constant 0 : i32
      %dma_wait3A_132 = tpu.memref_slice %arg3[%dma_wait3A_130, %dma_wait3A_131] : memref<10000x128xf32, #tpu.memory_space<hbm>> -> memref<10000x128xf32, #tpu.memory_space<hbm>>
      tpu.wait_indirect_dma semaphore(%arg14 : memref<!tpu.dma_semaphore, #tpu.memory_space<semaphore_mem>>) src(%dma_wait3A_132 : memref<10000x128xf32, #tpu.memory_space<hbm>>) dst(%arg13 : memref<80x128xf32, #tpu.memory_space<vmem>>)
      %mul3A_133 = arith.constant 80 : i32
      %mul3A_134 = arith.muli %mul3A_88, %mul3A_133 : i32
      %add3A_135 = arith.addi %mul3A_2, %mul3A_134 : i32
      %dma_start3A_136 = arith.constant 0 : i32
      %dma_start3A_137 = tpu.memref_slice %arg6[%add3A_135, %dma_start3A_136] : memref<320000x128xf32, #tpu.memory_space<hbm>> -> memref<80x128xf32, #tpu.memory_space<hbm>>
      %dma_start3A_138 = arith.constant 0 : i32
      %dma_start3A_139 = tpu.memref_slice %arg6[%add3A_135, %dma_start3A_138] : memref<320000x128xf32, #tpu.memory_space<hbm>> -> memref<80x128xf32, #tpu.memory_space<hbm>>
      tpu.enqueue_dma source(%arg10 : memref<80x128xf32, #tpu.memory_space<vmem>>) target(%dma_start3A_139 : memref<80x128xf32, #tpu.memory_space<hbm>>) target_semaphore(%arg15 : memref<!tpu.dma_semaphore, #tpu.memory_space<semaphore_mem>>)
      %mul3A_140 = arith.constant 80 : i32
      %mul3A_141 = arith.muli %mul3A_88, %mul3A_140 : i32
      %add3A_142 = arith.addi %mul3A_2, %mul3A_141 : i32
      %dma_start3A_143 = arith.constant 0 : i32
      %dma_start3A_144 = tpu.memref_slice %arg7[%add3A_142, %dma_start3A_143] : memref<320000x128xf32, #tpu.memory_space<hbm>> -> memref<80x128xf32, #tpu.memory_space<hbm>>
      %dma_start3A_145 = arith.constant 0 : i32
      %dma_start3A_146 = tpu.memref_slice %arg7[%add3A_142, %dma_start3A_145] : memref<320000x128xf32, #tpu.memory_space<hbm>> -> memref<80x128xf32, #tpu.memory_space<hbm>>
      tpu.enqueue_dma source(%arg11 : memref<80x128xf32, #tpu.memory_space<vmem>>) target(%dma_start3A_146 : memref<80x128xf32, #tpu.memory_space<hbm>>) target_semaphore(%arg15 : memref<!tpu.dma_semaphore, #tpu.memory_space<semaphore_mem>>)
      %mul3A_147 = arith.constant 80 : i32
      %mul3A_148 = arith.muli %add3A_92, %mul3A_147 : i32
      %add3A_149 = arith.addi %mul3A_2, %mul3A_148 : i32
      %dma_start3A_150 = arith.constant 0 : i32
      %dma_start3A_151 = tpu.memref_slice %arg6[%add3A_149, %dma_start3A_150] : memref<320000x128xf32, #tpu.memory_space<hbm>> -> memref<80x128xf32, #tpu.memory_space<hbm>>
      %dma_start3A_152 = arith.constant 0 : i32
      %dma_start3A_153 = tpu.memref_slice %arg6[%add3A_149, %dma_start3A_152] : memref<320000x128xf32, #tpu.memory_space<hbm>> -> memref<80x128xf32, #tpu.memory_space<hbm>>
      tpu.enqueue_dma source(%arg12 : memref<80x128xf32, #tpu.memory_space<vmem>>) target(%dma_start3A_153 : memref<80x128xf32, #tpu.memory_space<hbm>>) target_semaphore(%arg15 : memref<!tpu.dma_semaphore, #tpu.memory_space<semaphore_mem>>)
      %mul3A_154 = arith.constant 80 : i32
      %mul3A_155 = arith.muli %add3A_92, %mul3A_154 : i32
      %add3A_156 = arith.addi %mul3A_2, %mul3A_155 : i32
      %dma_start3A_157 = arith.constant 0 : i32
      %dma_start3A_158 = tpu.memref_slice %arg7[%add3A_156, %dma_start3A_157] : memref<320000x128xf32, #tpu.memory_space<hbm>> -> memref<80x128xf32, #tpu.memory_space<hbm>>
      %dma_start3A_159 = arith.constant 0 : i32
      %dma_start3A_160 = tpu.memref_slice %arg7[%add3A_156, %dma_start3A_159] : memref<320000x128xf32, #tpu.memory_space<hbm>> -> memref<80x128xf32, #tpu.memory_space<hbm>>
      tpu.enqueue_dma source(%arg13 : memref<80x128xf32, #tpu.memory_space<vmem>>) target(%dma_start3A_160 : memref<80x128xf32, #tpu.memory_space<hbm>>) target_semaphore(%arg15 : memref<!tpu.dma_semaphore, #tpu.memory_space<semaphore_mem>>)
      %dma_wait3A_161 = arith.constant 0 : i32
      %dma_wait3A_162 = tpu.memref_slice %arg6[%add3A_135, %dma_wait3A_161] : memref<320000x128xf32, #tpu.memory_space<hbm>> -> memref<80x128xf32, #tpu.memory_space<hbm>>
      %dma_wait3A_163 = arith.constant 0 : i32
      %dma_wait3A_164 = tpu.memref_slice %arg6[%add3A_135, %dma_wait3A_163] : memref<320000x128xf32, #tpu.memory_space<hbm>> -> memref<80x128xf32, #tpu.memory_space<hbm>>
      tpu.wait_dma2 semaphore(%arg15 : memref<!tpu.dma_semaphore, #tpu.memory_space<semaphore_mem>>) src(%arg10 : memref<80x128xf32, #tpu.memory_space<vmem>>) dst(%dma_wait3A_164 : memref<80x128xf32, #tpu.memory_space<hbm>>)
      %dma_wait3A_165 = arith.constant 0 : i32
      %dma_wait3A_166 = tpu.memref_slice %arg7[%add3A_142, %dma_wait3A_165] : memref<320000x128xf32, #tpu.memory_space<hbm>> -> memref<80x128xf32, #tpu.memory_space<hbm>>
      %dma_wait3A_167 = arith.constant 0 : i32
      %dma_wait3A_168 = tpu.memref_slice %arg7[%add3A_142, %dma_wait3A_167] : memref<320000x128xf32, #tpu.memory_space<hbm>> -> memref<80x128xf32, #tpu.memory_space<hbm>>
      tpu.wait_dma2 semaphore(%arg15 : memref<!tpu.dma_semaphore, #tpu.memory_space<semaphore_mem>>) src(%arg11 : memref<80x128xf32, #tpu.memory_space<vmem>>) dst(%dma_wait3A_168 : memref<80x128xf32, #tpu.memory_space<hbm>>)
      %dma_wait3A_169 = arith.constant 0 : i32
      %dma_wait3A_170 = tpu.memref_slice %arg6[%add3A_149, %dma_wait3A_169] : memref<320000x128xf32, #tpu.memory_space<hbm>> -> memref<80x128xf32, #tpu.memory_space<hbm>>
      %dma_wait3A_171 = arith.constant 0 : i32
      %dma_wait3A_172 = tpu.memref_slice %arg6[%add3A_149, %dma_wait3A_171] : memref<320000x128xf32, #tpu.memory_space<hbm>> -> memref<80x128xf32, #tpu.memory_space<hbm>>
      tpu.wait_dma2 semaphore(%arg15 : memref<!tpu.dma_semaphore, #tpu.memory_space<semaphore_mem>>) src(%arg12 : memref<80x128xf32, #tpu.memory_space<vmem>>) dst(%dma_wait3A_172 : memref<80x128xf32, #tpu.memory_space<hbm>>)
      %dma_wait3A_173 = arith.constant 0 : i32
      %dma_wait3A_174 = tpu.memref_slice %arg7[%add3A_156, %dma_wait3A_173] : memref<320000x128xf32, #tpu.memory_space<hbm>> -> memref<80x128xf32, #tpu.memory_space<hbm>>
      %dma_wait3A_175 = arith.constant 0 : i32
      %dma_wait3A_176 = tpu.memref_slice %arg7[%add3A_156, %dma_wait3A_175] : memref<320000x128xf32, #tpu.memory_space<hbm>> -> memref<80x128xf32, #tpu.memory_space<hbm>>
      tpu.wait_dma2 semaphore(%arg15 : memref<!tpu.dma_semaphore, #tpu.memory_space<semaphore_mem>>) src(%arg13 : memref<80x128xf32, #tpu.memory_space<vmem>>) dst(%dma_wait3A_176 : memref<80x128xf32, #tpu.memory_space<hbm>>)
    }
    %scan3A_7 = arith.constant 62 : i32
    %dma_start3A = arith.constant 9920 : i32
    %dma_start3A_8 = tpu.memref_slice %arg8[%dma_start3A] : memref<10000xi32, #tpu.memory_space<vmem>> -> memref<80xi32, #tpu.memory_space<vmem>>
    %dma_start3A_9 = arith.constant 0 : i32
    %dma_start3A_10 = arith.constant 0 : i32
    %dma_start3A_11 = tpu.memref_slice %arg2[%dma_start3A_9, %dma_start3A_10] : memref<10000x128xf32, #tpu.memory_space<hbm>> -> memref<10000x128xf32, #tpu.memory_space<hbm>>
    tpu.enqueue_indirect_dma source(%dma_start3A_11 : memref<10000x128xf32, #tpu.memory_space<hbm>>) target(%arg10 : memref<80x128xf32, #tpu.memory_space<vmem>>) offsets(%dma_start3A_8 : memref<80xi32, #tpu.memory_space<vmem>>) semaphore(%arg14 : memref<!tpu.dma_semaphore, #tpu.memory_space<semaphore_mem>>)
    %dma_start3A_12 = arith.constant 9920 : i32
    %dma_start3A_13 = tpu.memref_slice %arg9[%dma_start3A_12] : memref<10000xi32, #tpu.memory_space<vmem>> -> memref<80xi32, #tpu.memory_space<vmem>>
    %dma_start3A_14 = arith.constant 0 : i32
    %dma_start3A_15 = arith.constant 0 : i32
    %dma_start3A_16 = tpu.memref_slice %arg3[%dma_start3A_14, %dma_start3A_15] : memref<10000x128xf32, #tpu.memory_space<hbm>> -> memref<10000x128xf32, #tpu.memory_space<hbm>>
    tpu.enqueue_indirect_dma source(%dma_start3A_16 : memref<10000x128xf32, #tpu.memory_space<hbm>>) target(%arg11 : memref<80x128xf32, #tpu.memory_space<vmem>>) offsets(%dma_start3A_13 : memref<80xi32, #tpu.memory_space<vmem>>) semaphore(%arg14 : memref<!tpu.dma_semaphore, #tpu.memory_space<semaphore_mem>>)
    %dma_start3A_17 = arith.constant 9920 : i32
    %dma_start3A_18 = tpu.memref_slice %arg8[%dma_start3A_17] : memref<10000xi32, #tpu.memory_space<vmem>> -> memref<80xi32, #tpu.memory_space<vmem>>
    %dma_start3A_19 = arith.constant 0 : i32
    %dma_start3A_20 = arith.constant 0 : i32
    %dma_start3A_21 = tpu.memref_slice %arg2[%dma_start3A_19, %dma_start3A_20] : memref<10000x128xf32, #tpu.memory_space<hbm>> -> memref<10000x128xf32, #tpu.memory_space<hbm>>
    tpu.enqueue_indirect_dma source(%dma_start3A_21 : memref<10000x128xf32, #tpu.memory_space<hbm>>) target(%arg12 : memref<80x128xf32, #tpu.memory_space<vmem>>) offsets(%dma_start3A_18 : memref<80xi32, #tpu.memory_space<vmem>>) semaphore(%arg14 : memref<!tpu.dma_semaphore, #tpu.memory_space<semaphore_mem>>)
    %dma_start3A_22 = arith.constant 9920 : i32
    %dma_start3A_23 = tpu.memref_slice %arg9[%dma_start3A_22] : memref<10000xi32, #tpu.memory_space<vmem>> -> memref<80xi32, #tpu.memory_space<vmem>>
    %dma_start3A_24 = arith.constant 0 : i32
    %dma_start3A_25 = arith.constant 0 : i32
    %dma_start3A_26 = tpu.memref_slice %arg3[%dma_start3A_24, %dma_start3A_25] : memref<10000x128xf32, #tpu.memory_space<hbm>> -> memref<10000x128xf32, #tpu.memory_space<hbm>>
    tpu.enqueue_indirect_dma source(%dma_start3A_26 : memref<10000x128xf32, #tpu.memory_space<hbm>>) target(%arg13 : memref<80x128xf32, #tpu.memory_space<vmem>>) offsets(%dma_start3A_23 : memref<80xi32, #tpu.memory_space<vmem>>) semaphore(%arg14 : memref<!tpu.dma_semaphore, #tpu.memory_space<semaphore_mem>>)
    %dma_wait3A = arith.constant 9920 : i32
    %dma_wait3A_27 = tpu.memref_slice %arg8[%dma_wait3A] : memref<10000xi32, #tpu.memory_space<vmem>> -> memref<80xi32, #tpu.memory_space<vmem>>
    %dma_wait3A_28 = arith.constant 0 : i32
    %dma_wait3A_29 = arith.constant 0 : i32
    %dma_wait3A_30 = tpu.memref_slice %arg2[%dma_wait3A_28, %dma_wait3A_29] : memref<10000x128xf32, #tpu.memory_space<hbm>> -> memref<10000x128xf32, #tpu.memory_space<hbm>>
    tpu.wait_indirect_dma semaphore(%arg14 : memref<!tpu.dma_semaphore, #tpu.memory_space<semaphore_mem>>) src(%dma_wait3A_30 : memref<10000x128xf32, #tpu.memory_space<hbm>>) dst(%arg10 : memref<80x128xf32, #tpu.memory_space<vmem>>)
    %dma_wait3A_31 = arith.constant 9920 : i32
    %dma_wait3A_32 = tpu.memref_slice %arg9[%dma_wait3A_31] : memref<10000xi32, #tpu.memory_space<vmem>> -> memref<80xi32, #tpu.memory_space<vmem>>
    %dma_wait3A_33 = arith.constant 0 : i32
    %dma_wait3A_34 = arith.constant 0 : i32
    %dma_wait3A_35 = tpu.memref_slice %arg3[%dma_wait3A_33, %dma_wait3A_34] : memref<10000x128xf32, #tpu.memory_space<hbm>> -> memref<10000x128xf32, #tpu.memory_space<hbm>>
    tpu.wait_indirect_dma semaphore(%arg14 : memref<!tpu.dma_semaphore, #tpu.memory_space<semaphore_mem>>) src(%dma_wait3A_35 : memref<10000x128xf32, #tpu.memory_space<hbm>>) dst(%arg11 : memref<80x128xf32, #tpu.memory_space<vmem>>)
    %dma_wait3A_36 = arith.constant 9920 : i32
    %dma_wait3A_37 = tpu.memref_slice %arg8[%dma_wait3A_36] : memref<10000xi32, #tpu.memory_space<vmem>> -> memref<80xi32, #tpu.memory_space<vmem>>
    %dma_wait3A_38 = arith.constant 0 : i32
    %dma_wait3A_39 = arith.constant 0 : i32
    %dma_wait3A_40 = tpu.memref_slice %arg2[%dma_wait3A_38, %dma_wait3A_39] : memref<10000x128xf32, #tpu.memory_space<hbm>> -> memref<10000x128xf32, #tpu.memory_space<hbm>>
    tpu.wait_indirect_dma semaphore(%arg14 : memref<!tpu.dma_semaphore, #tpu.memory_space<semaphore_mem>>) src(%dma_wait3A_40 : memref<10000x128xf32, #tpu.memory_space<hbm>>) dst(%arg12 : memref<80x128xf32, #tpu.memory_space<vmem>>)
    %dma_wait3A_41 = arith.constant 9920 : i32
    %dma_wait3A_42 = tpu.memref_slice %arg9[%dma_wait3A_41] : memref<10000xi32, #tpu.memory_space<vmem>> -> memref<80xi32, #tpu.memory_space<vmem>>
    %dma_wait3A_43 = arith.constant 0 : i32
    %dma_wait3A_44 = arith.constant 0 : i32
    %dma_wait3A_45 = tpu.memref_slice %arg3[%dma_wait3A_43, %dma_wait3A_44] : memref<10000x128xf32, #tpu.memory_space<hbm>> -> memref<10000x128xf32, #tpu.memory_space<hbm>>
    tpu.wait_indirect_dma semaphore(%arg14 : memref<!tpu.dma_semaphore, #tpu.memory_space<semaphore_mem>>) src(%dma_wait3A_45 : memref<10000x128xf32, #tpu.memory_space<hbm>>) dst(%arg13 : memref<80x128xf32, #tpu.memory_space<vmem>>)
    %add3A_46 = arith.constant 9920 : i32
    %add3A_47 = arith.addi %mul3A_2, %add3A_46 : i32
    %dma_start3A_48 = arith.constant 0 : i32
    %dma_start3A_49 = tpu.memref_slice %arg6[%add3A_47, %dma_start3A_48] : memref<320000x128xf32, #tpu.memory_space<hbm>> -> memref<80x128xf32, #tpu.memory_space<hbm>>
    %dma_start3A_50 = arith.constant 0 : i32
    %dma_start3A_51 = tpu.memref_slice %arg6[%add3A_47, %dma_start3A_50] : memref<320000x128xf32, #tpu.memory_space<hbm>> -> memref<80x128xf32, #tpu.memory_space<hbm>>
    tpu.enqueue_dma source(%arg10 : memref<80x128xf32, #tpu.memory_space<vmem>>) target(%dma_start3A_51 : memref<80x128xf32, #tpu.memory_space<hbm>>) target_semaphore(%arg15 : memref<!tpu.dma_semaphore, #tpu.memory_space<semaphore_mem>>)
    %add3A_52 = arith.constant 9920 : i32
    %add3A_53 = arith.addi %mul3A_2, %add3A_52 : i32
    %dma_start3A_54 = arith.constant 0 : i32
    %dma_start3A_55 = tpu.memref_slice %arg7[%add3A_53, %dma_start3A_54] : memref<320000x128xf32, #tpu.memory_space<hbm>> -> memref<80x128xf32, #tpu.memory_space<hbm>>
    %dma_start3A_56 = arith.constant 0 : i32
    %dma_start3A_57 = tpu.memref_slice %arg7[%add3A_53, %dma_start3A_56] : memref<320000x128xf32, #tpu.memory_space<hbm>> -> memref<80x128xf32, #tpu.memory_space<hbm>>
    tpu.enqueue_dma source(%arg11 : memref<80x128xf32, #tpu.memory_space<vmem>>) target(%dma_start3A_57 : memref<80x128xf32, #tpu.memory_space<hbm>>) target_semaphore(%arg15 : memref<!tpu.dma_semaphore, #tpu.memory_space<semaphore_mem>>)
    %add3A_58 = arith.constant 9920 : i32
    %add3A_59 = arith.addi %mul3A_2, %add3A_58 : i32
    %dma_start3A_60 = arith.constant 0 : i32
    %dma_start3A_61 = tpu.memref_slice %arg6[%add3A_59, %dma_start3A_60] : memref<320000x128xf32, #tpu.memory_space<hbm>> -> memref<80x128xf32, #tpu.memory_space<hbm>>
    %dma_start3A_62 = arith.constant 0 : i32
    %dma_start3A_63 = tpu.memref_slice %arg6[%add3A_59, %dma_start3A_62] : memref<320000x128xf32, #tpu.memory_space<hbm>> -> memref<80x128xf32, #tpu.memory_space<hbm>>
    tpu.enqueue_dma source(%arg12 : memref<80x128xf32, #tpu.memory_space<vmem>>) target(%dma_start3A_63 : memref<80x128xf32, #tpu.memory_space<hbm>>) target_semaphore(%arg15 : memref<!tpu.dma_semaphore, #tpu.memory_space<semaphore_mem>>)
    %add3A_64 = arith.constant 9920 : i32
    %add3A_65 = arith.addi %mul3A_2, %add3A_64 : i32
    %dma_start3A_66 = arith.constant 0 : i32
    %dma_start3A_67 = tpu.memref_slice %arg7[%add3A_65, %dma_start3A_66] : memref<320000x128xf32, #tpu.memory_space<hbm>> -> memref<80x128xf32, #tpu.memory_space<hbm>>
    %dma_start3A_68 = arith.constant 0 : i32
    %dma_start3A_69 = tpu.memref_slice %arg7[%add3A_65, %dma_start3A_68] : memref<320000x128xf32, #tpu.memory_space<hbm>> -> memref<80x128xf32, #tpu.memory_space<hbm>>
    tpu.enqueue_dma source(%arg13 : memref<80x128xf32, #tpu.memory_space<vmem>>) target(%dma_start3A_69 : memref<80x128xf32, #tpu.memory_space<hbm>>) target_semaphore(%arg15 : memref<!tpu.dma_semaphore, #tpu.memory_space<semaphore_mem>>)
    %dma_wait3A_70 = arith.constant 0 : i32
    %dma_wait3A_71 = tpu.memref_slice %arg6[%add3A_47, %dma_wait3A_70] : memref<320000x128xf32, #tpu.memory_space<hbm>> -> memref<80x128xf32, #tpu.memory_space<hbm>>
    %dma_wait3A_72 = arith.constant 0 : i32
    %dma_wait3A_73 = tpu.memref_slice %arg6[%add3A_47, %dma_wait3A_72] : memref<320000x128xf32, #tpu.memory_space<hbm>> -> memref<80x128xf32, #tpu.memory_space<hbm>>
    tpu.wait_dma2 semaphore(%arg15 : memref<!tpu.dma_semaphore, #tpu.memory_space<semaphore_mem>>) src(%arg10 : memref<80x128xf32, #tpu.memory_space<vmem>>) dst(%dma_wait3A_73 : memref<80x128xf32, #tpu.memory_space<hbm>>)
    %dma_wait3A_74 = arith.constant 0 : i32
    %dma_wait3A_75 = tpu.memref_slice %arg7[%add3A_53, %dma_wait3A_74] : memref<320000x128xf32, #tpu.memory_space<hbm>> -> memref<80x128xf32, #tpu.memory_space<hbm>>
    %dma_wait3A_76 = arith.constant 0 : i32
    %dma_wait3A_77 = tpu.memref_slice %arg7[%add3A_53, %dma_wait3A_76] : memref<320000x128xf32, #tpu.memory_space<hbm>> -> memref<80x128xf32, #tpu.memory_space<hbm>>
    tpu.wait_dma2 semaphore(%arg15 : memref<!tpu.dma_semaphore, #tpu.memory_space<semaphore_mem>>) src(%arg11 : memref<80x128xf32, #tpu.memory_space<vmem>>) dst(%dma_wait3A_77 : memref<80x128xf32, #tpu.memory_space<hbm>>)
    %dma_wait3A_78 = arith.constant 0 : i32
    %dma_wait3A_79 = tpu.memref_slice %arg6[%add3A_59, %dma_wait3A_78] : memref<320000x128xf32, #tpu.memory_space<hbm>> -> memref<80x128xf32, #tpu.memory_space<hbm>>
    %dma_wait3A_80 = arith.constant 0 : i32
    %dma_wait3A_81 = tpu.memref_slice %arg6[%add3A_59, %dma_wait3A_80] : memref<320000x128xf32, #tpu.memory_space<hbm>> -> memref<80x128xf32, #tpu.memory_space<hbm>>
    tpu.wait_dma2 semaphore(%arg15 : memref<!tpu.dma_semaphore, #tpu.memory_space<semaphore_mem>>) src(%arg12 : memref<80x128xf32, #tpu.memory_space<vmem>>) dst(%dma_wait3A_81 : memref<80x128xf32, #tpu.memory_space<hbm>>)
    %dma_wait3A_82 = arith.constant 0 : i32
    %dma_wait3A_83 = tpu.memref_slice %arg7[%add3A_65, %dma_wait3A_82] : memref<320000x128xf32, #tpu.memory_space<hbm>> -> memref<80x128xf32, #tpu.memory_space<hbm>>
    %dma_wait3A_84 = arith.constant 0 : i32
    %dma_wait3A_85 = tpu.memref_slice %arg7[%add3A_65, %dma_wait3A_84] : memref<320000x128xf32, #tpu.memory_space<hbm>> -> memref<80x128xf32, #tpu.memory_space<hbm>>
    tpu.wait_dma2 semaphore(%arg15 : memref<!tpu.dma_semaphore, #tpu.memory_space<semaphore_mem>>) src(%arg13 : memref<80x128xf32, #tpu.memory_space<vmem>>) dst(%dma_wait3A_85 : memref<80x128xf32, #tpu.memory_space<hbm>>)
    return
  }
}

#map = affine_map<(d0, d1) -> (0, 0)>
#map1 = affine_map<(d0, d1) -> (0, 0, 0)>
module attributes {stable_mosaic.version = 14 : i64} {
  func.func @body_fn(%arg0: i32, %arg1: i32, %arg2: memref<320000x128xf32, #tpu.memory_space<hbm>>, %arg3: memref<32x125x80xi32, #tpu.memory_space<hbm>>, %arg4: memref<632x128xf32, #tpu.memory_space<hbm>>, %arg5: memref<2x10000x128xf32, #tpu.memory_space<hbm>>, %arg6: memref<125x80xi32, #tpu.memory_space<vmem>>, %arg7: memref<80x128xf32, #tpu.memory_space<vmem>>, %arg8: memref<80x128xf32, #tpu.memory_space<vmem>>, %arg9: memref<10000x128xf32, #tpu.memory_space<vmem_shared>>, %arg10: memref<!tpu.dma_semaphore, #tpu.memory_space<semaphore_mem>>) attributes {dimension_semantics = [#tpu.dimension_semantics<core_parallel>, #tpu.dimension_semantics<subcore_parallel>], iteration_bounds = array<i64: 2, 16>, scalar_prefetch = 0 : i64, scratch_operands = 5 : i64, tpu.core_type = #tpu.core_type<sc_vector_subcore>, window_params = [{transform_indices = #map}, {transform_indices = #map1}, {transform_indices = #map}, {transform_indices = #map1}]} {
    %mul3A = arith.constant 2 : i32
    %mul3A_0 = arith.muli %arg1, %mul3A : i32
    %add3A = arith.addi %mul3A_0, %arg0 : i32
    %mul3A_1 = arith.constant 10000 : i32
    %mul3A_2 = arith.muli %add3A, %mul3A_1 : i32
    %mul3A_3 = arith.constant 632 : i32
    %mul3A_4 = arith.muli %arg1, %mul3A_3 : i32
    %lt3A = arith.constant 15 : i32
    %lt3A_5 = arith.cmpi slt, %arg1, %lt3A : i32
    %convert_element_type3A = arith.extui %lt3A_5 : i1 to i32
    %cond3A = arith.constant 0 : i32
    %cond3A_6 = arith.cmpi ne, %convert_element_type3A, %cond3A : i32
    scf.if %cond3A_6 {
      "tpu.region"() ({
        %run_scoped3A_35 = tpu.sem_alloc : memref<!tpu.dma_semaphore, #tpu.memory_space<semaphore_mem>>
        %dma_start3A_36 = arith.constant 0 : i32
        %dma_start3A_37 = tpu.memref_slice %arg9[%mul3A_4, %dma_start3A_36] : memref<10000x128xf32, #tpu.memory_space<vmem_shared>> -> memref<632x128xf32, #tpu.memory_space<vmem_shared>>
        tpu.enqueue_dma source(%arg4 : memref<632x128xf32, #tpu.memory_space<hbm>>) target(%dma_start3A_37 : memref<632x128xf32, #tpu.memory_space<vmem_shared>>) target_semaphore(%run_scoped3A_35 : memref<!tpu.dma_semaphore, #tpu.memory_space<semaphore_mem>>)
        %dma_wait3A_38 = arith.constant 0 : i32
        %dma_wait3A_39 = tpu.memref_slice %arg9[%mul3A_4, %dma_wait3A_38] : memref<10000x128xf32, #tpu.memory_space<vmem_shared>> -> memref<632x128xf32, #tpu.memory_space<vmem_shared>>
        tpu.wait_dma2 semaphore(%run_scoped3A_35 : memref<!tpu.dma_semaphore, #tpu.memory_space<semaphore_mem>>) src(%arg4 : memref<632x128xf32, #tpu.memory_space<hbm>>) dst(%dma_wait3A_39 : memref<632x128xf32, #tpu.memory_space<vmem_shared>>)
        tpu.yield
      }) : () -> ()
    } else {
    }
    %eq3A = arith.constant 15 : i32
    %eq3A_7 = arith.cmpi eq, %arg1, %eq3A : i32
    %convert_element_type3A_8 = arith.extui %eq3A_7 : i1 to i32
    %cond3A_9 = arith.constant 0 : i32
    %cond3A_10 = arith.cmpi ne, %convert_element_type3A_8, %cond3A_9 : i32
    scf.if %cond3A_10 {
      "tpu.region"() ({
        %run_scoped3A_35 = tpu.sem_alloc : memref<!tpu.dma_semaphore, #tpu.memory_space<semaphore_mem>>
        %dma_start3A_36 = arith.constant 9480 : i32
        %dma_start3A_37 = arith.constant 0 : i32
        %dma_start3A_38 = tpu.memref_slice %arg9[%dma_start3A_36, %dma_start3A_37] : memref<10000x128xf32, #tpu.memory_space<vmem_shared>> -> memref<520x128xf32, #tpu.memory_space<vmem_shared>>
        %dma_start3A_39 = arith.constant 0 : i32
        %dma_start3A_40 = arith.constant 0 : i32
        %dma_start3A_41 = tpu.memref_slice %arg4[%dma_start3A_39, %dma_start3A_40] : memref<632x128xf32, #tpu.memory_space<hbm>> -> memref<520x128xf32, #tpu.memory_space<hbm>>
        tpu.enqueue_dma source(%dma_start3A_41 : memref<520x128xf32, #tpu.memory_space<hbm>>) target(%dma_start3A_38 : memref<520x128xf32, #tpu.memory_space<vmem_shared>>) target_semaphore(%run_scoped3A_35 : memref<!tpu.dma_semaphore, #tpu.memory_space<semaphore_mem>>)
        %dma_wait3A_42 = arith.constant 9480 : i32
        %dma_wait3A_43 = arith.constant 0 : i32
        %dma_wait3A_44 = tpu.memref_slice %arg9[%dma_wait3A_42, %dma_wait3A_43] : memref<10000x128xf32, #tpu.memory_space<vmem_shared>> -> memref<520x128xf32, #tpu.memory_space<vmem_shared>>
        %dma_wait3A_45 = arith.constant 0 : i32
        %dma_wait3A_46 = arith.constant 0 : i32
        %dma_wait3A_47 = tpu.memref_slice %arg4[%dma_wait3A_45, %dma_wait3A_46] : memref<632x128xf32, #tpu.memory_space<hbm>> -> memref<520x128xf32, #tpu.memory_space<hbm>>
        tpu.wait_dma2 semaphore(%run_scoped3A_35 : memref<!tpu.dma_semaphore, #tpu.memory_space<semaphore_mem>>) src(%dma_wait3A_47 : memref<520x128xf32, #tpu.memory_space<hbm>>) dst(%dma_wait3A_44 : memref<520x128xf32, #tpu.memory_space<vmem_shared>>)
        tpu.yield
      }) : () -> ()
    } else {
    }
    "tpu.region"() ({
      %run_scoped3A_35 = tpu.sem_alloc : memref<!tpu.dma_semaphore, #tpu.memory_space<semaphore_mem>>
      %dma_start3A_36 = arith.constant 0 : i32
      %dma_start3A_37 = arith.constant 0 : i32
      %dma_start3A_38 = tpu.memref_slice %arg3[%add3A, %dma_start3A_36, %dma_start3A_37] : memref<32x125x80xi32, #tpu.memory_space<hbm>> -> memref<1x125x80xi32, #tpu.memory_space<hbm>>
      %dma_start3A_39 = tpu.memref_squeeze %dma_start3A_38 : memref<1x125x80xi32, #tpu.memory_space<hbm>> -> memref<125x80xi32, #tpu.memory_space<hbm>>
      %dma_start3A_40 = arith.constant 0 : i32
      %dma_start3A_41 = arith.constant 0 : i32
      %dma_start3A_42 = tpu.memref_slice %arg3[%add3A, %dma_start3A_40, %dma_start3A_41] : memref<32x125x80xi32, #tpu.memory_space<hbm>> -> memref<1x125x80xi32, #tpu.memory_space<hbm>>
      %dma_start3A_43 = tpu.memref_squeeze %dma_start3A_42 : memref<1x125x80xi32, #tpu.memory_space<hbm>> -> memref<125x80xi32, #tpu.memory_space<hbm>>
      tpu.enqueue_dma source(%dma_start3A_43 : memref<125x80xi32, #tpu.memory_space<hbm>>) target(%arg6 : memref<125x80xi32, #tpu.memory_space<vmem>>) target_semaphore(%run_scoped3A_35 : memref<!tpu.dma_semaphore, #tpu.memory_space<semaphore_mem>>)
      %dma_wait3A_44 = arith.constant 0 : i32
      %dma_wait3A_45 = arith.constant 0 : i32
      %dma_wait3A_46 = tpu.memref_slice %arg3[%add3A, %dma_wait3A_44, %dma_wait3A_45] : memref<32x125x80xi32, #tpu.memory_space<hbm>> -> memref<1x125x80xi32, #tpu.memory_space<hbm>>
      %dma_wait3A_47 = tpu.memref_squeeze %dma_wait3A_46 : memref<1x125x80xi32, #tpu.memory_space<hbm>> -> memref<125x80xi32, #tpu.memory_space<hbm>>
      %dma_wait3A_48 = arith.constant 0 : i32
      %dma_wait3A_49 = arith.constant 0 : i32
      %dma_wait3A_50 = tpu.memref_slice %arg3[%add3A, %dma_wait3A_48, %dma_wait3A_49] : memref<32x125x80xi32, #tpu.memory_space<hbm>> -> memref<1x125x80xi32, #tpu.memory_space<hbm>>
      %dma_wait3A_51 = tpu.memref_squeeze %dma_wait3A_50 : memref<1x125x80xi32, #tpu.memory_space<hbm>> -> memref<125x80xi32, #tpu.memory_space<hbm>>
      tpu.wait_dma2 semaphore(%run_scoped3A_35 : memref<!tpu.dma_semaphore, #tpu.memory_space<semaphore_mem>>) src(%dma_wait3A_51 : memref<125x80xi32, #tpu.memory_space<hbm>>) dst(%arg6 : memref<125x80xi32, #tpu.memory_space<vmem>>)
      tpu.yield
    }) : () -> ()
    %barrier3A = arith.constant 0 : index
    tpu.barrier barrier_id(%barrier3A)
    %scan3A = arith.constant 0 : i32
    %scan3A_11 = arith.constant 0 : i32
    %scan3A_12 = arith.constant 62 : i32
    %scan3A_13 = arith.addi %scan3A_11, %scan3A_12 : i32
    %scan3A_14 = arith.constant 1 : i32
    scf.for %scan3A_35 = %scan3A_11 to %scan3A_13 step %scan3A_14  : i32 {
      %mul3A_36 = arith.constant 2 : i32
      %mul3A_37 = arith.muli %scan3A_35, %mul3A_36 : i32
      %mul3A_38 = arith.constant 2 : i32
      %mul3A_39 = arith.muli %scan3A_35, %mul3A_38 : i32
      %add3A_40 = arith.constant 1 : i32
      %add3A_41 = arith.addi %mul3A_39, %add3A_40 : i32
      %mul3A_42 = arith.constant 80 : i32
      %mul3A_43 = arith.muli %mul3A_37, %mul3A_42 : i32
      %add3A_44 = arith.addi %mul3A_2, %mul3A_43 : i32
      %dma_start3A_45 = arith.constant 0 : i32
      %dma_start3A_46 = tpu.memref_slice %arg2[%add3A_44, %dma_start3A_45] : memref<320000x128xf32, #tpu.memory_space<hbm>> -> memref<80x128xf32, #tpu.memory_space<hbm>>
      %dma_start3A_47 = arith.constant 0 : i32
      %dma_start3A_48 = tpu.memref_slice %arg2[%add3A_44, %dma_start3A_47] : memref<320000x128xf32, #tpu.memory_space<hbm>> -> memref<80x128xf32, #tpu.memory_space<hbm>>
      tpu.enqueue_dma source(%dma_start3A_48 : memref<80x128xf32, #tpu.memory_space<hbm>>) target(%arg7 : memref<80x128xf32, #tpu.memory_space<vmem>>) target_semaphore(%arg10 : memref<!tpu.dma_semaphore, #tpu.memory_space<semaphore_mem>>)
      %mul3A_49 = arith.constant 80 : i32
      %mul3A_50 = arith.muli %add3A_41, %mul3A_49 : i32
      %add3A_51 = arith.addi %mul3A_2, %mul3A_50 : i32
      %dma_start3A_52 = arith.constant 0 : i32
      %dma_start3A_53 = tpu.memref_slice %arg2[%add3A_51, %dma_start3A_52] : memref<320000x128xf32, #tpu.memory_space<hbm>> -> memref<80x128xf32, #tpu.memory_space<hbm>>
      %dma_start3A_54 = arith.constant 0 : i32
      %dma_start3A_55 = tpu.memref_slice %arg2[%add3A_51, %dma_start3A_54] : memref<320000x128xf32, #tpu.memory_space<hbm>> -> memref<80x128xf32, #tpu.memory_space<hbm>>
      tpu.enqueue_dma source(%dma_start3A_55 : memref<80x128xf32, #tpu.memory_space<hbm>>) target(%arg8 : memref<80x128xf32, #tpu.memory_space<vmem>>) target_semaphore(%arg10 : memref<!tpu.dma_semaphore, #tpu.memory_space<semaphore_mem>>)
      %dma_wait3A_56 = arith.constant 0 : i32
      %dma_wait3A_57 = tpu.memref_slice %arg2[%add3A_44, %dma_wait3A_56] : memref<320000x128xf32, #tpu.memory_space<hbm>> -> memref<80x128xf32, #tpu.memory_space<hbm>>
      %dma_wait3A_58 = arith.constant 0 : i32
      %dma_wait3A_59 = tpu.memref_slice %arg2[%add3A_44, %dma_wait3A_58] : memref<320000x128xf32, #tpu.memory_space<hbm>> -> memref<80x128xf32, #tpu.memory_space<hbm>>
      tpu.wait_dma2 semaphore(%arg10 : memref<!tpu.dma_semaphore, #tpu.memory_space<semaphore_mem>>) src(%dma_wait3A_59 : memref<80x128xf32, #tpu.memory_space<hbm>>) dst(%arg7 : memref<80x128xf32, #tpu.memory_space<vmem>>)
      "tpu.region"() ({
        %run_scoped3A_64 = tpu.sem_alloc : memref<!tpu.dma_semaphore, #tpu.memory_space<semaphore_mem>>
        %dma_start3A_65 = arith.constant 0 : i32
        %dma_start3A_66 = tpu.memref_slice %arg6[%mul3A_37, %dma_start3A_65] : memref<125x80xi32, #tpu.memory_space<vmem>> -> memref<1x80xi32, #tpu.memory_space<vmem>>
        %dma_start3A_67 = tpu.memref_squeeze %dma_start3A_66 : memref<1x80xi32, #tpu.memory_space<vmem>> -> memref<80xi32, #tpu.memory_space<vmem>>
        %dma_start3A_68 = arith.constant 0 : i32
        %dma_start3A_69 = arith.constant 0 : i32
        %dma_start3A_70 = tpu.memref_slice %arg9[%dma_start3A_68, %dma_start3A_69] : memref<10000x128xf32, #tpu.memory_space<vmem_shared>> -> memref<10000x128xf32, #tpu.memory_space<vmem_shared>>
        tpu.enqueue_indirect_dma source(%arg7 : memref<80x128xf32, #tpu.memory_space<vmem>>) target(%dma_start3A_70 : memref<10000x128xf32, #tpu.memory_space<vmem_shared>>) offsets(%dma_start3A_67 : memref<80xi32, #tpu.memory_space<vmem>>) semaphore(%run_scoped3A_64 : memref<!tpu.dma_semaphore, #tpu.memory_space<semaphore_mem>>) {add = true}
        %dma_wait3A_71 = arith.constant 0 : i32
        %dma_wait3A_72 = tpu.memref_slice %arg6[%mul3A_37, %dma_wait3A_71] : memref<125x80xi32, #tpu.memory_space<vmem>> -> memref<1x80xi32, #tpu.memory_space<vmem>>
        %dma_wait3A_73 = tpu.memref_squeeze %dma_wait3A_72 : memref<1x80xi32, #tpu.memory_space<vmem>> -> memref<80xi32, #tpu.memory_space<vmem>>
        %dma_wait3A_74 = arith.constant 0 : i32
        %dma_wait3A_75 = arith.constant 0 : i32
        %dma_wait3A_76 = tpu.memref_slice %arg9[%dma_wait3A_74, %dma_wait3A_75] : memref<10000x128xf32, #tpu.memory_space<vmem_shared>> -> memref<10000x128xf32, #tpu.memory_space<vmem_shared>>
        tpu.wait_indirect_dma semaphore(%run_scoped3A_64 : memref<!tpu.dma_semaphore, #tpu.memory_space<semaphore_mem>>) src(%arg7 : memref<80x128xf32, #tpu.memory_space<vmem>>) dst(%dma_wait3A_76 : memref<10000x128xf32, #tpu.memory_space<vmem_shared>>)
        tpu.yield
      }) : () -> ()
      %dma_wait3A_60 = arith.constant 0 : i32
      %dma_wait3A_61 = tpu.memref_slice %arg2[%add3A_51, %dma_wait3A_60] : memref<320000x128xf32, #tpu.memory_space<hbm>> -> memref<80x128xf32, #tpu.memory_space<hbm>>
      %dma_wait3A_62 = arith.constant 0 : i32
      %dma_wait3A_63 = tpu.memref_slice %arg2[%add3A_51, %dma_wait3A_62] : memref<320000x128xf32, #tpu.memory_space<hbm>> -> memref<80x128xf32, #tpu.memory_space<hbm>>
      tpu.wait_dma2 semaphore(%arg10 : memref<!tpu.dma_semaphore, #tpu.memory_space<semaphore_mem>>) src(%dma_wait3A_63 : memref<80x128xf32, #tpu.memory_space<hbm>>) dst(%arg8 : memref<80x128xf32, #tpu.memory_space<vmem>>)
      "tpu.region"() ({
        %run_scoped3A_64 = tpu.sem_alloc : memref<!tpu.dma_semaphore, #tpu.memory_space<semaphore_mem>>
        %dma_start3A_65 = arith.constant 0 : i32
        %dma_start3A_66 = tpu.memref_slice %arg6[%add3A_41, %dma_start3A_65] : memref<125x80xi32, #tpu.memory_space<vmem>> -> memref<1x80xi32, #tpu.memory_space<vmem>>
        %dma_start3A_67 = tpu.memref_squeeze %dma_start3A_66 : memref<1x80xi32, #tpu.memory_space<vmem>> -> memref<80xi32, #tpu.memory_space<vmem>>
        %dma_start3A_68 = arith.constant 0 : i32
        %dma_start3A_69 = arith.constant 0 : i32
        %dma_start3A_70 = tpu.memref_slice %arg9[%dma_start3A_68, %dma_start3A_69] : memref<10000x128xf32, #tpu.memory_space<vmem_shared>> -> memref<10000x128xf32, #tpu.memory_space<vmem_shared>>
        tpu.enqueue_indirect_dma source(%arg8 : memref<80x128xf32, #tpu.memory_space<vmem>>) target(%dma_start3A_70 : memref<10000x128xf32, #tpu.memory_space<vmem_shared>>) offsets(%dma_start3A_67 : memref<80xi32, #tpu.memory_space<vmem>>) semaphore(%run_scoped3A_64 : memref<!tpu.dma_semaphore, #tpu.memory_space<semaphore_mem>>) {add = true}
        %dma_wait3A_71 = arith.constant 0 : i32
        %dma_wait3A_72 = tpu.memref_slice %arg6[%add3A_41, %dma_wait3A_71] : memref<125x80xi32, #tpu.memory_space<vmem>> -> memref<1x80xi32, #tpu.memory_space<vmem>>
        %dma_wait3A_73 = tpu.memref_squeeze %dma_wait3A_72 : memref<1x80xi32, #tpu.memory_space<vmem>> -> memref<80xi32, #tpu.memory_space<vmem>>
        %dma_wait3A_74 = arith.constant 0 : i32
        %dma_wait3A_75 = arith.constant 0 : i32
        %dma_wait3A_76 = tpu.memref_slice %arg9[%dma_wait3A_74, %dma_wait3A_75] : memref<10000x128xf32, #tpu.memory_space<vmem_shared>> -> memref<10000x128xf32, #tpu.memory_space<vmem_shared>>
        tpu.wait_indirect_dma semaphore(%run_scoped3A_64 : memref<!tpu.dma_semaphore, #tpu.memory_space<semaphore_mem>>) src(%arg8 : memref<80x128xf32, #tpu.memory_space<vmem>>) dst(%dma_wait3A_76 : memref<10000x128xf32, #tpu.memory_space<vmem_shared>>)
        tpu.yield
      }) : () -> ()
    }
    %scan3A_15 = arith.constant 62 : i32
    %add3A_16 = arith.constant 9920 : i32
    %add3A_17 = arith.addi %mul3A_2, %add3A_16 : i32
    %dma_start3A = arith.constant 0 : i32
    %dma_start3A_18 = tpu.memref_slice %arg2[%add3A_17, %dma_start3A] : memref<320000x128xf32, #tpu.memory_space<hbm>> -> memref<80x128xf32, #tpu.memory_space<hbm>>
    %dma_start3A_19 = arith.constant 0 : i32
    %dma_start3A_20 = tpu.memref_slice %arg2[%add3A_17, %dma_start3A_19] : memref<320000x128xf32, #tpu.memory_space<hbm>> -> memref<80x128xf32, #tpu.memory_space<hbm>>
    tpu.enqueue_dma source(%dma_start3A_20 : memref<80x128xf32, #tpu.memory_space<hbm>>) target(%arg7 : memref<80x128xf32, #tpu.memory_space<vmem>>) target_semaphore(%arg10 : memref<!tpu.dma_semaphore, #tpu.memory_space<semaphore_mem>>)
    %dma_wait3A = arith.constant 0 : i32
    %dma_wait3A_21 = tpu.memref_slice %arg2[%add3A_17, %dma_wait3A] : memref<320000x128xf32, #tpu.memory_space<hbm>> -> memref<80x128xf32, #tpu.memory_space<hbm>>
    %dma_wait3A_22 = arith.constant 0 : i32
    %dma_wait3A_23 = tpu.memref_slice %arg2[%add3A_17, %dma_wait3A_22] : memref<320000x128xf32, #tpu.memory_space<hbm>> -> memref<80x128xf32, #tpu.memory_space<hbm>>
    tpu.wait_dma2 semaphore(%arg10 : memref<!tpu.dma_semaphore, #tpu.memory_space<semaphore_mem>>) src(%dma_wait3A_23 : memref<80x128xf32, #tpu.memory_space<hbm>>) dst(%arg7 : memref<80x128xf32, #tpu.memory_space<vmem>>)
    %run_scoped3A = arith.constant 124 : i32
    "tpu.region"() ({
      %run_scoped3A_35 = tpu.sem_alloc : memref<!tpu.dma_semaphore, #tpu.memory_space<semaphore_mem>>
      %dma_start3A_36 = arith.constant 0 : i32
      %dma_start3A_37 = tpu.memref_slice %arg6[%run_scoped3A, %dma_start3A_36] : memref<125x80xi32, #tpu.memory_space<vmem>> -> memref<1x80xi32, #tpu.memory_space<vmem>>
      %dma_start3A_38 = tpu.memref_squeeze %dma_start3A_37 : memref<1x80xi32, #tpu.memory_space<vmem>> -> memref<80xi32, #tpu.memory_space<vmem>>
      %dma_start3A_39 = arith.constant 0 : i32
      %dma_start3A_40 = arith.constant 0 : i32
      %dma_start3A_41 = tpu.memref_slice %arg9[%dma_start3A_39, %dma_start3A_40] : memref<10000x128xf32, #tpu.memory_space<vmem_shared>> -> memref<10000x128xf32, #tpu.memory_space<vmem_shared>>
      tpu.enqueue_indirect_dma source(%arg7 : memref<80x128xf32, #tpu.memory_space<vmem>>) target(%dma_start3A_41 : memref<10000x128xf32, #tpu.memory_space<vmem_shared>>) offsets(%dma_start3A_38 : memref<80xi32, #tpu.memory_space<vmem>>) semaphore(%run_scoped3A_35 : memref<!tpu.dma_semaphore, #tpu.memory_space<semaphore_mem>>) {add = true}
      %dma_wait3A_42 = arith.constant 0 : i32
      %dma_wait3A_43 = tpu.memref_slice %arg6[%run_scoped3A, %dma_wait3A_42] : memref<125x80xi32, #tpu.memory_space<vmem>> -> memref<1x80xi32, #tpu.memory_space<vmem>>
      %dma_wait3A_44 = tpu.memref_squeeze %dma_wait3A_43 : memref<1x80xi32, #tpu.memory_space<vmem>> -> memref<80xi32, #tpu.memory_space<vmem>>
      %dma_wait3A_45 = arith.constant 0 : i32
      %dma_wait3A_46 = arith.constant 0 : i32
      %dma_wait3A_47 = tpu.memref_slice %arg9[%dma_wait3A_45, %dma_wait3A_46] : memref<10000x128xf32, #tpu.memory_space<vmem_shared>> -> memref<10000x128xf32, #tpu.memory_space<vmem_shared>>
      tpu.wait_indirect_dma semaphore(%run_scoped3A_35 : memref<!tpu.dma_semaphore, #tpu.memory_space<semaphore_mem>>) src(%arg7 : memref<80x128xf32, #tpu.memory_space<vmem>>) dst(%dma_wait3A_47 : memref<10000x128xf32, #tpu.memory_space<vmem_shared>>)
      tpu.yield
    }) : () -> ()
    %barrier3A_24 = arith.constant 0 : index
    tpu.barrier barrier_id(%barrier3A_24)
    %lt3A_25 = arith.constant 15 : i32
    %lt3A_26 = arith.cmpi slt, %arg1, %lt3A_25 : i32
    %convert_element_type3A_27 = arith.extui %lt3A_26 : i1 to i32
    %cond3A_28 = arith.constant 0 : i32
    %cond3A_29 = arith.cmpi ne, %convert_element_type3A_27, %cond3A_28 : i32
    scf.if %cond3A_29 {
      "tpu.region"() ({
        %run_scoped3A_35 = tpu.sem_alloc : memref<!tpu.dma_semaphore, #tpu.memory_space<semaphore_mem>>
        %dma_start3A_36 = arith.constant 0 : i32
        %dma_start3A_37 = tpu.memref_slice %arg5[%arg0, %mul3A_4, %dma_start3A_36] : memref<2x10000x128xf32, #tpu.memory_space<hbm>> -> memref<1x632x128xf32, #tpu.memory_space<hbm>>
        %dma_start3A_38 = tpu.memref_squeeze %dma_start3A_37 : memref<1x632x128xf32, #tpu.memory_space<hbm>> -> memref<632x128xf32, #tpu.memory_space<hbm>>
        %dma_start3A_39 = arith.constant 0 : i32
        %dma_start3A_40 = tpu.memref_slice %arg9[%mul3A_4, %dma_start3A_39] : memref<10000x128xf32, #tpu.memory_space<vmem_shared>> -> memref<632x128xf32, #tpu.memory_space<vmem_shared>>
        tpu.enqueue_dma source(%dma_start3A_40 : memref<632x128xf32, #tpu.memory_space<vmem_shared>>) target(%dma_start3A_38 : memref<632x128xf32, #tpu.memory_space<hbm>>) target_semaphore(%run_scoped3A_35 : memref<!tpu.dma_semaphore, #tpu.memory_space<semaphore_mem>>)
        %dma_wait3A_41 = arith.constant 0 : i32
        %dma_wait3A_42 = tpu.memref_slice %arg5[%arg0, %mul3A_4, %dma_wait3A_41] : memref<2x10000x128xf32, #tpu.memory_space<hbm>> -> memref<1x632x128xf32, #tpu.memory_space<hbm>>
        %dma_wait3A_43 = tpu.memref_squeeze %dma_wait3A_42 : memref<1x632x128xf32, #tpu.memory_space<hbm>> -> memref<632x128xf32, #tpu.memory_space<hbm>>
        %dma_wait3A_44 = arith.constant 0 : i32
        %dma_wait3A_45 = tpu.memref_slice %arg9[%mul3A_4, %dma_wait3A_44] : memref<10000x128xf32, #tpu.memory_space<vmem_shared>> -> memref<632x128xf32, #tpu.memory_space<vmem_shared>>
        tpu.wait_dma2 semaphore(%run_scoped3A_35 : memref<!tpu.dma_semaphore, #tpu.memory_space<semaphore_mem>>) src(%dma_wait3A_45 : memref<632x128xf32, #tpu.memory_space<vmem_shared>>) dst(%dma_wait3A_43 : memref<632x128xf32, #tpu.memory_space<hbm>>)
        tpu.yield
      }) : () -> ()
    } else {
    }
    %eq3A_30 = arith.constant 15 : i32
    %eq3A_31 = arith.cmpi eq, %arg1, %eq3A_30 : i32
    %convert_element_type3A_32 = arith.extui %eq3A_31 : i1 to i32
    %cond3A_33 = arith.constant 0 : i32
    %cond3A_34 = arith.cmpi ne, %convert_element_type3A_32, %cond3A_33 : i32
    scf.if %cond3A_34 {
      "tpu.region"() ({
        %run_scoped3A_35 = tpu.sem_alloc : memref<!tpu.dma_semaphore, #tpu.memory_space<semaphore_mem>>
        %dma_start3A_36 = arith.constant 9480 : i32
        %dma_start3A_37 = arith.constant 0 : i32
        %dma_start3A_38 = tpu.memref_slice %arg5[%arg0, %dma_start3A_36, %dma_start3A_37] : memref<2x10000x128xf32, #tpu.memory_space<hbm>> -> memref<1x520x128xf32, #tpu.memory_space<hbm>>
        %dma_start3A_39 = tpu.memref_squeeze %dma_start3A_38 : memref<1x520x128xf32, #tpu.memory_space<hbm>> -> memref<520x128xf32, #tpu.memory_space<hbm>>
        %dma_start3A_40 = arith.constant 9480 : i32
        %dma_start3A_41 = arith.constant 0 : i32
        %dma_start3A_42 = tpu.memref_slice %arg9[%dma_start3A_40, %dma_start3A_41] : memref<10000x128xf32, #tpu.memory_space<vmem_shared>> -> memref<520x128xf32, #tpu.memory_space<vmem_shared>>
        tpu.enqueue_dma source(%dma_start3A_42 : memref<520x128xf32, #tpu.memory_space<vmem_shared>>) target(%dma_start3A_39 : memref<520x128xf32, #tpu.memory_space<hbm>>) target_semaphore(%run_scoped3A_35 : memref<!tpu.dma_semaphore, #tpu.memory_space<semaphore_mem>>)
        %dma_wait3A_43 = arith.constant 9480 : i32
        %dma_wait3A_44 = arith.constant 0 : i32
        %dma_wait3A_45 = tpu.memref_slice %arg5[%arg0, %dma_wait3A_43, %dma_wait3A_44] : memref<2x10000x128xf32, #tpu.memory_space<hbm>> -> memref<1x520x128xf32, #tpu.memory_space<hbm>>
        %dma_wait3A_46 = tpu.memref_squeeze %dma_wait3A_45 : memref<1x520x128xf32, #tpu.memory_space<hbm>> -> memref<520x128xf32, #tpu.memory_space<hbm>>
        %dma_wait3A_47 = arith.constant 9480 : i32
        %dma_wait3A_48 = arith.constant 0 : i32
        %dma_wait3A_49 = tpu.memref_slice %arg9[%dma_wait3A_47, %dma_wait3A_48] : memref<10000x128xf32, #tpu.memory_space<vmem_shared>> -> memref<520x128xf32, #tpu.memory_space<vmem_shared>>
        tpu.wait_dma2 semaphore(%run_scoped3A_35 : memref<!tpu.dma_semaphore, #tpu.memory_space<semaphore_mem>>) src(%dma_wait3A_49 : memref<520x128xf32, #tpu.memory_space<vmem_shared>>) dst(%dma_wait3A_46 : memref<520x128xf32, #tpu.memory_space<hbm>>)
        tpu.yield
      }) : () -> ()
    } else {
    }
    return
  }
}

module attributes {stable_mosaic.version = 14 : i64} {
  func.func @_enc_node_body(%arg0: i32, %arg1: memref<2000x3xf32, #tpu.memory_space<vmem>>, %arg2: memref<2000x9xf32, #tpu.memory_space<vmem>>, %arg3: memref<2000x56xf32, #tpu.memory_space<vmem>>, %arg4: memref<3x128xf32, #tpu.memory_space<vmem>>, %arg5: memref<9x128xf32, #tpu.memory_space<vmem>>, %arg6: memref<1x128xf32, #tpu.memory_space<vmem>>, %arg7: memref<128x128xf32, #tpu.memory_space<vmem>>, %arg8: memref<1x128xf32, #tpu.memory_space<vmem>>, %arg9: memref<128x128xf32, #tpu.memory_space<vmem>>, %arg10: memref<56x128xf32, #tpu.memory_space<vmem>>, %arg11: memref<128x128xf32, #tpu.memory_space<vmem>>, %arg12: memref<56x128xf32, #tpu.memory_space<vmem>>, %arg13: memref<2000x128xf32, #tpu.memory_space<vmem>>, %arg14: memref<2000x128xf32, #tpu.memory_space<vmem>>, %arg15: memref<2000x128xf32, #tpu.memory_space<vmem>>) attributes {dimension_semantics = [#tpu.dimension_semantics<arbitrary>], iteration_bounds = array<i64: 5>, scalar_prefetch = 0 : i64, scratch_operands = 0 : i64, tpu.core_type = #tpu.core_type<tc>, window_params = [{transform_indices = @transform_0, window_bounds = array<i64: 2000, 3>}, {transform_indices = @transform_1, window_bounds = array<i64: 2000, 9>}, {transform_indices = @transform_2, window_bounds = array<i64: 2000, 56>}, {pipeline_mode = #tpu.pipeline_mode<synchronous>, transform_indices = @transform_3, window_bounds = array<i64: 3, 128>}, {pipeline_mode = #tpu.pipeline_mode<synchronous>, transform_indices = @transform_4, window_bounds = array<i64: 9, 128>}, {pipeline_mode = #tpu.pipeline_mode<synchronous>, transform_indices = @transform_5, window_bounds = array<i64: 1, 128>}, {pipeline_mode = #tpu.pipeline_mode<synchronous>, transform_indices = @transform_6, window_bounds = array<i64: 128, 128>}, {pipeline_mode = #tpu.pipeline_mode<synchronous>, transform_indices = @transform_7, window_bounds = array<i64: 1, 128>}, {pipeline_mode = #tpu.pipeline_mode<synchronous>, transform_indices = @transform_8, window_bounds = array<i64: 128, 128>}, {pipeline_mode = #tpu.pipeline_mode<synchronous>, transform_indices = @transform_9, window_bounds = array<i64: 56, 128>}, {pipeline_mode = #tpu.pipeline_mode<synchronous>, transform_indices = @transform_10, window_bounds = array<i64: 128, 128>}, {pipeline_mode = #tpu.pipeline_mode<synchronous>, transform_indices = @transform_11, window_bounds = array<i64: 56, 128>}, {transform_indices = @transform_12, window_bounds = array<i64: 2000, 128>}, {transform_indices = @transform_13, window_bounds = array<i64: 2000, 128>}, {transform_indices = @transform_14, window_bounds = array<i64: 2000, 128>}]} {
    %get3A = arith.constant 0 : index
    %get3A_0 = arith.constant 0 : index
    %get3A_1 = vector.load %arg1[%get3A, %get3A_0] : memref<2000x3xf32, #tpu.memory_space<vmem>>, vector<2000x3xf32>
    %get3A_2 = arith.constant 0 : index
    %get3A_3 = arith.constant 0 : index
    %get3A_4 = vector.load %arg4[%get3A_2, %get3A_3] : memref<3x128xf32, #tpu.memory_space<vmem>>, vector<3x128xf32>
    %dot_general3A = arith.constant dense<0.000000e+00> : vector<2000x128xf32>
    %dot_general3A_5 = tpu.matmul %get3A_1, %get3A_4, %dot_general3A {dimension_numbers = #tpu.dot_dimension_numbers<[1], [0], [0], [1], [0, 0, 1, 1], [], []>, transpose_lhs_hint = false} : vector<2000x3xf32>, vector<3x128xf32>, vector<2000x128xf32> -> vector<2000x128xf32>
    %get3A_6 = arith.constant 0 : index
    %get3A_7 = arith.constant 0 : index
    %get3A_8 = vector.load %arg2[%get3A_6, %get3A_7] : memref<2000x9xf32, #tpu.memory_space<vmem>>, vector<2000x9xf32>
    %get3A_9 = arith.constant 0 : index
    %get3A_10 = arith.constant 0 : index
    %get3A_11 = vector.load %arg5[%get3A_9, %get3A_10] : memref<9x128xf32, #tpu.memory_space<vmem>>, vector<9x128xf32>
    %dot_general3A_12 = arith.constant dense<0.000000e+00> : vector<2000x128xf32>
    %dot_general3A_13 = tpu.matmul %get3A_8, %get3A_11, %dot_general3A_12 {dimension_numbers = #tpu.dot_dimension_numbers<[1], [0], [0], [1], [0, 0, 1, 1], [], []>, transpose_lhs_hint = false} : vector<2000x9xf32>, vector<9x128xf32>, vector<2000x128xf32> -> vector<2000x128xf32>
    %add3A = arith.addf %dot_general3A_5, %dot_general3A_13 : vector<2000x128xf32>
    %get3A_14 = arith.constant 0 : index
    %get3A_15 = arith.constant 0 : index
    %get3A_16 = vector.load %arg6[%get3A_14, %get3A_15] : memref<1x128xf32, #tpu.memory_space<vmem>>, vector<1x128xf32>
    %add3A_17 = vector.broadcast %get3A_16 : vector<1x128xf32> to vector<2000x128xf32>
    %add3A_18 = arith.addf %add3A, %add3A_17 : vector<2000x128xf32>
    %max3A = arith.constant 0.000000e+00 : f32
    %max3A_19 = vector.broadcast %max3A : f32 to vector<2000x128xf32>
    %max3A_20 = arith.maximumf %add3A_18, %max3A_19 : vector<2000x128xf32>
    %get3A_21 = arith.constant 0 : index
    %get3A_22 = arith.constant 0 : index
    %get3A_23 = vector.load %arg7[%get3A_21, %get3A_22] : memref<128x128xf32, #tpu.memory_space<vmem>>, vector<128x128xf32>
    %dot_general3A_24 = arith.constant dense<0.000000e+00> : vector<2000x128xf32>
    %dot_general3A_25 = tpu.matmul %max3A_20, %get3A_23, %dot_general3A_24 {dimension_numbers = #tpu.dot_dimension_numbers<[1], [0], [0], [1], [0, 0, 1, 1], [], []>, transpose_lhs_hint = false} : vector<2000x128xf32>, vector<128x128xf32>, vector<2000x128xf32> -> vector<2000x128xf32>
    %get3A_26 = arith.constant 0 : index
    %get3A_27 = arith.constant 0 : index
    %get3A_28 = vector.load %arg8[%get3A_26, %get3A_27] : memref<1x128xf32, #tpu.memory_space<vmem>>, vector<1x128xf32>
    %add3A_29 = vector.broadcast %get3A_28 : vector<1x128xf32> to vector<2000x128xf32>
    %add3A_30 = arith.addf %dot_general3A_25, %add3A_29 : vector<2000x128xf32>
    %swap3A = arith.constant 0 : index
    %swap3A_31 = arith.constant 0 : index
    %swap3A_32 = vector.load %arg13[%swap3A, %swap3A_31] : memref<2000x128xf32, #tpu.memory_space<vmem>>, vector<2000x128xf32>
    tpu.vector_store %arg13[%swap3A, %swap3A_31], %add3A_30 {strides = array<i32>} : memref<2000x128xf32, #tpu.memory_space<vmem>>, vector<2000x128xf32>,
    %get3A_33 = arith.constant 0 : index
    %get3A_34 = arith.constant 0 : index
    %get3A_35 = vector.load %arg3[%get3A_33, %get3A_34] : memref<2000x56xf32, #tpu.memory_space<vmem>>, vector<2000x56xf32>
    %get3A_36 = arith.constant 0 : index
    %get3A_37 = arith.constant 0 : index
    %get3A_38 = vector.load %arg9[%get3A_36, %get3A_37] : memref<128x128xf32, #tpu.memory_space<vmem>>, vector<128x128xf32>
    %dot_general3A_39 = arith.constant dense<0.000000e+00> : vector<2000x128xf32>
    %dot_general3A_40 = tpu.matmul %add3A_30, %get3A_38, %dot_general3A_39 {dimension_numbers = #tpu.dot_dimension_numbers<[1], [0], [0], [1], [0, 0, 1, 1], [], []>, transpose_lhs_hint = false} : vector<2000x128xf32>, vector<128x128xf32>, vector<2000x128xf32> -> vector<2000x128xf32>
    %get3A_41 = arith.constant 0 : index
    %get3A_42 = arith.constant 0 : index
    %get3A_43 = vector.load %arg10[%get3A_41, %get3A_42] : memref<56x128xf32, #tpu.memory_space<vmem>>, vector<56x128xf32>
    %dot_general3A_44 = arith.constant dense<0.000000e+00> : vector<2000x128xf32>
    %dot_general3A_45 = tpu.matmul %get3A_35, %get3A_43, %dot_general3A_44 {dimension_numbers = #tpu.dot_dimension_numbers<[1], [0], [0], [1], [0, 0, 1, 1], [], []>, transpose_lhs_hint = false} : vector<2000x56xf32>, vector<56x128xf32>, vector<2000x128xf32> -> vector<2000x128xf32>
    %add3A_46 = arith.addf %dot_general3A_40, %dot_general3A_45 : vector<2000x128xf32>
    %swap3A_47 = arith.constant 0 : index
    %swap3A_48 = arith.constant 0 : index
    %swap3A_49 = vector.load %arg14[%swap3A_47, %swap3A_48] : memref<2000x128xf32, #tpu.memory_space<vmem>>, vector<2000x128xf32>
    tpu.vector_store %arg14[%swap3A_47, %swap3A_48], %add3A_46 {strides = array<i32>} : memref<2000x128xf32, #tpu.memory_space<vmem>>, vector<2000x128xf32>,
    %get3A_50 = arith.constant 0 : index
    %get3A_51 = arith.constant 0 : index
    %get3A_52 = vector.load %arg11[%get3A_50, %get3A_51] : memref<128x128xf32, #tpu.memory_space<vmem>>, vector<128x128xf32>
    %dot_general3A_53 = arith.constant dense<0.000000e+00> : vector<2000x128xf32>
    %dot_general3A_54 = tpu.matmul %add3A_30, %get3A_52, %dot_general3A_53 {dimension_numbers = #tpu.dot_dimension_numbers<[1], [0], [0], [1], [0, 0, 1, 1], [], []>, transpose_lhs_hint = false} : vector<2000x128xf32>, vector<128x128xf32>, vector<2000x128xf32> -> vector<2000x128xf32>
    %get3A_55 = arith.constant 0 : index
    %get3A_56 = arith.constant 0 : index
    %get3A_57 = vector.load %arg12[%get3A_55, %get3A_56] : memref<56x128xf32, #tpu.memory_space<vmem>>, vector<56x128xf32>
    %dot_general3A_58 = arith.constant dense<0.000000e+00> : vector<2000x128xf32>
    %dot_general3A_59 = tpu.matmul %get3A_35, %get3A_57, %dot_general3A_58 {dimension_numbers = #tpu.dot_dimension_numbers<[1], [0], [0], [1], [0, 0, 1, 1], [], []>, transpose_lhs_hint = false} : vector<2000x56xf32>, vector<56x128xf32>, vector<2000x128xf32> -> vector<2000x128xf32>
    %add3A_60 = arith.addf %dot_general3A_54, %dot_general3A_59 : vector<2000x128xf32>
    %swap3A_61 = arith.constant 0 : index
    %swap3A_62 = arith.constant 0 : index
    %swap3A_63 = vector.load %arg15[%swap3A_61, %swap3A_62] : memref<2000x128xf32, #tpu.memory_space<vmem>>, vector<2000x128xf32>
    tpu.vector_store %arg15[%swap3A_61, %swap3A_62], %add3A_60 {strides = array<i32>} : memref<2000x128xf32, #tpu.memory_space<vmem>>, vector<2000x128xf32>,
    return
  }
  func.func @transform_0(%arg0: i32) -> (i32, i32) {
    %c0_i32 = arith.constant 0 : i32
    %c0_i32_0 = arith.constant 0 : i32
    return %arg0, %c0_i32 : i32, i32
  }
  func.func @transform_1(%arg0: i32) -> (i32, i32) {
    %c0_i32 = arith.constant 0 : i32
    %c0_i32_0 = arith.constant 0 : i32
    return %arg0, %c0_i32 : i32, i32
  }
  func.func @transform_2(%arg0: i32) -> (i32, i32) {
    %c0_i32 = arith.constant 0 : i32
    %c0_i32_0 = arith.constant 0 : i32
    return %arg0, %c0_i32 : i32, i32
  }
  func.func @transform_3(%arg0: i32) -> (i32, i32) {
    %c0_i32 = arith.constant 0 : i32
    %c0_i32_0 = arith.constant 0 : i32
    %c0_i32_1 = arith.constant 0 : i32
    return %c0_i32, %c0_i32_0 : i32, i32
  }
  func.func @transform_4(%arg0: i32) -> (i32, i32) {
    %c0_i32 = arith.constant 0 : i32
    %c0_i32_0 = arith.constant 0 : i32
    %c0_i32_1 = arith.constant 0 : i32
    return %c0_i32, %c0_i32_0 : i32, i32
  }
  func.func @transform_5(%arg0: i32) -> (i32, i32) {
    %c0_i32 = arith.constant 0 : i32
    %c0_i32_0 = arith.constant 0 : i32
    %c0_i32_1 = arith.constant 0 : i32
    return %c0_i32, %c0_i32_0 : i32, i32
  }
  func.func @transform_6(%arg0: i32) -> (i32, i32) {
    %c0_i32 = arith.constant 0 : i32
    %c0_i32_0 = arith.constant 0 : i32
    %c0_i32_1 = arith.constant 0 : i32
    return %c0_i32, %c0_i32_0 : i32, i32
  }
  func.func @transform_7(%arg0: i32) -> (i32, i32) {
    %c0_i32 = arith.constant 0 : i32
    %c0_i32_0 = arith.constant 0 : i32
    %c0_i32_1 = arith.constant 0 : i32
    return %c0_i32, %c0_i32_0 : i32, i32
  }
  func.func @transform_8(%arg0: i32) -> (i32, i32) {
    %c0_i32 = arith.constant 0 : i32
    %c0_i32_0 = arith.constant 0 : i32
    %c0_i32_1 = arith.constant 0 : i32
    return %c0_i32, %c0_i32_0 : i32, i32
  }
  func.func @transform_9(%arg0: i32) -> (i32, i32) {
    %c0_i32 = arith.constant 0 : i32
    %c0_i32_0 = arith.constant 0 : i32
    %c0_i32_1 = arith.constant 0 : i32
    return %c0_i32, %c0_i32_0 : i32, i32
  }
  func.func @transform_10(%arg0: i32) -> (i32, i32) {
    %c0_i32 = arith.constant 0 : i32
    %c0_i32_0 = arith.constant 0 : i32
    %c0_i32_1 = arith.constant 0 : i32
    return %c0_i32, %c0_i32_0 : i32, i32
  }
  func.func @transform_11(%arg0: i32) -> (i32, i32) {
    %c0_i32 = arith.constant 0 : i32
    %c0_i32_0 = arith.constant 0 : i32
    %c0_i32_1 = arith.constant 0 : i32
    return %c0_i32, %c0_i32_0 : i32, i32
  }
  func.func @transform_12(%arg0: i32) -> (i32, i32) {
    %c0_i32 = arith.constant 0 : i32
    %c0_i32_0 = arith.constant 0 : i32
    return %arg0, %c0_i32 : i32, i32
  }
  func.func @transform_13(%arg0: i32) -> (i32, i32) {
    %c0_i32 = arith.constant 0 : i32
    %c0_i32_0 = arith.constant 0 : i32
    return %arg0, %c0_i32 : i32, i32
  }
  func.func @transform_14(%arg0: i32) -> (i32, i32) {
    %c0_i32 = arith.constant 0 : i32
    %c0_i32_0 = arith.constant 0 : i32
    return %arg0, %c0_i32 : i32, i32
  }
}

module attributes {stable_mosaic.version = 14 : i64} {
  func.func @_enc_edge_body(%arg0: i32, %arg1: memref<3200x2xf32, #tpu.memory_space<vmem>>, %arg2: memref<3200x2xf32, #tpu.memory_space<vmem>>, %arg3: memref<2x128xf32, #tpu.memory_space<vmem>>, %arg4: memref<1x128xf32, #tpu.memory_space<vmem>>, %arg5: memref<1x128xf32, #tpu.memory_space<vmem>>, %arg6: memref<128x128xf32, #tpu.memory_space<vmem>>, %arg7: memref<1x128xf32, #tpu.memory_space<vmem>>, %arg8: memref<3200x128xbf16, #tpu.memory_space<vmem>>) attributes {dimension_semantics = [#tpu.dimension_semantics<arbitrary>], iteration_bounds = array<i64: 100>, scalar_prefetch = 0 : i64, scratch_operands = 0 : i64, tpu.core_type = #tpu.core_type<tc>, window_params = [{transform_indices = @transform_0, window_bounds = array<i64: 3200, 2>}, {transform_indices = @transform_1, window_bounds = array<i64: 3200, 2>}, {pipeline_mode = #tpu.pipeline_mode<synchronous>, transform_indices = @transform_2, window_bounds = array<i64: 2, 128>}, {pipeline_mode = #tpu.pipeline_mode<synchronous>, transform_indices = @transform_3, window_bounds = array<i64: 1, 128>}, {pipeline_mode = #tpu.pipeline_mode<synchronous>, transform_indices = @transform_4, window_bounds = array<i64: 1, 128>}, {pipeline_mode = #tpu.pipeline_mode<synchronous>, transform_indices = @transform_5, window_bounds = array<i64: 128, 128>}, {pipeline_mode = #tpu.pipeline_mode<synchronous>, transform_indices = @transform_6, window_bounds = array<i64: 1, 128>}, {transform_indices = @transform_7, window_bounds = array<i64: 3200, 128>}]} {
    %get3A = arith.constant 0 : index
    %get3A_0 = arith.constant 0 : index
    %get3A_1 = vector.load %arg1[%get3A, %get3A_0] : memref<3200x2xf32, #tpu.memory_space<vmem>>, vector<3200x2xf32>
    %get3A_2 = arith.constant 0 : index
    %get3A_3 = arith.constant 0 : index
    %get3A_4 = vector.load %arg2[%get3A_2, %get3A_3] : memref<3200x2xf32, #tpu.memory_space<vmem>>, vector<3200x2xf32>
    %sub3A = arith.subf %get3A_1, %get3A_4 : vector<3200x2xf32>
    %mul3A = arith.mulf %sub3A, %sub3A : vector<3200x2xf32>
    %reduce_sum3A = arith.constant dense<0.000000e+00> : vector<3200xf32>
    %reduce_sum3A_5 = vector.multi_reduction <add>, %mul3A, %reduce_sum3A [1] : vector<3200x2xf32> to vector<3200xf32>
    %broadcast_in_dim3A = vector.shape_cast %reduce_sum3A_5 : vector<3200xf32> to vector<3200x1xf32>
    %sqrt3A = math.sqrt %broadcast_in_dim3A : vector<3200x1xf32>
    %get3A_6 = arith.constant 0 : index
    %get3A_7 = arith.constant 0 : index
    %get3A_8 = vector.load %arg3[%get3A_6, %get3A_7] : memref<2x128xf32, #tpu.memory_space<vmem>>, vector<2x128xf32>
    %dot_general3A = arith.constant dense<0.000000e+00> : vector<3200x128xf32>
    %dot_general3A_9 = tpu.matmul %sub3A, %get3A_8, %dot_general3A {dimension_numbers = #tpu.dot_dimension_numbers<[1], [0], [0], [1], [0, 0, 1, 1], [], []>, transpose_lhs_hint = false} : vector<3200x2xf32>, vector<2x128xf32>, vector<3200x128xf32> -> vector<3200x128xf32>
    %get3A_10 = arith.constant 0 : index
    %get3A_11 = arith.constant 0 : index
    %get3A_12 = vector.load %arg4[%get3A_10, %get3A_11] : memref<1x128xf32, #tpu.memory_space<vmem>>, vector<1x128xf32>
    %mul3A_13 = vector.broadcast %sqrt3A : vector<3200x1xf32> to vector<3200x128xf32>
    %mul3A_14 = vector.broadcast %get3A_12 : vector<1x128xf32> to vector<3200x128xf32>
    %mul3A_15 = arith.mulf %mul3A_13, %mul3A_14 : vector<3200x128xf32>
    %add3A = arith.addf %dot_general3A_9, %mul3A_15 : vector<3200x128xf32>
    %get3A_16 = arith.constant 0 : index
    %get3A_17 = arith.constant 0 : index
    %get3A_18 = vector.load %arg5[%get3A_16, %get3A_17] : memref<1x128xf32, #tpu.memory_space<vmem>>, vector<1x128xf32>
    %add3A_19 = vector.broadcast %get3A_18 : vector<1x128xf32> to vector<3200x128xf32>
    %add3A_20 = arith.addf %add3A, %add3A_19 : vector<3200x128xf32>
    %max3A = arith.constant 0.000000e+00 : f32
    %max3A_21 = vector.broadcast %max3A : f32 to vector<3200x128xf32>
    %max3A_22 = arith.maximumf %add3A_20, %max3A_21 : vector<3200x128xf32>
    %get3A_23 = arith.constant 0 : index
    %get3A_24 = arith.constant 0 : index
    %get3A_25 = vector.load %arg6[%get3A_23, %get3A_24] : memref<128x128xf32, #tpu.memory_space<vmem>>, vector<128x128xf32>
    %dot_general3A_26 = arith.constant dense<0.000000e+00> : vector<3200x128xf32>
    %dot_general3A_27 = tpu.matmul %max3A_22, %get3A_25, %dot_general3A_26 {dimension_numbers = #tpu.dot_dimension_numbers<[1], [0], [0], [1], [0, 0, 1, 1], [], []>, transpose_lhs_hint = false} : vector<3200x128xf32>, vector<128x128xf32>, vector<3200x128xf32> -> vector<3200x128xf32>
    %get3A_28 = arith.constant 0 : index
    %get3A_29 = arith.constant 0 : index
    %get3A_30 = vector.load %arg7[%get3A_28, %get3A_29] : memref<1x128xf32, #tpu.memory_space<vmem>>, vector<1x128xf32>
    %add3A_31 = vector.broadcast %get3A_30 : vector<1x128xf32> to vector<3200x128xf32>
    %add3A_32 = arith.addf %dot_general3A_27, %add3A_31 : vector<3200x128xf32>
    %convert_element_type3A = arith.truncf %add3A_32 : vector<3200x128xf32> to vector<3200x128xbf16>
    %swap3A = arith.constant 0 : index
    %swap3A_33 = arith.constant 0 : index
    %swap3A_34 = vector.load %arg8[%swap3A, %swap3A_33] : memref<3200x128xbf16, #tpu.memory_space<vmem>>, vector<3200x128xbf16>
    tpu.vector_store %arg8[%swap3A, %swap3A_33], %convert_element_type3A {strides = array<i32>} : memref<3200x128xbf16, #tpu.memory_space<vmem>>, vector<3200x128xbf16>,
    return
  }
  func.func @transform_0(%arg0: i32) -> (i32, i32) {
    %c0_i32 = arith.constant 0 : i32
    %c0_i32_0 = arith.constant 0 : i32
    return %arg0, %c0_i32 : i32, i32
  }
  func.func @transform_1(%arg0: i32) -> (i32, i32) {
    %c0_i32 = arith.constant 0 : i32
    %c0_i32_0 = arith.constant 0 : i32
    return %arg0, %c0_i32 : i32, i32
  }
  func.func @transform_2(%arg0: i32) -> (i32, i32) {
    %c0_i32 = arith.constant 0 : i32
    %c0_i32_0 = arith.constant 0 : i32
    %c0_i32_1 = arith.constant 0 : i32
    return %c0_i32, %c0_i32_0 : i32, i32
  }
  func.func @transform_3(%arg0: i32) -> (i32, i32) {
    %c0_i32 = arith.constant 0 : i32
    %c0_i32_0 = arith.constant 0 : i32
    %c0_i32_1 = arith.constant 0 : i32
    return %c0_i32, %c0_i32_0 : i32, i32
  }
  func.func @transform_4(%arg0: i32) -> (i32, i32) {
    %c0_i32 = arith.constant 0 : i32
    %c0_i32_0 = arith.constant 0 : i32
    %c0_i32_1 = arith.constant 0 : i32
    return %c0_i32, %c0_i32_0 : i32, i32
  }
  func.func @transform_5(%arg0: i32) -> (i32, i32) {
    %c0_i32 = arith.constant 0 : i32
    %c0_i32_0 = arith.constant 0 : i32
    %c0_i32_1 = arith.constant 0 : i32
    return %c0_i32, %c0_i32_0 : i32, i32
  }
  func.func @transform_6(%arg0: i32) -> (i32, i32) {
    %c0_i32 = arith.constant 0 : i32
    %c0_i32_0 = arith.constant 0 : i32
    %c0_i32_1 = arith.constant 0 : i32
    return %c0_i32, %c0_i32_0 : i32, i32
  }
  func.func @transform_7(%arg0: i32) -> (i32, i32) {
    %c0_i32 = arith.constant 0 : i32
    %c0_i32_0 = arith.constant 0 : i32
    return %arg0, %c0_i32 : i32, i32
  }
}

module attributes {stable_mosaic.version = 14 : i64} {
  func.func @_gn_edge_body(%arg0: i32, %arg1: memref<3200x128xf32, #tpu.memory_space<vmem>>, %arg2: memref<3200x128xf32, #tpu.memory_space<vmem>>, %arg3: memref<3200x128xbf16, #tpu.memory_space<vmem>>, %arg4: memref<128x128xf32, #tpu.memory_space<vmem>>, %arg5: memref<1x128xf32, #tpu.memory_space<vmem>>, %arg6: memref<128x128xf32, #tpu.memory_space<vmem>>, %arg7: memref<1x128xf32, #tpu.memory_space<vmem>>, %arg8: memref<1x128xf32, #tpu.memory_space<vmem>>, %arg9: memref<1x128xf32, #tpu.memory_space<vmem>>, %arg10: memref<3200x128xf32, #tpu.memory_space<vmem>>, %arg11: memref<3200x128xbf16, #tpu.memory_space<vmem>>) attributes {dimension_semantics = [#tpu.dimension_semantics<arbitrary>], iteration_bounds = array<i64: 100>, scalar_prefetch = 0 : i64, scratch_operands = 0 : i64, tpu.core_type = #tpu.core_type<tc>, window_params = [{transform_indices = @transform_0, window_bounds = array<i64: 3200, 128>}, {transform_indices = @transform_1, window_bounds = array<i64: 3200, 128>}, {transform_indices = @transform_2, window_bounds = array<i64: 3200, 128>}, {pipeline_mode = #tpu.pipeline_mode<synchronous>, transform_indices = @transform_3, window_bounds = array<i64: 128, 128>}, {pipeline_mode = #tpu.pipeline_mode<synchronous>, transform_indices = @transform_4, window_bounds = array<i64: 1, 128>}, {pipeline_mode = #tpu.pipeline_mode<synchronous>, transform_indices = @transform_5, window_bounds = array<i64: 128, 128>}, {pipeline_mode = #tpu.pipeline_mode<synchronous>, transform_indices = @transform_6, window_bounds = array<i64: 1, 128>}, {pipeline_mode = #tpu.pipeline_mode<synchronous>, transform_indices = @transform_7, window_bounds = array<i64: 1, 128>}, {pipeline_mode = #tpu.pipeline_mode<synchronous>, transform_indices = @transform_8, window_bounds = array<i64: 1, 128>}, {transform_indices = @transform_9, window_bounds = array<i64: 3200, 128>}, {transform_indices = @transform_10, window_bounds = array<i64: 3200, 128>}]} {
    %get3A = arith.constant 0 : index
    %get3A_0 = arith.constant 0 : index
    %get3A_1 = vector.load %arg3[%get3A, %get3A_0] : memref<3200x128xbf16, #tpu.memory_space<vmem>>, vector<3200x128xbf16>
    %convert_element_type3A = arith.extf %get3A_1 : vector<3200x128xbf16> to vector<3200x128xf32>
    %get3A_2 = arith.constant 0 : index
    %get3A_3 = arith.constant 0 : index
    %get3A_4 = vector.load %arg1[%get3A_2, %get3A_3] : memref<3200x128xf32, #tpu.memory_space<vmem>>, vector<3200x128xf32>
    %get3A_5 = arith.constant 0 : index
    %get3A_6 = arith.constant 0 : index
    %get3A_7 = vector.load %arg2[%get3A_5, %get3A_6] : memref<3200x128xf32, #tpu.memory_space<vmem>>, vector<3200x128xf32>
    %add3A = arith.addf %get3A_4, %get3A_7 : vector<3200x128xf32>
    %get3A_8 = arith.constant 0 : index
    %get3A_9 = arith.constant 0 : index
    %get3A_10 = vector.load %arg4[%get3A_8, %get3A_9] : memref<128x128xf32, #tpu.memory_space<vmem>>, vector<128x128xf32>
    %dot_general3A = arith.constant dense<0.000000e+00> : vector<3200x128xf32>
    %dot_general3A_11 = tpu.matmul %convert_element_type3A, %get3A_10, %dot_general3A {dimension_numbers = #tpu.dot_dimension_numbers<[1], [0], [0], [1], [0, 0, 1, 1], [], []>, transpose_lhs_hint = false} : vector<3200x128xf32>, vector<128x128xf32>, vector<3200x128xf32> -> vector<3200x128xf32>
    %add3A_12 = arith.addf %add3A, %dot_general3A_11 : vector<3200x128xf32>
    %get3A_13 = arith.constant 0 : index
    %get3A_14 = arith.constant 0 : index
    %get3A_15 = vector.load %arg5[%get3A_13, %get3A_14] : memref<1x128xf32, #tpu.memory_space<vmem>>, vector<1x128xf32>
    %add3A_16 = vector.broadcast %get3A_15 : vector<1x128xf32> to vector<3200x128xf32>
    %add3A_17 = arith.addf %add3A_12, %add3A_16 : vector<3200x128xf32>
    %max3A = arith.constant 0.000000e+00 : f32
    %max3A_18 = vector.broadcast %max3A : f32 to vector<3200x128xf32>
    %max3A_19 = arith.maximumf %add3A_17, %max3A_18 : vector<3200x128xf32>
    %get3A_20 = arith.constant 0 : index
    %get3A_21 = arith.constant 0 : index
    %get3A_22 = vector.load %arg6[%get3A_20, %get3A_21] : memref<128x128xf32, #tpu.memory_space<vmem>>, vector<128x128xf32>
    %dot_general3A_23 = arith.constant dense<0.000000e+00> : vector<3200x128xf32>
    %dot_general3A_24 = tpu.matmul %max3A_19, %get3A_22, %dot_general3A_23 {dimension_numbers = #tpu.dot_dimension_numbers<[1], [0], [0], [1], [0, 0, 1, 1], [], []>, transpose_lhs_hint = false} : vector<3200x128xf32>, vector<128x128xf32>, vector<3200x128xf32> -> vector<3200x128xf32>
    %get3A_25 = arith.constant 0 : index
    %get3A_26 = arith.constant 0 : index
    %get3A_27 = vector.load %arg7[%get3A_25, %get3A_26] : memref<1x128xf32, #tpu.memory_space<vmem>>, vector<1x128xf32>
    %add3A_28 = vector.broadcast %get3A_27 : vector<1x128xf32> to vector<3200x128xf32>
    %add3A_29 = arith.addf %dot_general3A_24, %add3A_28 : vector<3200x128xf32>
    %get3A_30 = arith.constant 0 : index
    %get3A_31 = arith.constant 0 : index
    %get3A_32 = vector.load %arg8[%get3A_30, %get3A_31] : memref<1x128xf32, #tpu.memory_space<vmem>>, vector<1x128xf32>
    %get3A_33 = arith.constant 0 : index
    %get3A_34 = arith.constant 0 : index
    %get3A_35 = vector.load %arg9[%get3A_33, %get3A_34] : memref<1x128xf32, #tpu.memory_space<vmem>>, vector<1x128xf32>
    %reduce_sum3A = arith.constant dense<0.000000e+00> : vector<3200xf32>
    %reduce_sum3A_36 = vector.multi_reduction <add>, %add3A_29, %reduce_sum3A [1] : vector<3200x128xf32> to vector<3200xf32>
    %broadcast_in_dim3A = vector.shape_cast %reduce_sum3A_36 : vector<3200xf32> to vector<3200x1xf32>
    %div3A = arith.constant 1.280000e+02 : f32
    %div3A_37 = vector.broadcast %div3A : f32 to vector<3200x1xf32>
    %div3A_38 = arith.divf %broadcast_in_dim3A, %div3A_37 : vector<3200x1xf32>
    %sub3A = vector.broadcast %div3A_38 : vector<3200x1xf32> to vector<3200x128xf32>
    %sub3A_39 = arith.subf %add3A_29, %sub3A : vector<3200x128xf32>
    %integer_pow3A = arith.mulf %sub3A_39, %sub3A_39 : vector<3200x128xf32>
    %reduce_sum3A_40 = arith.constant dense<0.000000e+00> : vector<3200xf32>
    %reduce_sum3A_41 = vector.multi_reduction <add>, %integer_pow3A, %reduce_sum3A_40 [1] : vector<3200x128xf32> to vector<3200xf32>
    %broadcast_in_dim3A_42 = vector.shape_cast %reduce_sum3A_41 : vector<3200xf32> to vector<3200x1xf32>
    %div3A_43 = arith.constant 1.280000e+02 : f32
    %div3A_44 = vector.broadcast %div3A_43 : f32 to vector<3200x1xf32>
    %div3A_45 = arith.divf %broadcast_in_dim3A_42, %div3A_44 : vector<3200x1xf32>
    %sub3A_46 = vector.broadcast %div3A_38 : vector<3200x1xf32> to vector<3200x128xf32>
    %sub3A_47 = arith.subf %add3A_29, %sub3A_46 : vector<3200x128xf32>
    %add3A_48 = arith.constant 9.99999974E-6 : f32
    %add3A_49 = vector.broadcast %add3A_48 : f32 to vector<3200x1xf32>
    %add3A_50 = arith.addf %div3A_45, %add3A_49 : vector<3200x1xf32>
    %rsqrt3A = math.rsqrt %add3A_50 : vector<3200x1xf32>
    %mul3A = vector.broadcast %rsqrt3A : vector<3200x1xf32> to vector<3200x128xf32>
    %mul3A_51 = arith.mulf %sub3A_47, %mul3A : vector<3200x128xf32>
    %mul3A_52 = vector.broadcast %get3A_32 : vector<1x128xf32> to vector<3200x128xf32>
    %mul3A_53 = arith.mulf %mul3A_51, %mul3A_52 : vector<3200x128xf32>
    %add3A_54 = vector.broadcast %get3A_35 : vector<1x128xf32> to vector<3200x128xf32>
    %add3A_55 = arith.addf %mul3A_53, %add3A_54 : vector<3200x128xf32>
    %swap3A = arith.constant 0 : index
    %swap3A_56 = arith.constant 0 : index
    %swap3A_57 = vector.load %arg10[%swap3A, %swap3A_56] : memref<3200x128xf32, #tpu.memory_space<vmem>>, vector<3200x128xf32>
    tpu.vector_store %arg10[%swap3A, %swap3A_56], %add3A_55 {strides = array<i32>} : memref<3200x128xf32, #tpu.memory_space<vmem>>, vector<3200x128xf32>,
    %add3A_58 = arith.addf %convert_element_type3A, %add3A_55 : vector<3200x128xf32>
    %convert_element_type3A_59 = arith.truncf %add3A_58 : vector<3200x128xf32> to vector<3200x128xbf16>
    %swap3A_60 = arith.constant 0 : index
    %swap3A_61 = arith.constant 0 : index
    %swap3A_62 = vector.load %arg11[%swap3A_60, %swap3A_61] : memref<3200x128xbf16, #tpu.memory_space<vmem>>, vector<3200x128xbf16>
    tpu.vector_store %arg11[%swap3A_60, %swap3A_61], %convert_element_type3A_59 {strides = array<i32>} : memref<3200x128xbf16, #tpu.memory_space<vmem>>, vector<3200x128xbf16>,
    return
  }
  func.func @transform_0(%arg0: i32) -> (i32, i32) {
    %c0_i32 = arith.constant 0 : i32
    %c0_i32_0 = arith.constant 0 : i32
    return %arg0, %c0_i32 : i32, i32
  }
  func.func @transform_1(%arg0: i32) -> (i32, i32) {
    %c0_i32 = arith.constant 0 : i32
    %c0_i32_0 = arith.constant 0 : i32
    return %arg0, %c0_i32 : i32, i32
  }
  func.func @transform_2(%arg0: i32) -> (i32, i32) {
    %c0_i32 = arith.constant 0 : i32
    %c0_i32_0 = arith.constant 0 : i32
    return %arg0, %c0_i32 : i32, i32
  }
  func.func @transform_3(%arg0: i32) -> (i32, i32) {
    %c0_i32 = arith.constant 0 : i32
    %c0_i32_0 = arith.constant 0 : i32
    %c0_i32_1 = arith.constant 0 : i32
    return %c0_i32, %c0_i32_0 : i32, i32
  }
  func.func @transform_4(%arg0: i32) -> (i32, i32) {
    %c0_i32 = arith.constant 0 : i32
    %c0_i32_0 = arith.constant 0 : i32
    %c0_i32_1 = arith.constant 0 : i32
    return %c0_i32, %c0_i32_0 : i32, i32
  }
  func.func @transform_5(%arg0: i32) -> (i32, i32) {
    %c0_i32 = arith.constant 0 : i32
    %c0_i32_0 = arith.constant 0 : i32
    %c0_i32_1 = arith.constant 0 : i32
    return %c0_i32, %c0_i32_0 : i32, i32
  }
  func.func @transform_6(%arg0: i32) -> (i32, i32) {
    %c0_i32 = arith.constant 0 : i32
    %c0_i32_0 = arith.constant 0 : i32
    %c0_i32_1 = arith.constant 0 : i32
    return %c0_i32, %c0_i32_0 : i32, i32
  }
  func.func @transform_7(%arg0: i32) -> (i32, i32) {
    %c0_i32 = arith.constant 0 : i32
    %c0_i32_0 = arith.constant 0 : i32
    %c0_i32_1 = arith.constant 0 : i32
    return %c0_i32, %c0_i32_0 : i32, i32
  }
  func.func @transform_8(%arg0: i32) -> (i32, i32) {
    %c0_i32 = arith.constant 0 : i32
    %c0_i32_0 = arith.constant 0 : i32
    %c0_i32_1 = arith.constant 0 : i32
    return %c0_i32, %c0_i32_0 : i32, i32
  }
  func.func @transform_9(%arg0: i32) -> (i32, i32) {
    %c0_i32 = arith.constant 0 : i32
    %c0_i32_0 = arith.constant 0 : i32
    return %arg0, %c0_i32 : i32, i32
  }
  func.func @transform_10(%arg0: i32) -> (i32, i32) {
    %c0_i32 = arith.constant 0 : i32
    %c0_i32_0 = arith.constant 0 : i32
    return %arg0, %c0_i32 : i32, i32
  }
}

module attributes {stable_mosaic.version = 14 : i64} {
  func.func @_gn_node_body(%arg0: i32, %arg1: memref<2000x128xf32, #tpu.memory_space<vmem>>, %arg2: memref<2000x56xf32, #tpu.memory_space<vmem>>, %arg3: memref<2000x128xf32, #tpu.memory_space<vmem>>, %arg4: memref<2000x128xf32, #tpu.memory_space<vmem>>, %arg5: memref<128x128xf32, #tpu.memory_space<vmem>>, %arg6: memref<56x128xf32, #tpu.memory_space<vmem>>, %arg7: memref<128x128xf32, #tpu.memory_space<vmem>>, %arg8: memref<1x128xf32, #tpu.memory_space<vmem>>, %arg9: memref<128x128xf32, #tpu.memory_space<vmem>>, %arg10: memref<1x128xf32, #tpu.memory_space<vmem>>, %arg11: memref<1x128xf32, #tpu.memory_space<vmem>>, %arg12: memref<1x128xf32, #tpu.memory_space<vmem>>, %arg13: memref<128x128xf32, #tpu.memory_space<vmem>>, %arg14: memref<56x128xf32, #tpu.memory_space<vmem>>, %arg15: memref<128x128xf32, #tpu.memory_space<vmem>>, %arg16: memref<56x128xf32, #tpu.memory_space<vmem>>, %arg17: memref<2000x128xf32, #tpu.memory_space<vmem>>, %arg18: memref<2000x128xf32, #tpu.memory_space<vmem>>, %arg19: memref<2000x128xf32, #tpu.memory_space<vmem>>) attributes {dimension_semantics = [#tpu.dimension_semantics<arbitrary>], iteration_bounds = array<i64: 5>, scalar_prefetch = 0 : i64, scratch_operands = 0 : i64, tpu.core_type = #tpu.core_type<tc>, window_params = [{transform_indices = @transform_0, window_bounds = array<i64: 2000, 128>}, {transform_indices = @transform_1, window_bounds = array<i64: 2000, 56>}, {transform_indices = @transform_2, window_bounds = array<i64: 2000, 128>}, {transform_indices = @transform_3, window_bounds = array<i64: 2000, 128>}, {pipeline_mode = #tpu.pipeline_mode<synchronous>, transform_indices = @transform_4, window_bounds = array<i64: 128, 128>}, {pipeline_mode = #tpu.pipeline_mode<synchronous>, transform_indices = @transform_5, window_bounds = array<i64: 56, 128>}, {pipeline_mode = #tpu.pipeline_mode<synchronous>, transform_indices = @transform_6, window_bounds = array<i64: 128, 128>}, {pipeline_mode = #tpu.pipeline_mode<synchronous>, transform_indices = @transform_7, window_bounds = array<i64: 1, 128>}, {pipeline_mode = #tpu.pipeline_mode<synchronous>, transform_indices = @transform_8, window_bounds = array<i64: 128, 128>}, {pipeline_mode = #tpu.pipeline_mode<synchronous>, transform_indices = @transform_9, window_bounds = array<i64: 1, 128>}, {pipeline_mode = #tpu.pipeline_mode<synchronous>, transform_indices = @transform_10, window_bounds = array<i64: 1, 128>}, {pipeline_mode = #tpu.pipeline_mode<synchronous>, transform_indices = @transform_11, window_bounds = array<i64: 1, 128>}, {pipeline_mode = #tpu.pipeline_mode<synchronous>, transform_indices = @transform_12, window_bounds = array<i64: 128, 128>}, {pipeline_mode = #tpu.pipeline_mode<synchronous>, transform_indices = @transform_13, window_bounds = array<i64: 56, 128>}, {pipeline_mode = #tpu.pipeline_mode<synchronous>, transform_indices = @transform_14, window_bounds = array<i64: 128, 128>}, {pipeline_mode = #tpu.pipeline_mode<synchronous>, transform_indices = @transform_15, window_bounds = array<i64: 56, 128>}, {transform_indices = @transform_16, window_bounds = array<i64: 2000, 128>}, {transform_indices = @transform_17, window_bounds = array<i64: 2000, 128>}, {transform_indices = @transform_18, window_bounds = array<i64: 2000, 128>}]} {
    %get3A = arith.constant 0 : index
    %get3A_0 = arith.constant 0 : index
    %get3A_1 = vector.load %arg1[%get3A, %get3A_0] : memref<2000x128xf32, #tpu.memory_space<vmem>>, vector<2000x128xf32>
    %get3A_2 = arith.constant 0 : index
    %get3A_3 = arith.constant 0 : index
    %get3A_4 = vector.load %arg2[%get3A_2, %get3A_3] : memref<2000x56xf32, #tpu.memory_space<vmem>>, vector<2000x56xf32>
    %get3A_5 = arith.constant 0 : index
    %get3A_6 = arith.constant 0 : index
    %get3A_7 = vector.load %arg5[%get3A_5, %get3A_6] : memref<128x128xf32, #tpu.memory_space<vmem>>, vector<128x128xf32>
    %dot_general3A = arith.constant dense<0.000000e+00> : vector<2000x128xf32>
    %dot_general3A_8 = tpu.matmul %get3A_1, %get3A_7, %dot_general3A {dimension_numbers = #tpu.dot_dimension_numbers<[1], [0], [0], [1], [0, 0, 1, 1], [], []>, transpose_lhs_hint = false} : vector<2000x128xf32>, vector<128x128xf32>, vector<2000x128xf32> -> vector<2000x128xf32>
    %get3A_9 = arith.constant 0 : index
    %get3A_10 = arith.constant 0 : index
    %get3A_11 = vector.load %arg6[%get3A_9, %get3A_10] : memref<56x128xf32, #tpu.memory_space<vmem>>, vector<56x128xf32>
    %dot_general3A_12 = arith.constant dense<0.000000e+00> : vector<2000x128xf32>
    %dot_general3A_13 = tpu.matmul %get3A_4, %get3A_11, %dot_general3A_12 {dimension_numbers = #tpu.dot_dimension_numbers<[1], [0], [0], [1], [0, 0, 1, 1], [], []>, transpose_lhs_hint = false} : vector<2000x56xf32>, vector<56x128xf32>, vector<2000x128xf32> -> vector<2000x128xf32>
    %add3A = arith.addf %dot_general3A_8, %dot_general3A_13 : vector<2000x128xf32>
    %get3A_14 = arith.constant 0 : index
    %get3A_15 = arith.constant 0 : index
    %get3A_16 = vector.load %arg3[%get3A_14, %get3A_15] : memref<2000x128xf32, #tpu.memory_space<vmem>>, vector<2000x128xf32>
    %get3A_17 = arith.constant 0 : index
    %get3A_18 = arith.constant 0 : index
    %get3A_19 = vector.load %arg4[%get3A_17, %get3A_18] : memref<2000x128xf32, #tpu.memory_space<vmem>>, vector<2000x128xf32>
    %add3A_20 = arith.addf %get3A_16, %get3A_19 : vector<2000x128xf32>
    %get3A_21 = arith.constant 0 : index
    %get3A_22 = arith.constant 0 : index
    %get3A_23 = vector.load %arg7[%get3A_21, %get3A_22] : memref<128x128xf32, #tpu.memory_space<vmem>>, vector<128x128xf32>
    %dot_general3A_24 = arith.constant dense<0.000000e+00> : vector<2000x128xf32>
    %dot_general3A_25 = tpu.matmul %add3A_20, %get3A_23, %dot_general3A_24 {dimension_numbers = #tpu.dot_dimension_numbers<[1], [0], [0], [1], [0, 0, 1, 1], [], []>, transpose_lhs_hint = false} : vector<2000x128xf32>, vector<128x128xf32>, vector<2000x128xf32> -> vector<2000x128xf32>
    %add3A_26 = arith.addf %add3A, %dot_general3A_25 : vector<2000x128xf32>
    %get3A_27 = arith.constant 0 : index
    %get3A_28 = arith.constant 0 : index
    %get3A_29 = vector.load %arg8[%get3A_27, %get3A_28] : memref<1x128xf32, #tpu.memory_space<vmem>>, vector<1x128xf32>
    %add3A_30 = vector.broadcast %get3A_29 : vector<1x128xf32> to vector<2000x128xf32>
    %add3A_31 = arith.addf %add3A_26, %add3A_30 : vector<2000x128xf32>
    %max3A = arith.constant 0.000000e+00 : f32
    %max3A_32 = vector.broadcast %max3A : f32 to vector<2000x128xf32>
    %max3A_33 = arith.maximumf %add3A_31, %max3A_32 : vector<2000x128xf32>
    %get3A_34 = arith.constant 0 : index
    %get3A_35 = arith.constant 0 : index
    %get3A_36 = vector.load %arg9[%get3A_34, %get3A_35] : memref<128x128xf32, #tpu.memory_space<vmem>>, vector<128x128xf32>
    %dot_general3A_37 = arith.constant dense<0.000000e+00> : vector<2000x128xf32>
    %dot_general3A_38 = tpu.matmul %max3A_33, %get3A_36, %dot_general3A_37 {dimension_numbers = #tpu.dot_dimension_numbers<[1], [0], [0], [1], [0, 0, 1, 1], [], []>, transpose_lhs_hint = false} : vector<2000x128xf32>, vector<128x128xf32>, vector<2000x128xf32> -> vector<2000x128xf32>
    %get3A_39 = arith.constant 0 : index
    %get3A_40 = arith.constant 0 : index
    %get3A_41 = vector.load %arg10[%get3A_39, %get3A_40] : memref<1x128xf32, #tpu.memory_space<vmem>>, vector<1x128xf32>
    %add3A_42 = vector.broadcast %get3A_41 : vector<1x128xf32> to vector<2000x128xf32>
    %add3A_43 = arith.addf %dot_general3A_38, %add3A_42 : vector<2000x128xf32>
    %get3A_44 = arith.constant 0 : index
    %get3A_45 = arith.constant 0 : index
    %get3A_46 = vector.load %arg11[%get3A_44, %get3A_45] : memref<1x128xf32, #tpu.memory_space<vmem>>, vector<1x128xf32>
    %get3A_47 = arith.constant 0 : index
    %get3A_48 = arith.constant 0 : index
    %get3A_49 = vector.load %arg12[%get3A_47, %get3A_48] : memref<1x128xf32, #tpu.memory_space<vmem>>, vector<1x128xf32>
    %reduce_sum3A = arith.constant dense<0.000000e+00> : vector<2000xf32>
    %reduce_sum3A_50 = vector.multi_reduction <add>, %add3A_43, %reduce_sum3A [1] : vector<2000x128xf32> to vector<2000xf32>
    %broadcast_in_dim3A = vector.shape_cast %reduce_sum3A_50 : vector<2000xf32> to vector<2000x1xf32>
    %div3A = arith.constant 1.280000e+02 : f32
    %div3A_51 = vector.broadcast %div3A : f32 to vector<2000x1xf32>
    %div3A_52 = arith.divf %broadcast_in_dim3A, %div3A_51 : vector<2000x1xf32>
    %sub3A = vector.broadcast %div3A_52 : vector<2000x1xf32> to vector<2000x128xf32>
    %sub3A_53 = arith.subf %add3A_43, %sub3A : vector<2000x128xf32>
    %integer_pow3A = arith.mulf %sub3A_53, %sub3A_53 : vector<2000x128xf32>
    %reduce_sum3A_54 = arith.constant dense<0.000000e+00> : vector<2000xf32>
    %reduce_sum3A_55 = vector.multi_reduction <add>, %integer_pow3A, %reduce_sum3A_54 [1] : vector<2000x128xf32> to vector<2000xf32>
    %broadcast_in_dim3A_56 = vector.shape_cast %reduce_sum3A_55 : vector<2000xf32> to vector<2000x1xf32>
    %div3A_57 = arith.constant 1.280000e+02 : f32
    %div3A_58 = vector.broadcast %div3A_57 : f32 to vector<2000x1xf32>
    %div3A_59 = arith.divf %broadcast_in_dim3A_56, %div3A_58 : vector<2000x1xf32>
    %sub3A_60 = vector.broadcast %div3A_52 : vector<2000x1xf32> to vector<2000x128xf32>
    %sub3A_61 = arith.subf %add3A_43, %sub3A_60 : vector<2000x128xf32>
    %add3A_62 = arith.constant 9.99999974E-6 : f32
    %add3A_63 = vector.broadcast %add3A_62 : f32 to vector<2000x1xf32>
    %add3A_64 = arith.addf %div3A_59, %add3A_63 : vector<2000x1xf32>
    %rsqrt3A = math.rsqrt %add3A_64 : vector<2000x1xf32>
    %mul3A = vector.broadcast %rsqrt3A : vector<2000x1xf32> to vector<2000x128xf32>
    %mul3A_65 = arith.mulf %sub3A_61, %mul3A : vector<2000x128xf32>
    %mul3A_66 = vector.broadcast %get3A_46 : vector<1x128xf32> to vector<2000x128xf32>
    %mul3A_67 = arith.mulf %mul3A_65, %mul3A_66 : vector<2000x128xf32>
    %add3A_68 = vector.broadcast %get3A_49 : vector<1x128xf32> to vector<2000x128xf32>
    %add3A_69 = arith.addf %mul3A_67, %add3A_68 : vector<2000x128xf32>
    %add3A_70 = arith.addf %get3A_1, %add3A_69 : vector<2000x128xf32>
    %swap3A = arith.constant 0 : index
    %swap3A_71 = arith.constant 0 : index
    %swap3A_72 = vector.load %arg17[%swap3A, %swap3A_71] : memref<2000x128xf32, #tpu.memory_space<vmem>>, vector<2000x128xf32>
    tpu.vector_store %arg17[%swap3A, %swap3A_71], %add3A_70 {strides = array<i32>} : memref<2000x128xf32, #tpu.memory_space<vmem>>, vector<2000x128xf32>,
    %get3A_73 = arith.constant 0 : index
    %get3A_74 = arith.constant 0 : index
    %get3A_75 = vector.load %arg13[%get3A_73, %get3A_74] : memref<128x128xf32, #tpu.memory_space<vmem>>, vector<128x128xf32>
    %dot_general3A_76 = arith.constant dense<0.000000e+00> : vector<2000x128xf32>
    %dot_general3A_77 = tpu.matmul %add3A_70, %get3A_75, %dot_general3A_76 {dimension_numbers = #tpu.dot_dimension_numbers<[1], [0], [0], [1], [0, 0, 1, 1], [], []>, transpose_lhs_hint = false} : vector<2000x128xf32>, vector<128x128xf32>, vector<2000x128xf32> -> vector<2000x128xf32>
    %get3A_78 = arith.constant 0 : index
    %get3A_79 = arith.constant 0 : index
    %get3A_80 = vector.load %arg14[%get3A_78, %get3A_79] : memref<56x128xf32, #tpu.memory_space<vmem>>, vector<56x128xf32>
    %dot_general3A_81 = arith.constant dense<0.000000e+00> : vector<2000x128xf32>
    %dot_general3A_82 = tpu.matmul %get3A_4, %get3A_80, %dot_general3A_81 {dimension_numbers = #tpu.dot_dimension_numbers<[1], [0], [0], [1], [0, 0, 1, 1], [], []>, transpose_lhs_hint = false} : vector<2000x56xf32>, vector<56x128xf32>, vector<2000x128xf32> -> vector<2000x128xf32>
    %add3A_83 = arith.addf %dot_general3A_77, %dot_general3A_82 : vector<2000x128xf32>
    %swap3A_84 = arith.constant 0 : index
    %swap3A_85 = arith.constant 0 : index
    %swap3A_86 = vector.load %arg18[%swap3A_84, %swap3A_85] : memref<2000x128xf32, #tpu.memory_space<vmem>>, vector<2000x128xf32>
    tpu.vector_store %arg18[%swap3A_84, %swap3A_85], %add3A_83 {strides = array<i32>} : memref<2000x128xf32, #tpu.memory_space<vmem>>, vector<2000x128xf32>,
    %get3A_87 = arith.constant 0 : index
    %get3A_88 = arith.constant 0 : index
    %get3A_89 = vector.load %arg15[%get3A_87, %get3A_88] : memref<128x128xf32, #tpu.memory_space<vmem>>, vector<128x128xf32>
    %dot_general3A_90 = arith.constant dense<0.000000e+00> : vector<2000x128xf32>
    %dot_general3A_91 = tpu.matmul %add3A_70, %get3A_89, %dot_general3A_90 {dimension_numbers = #tpu.dot_dimension_numbers<[1], [0], [0], [1], [0, 0, 1, 1], [], []>, transpose_lhs_hint = false} : vector<2000x128xf32>, vector<128x128xf32>, vector<2000x128xf32> -> vector<2000x128xf32>
    %get3A_92 = arith.constant 0 : index
    %get3A_93 = arith.constant 0 : index
    %get3A_94 = vector.load %arg16[%get3A_92, %get3A_93] : memref<56x128xf32, #tpu.memory_space<vmem>>, vector<56x128xf32>
    %dot_general3A_95 = arith.constant dense<0.000000e+00> : vector<2000x128xf32>
    %dot_general3A_96 = tpu.matmul %get3A_4, %get3A_94, %dot_general3A_95 {dimension_numbers = #tpu.dot_dimension_numbers<[1], [0], [0], [1], [0, 0, 1, 1], [], []>, transpose_lhs_hint = false} : vector<2000x56xf32>, vector<56x128xf32>, vector<2000x128xf32> -> vector<2000x128xf32>
    %add3A_97 = arith.addf %dot_general3A_91, %dot_general3A_96 : vector<2000x128xf32>
    %swap3A_98 = arith.constant 0 : index
    %swap3A_99 = arith.constant 0 : index
    %swap3A_100 = vector.load %arg19[%swap3A_98, %swap3A_99] : memref<2000x128xf32, #tpu.memory_space<vmem>>, vector<2000x128xf32>
    tpu.vector_store %arg19[%swap3A_98, %swap3A_99], %add3A_97 {strides = array<i32>} : memref<2000x128xf32, #tpu.memory_space<vmem>>, vector<2000x128xf32>,
    return
  }
  func.func @transform_0(%arg0: i32) -> (i32, i32) {
    %c0_i32 = arith.constant 0 : i32
    %c0_i32_0 = arith.constant 0 : i32
    return %arg0, %c0_i32 : i32, i32
  }
  func.func @transform_1(%arg0: i32) -> (i32, i32) {
    %c0_i32 = arith.constant 0 : i32
    %c0_i32_0 = arith.constant 0 : i32
    return %arg0, %c0_i32 : i32, i32
  }
  func.func @transform_2(%arg0: i32) -> (i32, i32) {
    %c0_i32 = arith.constant 0 : i32
    %c0_i32_0 = arith.constant 0 : i32
    return %arg0, %c0_i32 : i32, i32
  }
  func.func @transform_3(%arg0: i32) -> (i32, i32) {
    %c0_i32 = arith.constant 0 : i32
    %c0_i32_0 = arith.constant 0 : i32
    return %arg0, %c0_i32 : i32, i32
  }
  func.func @transform_4(%arg0: i32) -> (i32, i32) {
    %c0_i32 = arith.constant 0 : i32
    %c0_i32_0 = arith.constant 0 : i32
    %c0_i32_1 = arith.constant 0 : i32
    return %c0_i32, %c0_i32_0 : i32, i32
  }
  func.func @transform_5(%arg0: i32) -> (i32, i32) {
    %c0_i32 = arith.constant 0 : i32
    %c0_i32_0 = arith.constant 0 : i32
    %c0_i32_1 = arith.constant 0 : i32
    return %c0_i32, %c0_i32_0 : i32, i32
  }
  func.func @transform_6(%arg0: i32) -> (i32, i32) {
    %c0_i32 = arith.constant 0 : i32
    %c0_i32_0 = arith.constant 0 : i32
    %c0_i32_1 = arith.constant 0 : i32
    return %c0_i32, %c0_i32_0 : i32, i32
  }
  func.func @transform_7(%arg0: i32) -> (i32, i32) {
    %c0_i32 = arith.constant 0 : i32
    %c0_i32_0 = arith.constant 0 : i32
    %c0_i32_1 = arith.constant 0 : i32
    return %c0_i32, %c0_i32_0 : i32, i32
  }
  func.func @transform_8(%arg0: i32) -> (i32, i32) {
    %c0_i32 = arith.constant 0 : i32
    %c0_i32_0 = arith.constant 0 : i32
    %c0_i32_1 = arith.constant 0 : i32
    return %c0_i32, %c0_i32_0 : i32, i32
  }
  func.func @transform_9(%arg0: i32) -> (i32, i32) {
    %c0_i32 = arith.constant 0 : i32
    %c0_i32_0 = arith.constant 0 : i32
    %c0_i32_1 = arith.constant 0 : i32
    return %c0_i32, %c0_i32_0 : i32, i32
  }
  func.func @transform_10(%arg0: i32) -> (i32, i32) {
    %c0_i32 = arith.constant 0 : i32
    %c0_i32_0 = arith.constant 0 : i32
    %c0_i32_1 = arith.constant 0 : i32
    return %c0_i32, %c0_i32_0 : i32, i32
  }
  func.func @transform_11(%arg0: i32) -> (i32, i32) {
    %c0_i32 = arith.constant 0 : i32
    %c0_i32_0 = arith.constant 0 : i32
    %c0_i32_1 = arith.constant 0 : i32
    return %c0_i32, %c0_i32_0 : i32, i32
  }
  func.func @transform_12(%arg0: i32) -> (i32, i32) {
    %c0_i32 = arith.constant 0 : i32
    %c0_i32_0 = arith.constant 0 : i32
    %c0_i32_1 = arith.constant 0 : i32
    return %c0_i32, %c0_i32_0 : i32, i32
  }
  func.func @transform_13(%arg0: i32) -> (i32, i32) {
    %c0_i32 = arith.constant 0 : i32
    %c0_i32_0 = arith.constant 0 : i32
    %c0_i32_1 = arith.constant 0 : i32
    return %c0_i32, %c0_i32_0 : i32, i32
  }
  func.func @transform_14(%arg0: i32) -> (i32, i32) {
    %c0_i32 = arith.constant 0 : i32
    %c0_i32_0 = arith.constant 0 : i32
    %c0_i32_1 = arith.constant 0 : i32
    return %c0_i32, %c0_i32_0 : i32, i32
  }
  func.func @transform_15(%arg0: i32) -> (i32, i32) {
    %c0_i32 = arith.constant 0 : i32
    %c0_i32_0 = arith.constant 0 : i32
    %c0_i32_1 = arith.constant 0 : i32
    return %c0_i32, %c0_i32_0 : i32, i32
  }
  func.func @transform_16(%arg0: i32) -> (i32, i32) {
    %c0_i32 = arith.constant 0 : i32
    %c0_i32_0 = arith.constant 0 : i32
    return %arg0, %c0_i32 : i32, i32
  }
  func.func @transform_17(%arg0: i32) -> (i32, i32) {
    %c0_i32 = arith.constant 0 : i32
    %c0_i32_0 = arith.constant 0 : i32
    return %arg0, %c0_i32 : i32, i32
  }
  func.func @transform_18(%arg0: i32) -> (i32, i32) {
    %c0_i32 = arith.constant 0 : i32
    %c0_i32_0 = arith.constant 0 : i32
    return %arg0, %c0_i32 : i32, i32
  }
}

module attributes {stable_mosaic.version = 14 : i64} {
  func.func @_gn_edge_body(%arg0: i32, %arg1: memref<3200x128xf32, #tpu.memory_space<vmem>>, %arg2: memref<3200x128xf32, #tpu.memory_space<vmem>>, %arg3: memref<3200x128xbf16, #tpu.memory_space<vmem>>, %arg4: memref<128x128xf32, #tpu.memory_space<vmem>>, %arg5: memref<1x128xf32, #tpu.memory_space<vmem>>, %arg6: memref<128x128xf32, #tpu.memory_space<vmem>>, %arg7: memref<1x128xf32, #tpu.memory_space<vmem>>, %arg8: memref<1x128xf32, #tpu.memory_space<vmem>>, %arg9: memref<1x128xf32, #tpu.memory_space<vmem>>, %arg10: memref<3200x128xf32, #tpu.memory_space<vmem>>, %arg11: memref<3200x128xf32, #tpu.memory_space<vmem>>) attributes {dimension_semantics = [#tpu.dimension_semantics<arbitrary>], iteration_bounds = array<i64: 100>, scalar_prefetch = 0 : i64, scratch_operands = 0 : i64, tpu.core_type = #tpu.core_type<tc>, window_params = [{transform_indices = @transform_0, window_bounds = array<i64: 3200, 128>}, {transform_indices = @transform_1, window_bounds = array<i64: 3200, 128>}, {transform_indices = @transform_2, window_bounds = array<i64: 3200, 128>}, {pipeline_mode = #tpu.pipeline_mode<synchronous>, transform_indices = @transform_3, window_bounds = array<i64: 128, 128>}, {pipeline_mode = #tpu.pipeline_mode<synchronous>, transform_indices = @transform_4, window_bounds = array<i64: 1, 128>}, {pipeline_mode = #tpu.pipeline_mode<synchronous>, transform_indices = @transform_5, window_bounds = array<i64: 128, 128>}, {pipeline_mode = #tpu.pipeline_mode<synchronous>, transform_indices = @transform_6, window_bounds = array<i64: 1, 128>}, {pipeline_mode = #tpu.pipeline_mode<synchronous>, transform_indices = @transform_7, window_bounds = array<i64: 1, 128>}, {pipeline_mode = #tpu.pipeline_mode<synchronous>, transform_indices = @transform_8, window_bounds = array<i64: 1, 128>}, {transform_indices = @transform_9, window_bounds = array<i64: 3200, 128>}, {transform_indices = @transform_10, window_bounds = array<i64: 3200, 128>}]} {
    %get3A = arith.constant 0 : index
    %get3A_0 = arith.constant 0 : index
    %get3A_1 = vector.load %arg3[%get3A, %get3A_0] : memref<3200x128xbf16, #tpu.memory_space<vmem>>, vector<3200x128xbf16>
    %convert_element_type3A = arith.extf %get3A_1 : vector<3200x128xbf16> to vector<3200x128xf32>
    %get3A_2 = arith.constant 0 : index
    %get3A_3 = arith.constant 0 : index
    %get3A_4 = vector.load %arg1[%get3A_2, %get3A_3] : memref<3200x128xf32, #tpu.memory_space<vmem>>, vector<3200x128xf32>
    %get3A_5 = arith.constant 0 : index
    %get3A_6 = arith.constant 0 : index
    %get3A_7 = vector.load %arg2[%get3A_5, %get3A_6] : memref<3200x128xf32, #tpu.memory_space<vmem>>, vector<3200x128xf32>
    %add3A = arith.addf %get3A_4, %get3A_7 : vector<3200x128xf32>
    %get3A_8 = arith.constant 0 : index
    %get3A_9 = arith.constant 0 : index
    %get3A_10 = vector.load %arg4[%get3A_8, %get3A_9] : memref<128x128xf32, #tpu.memory_space<vmem>>, vector<128x128xf32>
    %dot_general3A = arith.constant dense<0.000000e+00> : vector<3200x128xf32>
    %dot_general3A_11 = tpu.matmul %convert_element_type3A, %get3A_10, %dot_general3A {dimension_numbers = #tpu.dot_dimension_numbers<[1], [0], [0], [1], [0, 0, 1, 1], [], []>, transpose_lhs_hint = false} : vector<3200x128xf32>, vector<128x128xf32>, vector<3200x128xf32> -> vector<3200x128xf32>
    %add3A_12 = arith.addf %add3A, %dot_general3A_11 : vector<3200x128xf32>
    %get3A_13 = arith.constant 0 : index
    %get3A_14 = arith.constant 0 : index
    %get3A_15 = vector.load %arg5[%get3A_13, %get3A_14] : memref<1x128xf32, #tpu.memory_space<vmem>>, vector<1x128xf32>
    %add3A_16 = vector.broadcast %get3A_15 : vector<1x128xf32> to vector<3200x128xf32>
    %add3A_17 = arith.addf %add3A_12, %add3A_16 : vector<3200x128xf32>
    %max3A = arith.constant 0.000000e+00 : f32
    %max3A_18 = vector.broadcast %max3A : f32 to vector<3200x128xf32>
    %max3A_19 = arith.maximumf %add3A_17, %max3A_18 : vector<3200x128xf32>
    %get3A_20 = arith.constant 0 : index
    %get3A_21 = arith.constant 0 : index
    %get3A_22 = vector.load %arg6[%get3A_20, %get3A_21] : memref<128x128xf32, #tpu.memory_space<vmem>>, vector<128x128xf32>
    %dot_general3A_23 = arith.constant dense<0.000000e+00> : vector<3200x128xf32>
    %dot_general3A_24 = tpu.matmul %max3A_19, %get3A_22, %dot_general3A_23 {dimension_numbers = #tpu.dot_dimension_numbers<[1], [0], [0], [1], [0, 0, 1, 1], [], []>, transpose_lhs_hint = false} : vector<3200x128xf32>, vector<128x128xf32>, vector<3200x128xf32> -> vector<3200x128xf32>
    %get3A_25 = arith.constant 0 : index
    %get3A_26 = arith.constant 0 : index
    %get3A_27 = vector.load %arg7[%get3A_25, %get3A_26] : memref<1x128xf32, #tpu.memory_space<vmem>>, vector<1x128xf32>
    %add3A_28 = vector.broadcast %get3A_27 : vector<1x128xf32> to vector<3200x128xf32>
    %add3A_29 = arith.addf %dot_general3A_24, %add3A_28 : vector<3200x128xf32>
    %get3A_30 = arith.constant 0 : index
    %get3A_31 = arith.constant 0 : index
    %get3A_32 = vector.load %arg8[%get3A_30, %get3A_31] : memref<1x128xf32, #tpu.memory_space<vmem>>, vector<1x128xf32>
    %get3A_33 = arith.constant 0 : index
    %get3A_34 = arith.constant 0 : index
    %get3A_35 = vector.load %arg9[%get3A_33, %get3A_34] : memref<1x128xf32, #tpu.memory_space<vmem>>, vector<1x128xf32>
    %reduce_sum3A = arith.constant dense<0.000000e+00> : vector<3200xf32>
    %reduce_sum3A_36 = vector.multi_reduction <add>, %add3A_29, %reduce_sum3A [1] : vector<3200x128xf32> to vector<3200xf32>
    %broadcast_in_dim3A = vector.shape_cast %reduce_sum3A_36 : vector<3200xf32> to vector<3200x1xf32>
    %div3A = arith.constant 1.280000e+02 : f32
    %div3A_37 = vector.broadcast %div3A : f32 to vector<3200x1xf32>
    %div3A_38 = arith.divf %broadcast_in_dim3A, %div3A_37 : vector<3200x1xf32>
    %sub3A = vector.broadcast %div3A_38 : vector<3200x1xf32> to vector<3200x128xf32>
    %sub3A_39 = arith.subf %add3A_29, %sub3A : vector<3200x128xf32>
    %integer_pow3A = arith.mulf %sub3A_39, %sub3A_39 : vector<3200x128xf32>
    %reduce_sum3A_40 = arith.constant dense<0.000000e+00> : vector<3200xf32>
    %reduce_sum3A_41 = vector.multi_reduction <add>, %integer_pow3A, %reduce_sum3A_40 [1] : vector<3200x128xf32> to vector<3200xf32>
    %broadcast_in_dim3A_42 = vector.shape_cast %reduce_sum3A_41 : vector<3200xf32> to vector<3200x1xf32>
    %div3A_43 = arith.constant 1.280000e+02 : f32
    %div3A_44 = vector.broadcast %div3A_43 : f32 to vector<3200x1xf32>
    %div3A_45 = arith.divf %broadcast_in_dim3A_42, %div3A_44 : vector<3200x1xf32>
    %sub3A_46 = vector.broadcast %div3A_38 : vector<3200x1xf32> to vector<3200x128xf32>
    %sub3A_47 = arith.subf %add3A_29, %sub3A_46 : vector<3200x128xf32>
    %add3A_48 = arith.constant 9.99999974E-6 : f32
    %add3A_49 = vector.broadcast %add3A_48 : f32 to vector<3200x1xf32>
    %add3A_50 = arith.addf %div3A_45, %add3A_49 : vector<3200x1xf32>
    %rsqrt3A = math.rsqrt %add3A_50 : vector<3200x1xf32>
    %mul3A = vector.broadcast %rsqrt3A : vector<3200x1xf32> to vector<3200x128xf32>
    %mul3A_51 = arith.mulf %sub3A_47, %mul3A : vector<3200x128xf32>
    %mul3A_52 = vector.broadcast %get3A_32 : vector<1x128xf32> to vector<3200x128xf32>
    %mul3A_53 = arith.mulf %mul3A_51, %mul3A_52 : vector<3200x128xf32>
    %add3A_54 = vector.broadcast %get3A_35 : vector<1x128xf32> to vector<3200x128xf32>
    %add3A_55 = arith.addf %mul3A_53, %add3A_54 : vector<3200x128xf32>
    %swap3A = arith.constant 0 : index
    %swap3A_56 = arith.constant 0 : index
    %swap3A_57 = vector.load %arg10[%swap3A, %swap3A_56] : memref<3200x128xf32, #tpu.memory_space<vmem>>, vector<3200x128xf32>
    tpu.vector_store %arg10[%swap3A, %swap3A_56], %add3A_55 {strides = array<i32>} : memref<3200x128xf32, #tpu.memory_space<vmem>>, vector<3200x128xf32>,
    %add3A_58 = arith.addf %convert_element_type3A, %add3A_55 : vector<3200x128xf32>
    %swap3A_59 = arith.constant 0 : index
    %swap3A_60 = arith.constant 0 : index
    %swap3A_61 = vector.load %arg11[%swap3A_59, %swap3A_60] : memref<3200x128xf32, #tpu.memory_space<vmem>>, vector<3200x128xf32>
    tpu.vector_store %arg11[%swap3A_59, %swap3A_60], %add3A_58 {strides = array<i32>} : memref<3200x128xf32, #tpu.memory_space<vmem>>, vector<3200x128xf32>,
    return
  }
  func.func @transform_0(%arg0: i32) -> (i32, i32) {
    %c0_i32 = arith.constant 0 : i32
    %c0_i32_0 = arith.constant 0 : i32
    return %arg0, %c0_i32 : i32, i32
  }
  func.func @transform_1(%arg0: i32) -> (i32, i32) {
    %c0_i32 = arith.constant 0 : i32
    %c0_i32_0 = arith.constant 0 : i32
    return %arg0, %c0_i32 : i32, i32
  }
  func.func @transform_2(%arg0: i32) -> (i32, i32) {
    %c0_i32 = arith.constant 0 : i32
    %c0_i32_0 = arith.constant 0 : i32
    return %arg0, %c0_i32 : i32, i32
  }
  func.func @transform_3(%arg0: i32) -> (i32, i32) {
    %c0_i32 = arith.constant 0 : i32
    %c0_i32_0 = arith.constant 0 : i32
    %c0_i32_1 = arith.constant 0 : i32
    return %c0_i32, %c0_i32_0 : i32, i32
  }
  func.func @transform_4(%arg0: i32) -> (i32, i32) {
    %c0_i32 = arith.constant 0 : i32
    %c0_i32_0 = arith.constant 0 : i32
    %c0_i32_1 = arith.constant 0 : i32
    return %c0_i32, %c0_i32_0 : i32, i32
  }
  func.func @transform_5(%arg0: i32) -> (i32, i32) {
    %c0_i32 = arith.constant 0 : i32
    %c0_i32_0 = arith.constant 0 : i32
    %c0_i32_1 = arith.constant 0 : i32
    return %c0_i32, %c0_i32_0 : i32, i32
  }
  func.func @transform_6(%arg0: i32) -> (i32, i32) {
    %c0_i32 = arith.constant 0 : i32
    %c0_i32_0 = arith.constant 0 : i32
    %c0_i32_1 = arith.constant 0 : i32
    return %c0_i32, %c0_i32_0 : i32, i32
  }
  func.func @transform_7(%arg0: i32) -> (i32, i32) {
    %c0_i32 = arith.constant 0 : i32
    %c0_i32_0 = arith.constant 0 : i32
    %c0_i32_1 = arith.constant 0 : i32
    return %c0_i32, %c0_i32_0 : i32, i32
  }
  func.func @transform_8(%arg0: i32) -> (i32, i32) {
    %c0_i32 = arith.constant 0 : i32
    %c0_i32_0 = arith.constant 0 : i32
    %c0_i32_1 = arith.constant 0 : i32
    return %c0_i32, %c0_i32_0 : i32, i32
  }
  func.func @transform_9(%arg0: i32) -> (i32, i32) {
    %c0_i32 = arith.constant 0 : i32
    %c0_i32_0 = arith.constant 0 : i32
    return %arg0, %c0_i32 : i32, i32
  }
  func.func @transform_10(%arg0: i32) -> (i32, i32) {
    %c0_i32 = arith.constant 0 : i32
    %c0_i32_0 = arith.constant 0 : i32
    return %arg0, %c0_i32 : i32, i32
  }
}

module attributes {stable_mosaic.version = 14 : i64} {
  func.func @_gn_node_body(%arg0: i32, %arg1: memref<2000x128xf32, #tpu.memory_space<vmem>>, %arg2: memref<2000x56xf32, #tpu.memory_space<vmem>>, %arg3: memref<2000x128xf32, #tpu.memory_space<vmem>>, %arg4: memref<2000x128xf32, #tpu.memory_space<vmem>>, %arg5: memref<128x128xf32, #tpu.memory_space<vmem>>, %arg6: memref<56x128xf32, #tpu.memory_space<vmem>>, %arg7: memref<128x128xf32, #tpu.memory_space<vmem>>, %arg8: memref<1x128xf32, #tpu.memory_space<vmem>>, %arg9: memref<128x128xf32, #tpu.memory_space<vmem>>, %arg10: memref<1x128xf32, #tpu.memory_space<vmem>>, %arg11: memref<1x128xf32, #tpu.memory_space<vmem>>, %arg12: memref<1x128xf32, #tpu.memory_space<vmem>>, %arg13: memref<128x128xf32, #tpu.memory_space<vmem>>, %arg14: memref<56x128xf32, #tpu.memory_space<vmem>>, %arg15: memref<128x128xf32, #tpu.memory_space<vmem>>, %arg16: memref<56x128xf32, #tpu.memory_space<vmem>>, %arg17: memref<2000x128xf32, #tpu.memory_space<vmem>>) attributes {dimension_semantics = [#tpu.dimension_semantics<arbitrary>], iteration_bounds = array<i64: 5>, scalar_prefetch = 0 : i64, scratch_operands = 0 : i64, tpu.core_type = #tpu.core_type<tc>, window_params = [{transform_indices = @transform_0, window_bounds = array<i64: 2000, 128>}, {transform_indices = @transform_1, window_bounds = array<i64: 2000, 56>}, {transform_indices = @transform_2, window_bounds = array<i64: 2000, 128>}, {transform_indices = @transform_3, window_bounds = array<i64: 2000, 128>}, {pipeline_mode = #tpu.pipeline_mode<synchronous>, transform_indices = @transform_4, window_bounds = array<i64: 128, 128>}, {pipeline_mode = #tpu.pipeline_mode<synchronous>, transform_indices = @transform_5, window_bounds = array<i64: 56, 128>}, {pipeline_mode = #tpu.pipeline_mode<synchronous>, transform_indices = @transform_6, window_bounds = array<i64: 128, 128>}, {pipeline_mode = #tpu.pipeline_mode<synchronous>, transform_indices = @transform_7, window_bounds = array<i64: 1, 128>}, {pipeline_mode = #tpu.pipeline_mode<synchronous>, transform_indices = @transform_8, window_bounds = array<i64: 128, 128>}, {pipeline_mode = #tpu.pipeline_mode<synchronous>, transform_indices = @transform_9, window_bounds = array<i64: 1, 128>}, {pipeline_mode = #tpu.pipeline_mode<synchronous>, transform_indices = @transform_10, window_bounds = array<i64: 1, 128>}, {pipeline_mode = #tpu.pipeline_mode<synchronous>, transform_indices = @transform_11, window_bounds = array<i64: 1, 128>}, {pipeline_mode = #tpu.pipeline_mode<synchronous>, transform_indices = @transform_12, window_bounds = array<i64: 128, 128>}, {pipeline_mode = #tpu.pipeline_mode<synchronous>, transform_indices = @transform_13, window_bounds = array<i64: 56, 128>}, {pipeline_mode = #tpu.pipeline_mode<synchronous>, transform_indices = @transform_14, window_bounds = array<i64: 128, 128>}, {pipeline_mode = #tpu.pipeline_mode<synchronous>, transform_indices = @transform_15, window_bounds = array<i64: 56, 128>}, {transform_indices = @transform_16, window_bounds = array<i64: 2000, 128>}]} {
    %get3A = arith.constant 0 : index
    %get3A_0 = arith.constant 0 : index
    %get3A_1 = vector.load %arg1[%get3A, %get3A_0] : memref<2000x128xf32, #tpu.memory_space<vmem>>, vector<2000x128xf32>
    %get3A_2 = arith.constant 0 : index
    %get3A_3 = arith.constant 0 : index
    %get3A_4 = vector.load %arg2[%get3A_2, %get3A_3] : memref<2000x56xf32, #tpu.memory_space<vmem>>, vector<2000x56xf32>
    %get3A_5 = arith.constant 0 : index
    %get3A_6 = arith.constant 0 : index
    %get3A_7 = vector.load %arg5[%get3A_5, %get3A_6] : memref<128x128xf32, #tpu.memory_space<vmem>>, vector<128x128xf32>
    %dot_general3A = arith.constant dense<0.000000e+00> : vector<2000x128xf32>
    %dot_general3A_8 = tpu.matmul %get3A_1, %get3A_7, %dot_general3A {dimension_numbers = #tpu.dot_dimension_numbers<[1], [0], [0], [1], [0, 0, 1, 1], [], []>, transpose_lhs_hint = false} : vector<2000x128xf32>, vector<128x128xf32>, vector<2000x128xf32> -> vector<2000x128xf32>
    %get3A_9 = arith.constant 0 : index
    %get3A_10 = arith.constant 0 : index
    %get3A_11 = vector.load %arg6[%get3A_9, %get3A_10] : memref<56x128xf32, #tpu.memory_space<vmem>>, vector<56x128xf32>
    %dot_general3A_12 = arith.constant dense<0.000000e+00> : vector<2000x128xf32>
    %dot_general3A_13 = tpu.matmul %get3A_4, %get3A_11, %dot_general3A_12 {dimension_numbers = #tpu.dot_dimension_numbers<[1], [0], [0], [1], [0, 0, 1, 1], [], []>, transpose_lhs_hint = false} : vector<2000x56xf32>, vector<56x128xf32>, vector<2000x128xf32> -> vector<2000x128xf32>
    %add3A = arith.addf %dot_general3A_8, %dot_general3A_13 : vector<2000x128xf32>
    %get3A_14 = arith.constant 0 : index
    %get3A_15 = arith.constant 0 : index
    %get3A_16 = vector.load %arg3[%get3A_14, %get3A_15] : memref<2000x128xf32, #tpu.memory_space<vmem>>, vector<2000x128xf32>
    %get3A_17 = arith.constant 0 : index
    %get3A_18 = arith.constant 0 : index
    %get3A_19 = vector.load %arg4[%get3A_17, %get3A_18] : memref<2000x128xf32, #tpu.memory_space<vmem>>, vector<2000x128xf32>
    %add3A_20 = arith.addf %get3A_16, %get3A_19 : vector<2000x128xf32>
    %get3A_21 = arith.constant 0 : index
    %get3A_22 = arith.constant 0 : index
    %get3A_23 = vector.load %arg7[%get3A_21, %get3A_22] : memref<128x128xf32, #tpu.memory_space<vmem>>, vector<128x128xf32>
    %dot_general3A_24 = arith.constant dense<0.000000e+00> : vector<2000x128xf32>
    %dot_general3A_25 = tpu.matmul %add3A_20, %get3A_23, %dot_general3A_24 {dimension_numbers = #tpu.dot_dimension_numbers<[1], [0], [0], [1], [0, 0, 1, 1], [], []>, transpose_lhs_hint = false} : vector<2000x128xf32>, vector<128x128xf32>, vector<2000x128xf32> -> vector<2000x128xf32>
    %add3A_26 = arith.addf %add3A, %dot_general3A_25 : vector<2000x128xf32>
    %get3A_27 = arith.constant 0 : index
    %get3A_28 = arith.constant 0 : index
    %get3A_29 = vector.load %arg8[%get3A_27, %get3A_28] : memref<1x128xf32, #tpu.memory_space<vmem>>, vector<1x128xf32>
    %add3A_30 = vector.broadcast %get3A_29 : vector<1x128xf32> to vector<2000x128xf32>
    %add3A_31 = arith.addf %add3A_26, %add3A_30 : vector<2000x128xf32>
    %max3A = arith.constant 0.000000e+00 : f32
    %max3A_32 = vector.broadcast %max3A : f32 to vector<2000x128xf32>
    %max3A_33 = arith.maximumf %add3A_31, %max3A_32 : vector<2000x128xf32>
    %get3A_34 = arith.constant 0 : index
    %get3A_35 = arith.constant 0 : index
    %get3A_36 = vector.load %arg9[%get3A_34, %get3A_35] : memref<128x128xf32, #tpu.memory_space<vmem>>, vector<128x128xf32>
    %dot_general3A_37 = arith.constant dense<0.000000e+00> : vector<2000x128xf32>
    %dot_general3A_38 = tpu.matmul %max3A_33, %get3A_36, %dot_general3A_37 {dimension_numbers = #tpu.dot_dimension_numbers<[1], [0], [0], [1], [0, 0, 1, 1], [], []>, transpose_lhs_hint = false} : vector<2000x128xf32>, vector<128x128xf32>, vector<2000x128xf32> -> vector<2000x128xf32>
    %get3A_39 = arith.constant 0 : index
    %get3A_40 = arith.constant 0 : index
    %get3A_41 = vector.load %arg10[%get3A_39, %get3A_40] : memref<1x128xf32, #tpu.memory_space<vmem>>, vector<1x128xf32>
    %add3A_42 = vector.broadcast %get3A_41 : vector<1x128xf32> to vector<2000x128xf32>
    %add3A_43 = arith.addf %dot_general3A_38, %add3A_42 : vector<2000x128xf32>
    %get3A_44 = arith.constant 0 : index
    %get3A_45 = arith.constant 0 : index
    %get3A_46 = vector.load %arg11[%get3A_44, %get3A_45] : memref<1x128xf32, #tpu.memory_space<vmem>>, vector<1x128xf32>
    %get3A_47 = arith.constant 0 : index
    %get3A_48 = arith.constant 0 : index
    %get3A_49 = vector.load %arg12[%get3A_47, %get3A_48] : memref<1x128xf32, #tpu.memory_space<vmem>>, vector<1x128xf32>
    %reduce_sum3A = arith.constant dense<0.000000e+00> : vector<2000xf32>
    %reduce_sum3A_50 = vector.multi_reduction <add>, %add3A_43, %reduce_sum3A [1] : vector<2000x128xf32> to vector<2000xf32>
    %broadcast_in_dim3A = vector.shape_cast %reduce_sum3A_50 : vector<2000xf32> to vector<2000x1xf32>
    %div3A = arith.constant 1.280000e+02 : f32
    %div3A_51 = vector.broadcast %div3A : f32 to vector<2000x1xf32>
    %div3A_52 = arith.divf %broadcast_in_dim3A, %div3A_51 : vector<2000x1xf32>
    %sub3A = vector.broadcast %div3A_52 : vector<2000x1xf32> to vector<2000x128xf32>
    %sub3A_53 = arith.subf %add3A_43, %sub3A : vector<2000x128xf32>
    %integer_pow3A = arith.mulf %sub3A_53, %sub3A_53 : vector<2000x128xf32>
    %reduce_sum3A_54 = arith.constant dense<0.000000e+00> : vector<2000xf32>
    %reduce_sum3A_55 = vector.multi_reduction <add>, %integer_pow3A, %reduce_sum3A_54 [1] : vector<2000x128xf32> to vector<2000xf32>
    %broadcast_in_dim3A_56 = vector.shape_cast %reduce_sum3A_55 : vector<2000xf32> to vector<2000x1xf32>
    %div3A_57 = arith.constant 1.280000e+02 : f32
    %div3A_58 = vector.broadcast %div3A_57 : f32 to vector<2000x1xf32>
    %div3A_59 = arith.divf %broadcast_in_dim3A_56, %div3A_58 : vector<2000x1xf32>
    %sub3A_60 = vector.broadcast %div3A_52 : vector<2000x1xf32> to vector<2000x128xf32>
    %sub3A_61 = arith.subf %add3A_43, %sub3A_60 : vector<2000x128xf32>
    %add3A_62 = arith.constant 9.99999974E-6 : f32
    %add3A_63 = vector.broadcast %add3A_62 : f32 to vector<2000x1xf32>
    %add3A_64 = arith.addf %div3A_59, %add3A_63 : vector<2000x1xf32>
    %rsqrt3A = math.rsqrt %add3A_64 : vector<2000x1xf32>
    %mul3A = vector.broadcast %rsqrt3A : vector<2000x1xf32> to vector<2000x128xf32>
    %mul3A_65 = arith.mulf %sub3A_61, %mul3A : vector<2000x128xf32>
    %mul3A_66 = vector.broadcast %get3A_46 : vector<1x128xf32> to vector<2000x128xf32>
    %mul3A_67 = arith.mulf %mul3A_65, %mul3A_66 : vector<2000x128xf32>
    %add3A_68 = vector.broadcast %get3A_49 : vector<1x128xf32> to vector<2000x128xf32>
    %add3A_69 = arith.addf %mul3A_67, %add3A_68 : vector<2000x128xf32>
    %add3A_70 = arith.addf %get3A_1, %add3A_69 : vector<2000x128xf32>
    %swap3A = arith.constant 0 : index
    %swap3A_71 = arith.constant 0 : index
    %swap3A_72 = vector.load %arg17[%swap3A, %swap3A_71] : memref<2000x128xf32, #tpu.memory_space<vmem>>, vector<2000x128xf32>
    tpu.vector_store %arg17[%swap3A, %swap3A_71], %add3A_70 {strides = array<i32>} : memref<2000x128xf32, #tpu.memory_space<vmem>>, vector<2000x128xf32>,
    return
  }
  func.func @transform_0(%arg0: i32) -> (i32, i32) {
    %c0_i32 = arith.constant 0 : i32
    %c0_i32_0 = arith.constant 0 : i32
    return %arg0, %c0_i32 : i32, i32
  }
  func.func @transform_1(%arg0: i32) -> (i32, i32) {
    %c0_i32 = arith.constant 0 : i32
    %c0_i32_0 = arith.constant 0 : i32
    return %arg0, %c0_i32 : i32, i32
  }
  func.func @transform_2(%arg0: i32) -> (i32, i32) {
    %c0_i32 = arith.constant 0 : i32
    %c0_i32_0 = arith.constant 0 : i32
    return %arg0, %c0_i32 : i32, i32
  }
  func.func @transform_3(%arg0: i32) -> (i32, i32) {
    %c0_i32 = arith.constant 0 : i32
    %c0_i32_0 = arith.constant 0 : i32
    return %arg0, %c0_i32 : i32, i32
  }
  func.func @transform_4(%arg0: i32) -> (i32, i32) {
    %c0_i32 = arith.constant 0 : i32
    %c0_i32_0 = arith.constant 0 : i32
    %c0_i32_1 = arith.constant 0 : i32
    return %c0_i32, %c0_i32_0 : i32, i32
  }
  func.func @transform_5(%arg0: i32) -> (i32, i32) {
    %c0_i32 = arith.constant 0 : i32
    %c0_i32_0 = arith.constant 0 : i32
    %c0_i32_1 = arith.constant 0 : i32
    return %c0_i32, %c0_i32_0 : i32, i32
  }
  func.func @transform_6(%arg0: i32) -> (i32, i32) {
    %c0_i32 = arith.constant 0 : i32
    %c0_i32_0 = arith.constant 0 : i32
    %c0_i32_1 = arith.constant 0 : i32
    return %c0_i32, %c0_i32_0 : i32, i32
  }
  func.func @transform_7(%arg0: i32) -> (i32, i32) {
    %c0_i32 = arith.constant 0 : i32
    %c0_i32_0 = arith.constant 0 : i32
    %c0_i32_1 = arith.constant 0 : i32
    return %c0_i32, %c0_i32_0 : i32, i32
  }
  func.func @transform_8(%arg0: i32) -> (i32, i32) {
    %c0_i32 = arith.constant 0 : i32
    %c0_i32_0 = arith.constant 0 : i32
    %c0_i32_1 = arith.constant 0 : i32
    return %c0_i32, %c0_i32_0 : i32, i32
  }
  func.func @transform_9(%arg0: i32) -> (i32, i32) {
    %c0_i32 = arith.constant 0 : i32
    %c0_i32_0 = arith.constant 0 : i32
    %c0_i32_1 = arith.constant 0 : i32
    return %c0_i32, %c0_i32_0 : i32, i32
  }
  func.func @transform_10(%arg0: i32) -> (i32, i32) {
    %c0_i32 = arith.constant 0 : i32
    %c0_i32_0 = arith.constant 0 : i32
    %c0_i32_1 = arith.constant 0 : i32
    return %c0_i32, %c0_i32_0 : i32, i32
  }
  func.func @transform_11(%arg0: i32) -> (i32, i32) {
    %c0_i32 = arith.constant 0 : i32
    %c0_i32_0 = arith.constant 0 : i32
    %c0_i32_1 = arith.constant 0 : i32
    return %c0_i32, %c0_i32_0 : i32, i32
  }
  func.func @transform_12(%arg0: i32) -> (i32, i32) {
    %c0_i32 = arith.constant 0 : i32
    %c0_i32_0 = arith.constant 0 : i32
    %c0_i32_1 = arith.constant 0 : i32
    return %c0_i32, %c0_i32_0 : i32, i32
  }
  func.func @transform_13(%arg0: i32) -> (i32, i32) {
    %c0_i32 = arith.constant 0 : i32
    %c0_i32_0 = arith.constant 0 : i32
    %c0_i32_1 = arith.constant 0 : i32
    return %c0_i32, %c0_i32_0 : i32, i32
  }
  func.func @transform_14(%arg0: i32) -> (i32, i32) {
    %c0_i32 = arith.constant 0 : i32
    %c0_i32_0 = arith.constant 0 : i32
    %c0_i32_1 = arith.constant 0 : i32
    return %c0_i32, %c0_i32_0 : i32, i32
  }
  func.func @transform_15(%arg0: i32) -> (i32, i32) {
    %c0_i32 = arith.constant 0 : i32
    %c0_i32_0 = arith.constant 0 : i32
    %c0_i32_1 = arith.constant 0 : i32
    return %c0_i32, %c0_i32_0 : i32, i32
  }
  func.func @transform_16(%arg0: i32) -> (i32, i32) {
    %c0_i32 = arith.constant 0 : i32
    %c0_i32_0 = arith.constant 0 : i32
    return %arg0, %c0_i32 : i32, i32
  }
}

</mosaic_0001>

<sc_bundles>
// kernel: kernel.20.cloned.1.call-start
scs
__scs_entry_jumppad:
0x0: {  	(pc) =	sbr.rel $0x88, $3  }
0x1: {  	(tag) =	ssettag $0x0;
	lr =	simm.s32 $0x1  }
0x2: {  	[smem:$0x3F64] =	sst lr;
	_ =	strace $0xD0000000  }
0x3: {  	_ = 	snop  }
0x4: {  	_ = 	snop  }
0x5: {  	_ = 	snop  }
0x6: {  	_ = 	snop  }
0x7: {  	_ = 	snop  }
__scs_overlays_trampoline_lowered:
0x8: {  	[smem:$0x3F73] =	sst s0  }
0x9: {  	[smem:$0x3F74] =	sst s1  }
0xa: {  	[smem:$0x3F75] =	sst s2  }
0xb: {  	[smem:$0x3F76] =	sst s3  }
0xc: {  	[smem:$0x3F77] =	sst s4  }
0xd: {  	[smem:$0x3F78] =	sst s5  }
0xe: {  	[smem:$0x3F79] =	sst s6  }
0xf: {  	[smem:$0x3F7A] =	sst s7  }
0x10: {  	[smem:$0x3F7B] =	sst s8  }
0x11: {  	[smem:$0x3F7C] =	sst s9;
	s0 =	simm.s32 @!p0 $0x0  }
0x12: {  	s1 =	sld [smem:$0x3F62];
	s0 =	simm.s32 @p0 $0x1  }
0x13: {  	[smem:$0x3F7D] =	sst s0;
	s0 =	simm.s32 @!p1 $0x0  }
0x14: {  	s2 =	sld [smem:$0x3F61];
	s0 =	simm.s32 @p1 $0x1  }
0x15: {  	[smem:$0x3F7E] =	sst s0;
	s0 =	simm.s32 @!p2 $0x0  }
0x16: {  	s3 =	sld [smem:$0x3FDB];
	s0 =	simm.s32 @p2 $0x1  }
0x17: {  	s4 =	simm.s32 $0x1BF5;
	[smem:$0x3F80] =	sst s0  }
0x18: {  	s0 =	sld [smem:$0x3F63];
	_ =	swait.ge [sflag:s4], $0x0  }
0x19: {  	s7 =	sld [smem:$0x3F64]  }
0x1a: {  	s8 =	sadd.s32 $0xFFFFE003, lr  }
0x1b: {  	s9 =	sadd.s32 $0xFFFFFEF7, lr;
	s5 =	simm.s32 $0xFFFFFFFF;
	p2 =	slt.u32 s8, $0xFFFFF086  }
0x1c: {  	p1 =	slt.u32 s9, $0xF7A;
	s5 =	simm.s32 @!p2 $0x0  }
0x1d: {  	s5 =	simm.s32 @p1 $0x1;
	p0 =	seq.s32 s7, s2  }
0x1e: {  	s7 =	smul.u32 @!p0 $0xF7A, s2;
	p2 =	seq.s32 @!p0 s5, $0x0  }
0x1f: {  	s9 =	smul.u32 $0xF7A, s1;
	s8 =	simm.s32 @!p0 $0x1BF5;
	p2 =	por !p2, p0  }
0x20: {  	[sflag:s8] =	ssyncset.s32 @!p0 $0xFFFFF086;
	s6 =	sadd.s32 @!p0 s3, s7;
	s7 =	simm.s32 @!p0 $0x108  }
0x21: {  	s3 =	sadd.s32 s3, s9;
	s6 =	sadd.s32 @!p0 $0x88, s6;
	s7 =	simm.s32 @p2 $0x1082  }
0x22: {  	[simem:s7], [sflag:s8] =	dma.local @!p0 [hbm:s6], $0xF7A  }
0x23: {  	s9 =	sor.u32 $0xD0000000, s2;
	s6 =	simm.s32 $0x108;
	_ =	swait.ge @!p0 [sflag:s8], $0x0  }
0x24: {  	s3 =	sadd.s32 $0x88, s3;
	s6 =	simm.s32 @!p1 $0x1082;
	[sflag:s4] =	ssyncset.s32 $0xFFFFF086  }
0x25: {  	[simem:s6], [sflag:s4] =	dma.local [hbm:s3], $0xF7A  }
0x26: {  	[smem:$0x3F64] =	sst s1;
	(tag) =	ssettag s2;
	_ =	strace s9  }
0x27: {  	s1 =	sld [smem:$0x3F74]  }
0x28: {  	s2 =	sld [smem:$0x3F75]  }
0x29: {  	s4 =	sld [smem:$0x3F77]  }
0x2a: {  	p0 =	seq.s32 s5, $0x0;
	s5 =	sld [smem:$0x3F78]  }
0x2b: {  	s6 =	sld [smem:$0x3F79]  }
0x2c: {  	s7 =	sld [smem:$0x3F7A]  }
0x2d: {  	s3 =	simm.s32 $0x108;
	s8 =	sld [smem:$0x3F7B]  }
0x2e: {  	s3 =	simm.s32 @!p0 $0x1082;
	s9 =	sld [smem:$0x3F7C]  }
0x2f: {  	lr =	sadd.s32 s0, s3;
	s0 =	sld [smem:$0x3F73]  }
0x30: {  	s3 =	sld [smem:$0x3F76]  }
0x31: {  	[smem:$0x3F7F] =	sst s10  }
0x32: {  	s10 =	sld [smem:$0x3F7D];
	_ =	sdelay $0x3  }
0x33: {  	p0 =	seq.s32 s10, $0x1;
	s10 =	sld [smem:$0x3F7F];
	_ =	sdelay $0x3  }
0x34: {  	[smem:$0x3F7F] =	sst s10  }
0x35: {  	s10 =	sld [smem:$0x3F7E];
	_ =	sdelay $0x3  }
0x36: {  	p1 =	seq.s32 s10, $0x1;
	s10 =	sld [smem:$0x3F7F];
	_ =	sdelay $0x3  }
0x37: {  	[smem:$0x3F7F] =	sst s10  }
0x38: {  	s10 =	sld [smem:$0x3F80]  }
0x39: {  	_ = 	snop;
	(pc) =	sbr.ind lr, $3  }
0x3a: {  	_ = 	snop  }
0x3b: {  	_ = 	snop  }
0x3c: {  	p2 =	seq.s32 s10, $0x1;
	s10 =	sld [smem:$0x3F7F]  }
0x3d: {  	_ =	shalt  }
0x3e: {  	_ =	shalt  }
0x3f: {  	_ =	shalt  }
0x40: {  	_ =	shalt  }
0x41: {  	_ =	shalt  }
0x42: {  	_ =	shalt  }
0x43: {  	_ =	shalt  }
0x44: {  	_ =	shalt  }
0x45: {  	_ =	shalt  }
0x46: {  	_ =	shalt  }
0x47: {  	_ =	shalt  }
0x48: {  	_ =	shalt  }
0x49: {  	_ =	shalt  }
0x4a: {  	_ =	shalt  }
0x4b: {  	_ =	shalt  }
0x4c: {  	_ =	shalt  }
0x4d: {  	_ =	shalt  }
0x4e: {  	_ =	shalt  }
0x4f: {  	_ =	shalt  }
0x50: {  	_ =	shalt  }
0x51: {  	_ =	shalt  }
0x52: {  	_ =	shalt  }
0x53: {  	_ =	shalt  }
0x54: {  	_ =	shalt  }
0x55: {  	_ =	shalt  }
0x56: {  	_ =	shalt  }
0x57: {  	_ =	shalt  }
0x58: {  	_ =	shalt  }
0x59: {  	_ =	shalt  }
0x5a: {  	_ =	shalt  }
0x5b: {  	_ =	shalt  }
0x5c: {  	_ =	shalt  }
0x5d: {  	_ =	shalt  }
0x5e: {  	_ =	shalt  }
0x5f: {  	_ =	shalt  }
0x60: {  	_ =	shalt  }
0x61: {  	_ =	shalt  }
0x62: {  	_ =	shalt  }
0x63: {  	_ =	shalt  }
0x64: {  	_ =	shalt  }
0x65: {  	_ =	shalt  }
0x66: {  	_ =	shalt  }
0x67: {  	_ =	shalt  }
0x68: {  	_ =	shalt  }
0x69: {  	_ =	shalt  }
0x6a: {  	_ =	shalt  }
0x6b: {  	_ =	shalt  }
0x6c: {  	_ =	shalt  }
0x6d: {  	_ =	shalt  }
0x6e: {  	_ =	shalt  }
0x6f: {  	_ =	shalt  }
0x70: {  	_ =	shalt  }
0x71: {  	_ =	shalt  }
0x72: {  	_ =	shalt  }
0x73: {  	_ =	shalt  }
0x74: {  	_ =	shalt  }
0x75: {  	_ =	shalt  }
0x76: {  	_ =	shalt  }
0x77: {  	_ =	shalt  }
0x78: {  	_ =	shalt  }
0x79: {  	_ =	shalt  }
0x7a: {  	_ =	shalt  }
0x7b: {  	_ =	shalt  }
0x7c: {  	_ =	shalt  }
0x7d: {  	_ =	shalt  }
0x7e: {  	_ =	shalt  }
0x7f: {  	_ =	shalt  }
0x80: {  	_ =	shalt  }
0x81: {  	_ =	shalt  }
0x82: {  	_ =	shalt  }
0x83: {  	_ =	shalt  }
0x84: {  	_ =	shalt  }
0x85: {  	_ =	shalt  }
0x86: {  	_ =	shalt  }
0x87: {  	_ =	shalt  }
.Lfunc_end0:
.L_simem_size_0:
called_computation_lowered:
.L_overlay_start_0:
0x88: {  	s2 =	sld [smem:$0x3FD9]  }
0x89: {  	s3 =	sld [smem:$0x3FFE];
	_ =	sdelay $0x1  }
0x8a: {  	s1 =	srdreg.scid  }
0x8b: {  	s0 =	sand.u32 $0x1, s1  }
0x8c: {  	s16 =	sshll.u32 s0, $0xA;
	s2 =	sadd.s32 s3, s2  }
0x8d: {  	s2 =	sadd.s32 s2, s16  }
0x8e: {  	[smem:$0x3F8B] =	sst s2  }
0x8f: {  	_ = 	snop  }
0x90: {  	(tm) =	ssettm $0x1  }
0x91: {  	s17 =	sld [smem:$0x3FFB];
	_ =	sdelay $0x3  }
0x92: {  	_ =	strace s17  }
0x93: {  	s2 =	sld [smem:$0x3FFC];
	_ =	sdelay $0x3  }
0x94: {  	_ =	strace s2  }
0x95: {  	s2 =	sld [smem:$0x3FFD];
	_ =	sdelay $0x3  }
0x96: {  	_ =	strace s2  }
0x97: {  	_ =	strace $0x8FFFFFFF  }
0x98: {  	s18 =	sld [smem:$0x3FDB];
	_ =	sdelay $0x1  }
0x99: {  	s19 =	simm.s32 $_scs_section_size  }
0x9a: {  	s4 =	simm.s32 $_size__tile_overlayer_lowered;
	s5 =	simm.s32 $_tile_overlayer_lowered  }
0x9b: {  	s22 =	simm.s32 $0x1BFF;
	s21 =	sshll.u32 s5, $0x1;
	s2 =	sadd.s32 s19, s18  }
0x9c: {  	s6 =	simm.s32 $0x0;
	s20 =	sshll.u32 s4, $0x1;
	s4 =	sadd.s32 s21, s2  }
0x9d: {  	[timem:s6], [sflag:s22] =	dma.local [hbm:s4], s20  }
0x9e: {  	_ =	swait.ge [sflag:s22], s20  }
0x9f: {  	s3 =	ssub.s32 $0x0, s20;
	[sflag:s22] =	ssyncset.done $0x0  }
0xa0: {  	[sflag:s22] =	ssyncadd.s32 s3;
	_ =	sdelay $0x1  }
0xa1: {  	s23 =	simm.s32 $0x1B8B  }
0xa2: {  	_ =	swait.ge [sflag:s23], $0x1  }
0xa3: {  	[sflag:s23] =	ssyncset.done $0x0  }
0xa4: {  	s25 =	simm.s32 $0x1B8E;
	s24 =	sld [smem:$0x3FFE];
	[sflag:s23] =	ssyncadd.s32 $0xFFFFFFFF  }
0xa5: {  	s26 =	simm.s32 $execute0_lowered;
	[smem:$0x3FD2] =	sst s25  }
0xa6: {  	s4 =	sshll.u32 s26, $0x1;
	_ =	strace $0x80000046;
	[dreg:$0x1] =	wrdreg $0xFFFFFFFF  }
0xa7: {  	s28 =	simm.s32 $_size_execute0_lowered;
	s2 =	sadd.s32 s2, s4;
	[dreg:$0x0] =	wrdreg $0x0  }
0xa8: {  	s4 =	sshll.u32 s28, $0x1;
	[dreg:$0x2] =	wrdreg s2  }
0xa9: {  	[dreg:$0x3] =	wrdreg s4  }
0xaa: {  	[dreg:$0x4] =	wrdreg $0xC0  }
0xab: {  	_ =	task [dreg:s6], $0x5FFFF  }
0xac: {  	[dreg:$0x1] =	wrdreg $0xFFFFFFFF  }
0xad: {  	[dreg:$0x0] =	wrdreg $0x60  }
0xae: {  	[dreg:$0x2] =	wrdreg s24  }
0xaf: {  	[dreg:$0x3] =	wrdreg $0x9  }
0xb0: {  	_ =	task.clear_ibuf [dreg:s6], $0x4FFFF;
	_ =	strace $0x90000046  }
0xb1: {  	s29 =	simm.s32 $0x9;
	_ =	strace $0x80000048  }
0xb2: {  	_ =	swait.ge [sflag:s29], $0x1  }
0xb3: {  	[sflag:s29] =	ssyncadd.s32 $0xFFFFFFFF  }
0xb4: {  	_ =	strace $0x90000048  }
0xb5: {  	_ =	sfence  }
0xb6: {  	s30 =	sld [smem:$0x0];
	_ =	sdelay $0x2  }
0xb7: {  	s31 =	sshll.u32 s1, $0xD;
	s1 =	sshrl.u32 s1, $0x2  }
0xb8: {  	s3 =	sand.u32 $0x4000, s31;
	s1 =	sadd.s32 s1, s30  }
0xb9: {  	s0 =	sor.u32 s3, s0;
	s1 =	sshll.u32 s1, $0x11  }
0xba: {  	s0 =	sor.u32 s1, s0  }
0xbb: {  	s0 =	sadd.s32 $0x8F2B, s0  }
0xbc: {  	[sflag:s0] =	ssyncadd.remote.s32 $0x1  }
0xbd: {  	_ =	sfence.sel $0xFFFF  }
0xbe: {  	[dreg:$0x0] =	wrdreg $0xFFFFFFFF;
	(pc) =	sbr.abs _section_cstart, $3  }
0xbf: {  	[dreg:$0x1] =	wrdreg $0xFFFFFFFF  }
0xc0: {  	_ =	task.clear_ibuf [dreg:s6], $0x2FFFF;
	_ =	strace $0x9FFFFFFF  }
0xc1: {  	(tm) =	ssettm $0x7FFFFFFF  }
tec
execute0_lowered:
.L_overlay_start_1:
0x0: {  	(tag) =	ssettag $0x1  }
0x1: {  	s1 =	srdreg.scid  }
0x2: {  	s0 =	stileid.u32;
	s5 =	rddreg [dreg:$0x0];
	s2 =	simm.s32 $0x0  }
0x3: {  	s15 =	simm.s32 $0x4F00;
	s16 =	simm.s32 $0x7700;
	s17 =	simm.s32 $0x9F00  }
0x4: {  	s18 =	simm.s32 $0xC700;
	s19 =	simm.s32 $0x1;
	s20 =	simm.s32 $0x2  }
0x5: {  	s21 =	simm.s32 $0x26C0;
	s22 =	simm.s32 $0x4E40;
	s23 =	simm.s32 $0x0  }
0x6: {  	s8 =	sand.u32 $0x1, s1;
	s3 =	sshll.u32 s0, $0x1;
	s1 =	rddreg [dreg:$0x1]  }
0x7: {  	[smem:$0x7FF] =	sst s2;
	s4 =	sadd.s32 $0x77E00, s5;
	s13 =	smul.u32 $0x4E200, s0  }
0x8: {  	s10 =	sadd.s32 $0x9F000, s5;
	s6 =	sor.u32 s8, s3;
	s14 =	smul.u32 $0x27100, s8  }
0x9: {  	s12 =	sadd.s32 $0x581000, s5;
	s9 =	ssub.s32 $0x2, s8;
	s7 =	smul.u32 $0x2710, s6  }
0xa: {  	_ =	strace $0x80000047;
	s6 =	smul.u32 $0x138800, s6;
	s11 =	sshrl.u32 s9, $0x1  }
0xb: {  	s3 =	sadd.s32 $0x50C00, s5;
	s31 =	sadd.s32 s13, s12;
	s9 =	ssub.s32 s9, s11  }
0xc: {  	s11 =	sadd.s32 s14, s31;
	s7 =	sshrl.u32 s7, $0x3;
	s6 =	sshrl.u32 s6, $0x3  }
0xd: {  	s9 =	smax.u32 s9, $0x1;
	s7 =	sadd.s32 s7, s5;
	s30 =	sadd.s32 $0x26C00, s6  }
0xe: {  	s5 =	sadd.s32 $0x1CC00, s7;
	s6 =	sadd.s32 $0x12E00, s7;
	s7 =	sadd.s32 s10, s30  }
0xf: {  	s8 =	sadd.s32 s12, s30;
	s10 =	sadd.s32 s13, s10;
	s12 =	simm.s32 $0x3  }
0x10: {  	s13 =	simm.s32 $0x2780;
	s10 =	sadd.s32 s14, s10;
	s14 =	simm.s32 $0x50  }
.LBB2_1:
0x11: {  	[tilespmem:s2], [sflag:$0x3] =	stream.linear.gather [hbm4b:s5+s2], $0x2710, $0x38;
	[tilespmem:$0xEF00] =	vst v63  }
0x12: {  	_ =	swait.ge [sflag:s12], $0x2710  }
0x13: {  	[sflag:s12] =	ssyncset.done $0x0  }
0x14: {  	[sflag:s12] =	ssyncadd.s32 $0xFFFFD8F0  }
0x15: {  	[tilespmem:s13], [sflag:$0x3] =	stream.linear.gather [hbm4b:s6+s2], $0x2710, $0x38;
	[tilespmem:$0xEF00] =	vst v63  }
0x16: {  	_ =	swait.ge [sflag:s12], $0x2710  }
0x17: {  	[sflag:s12] =	ssyncset.done $0x0  }
0x18: {  	s24 =	simm.s32 $0x0;
	[sflag:s12] =	ssyncadd.s32 $0xFFFFD8F0  }
0x19: {  	[tilespmem:s15], [sflag:$0x1] =	stream.indirect.gather [hbm4b:s3+s14], $0x80, s24, s14, $0xb8;
	[tilespmem:$0xEF00] =	vst v63  }
0x1a: {  	s30 =	simm.s32 $0x2780  }
0x1b: {  	[tilespmem:s16], [sflag:$0x1] =	stream.indirect.gather [hbm4b:s4+s14], $0x80, s30, s14, $0xb8;
	[tilespmem:$0xEF00] =	vst v63  }
0x1c: {  	_ = 	snop  }
0x1d: {  	[tilespmem:s17], [sflag:$0x1] =	stream.indirect.gather [hbm4b:s3+s14], $0x80, s14, s14, $0xb8;
	[tilespmem:$0xEF00] =	vst v63  }
0x1e: {  	s24 =	simm.s32 $0x27D0  }
0x1f: {  	[tilespmem:s18], [sflag:$0x1] =	stream.indirect.gather [hbm4b:s4+s14], $0x80, s24, s14, $0xb8;
	[tilespmem:$0xEF00] =	vst v63  }
0x20: {  	_ =	swait.ge [sflag:s19], $0x2800  }
0x21: {  	[sflag:s19] =	ssyncset.done $0x0  }
0x22: {  	[sflag:s19] =	ssyncadd.s32 $0xFFFFD800  }
0x23: {  	_ =	swait.ge [sflag:s19], $0x2800  }
0x24: {  	[sflag:s19] =	ssyncset.done $0x0  }
0x25: {  	[sflag:s19] =	ssyncadd.s32 $0xFFFFD800  }
0x26: {  	_ =	swait.ge [sflag:s19], $0x2800  }
0x27: {  	[sflag:s19] =	ssyncset.done $0x0  }
0x28: {  	[sflag:s19] =	ssyncadd.s32 $0xFFFFD800  }
0x29: {  	_ =	swait.ge [sflag:s19], $0x2800  }
0x2a: {  	[sflag:s19] =	ssyncset.done $0x0  }
0x2b: {  	s25 =	sadd.s32 $0x0, s10;
	[sflag:s19] =	ssyncadd.s32 $0xFFFFD800  }
0x2c: {  	[hbm4b:s25+s2] =	stream.linear.scatter [tilespmem:s15], [sflag:$0x2], $0x2800, $0x38;
	[tilespmem:$0xEF00] =	vst v63  }
0x2d: {  	s26 =	sadd.s32 $0x0, s11  }
0x2e: {  	[hbm4b:s26+s2] =	stream.linear.scatter [tilespmem:s16], [sflag:$0x2], $0x2800, $0x38;
	[tilespmem:$0xEF00] =	vst v63  }
0x2f: {  	s25 =	sadd.s32 $0x500, s25  }
0x30: {  	[hbm4b:s25+s2] =	stream.linear.scatter [tilespmem:s17], [sflag:$0x2], $0x2800, $0x38;
	[tilespmem:$0xEF00] =	vst v63  }
0x31: {  	s31 =	sadd.s32 $0x500, s26  }
0x32: {  	[hbm4b:s31+s2] =	stream.linear.scatter [tilespmem:s18], [sflag:$0x2], $0x2800, $0x38;
	[tilespmem:$0xEF00] =	vst v63  }
0x33: {  	_ =	swait.ge [sflag:s20], $0x2800  }
0x34: {  	[sflag:s20] =	ssyncset.done $0x0  }
0x35: {  	[sflag:s20] =	ssyncadd.s32 $0xFFFFD800  }
0x36: {  	_ =	swait.ge [sflag:s20], $0x2800  }
0x37: {  	[sflag:s20] =	ssyncset.done $0x0  }
0x38: {  	[sflag:s20] =	ssyncadd.s32 $0xFFFFD800  }
0x39: {  	_ =	swait.ge [sflag:s20], $0x2800  }
0x3a: {  	[sflag:s20] =	ssyncset.done $0x0  }
0x3b: {  	[sflag:s20] =	ssyncadd.s32 $0xFFFFD800  }
0x3c: {  	s28 =	simm.s32 $0x1400;
	_ =	swait.ge [sflag:s20], $0x2800  }
0x3d: {  	s26 =	simm.s32 $0xF0;
	s25 =	simm.s32 $0xA00;
	[sflag:s20] =	ssyncset.done $0x0  }
.LBB2_2:
0x3e: {  	s29 =	sadd.s32 $0xFFFFFFB0, s26  }
0x3f: {  	[sflag:s20] =	ssyncadd.s32 $0xFFFFD800;
	s24 =	sadd.s32 $0xA0, s24;
	s30 =	smov.u32 s28  }
0x40: {  	[tilespmem:s15], [sflag:$0x1] =	stream.indirect.gather [hbm4b:s3+s14], $0x80, s29, s14, $0xb8;
	[tilespmem:$0xEF00] =	vst v63  }
0x41: {  	p0 =	sne.s32 s28, $0x26200;
	s28 =	sadd.s32 $0xA00, s28;
	s29 =	sadd.s32 $0xFFFFFFB0, s24  }
0x42: {  	[tilespmem:s16], [sflag:$0x1] =	stream.indirect.gather [hbm4b:s4+s14], $0x80, s29, s14, $0xb8;
	[tilespmem:$0xEF00] =	vst v63  }
0x43: {  	_ = 	snop  }
0x44: {  	[tilespmem:s17], [sflag:$0x1] =	stream.indirect.gather [hbm4b:s3+s14], $0x80, s26, s14, $0xb8;
	[tilespmem:$0xEF00] =	vst v63  }
0x45: {  	_ = 	snop  }
0x46: {  	[tilespmem:s18], [sflag:$0x1] =	stream.indirect.gather [hbm4b:s4+s14], $0x80, s24, s14, $0xb8;
	[tilespmem:$0xEF00] =	vst v63  }
0x47: {  	_ =	swait.ge [sflag:s19], $0x2800  }
0x48: {  	[sflag:s19] =	ssyncset.done $0x0  }
0x49: {  	[sflag:s19] =	ssyncadd.s32 $0xFFFFD800  }
0x4a: {  	_ =	swait.ge [sflag:s19], $0x2800  }
0x4b: {  	[sflag:s19] =	ssyncset.done $0x0  }
0x4c: {  	[sflag:s19] =	ssyncadd.s32 $0xFFFFD800  }
0x4d: {  	_ =	swait.ge [sflag:s19], $0x2800  }
0x4e: {  	[sflag:s19] =	ssyncset.done $0x0  }
0x4f: {  	[sflag:s19] =	ssyncadd.s32 $0xFFFFD800  }
0x50: {  	_ =	swait.ge [sflag:s19], $0x2800  }
0x51: {  	[sflag:s19] =	ssyncset.done $0x0  }
0x52: {  	s29 =	sadd.s32 s25, s10;
	[sflag:s19] =	ssyncadd.s32 $0xFFFFD800  }
0x53: {  	[hbm4b:s29+s2] =	stream.linear.scatter [tilespmem:s15], [sflag:$0x2], $0x2800, $0x38;
	[tilespmem:$0xEF00] =	vst v63  }
0x54: {  	s31 =	sadd.s32 s25, s11;
	s25 =	smov.u32 s30  }
0x55: {  	[hbm4b:s31+s2] =	stream.linear.scatter [tilespmem:s16], [sflag:$0x2], $0x2800, $0x38;
	[tilespmem:$0xEF00] =	vst v63  }
0x56: {  	s29 =	sadd.s32 $0x500, s29  }
0x57: {  	[hbm4b:s29+s2] =	stream.linear.scatter [tilespmem:s17], [sflag:$0x2], $0x2800, $0x38;
	[tilespmem:$0xEF00] =	vst v63  }
0x58: {  	s29 =	sadd.s32 $0x500, s31  }
0x59: {  	[hbm4b:s29+s2] =	stream.linear.scatter [tilespmem:s18], [sflag:$0x2], $0x2800, $0x38;
	[tilespmem:$0xEF00] =	vst v63  }
0x5a: {  	_ =	swait.ge [sflag:s20], $0x2800  }
0x5b: {  	[sflag:s20] =	ssyncset.done $0x0  }
0x5c: {  	[sflag:s20] =	ssyncadd.s32 $0xFFFFD800  }
0x5d: {  	_ =	swait.ge [sflag:s20], $0x2800  }
0x5e: {  	[sflag:s20] =	ssyncset.done $0x0  }
0x5f: {  	[sflag:s20] =	ssyncadd.s32 $0xFFFFD800  }
.Ltmp0:
0x60: {  	_ =	swait.ge [sflag:s20], $0x2800;
	(pc) =	sbr.rel @p0 .LBB2_2-.Ltmp0, $4  }
0x61: {  	[sflag:s20] =	ssyncset.done $0x0  }
0x62: {  	[sflag:s20] =	ssyncadd.s32 $0xFFFFD800  }
0x63: {  	_ =	swait.ge [sflag:s20], $0x2800  }
0x64: {  	s26 =	sadd.s32 $0xA0, s26;
	[sflag:s20] =	ssyncset.done $0x0  }
0x65: {  	s28 =	sadd.s32 $0xFFFFFFB0, s26;
	[sflag:s20] =	ssyncadd.s32 $0xFFFFD800;
	s24 =	sadd.s32 $0xA0, s24  }
0x66: {  	[tilespmem:s15], [sflag:$0x1] =	stream.indirect.gather [hbm4b:s3+s14], $0x80, s28, s14, $0xb8;
	[tilespmem:$0xEF00] =	vst v63  }
0x67: {  	s31 =	sadd.s32 $0xFFFFFFB0, s24  }
0x68: {  	[tilespmem:s16], [sflag:$0x1] =	stream.indirect.gather [hbm4b:s4+s14], $0x80, s31, s14, $0xb8;
	[tilespmem:$0xEF00] =	vst v63  }
0x69: {  	_ = 	snop  }
0x6a: {  	[tilespmem:s17], [sflag:$0x1] =	stream.indirect.gather [hbm4b:s3+s14], $0x80, s26, s14, $0xb8;
	[tilespmem:$0xEF00] =	vst v63  }
0x6b: {  	_ = 	snop  }
0x6c: {  	[tilespmem:s18], [sflag:$0x1] =	stream.indirect.gather [hbm4b:s4+s14], $0x80, s24, s14, $0xb8;
	[tilespmem:$0xEF00] =	vst v63  }
0x6d: {  	_ =	swait.ge [sflag:s19], $0x2800  }
0x6e: {  	[sflag:s19] =	ssyncset.done $0x0  }
0x6f: {  	[sflag:s19] =	ssyncadd.s32 $0xFFFFD800  }
0x70: {  	_ =	swait.ge [sflag:s19], $0x2800  }
0x71: {  	[sflag:s19] =	ssyncset.done $0x0  }
0x72: {  	[sflag:s19] =	ssyncadd.s32 $0xFFFFD800  }
0x73: {  	_ =	swait.ge [sflag:s19], $0x2800  }
0x74: {  	[sflag:s19] =	ssyncset.done $0x0  }
0x75: {  	[sflag:s19] =	ssyncadd.s32 $0xFFFFD800  }
0x76: {  	_ =	swait.ge [sflag:s19], $0x2800  }
0x77: {  	[sflag:s19] =	ssyncset.done $0x0  }
0x78: {  	s29 =	sadd.s32 s25, s10;
	[sflag:s19] =	ssyncadd.s32 $0xFFFFD800  }
0x79: {  	[hbm4b:s29+s2] =	stream.linear.scatter [tilespmem:s15], [sflag:$0x2], $0x2800, $0x38;
	[tilespmem:$0xEF00] =	vst v63  }
0x7a: {  	s30 =	sadd.s32 s25, s11  }
0x7b: {  	[hbm4b:s30+s2] =	stream.linear.scatter [tilespmem:s16], [sflag:$0x2], $0x2800, $0x38;
	[tilespmem:$0xEF00] =	vst v63  }
0x7c: {  	s24 =	sadd.s32 $0x500, s29  }
0x7d: {  	[hbm4b:s24+s2] =	stream.linear.scatter [tilespmem:s17], [sflag:$0x2], $0x2800, $0x38;
	[tilespmem:$0xEF00] =	vst v63  }
0x7e: {  	s31 =	sadd.s32 $0x500, s30  }
0x7f: {  	[hbm4b:s31+s2] =	stream.linear.scatter [tilespmem:s18], [sflag:$0x2], $0x2800, $0x38;
	[tilespmem:$0xEF00] =	vst v63  }
0x80: {  	_ =	swait.ge [sflag:s20], $0x2800  }
0x81: {  	[sflag:s20] =	ssyncset.done $0x0  }
0x82: {  	[sflag:s20] =	ssyncadd.s32 $0xFFFFD800  }
0x83: {  	_ =	swait.ge [sflag:s20], $0x2800  }
0x84: {  	[sflag:s20] =	ssyncset.done $0x0  }
0x85: {  	[sflag:s20] =	ssyncadd.s32 $0xFFFFD800  }
0x86: {  	_ =	swait.ge [sflag:s20], $0x2800  }
0x87: {  	[sflag:s20] =	ssyncset.done $0x0  }
0x88: {  	[sflag:s20] =	ssyncadd.s32 $0xFFFFD800  }
0x89: {  	_ =	swait.ge [sflag:s20], $0x2800  }
0x8a: {  	[sflag:s20] =	ssyncset.done $0x0  }
0x8b: {  	[sflag:s20] =	ssyncadd.s32 $0xFFFFD800  }
0x8c: {  	[tilespmem:s15], [sflag:$0x1] =	stream.indirect.gather [hbm4b:s3+s14], $0x80, s21, s14, $0xb8;
	[tilespmem:$0xEF00] =	vst v63  }
0x8d: {  	_ = 	snop  }
0x8e: {  	[tilespmem:s16], [sflag:$0x1] =	stream.indirect.gather [hbm4b:s4+s14], $0x80, s22, s14, $0xb8;
	[tilespmem:$0xEF00] =	vst v63  }
0x8f: {  	_ = 	snop  }
0x90: {  	[tilespmem:s17], [sflag:$0x1] =	stream.indirect.gather [hbm4b:s3+s14], $0x80, s21, s14, $0xb8;
	[tilespmem:$0xEF00] =	vst v63  }
0x91: {  	_ = 	snop  }
0x92: {  	[tilespmem:s18], [sflag:$0x1] =	stream.indirect.gather [hbm4b:s4+s14], $0x80, s22, s14, $0xb8;
	[tilespmem:$0xEF00] =	vst v63  }
0x93: {  	_ =	swait.ge [sflag:s19], $0x2800  }
0x94: {  	[sflag:s19] =	ssyncset.done $0x0  }
0x95: {  	[sflag:s19] =	ssyncadd.s32 $0xFFFFD800  }
0x96: {  	_ =	swait.ge [sflag:s19], $0x2800  }
0x97: {  	[sflag:s19] =	ssyncset.done $0x0  }
0x98: {  	[sflag:s19] =	ssyncadd.s32 $0xFFFFD800  }
0x99: {  	_ =	swait.ge [sflag:s19], $0x2800  }
0x9a: {  	[sflag:s19] =	ssyncset.done $0x0  }
0x9b: {  	[sflag:s19] =	ssyncadd.s32 $0xFFFFD800  }
0x9c: {  	_ =	swait.ge [sflag:s19], $0x2800  }
0x9d: {  	[sflag:s19] =	ssyncset.done $0x0  }
0x9e: {  	[sflag:s19] =	ssyncadd.s32 $0xFFFFD800  }
0x9f: {  	[hbm4b:s7+s2] =	stream.linear.scatter [tilespmem:s15], [sflag:$0x2], $0x2800, $0x38;
	[tilespmem:$0xEF00] =	vst v63  }
0xa0: {  	_ = 	snop  }
0xa1: {  	[hbm4b:s8+s2] =	stream.linear.scatter [tilespmem:s16], [sflag:$0x2], $0x2800, $0x38;
	[tilespmem:$0xEF00] =	vst v63  }
0xa2: {  	_ = 	snop  }
0xa3: {  	[hbm4b:s7+s2] =	stream.linear.scatter [tilespmem:s17], [sflag:$0x2], $0x2800, $0x38;
	[tilespmem:$0xEF00] =	vst v63  }
0xa4: {  	_ = 	snop  }
0xa5: {  	[hbm4b:s8+s2] =	stream.linear.scatter [tilespmem:s18], [sflag:$0x2], $0x2800, $0x38;
	[tilespmem:$0xEF00] =	vst v63  }
0xa6: {  	_ =	swait.ge [sflag:s20], $0x2800  }
0xa7: {  	[sflag:s20] =	ssyncset.done $0x0  }
0xa8: {  	[sflag:s20] =	ssyncadd.s32 $0xFFFFD800  }
0xa9: {  	_ =	swait.ge [sflag:s20], $0x2800  }
0xaa: {  	[sflag:s20] =	ssyncset.done $0x0  }
0xab: {  	s23 =	sadd.s32 $0x1, s23;
	[sflag:s20] =	ssyncadd.s32 $0xFFFFD800  }
0xac: {  	p0 =	sne.s32 s23, s9;
	_ =	swait.ge [sflag:s20], $0x2800  }
.Ltmp1:
0xad: {  	[sflag:s20] =	ssyncset.done $0x0;
	(pc) =	sbr.rel @p0 .LBB2_1-.Ltmp1, $4  }
0xae: {  	[sflag:s20] =	ssyncadd.s32 $0xFFFFD800  }
0xaf: {  	_ =	swait.ge [sflag:s20], $0x2800  }
0xb0: {  	[sflag:s20] =	ssyncset.done $0x0  }
0xb1: {  	[sflag:s20] =	ssyncadd.s32 $0xFFFFD800  }
0xb2: {  	_ =	sfence.sel $0x180000  }
0xb3: {  	[bflag:$0x0] =	sbarrier.arrive $0xFFFF  }
0xb4: {  	p0 =	sne.s32 s0, $0x0;
	_ =	strace $0x90000047  }
0xb5: {  	s0 =	sadd.s32 @!p0 $0x100000, s1;
	[bflag:$0x2] =	sbarrier.arrive $0xFFFF  }
0xb6: {  	[sflag:s0] =	ssyncadd.tile.s32 @!p0 $0x1;
	_ =	shalt  }
.Lfunc_end2:
_tile_overlayer_lowered:
.L_overlay_start_2:
0xb7: {  	(tag) =	ssettag $0x2  }
0xb8: {  	s0 =	rddreg [dreg:$0x0];
	s2 =	stileid.u32  }
0xb9: {  	s1 =	rddreg [dreg:$0x1];
	p0 =	sne.s32 s2, $0x0  }
0xba: {  	s3 =	rddreg [dreg:$0x2];
	[bflag:$0x3] =	sbarrier.arrive $0xFFFF;
	s2 =	simm.s32 @!p0 $0x1C03  }
0xbb: {  	[timem:s3], [sflag:s2] =	dma.local @!p0 [hbm:s0], s1  }
0xbc: {  	s0 =	simm.s32 @!p0 $0x3  }
0xbd: {  	_ =	swait.ge @!p0 [sflag:s0], s1  }
0xbe: {  	s1 =	ssub.s32 @!p0 $0x0, s1;
	[sflag:s0] =	ssyncset.done @!p0 $0x0  }
0xbf: {  	[sflag:s0] =	ssyncadd.s32 @!p0 s1  }
0xc0: {  	[bflag:$0x3] =	sbarrier.arrive $0xFFFF  }
0xc1: {  	_ =	shalt  }

// kernel: kernel.23.cloned.1.call-start
scs
__scs_entry_jumppad:
0x0: {  	(pc) =	sbr.rel $0x88, $3  }
0x1: {  	(tag) =	ssettag $0x0;
	lr =	simm.s32 $0x1  }
0x2: {  	[smem:$0x3F64] =	sst lr;
	_ =	strace $0xD0000000  }
0x3: {  	_ = 	snop  }
0x4: {  	_ = 	snop  }
0x5: {  	_ = 	snop  }
0x6: {  	_ = 	snop  }
0x7: {  	_ = 	snop  }
__scs_overlays_trampoline_lowered:
0x8: {  	[smem:$0x3F73] =	sst s0  }
0x9: {  	[smem:$0x3F74] =	sst s1  }
0xa: {  	[smem:$0x3F75] =	sst s2  }
0xb: {  	[smem:$0x3F76] =	sst s3  }
0xc: {  	[smem:$0x3F77] =	sst s4  }
0xd: {  	[smem:$0x3F78] =	sst s5  }
0xe: {  	[smem:$0x3F79] =	sst s6  }
0xf: {  	[smem:$0x3F7A] =	sst s7  }
0x10: {  	[smem:$0x3F7B] =	sst s8  }
0x11: {  	[smem:$0x3F7C] =	sst s9;
	s0 =	simm.s32 @!p0 $0x0  }
0x12: {  	s1 =	sld [smem:$0x3F62];
	s0 =	simm.s32 @p0 $0x1  }
0x13: {  	[smem:$0x3F7D] =	sst s0;
	s0 =	simm.s32 @!p1 $0x0  }
0x14: {  	s2 =	sld [smem:$0x3F61];
	s0 =	simm.s32 @p1 $0x1  }
0x15: {  	[smem:$0x3F7E] =	sst s0;
	s0 =	simm.s32 @!p2 $0x0  }
0x16: {  	s3 =	sld [smem:$0x3FDB];
	s0 =	simm.s32 @p2 $0x1  }
0x17: {  	s4 =	simm.s32 $0x1BF5;
	[smem:$0x3F80] =	sst s0  }
0x18: {  	s0 =	sld [smem:$0x3F63];
	_ =	swait.ge [sflag:s4], $0x0  }
0x19: {  	s7 =	sld [smem:$0x3F64]  }
0x1a: {  	s8 =	sadd.s32 $0xFFFFE003, lr  }
0x1b: {  	s9 =	sadd.s32 $0xFFFFFEF7, lr;
	s5 =	simm.s32 $0xFFFFFFFF;
	p2 =	slt.u32 s8, $0xFFFFF086  }
0x1c: {  	p1 =	slt.u32 s9, $0xF7A;
	s5 =	simm.s32 @!p2 $0x0  }
0x1d: {  	s5 =	simm.s32 @p1 $0x1;
	p0 =	seq.s32 s7, s2  }
0x1e: {  	s7 =	smul.u32 @!p0 $0xF7A, s2;
	p2 =	seq.s32 @!p0 s5, $0x0  }
0x1f: {  	s9 =	smul.u32 $0xF7A, s1;
	s8 =	simm.s32 @!p0 $0x1BF5;
	p2 =	por !p2, p0  }
0x20: {  	[sflag:s8] =	ssyncset.s32 @!p0 $0xFFFFF086;
	s6 =	sadd.s32 @!p0 s3, s7;
	s7 =	simm.s32 @!p0 $0x108  }
0x21: {  	s3 =	sadd.s32 s3, s9;
	s6 =	sadd.s32 @!p0 $0x88, s6;
	s7 =	simm.s32 @p2 $0x1082  }
0x22: {  	[simem:s7], [sflag:s8] =	dma.local @!p0 [hbm:s6], $0xF7A  }
0x23: {  	s9 =	sor.u32 $0xD0000000, s2;
	s6 =	simm.s32 $0x108;
	_ =	swait.ge @!p0 [sflag:s8], $0x0  }
0x24: {  	s3 =	sadd.s32 $0x88, s3;
	s6 =	simm.s32 @!p1 $0x1082;
	[sflag:s4] =	ssyncset.s32 $0xFFFFF086  }
0x25: {  	[simem:s6], [sflag:s4] =	dma.local [hbm:s3], $0xF7A  }
0x26: {  	[smem:$0x3F64] =	sst s1;
	(tag) =	ssettag s2;
	_ =	strace s9  }
0x27: {  	s1 =	sld [smem:$0x3F74]  }
0x28: {  	s2 =	sld [smem:$0x3F75]  }
0x29: {  	s4 =	sld [smem:$0x3F77]  }
0x2a: {  	p0 =	seq.s32 s5, $0x0;
	s5 =	sld [smem:$0x3F78]  }
0x2b: {  	s6 =	sld [smem:$0x3F79]  }
0x2c: {  	s7 =	sld [smem:$0x3F7A]  }
0x2d: {  	s3 =	simm.s32 $0x108;
	s8 =	sld [smem:$0x3F7B]  }
0x2e: {  	s3 =	simm.s32 @!p0 $0x1082;
	s9 =	sld [smem:$0x3F7C]  }
0x2f: {  	lr =	sadd.s32 s0, s3;
	s0 =	sld [smem:$0x3F73]  }
0x30: {  	s3 =	sld [smem:$0x3F76]  }
0x31: {  	[smem:$0x3F7F] =	sst s10  }
0x32: {  	s10 =	sld [smem:$0x3F7D];
	_ =	sdelay $0x3  }
0x33: {  	p0 =	seq.s32 s10, $0x1;
	s10 =	sld [smem:$0x3F7F];
	_ =	sdelay $0x3  }
0x34: {  	[smem:$0x3F7F] =	sst s10  }
0x35: {  	s10 =	sld [smem:$0x3F7E];
	_ =	sdelay $0x3  }
0x36: {  	p1 =	seq.s32 s10, $0x1;
	s10 =	sld [smem:$0x3F7F];
	_ =	sdelay $0x3  }
0x37: {  	[smem:$0x3F7F] =	sst s10  }
0x38: {  	s10 =	sld [smem:$0x3F80]  }
0x39: {  	_ = 	snop;
	(pc) =	sbr.ind lr, $3  }
0x3a: {  	_ = 	snop  }
0x3b: {  	_ = 	snop  }
0x3c: {  	p2 =	seq.s32 s10, $0x1;
	s10 =	sld [smem:$0x3F7F]  }
0x3d: {  	_ =	shalt  }
0x3e: {  	_ =	shalt  }
0x3f: {  	_ =	shalt  }
0x40: {  	_ =	shalt  }
0x41: {  	_ =	shalt  }
0x42: {  	_ =	shalt  }
0x43: {  	_ =	shalt  }
0x44: {  	_ =	shalt  }
0x45: {  	_ =	shalt  }
0x46: {  	_ =	shalt  }
0x47: {  	_ =	shalt  }
0x48: {  	_ =	shalt  }
0x49: {  	_ =	shalt  }
0x4a: {  	_ =	shalt  }
0x4b: {  	_ =	shalt  }
0x4c: {  	_ =	shalt  }
0x4d: {  	_ =	shalt  }
0x4e: {  	_ =	shalt  }
0x4f: {  	_ =	shalt  }
0x50: {  	_ =	shalt  }
0x51: {  	_ =	shalt  }
0x52: {  	_ =	shalt  }
0x53: {  	_ =	shalt  }
0x54: {  	_ =	shalt  }
0x55: {  	_ =	shalt  }
0x56: {  	_ =	shalt  }
0x57: {  	_ =	shalt  }
0x58: {  	_ =	shalt  }
0x59: {  	_ =	shalt  }
0x5a: {  	_ =	shalt  }
0x5b: {  	_ =	shalt  }
0x5c: {  	_ =	shalt  }
0x5d: {  	_ =	shalt  }
0x5e: {  	_ =	shalt  }
0x5f: {  	_ =	shalt  }
0x60: {  	_ =	shalt  }
0x61: {  	_ =	shalt  }
0x62: {  	_ =	shalt  }
0x63: {  	_ =	shalt  }
0x64: {  	_ =	shalt  }
0x65: {  	_ =	shalt  }
0x66: {  	_ =	shalt  }
0x67: {  	_ =	shalt  }
0x68: {  	_ =	shalt  }
0x69: {  	_ =	shalt  }
0x6a: {  	_ =	shalt  }
0x6b: {  	_ =	shalt  }
0x6c: {  	_ =	shalt  }
0x6d: {  	_ =	shalt  }
0x6e: {  	_ =	shalt  }
0x6f: {  	_ =	shalt  }
0x70: {  	_ =	shalt  }
0x71: {  	_ =	shalt  }
0x72: {  	_ =	shalt  }
0x73: {  	_ =	shalt  }
0x74: {  	_ =	shalt  }
0x75: {  	_ =	shalt  }
0x76: {  	_ =	shalt  }
0x77: {  	_ =	shalt  }
0x78: {  	_ =	shalt  }
0x79: {  	_ =	shalt  }
0x7a: {  	_ =	shalt  }
0x7b: {  	_ =	shalt  }
0x7c: {  	_ =	shalt  }
0x7d: {  	_ =	shalt  }
0x7e: {  	_ =	shalt  }
0x7f: {  	_ =	shalt  }
0x80: {  	_ =	shalt  }
0x81: {  	_ =	shalt  }
0x82: {  	_ =	shalt  }
0x83: {  	_ =	shalt  }
0x84: {  	_ =	shalt  }
0x85: {  	_ =	shalt  }
0x86: {  	_ =	shalt  }
0x87: {  	_ =	shalt  }
.Lfunc_end0:
.L_simem_size_0:
called_computation.1_lowered:
.L_overlay_start_0:
0x88: {  	s2 =	sld [smem:$0x3FD9]  }
0x89: {  	s3 =	sld [smem:$0x3FFE];
	_ =	sdelay $0x1  }
0x8a: {  	s1 =	srdreg.scid  }
0x8b: {  	s0 =	sand.u32 $0x1, s1  }
0x8c: {  	s14 =	sshll.u32 s0, $0xA;
	s2 =	sadd.s32 s3, s2  }
0x8d: {  	s2 =	sadd.s32 s2, s14  }
0x8e: {  	[smem:$0x3F8B] =	sst s2  }
0x8f: {  	_ = 	snop  }
0x90: {  	s2 =	sld [smem:$0x3FD0];
	_ =	sdelay $0x2  }
0x91: {  	s15 =	simm.s32 $0xA;
	s4 =	simm.s32 $0x10  }
0x92: {  	[smem:s4], [sflag:s15] =	dma.local [hbm:s2], $0x1  }
0x93: {  	_ =	swait.eq [sflag:s15], $0x1  }
0x94: {  	[sflag:s15] =	ssyncset.done $0x0  }
0x95: {  	[sflag:s15] =	ssyncadd.s32 $0xFFFFFFFF  }
0x96: {  	s16 =	sld [smem:$0x11];
	(tm) =	ssettm $0x1  }
0x97: {  	s17 =	sld [smem:$0x3FFB];
	_ =	sdelay $0x3  }
0x98: {  	_ =	strace s17  }
0x99: {  	s3 =	sld [smem:$0x3FFC];
	_ =	sdelay $0x3  }
0x9a: {  	_ =	strace s3  }
0x9b: {  	s3 =	sld [smem:$0x3FFD];
	_ =	sdelay $0x3  }
0x9c: {  	_ =	strace s3  }
0x9d: {  	_ =	strace $0x8FFFFFFF  }
0x9e: {  	s18 =	sld [smem:$0x3FDB];
	_ =	sdelay $0x1  }
0x9f: {  	s19 =	simm.s32 $_scs_section_size  }
0xa0: {  	s5 =	simm.s32 $_size__tile_overlayer_lowered;
	s6 =	simm.s32 $_tile_overlayer_lowered  }
0xa1: {  	s22 =	simm.s32 $0x1BFF;
	s21 =	sshll.u32 s6, $0x1;
	s3 =	sadd.s32 s19, s18  }
0xa2: {  	s7 =	simm.s32 $0x0;
	s20 =	sshll.u32 s5, $0x1;
	s5 =	sadd.s32 s21, s3  }
0xa3: {  	[timem:s7], [sflag:s22] =	dma.local [hbm:s5], s20  }
0xa4: {  	_ =	swait.ge [sflag:s22], s20  }
0xa5: {  	s4 =	ssub.s32 $0x0, s20;
	[sflag:s22] =	ssyncset.done $0x0  }
0xa6: {  	[sflag:s22] =	ssyncadd.s32 s4;
	_ =	sdelay $0x1  }
0xa7: {  	s23 =	simm.s32 $0x1B8B  }
0xa8: {  	_ =	swait.ge [sflag:s23], $0x1  }
0xa9: {  	[sflag:s23] =	ssyncset.done $0x0  }
0xaa: {  	s25 =	simm.s32 $0x1B8E;
	s24 =	sld [smem:$0x3FFE];
	[sflag:s23] =	ssyncadd.s32 $0xFFFFFFFF  }
0xab: {  	s26 =	simm.s32 $execute0_lowered;
	[smem:$0x3FD2] =	sst s25  }
0xac: {  	s5 =	sshll.u32 s26, $0x1;
	_ =	strace $0x80000049;
	[dreg:$0x1] =	wrdreg $0xFFFFFFFF  }
0xad: {  	s28 =	simm.s32 $_size_execute0_lowered;
	s3 =	sadd.s32 s3, s5;
	[dreg:$0x0] =	wrdreg $0x0  }
0xae: {  	s5 =	sshll.u32 s28, $0x1;
	[dreg:$0x2] =	wrdreg s3  }
0xaf: {  	[dreg:$0x3] =	wrdreg s5  }
0xb0: {  	[dreg:$0x4] =	wrdreg $0xC0  }
0xb1: {  	_ =	task [dreg:s7], $0x5FFFF  }
0xb2: {  	[dreg:$0x1] =	wrdreg $0xFFFFFFFF  }
0xb3: {  	[dreg:$0x0] =	wrdreg $0x60  }
0xb4: {  	[dreg:$0x2] =	wrdreg s16  }
0xb5: {  	[dreg:$0x3] =	wrdreg s24  }
0xb6: {  	[dreg:$0x4] =	wrdreg $0x90000  }
0xb7: {  	[dreg:$0x5] =	wrdreg $0x9  }
0xb8: {  	_ =	task.clear_ibuf [dreg:s7], $0x6FFFF;
	_ =	strace $0x90000049  }
0xb9: {  	s29 =	simm.s32 $0x9;
	_ =	strace $0x8000004B  }
0xba: {  	_ =	swait.ge [sflag:s29], $0x1  }
0xbb: {  	[sflag:s29] =	ssyncadd.s32 $0xFFFFFFFF  }
0xbc: {  	_ =	strace $0x9000004B  }
0xbd: {  	_ =	sfence  }
0xbe: {  	s30 =	sld [smem:$0x0];
	_ =	sdelay $0x2  }
0xbf: {  	s31 =	sshll.u32 s1, $0xD;
	s1 =	sshrl.u32 s1, $0x2  }
0xc0: {  	s3 =	sand.u32 $0x4000, s31;
	s1 =	sadd.s32 s1, s30  }
0xc1: {  	s0 =	sor.u32 s3, s0;
	s1 =	sshll.u32 s1, $0x11  }
0xc2: {  	s0 =	sor.u32 s1, s0  }
0xc3: {  	s0 =	sadd.s32 $0x8F2B, s0  }
0xc4: {  	[sflag:s0] =	ssyncadd.remote.s32 $0x1  }
0xc5: {  	_ =	sfence.sel $0xFFFF  }
0xc6: {  	[dreg:$0x0] =	wrdreg $0xFFFFFFFF;
	(pc) =	sbr.abs _section_cstart, $3  }
0xc7: {  	[dreg:$0x1] =	wrdreg $0xFFFFFFFF  }
0xc8: {  	_ =	task.clear_ibuf [dreg:s7], $0x2FFFF;
	_ =	strace $0x9FFFFFFF  }
0xc9: {  	(tm) =	ssettm $0x7FFFFFFF  }
tec
execute0_lowered:
.L_overlay_start_1:
0x0: {  	(tag) =	ssettag $0x1  }
0x1: {  	s10 =	rddreg [dreg:$0x0]  }
0x2: {  	s5 =	rddreg [dreg:$0x1];
	s1 =	srdreg.scid  }
0x3: {  	s0 =	stileid.u32;
	s2 =	rddreg [dreg:$0x2]  }
0x4: {  	s3 =	simm.s32 $0x0;
	s16 =	simm.s32 $0x6800;
	s17 =	simm.s32 $0x1  }
0x5: {  	s18 =	simm.s32 $0x50;
	s19 =	simm.s32 $0x3E00;
	s20 =	simm.s32 $0x0  }
0x6: {  	s9 =	sand.u32 $0x1, s1;
	s1 =	rddreg [dreg:$0x3];
	s11 =	smul.u32 $0x4F000, s0  }
0x7: {  	s4 =	sshll.u32 s0, $0x1;
	[smem:$0x7FF] =	sst s3;
	s28 =	smul.u32 $0x13C00, s0  }
0x8: {  	s12 =	sadd.s32 $0x53400, s5;
	s15 =	sadd.s32 $0x128400, s2;
	s30 =	smul.u32 $0x4E200, s0  }
0x9: {  	p0 =	seq.s32 s0, $0xF;
	s6 =	sor.u32 s9, s4;
	s26 =	smul.u32 $0x138800, s9  }
0xa: {  	_ =	strace $0x8000004A;
	s8 =	ssub.s32 $0x2, s9;
	s31 =	smul.u32 $0x27100, s9  }
0xb: {  	s4 =	sshll.u32 s6, $0xB;
	s24 =	sshrl.u32 s8, $0x1;
	s6 =	smul.u32 $0x138800, s6  }
0xc: {  	s25 =	sshrl.u32 s11, $0x2;
	s11 =	sshrl.u32 @p0 s15, $0x3;
	s15 =	simm.s32 $0x4000  }
0xd: {  	s7 =	sadd.s32 s4, s5;
	s4 =	sadd.s32 $0x50C00, s5;
	s13 =	ssub.s32 s8, s24  }
0xe: {  	s14 =	sadd.s32 s25, s2;
	s29 =	sadd.s32 s28, s26;
	s8 =	sshrl.u32 s26, $0x3  }
0xf: {  	s6 =	sshrl.u32 s6, $0x3;
	s5 =	sadd.s32 $0xA63400, s7;
	s7 =	sshrl.u32 s29, $0x3  }
0x10: {  	s8 =	sadd.s32 s12, s8;
	s9 =	smax.u32 s13, $0x1;
	s13 =	sshrl.u32 @!p0 s14, $0x3  }
0x11: {  	s14 =	simm.s32 $0x2;
	s6 =	sadd.s32 s10, s6;
	s7 =	sadd.s32 s12, s7  }
0x12: {  	s8 =	sadd.s32 $0x25080, s8;
	s10 =	sadd.s32 s30, s10;
	s12 =	sshll.u32 @!p0 s0, $0x6  }
0x13: {  	s6 =	sadd.s32 $0x26C00, s6;
	s10 =	sadd.s32 s31, s10;
	s12 =	sor.u32 @!p0 $0x1C02, s12  }
.LBB2_1:
0x14: {  	s21 =	simm.s32 @p0 $0x1FC2  }
0x15: {  	[spmem:s11], [sflag:s21] =	dma.local @p0 [hbm:s4], $0x2080  }
0x16: {  	s21 =	simm.s32 @p0 $0x2  }
0x17: {  	_ =	swait.ge @p0 [sflag:s21], $0x2080  }
0x18: {  	[sflag:s21] =	ssyncset.done @p0 $0x0  }
0x19: {  	[sflag:s21] =	ssyncadd.s32 @p0 $0xFFFFDF80;
	s21 =	simm.s32 @!p0 $0x2  }
0x1a: {  	[spmem:s13], [sflag:s12] =	dma.local @!p0 [hbm:s4], $0x2780  }
0x1b: {  	_ =	swait.ge @!p0 [sflag:s21], $0x2780  }
0x1c: {  	[sflag:s21] =	ssyncset.done @!p0 $0x0  }
0x1d: {  	[sflag:s21] =	ssyncadd.s32 @!p0 $0xFFFFD880  }
0x1e: {  	[tilespmem:s3], [sflag:$0x2] =	stream.linear.gather [hbm4b:s5+s3], $0x3E80, $0x38;
	[tilespmem:$0x1C880] =	vst v63  }
0x1f: {  	_ =	swait.ge [sflag:s14], $0x3E80  }
0x20: {  	[sflag:s14] =	ssyncset.done $0x0  }
0x21: {  	[sflag:s14] =	ssyncadd.s32 $0xFFFFC180  }
0x22: {  	[bflag:$0x0] =	sbarrier.arrive $0xFFFF  }
0x23: {  	[tilespmem:s15], [sflag:$0x1] =	stream.linear.gather [hbm4b:s10+s3], $0x2800, $0x38;
	[tilespmem:$0x1C880] =	vst v63  }
0x24: {  	s29 =	sadd.s32 $0x500, s10  }
0x25: {  	[tilespmem:s16], [sflag:$0x1] =	stream.linear.gather [hbm4b:s29+s3], $0x2800, $0x38;
	[tilespmem:$0x1C880] =	vst v63  }
0x26: {  	_ =	swait.ge [sflag:s17], $0x2800  }
0x27: {  	[sflag:s17] =	ssyncset.done $0x0  }
0x28: {  	s30 =	simm.s32 $0x0;
	[sflag:s17] =	ssyncadd.s32 $0xFFFFD800  }
0x29: {  	[spmem:s2] =	stream.indirect.scatter.add.f32 [tilespmem:s15], [sflag:$0x2], $0x80, s30, s18, $0xb8;
	[tilespmem:$0x1C880] =	vst v63  }
0x2a: {  	_ =	swait.ge [sflag:s14], $0x2800  }
0x2b: {  	[sflag:s14] =	ssyncset.done $0x0  }
0x2c: {  	[sflag:s14] =	ssyncadd.s32 $0xFFFFD800  }
0x2d: {  	_ =	swait.ge [sflag:s17], $0x2800  }
0x2e: {  	[sflag:s17] =	ssyncset.done $0x0  }
0x2f: {  	s31 =	simm.s32 $0x80;
	[sflag:s17] =	ssyncadd.s32 $0xFFFFD800  }
0x30: {  	[spmem:s2] =	stream.indirect.scatter.add.f32 [tilespmem:s16], [sflag:$0x2], $0x80, s31, s18, $0xb8;
	[tilespmem:$0x1C880] =	vst v63  }
0x31: {  	_ =	swait.ge [sflag:s14], $0x2800  }
0x32: {  	s22 =	smov.u32 s10;
	s21 =	simm.s32 $0x400;
	[sflag:s14] =	ssyncset.done $0x0  }
.LBB2_2:
0x33: {  	p1 =	sne.s32 s21, $0xF400;
	[sflag:s14] =	ssyncadd.s32 $0xFFFFD800;
	s22 =	sadd.s32 $0xA00, s22  }
0x34: {  	[tilespmem:s15], [sflag:$0x1] =	stream.linear.gather [hbm4b:s22+s3], $0x2800, $0x38;
	[tilespmem:$0x1C880] =	vst v63  }
0x35: {  	s24 =	smov.u32 s21;
	s21 =	sadd.s32 $0x400, s21;
	s23 =	sadd.s32 $0x500, s22  }
0x36: {  	[tilespmem:s16], [sflag:$0x1] =	stream.linear.gather [hbm4b:s23+s3], $0x2800, $0x38;
	[tilespmem:$0x1C880] =	vst v63  }
0x37: {  	_ =	swait.ge [sflag:s17], $0x2800  }
0x38: {  	[sflag:s17] =	ssyncset.done $0x0  }
0x39: {  	s23 =	sshra.s32 s24, $0x2;
	[sflag:s17] =	ssyncadd.s32 $0xFFFFD800  }
0x3a: {  	[spmem:s2] =	stream.indirect.scatter.add.f32 [tilespmem:s15], [sflag:$0x2], $0x80, s23, s18, $0xb8;
	[tilespmem:$0x1C880] =	vst v63  }
0x3b: {  	_ =	swait.ge [sflag:s14], $0x2800  }
0x3c: {  	[sflag:s14] =	ssyncset.done $0x0  }
0x3d: {  	[sflag:s14] =	ssyncadd.s32 $0xFFFFD800  }
0x3e: {  	_ =	swait.ge [sflag:s17], $0x2800  }
.Ltmp0:
0x3f: {  	[sflag:s17] =	ssyncset.done $0x0;
	(pc) =	sbr.rel @p1 .LBB2_2-.Ltmp0, $4  }
0x40: {  	s23 =	sadd.s32 $0x80, s23;
	[sflag:s17] =	ssyncadd.s32 $0xFFFFD800  }
0x41: {  	[spmem:s2] =	stream.indirect.scatter.add.f32 [tilespmem:s16], [sflag:$0x2], $0x80, s23, s18, $0xb8;
	[tilespmem:$0x1C880] =	vst v63  }
0x42: {  	_ =	swait.ge [sflag:s14], $0x2800  }
0x43: {  	[sflag:s14] =	ssyncset.done $0x0  }
0x44: {  	[sflag:s14] =	ssyncadd.s32 $0xFFFFD800  }
0x45: {  	[tilespmem:s15], [sflag:$0x1] =	stream.linear.gather [hbm4b:s6+s3], $0x2800, $0x38;
	[tilespmem:$0x1C880] =	vst v63  }
0x46: {  	_ =	swait.ge [sflag:s17], $0x2800  }
0x47: {  	[sflag:s17] =	ssyncset.done $0x0  }
0x48: {  	[sflag:s17] =	ssyncadd.s32 $0xFFFFD800  }
0x49: {  	[spmem:s2] =	stream.indirect.scatter.add.f32 [tilespmem:s15], [sflag:$0x2], $0x80, s19, s18, $0xb8;
	[tilespmem:$0x1C880] =	vst v63  }
0x4a: {  	_ =	swait.ge [sflag:s14], $0x2800  }
0x4b: {  	[sflag:s14] =	ssyncset.done $0x0  }
0x4c: {  	[sflag:s14] =	ssyncadd.s32 $0xFFFFD800  }
0x4d: {  	s21 =	simm.s32 @p0 $0x1FC2;
	[bflag:$0x0] =	sbarrier.arrive $0xFFFF  }
0x4e: {  	[hbm:s8], [sflag:s21] =	dma.local @p0 [spmem:s11], $0x2080  }
0x4f: {  	s21 =	simm.s32 @p0 $0x2  }
0x50: {  	s20 =	sadd.s32 $0x1, s20;
	_ =	swait.ge @p0 [sflag:s21], $0x2080  }
0x51: {  	p1 =	sne.s32 s20, s9;
	[sflag:s21] =	ssyncset.done @p0 $0x0  }
.Ltmp1:
0x52: {  	[sflag:s21] =	ssyncadd.s32 @p0 $0xFFFFDF80;
	s21 =	simm.s32 @!p0 $0x2;
	(pc) =	sbr.rel @p1 .LBB2_1-.Ltmp1, $4  }
0x53: {  	[hbm:s7], [sflag:s12] =	dma.local @!p0 [spmem:s13], $0x2780  }
0x54: {  	_ =	swait.ge @!p0 [sflag:s21], $0x2780  }
0x55: {  	[sflag:s21] =	ssyncset.done @!p0 $0x0  }
0x56: {  	[sflag:s21] =	ssyncadd.s32 @!p0 $0xFFFFD880  }
0x57: {  	_ =	sfence.sel $0x180000  }
0x58: {  	[bflag:$0x0] =	sbarrier.arrive $0xFFFF  }
0x59: {  	p0 =	sne.s32 s0, $0x0;
	_ =	strace $0x9000004A  }
0x5a: {  	s0 =	sadd.s32 @!p0 $0x100000, s1;
	[bflag:$0x2] =	sbarrier.arrive $0xFFFF  }
0x5b: {  	[sflag:s0] =	ssyncadd.tile.s32 @!p0 $0x1;
	_ =	shalt  }
.Lfunc_end2:
_tile_overlayer_lowered:
.L_overlay_start_2:
0x5c: {  	(tag) =	ssettag $0x2  }
0x5d: {  	s0 =	rddreg [dreg:$0x0];
	s2 =	stileid.u32  }
0x5e: {  	s1 =	rddreg [dreg:$0x1];
	p0 =	sne.s32 s2, $0x0  }
0x5f: {  	s3 =	rddreg [dreg:$0x2];
	[bflag:$0x3] =	sbarrier.arrive $0xFFFF;
	s2 =	simm.s32 @!p0 $0x1C02  }
0x60: {  	[timem:s3], [sflag:s2] =	dma.local @!p0 [hbm:s0], s1  }
0x61: {  	s0 =	simm.s32 @!p0 $0x2  }
0x62: {  	_ =	swait.ge @!p0 [sflag:s0], s1  }
0x63: {  	s1 =	ssub.s32 @!p0 $0x0, s1;
	[sflag:s0] =	ssyncset.done @!p0 $0x0  }
0x64: {  	[sflag:s0] =	ssyncadd.s32 @!p0 s1  }
0x65: {  	[bflag:$0x3] =	sbarrier.arrive $0xFFFF  }
0x66: {  	_ =	shalt  }

// kernel: kernel.26.cloned.1.call-start
scs
__scs_entry_jumppad:
0x0: {  	(pc) =	sbr.rel $0x88, $3  }
0x1: {  	(tag) =	ssettag $0x0;
	lr =	simm.s32 $0x1  }
0x2: {  	[smem:$0x3F64] =	sst lr;
	_ =	strace $0xD0000000  }
0x3: {  	_ = 	snop  }
0x4: {  	_ = 	snop  }
0x5: {  	_ = 	snop  }
0x6: {  	_ = 	snop  }
0x7: {  	_ = 	snop  }
__scs_overlays_trampoline_lowered:
0x8: {  	[smem:$0x3F73] =	sst s0  }
0x9: {  	[smem:$0x3F74] =	sst s1  }
0xa: {  	[smem:$0x3F75] =	sst s2  }
0xb: {  	[smem:$0x3F76] =	sst s3  }
0xc: {  	[smem:$0x3F77] =	sst s4  }
0xd: {  	[smem:$0x3F78] =	sst s5  }
0xe: {  	[smem:$0x3F79] =	sst s6  }
0xf: {  	[smem:$0x3F7A] =	sst s7  }
0x10: {  	[smem:$0x3F7B] =	sst s8  }
0x11: {  	[smem:$0x3F7C] =	sst s9;
	s0 =	simm.s32 @!p0 $0x0  }
0x12: {  	s1 =	sld [smem:$0x3F62];
	s0 =	simm.s32 @p0 $0x1  }
0x13: {  	[smem:$0x3F7D] =	sst s0;
	s0 =	simm.s32 @!p1 $0x0  }
0x14: {  	s2 =	sld [smem:$0x3F61];
	s0 =	simm.s32 @p1 $0x1  }
0x15: {  	[smem:$0x3F7E] =	sst s0;
	s0 =	simm.s32 @!p2 $0x0  }
0x16: {  	s3 =	sld [smem:$0x3FDB];
	s0 =	simm.s32 @p2 $0x1  }
0x17: {  	s4 =	simm.s32 $0x1BF5;
	[smem:$0x3F80] =	sst s0  }
0x18: {  	s0 =	sld [smem:$0x3F63];
	_ =	swait.ge [sflag:s4], $0x0  }
0x19: {  	s7 =	sld [smem:$0x3F64]  }
0x1a: {  	s8 =	sadd.s32 $0xFFFFE003, lr  }
0x1b: {  	s9 =	sadd.s32 $0xFFFFFEF7, lr;
	s5 =	simm.s32 $0xFFFFFFFF;
	p2 =	slt.u32 s8, $0xFFFFF086  }
0x1c: {  	p1 =	slt.u32 s9, $0xF7A;
	s5 =	simm.s32 @!p2 $0x0  }
0x1d: {  	s5 =	simm.s32 @p1 $0x1;
	p0 =	seq.s32 s7, s2  }
0x1e: {  	s7 =	smul.u32 @!p0 $0xF7A, s2;
	p2 =	seq.s32 @!p0 s5, $0x0  }
0x1f: {  	s9 =	smul.u32 $0xF7A, s1;
	s8 =	simm.s32 @!p0 $0x1BF5;
	p2 =	por !p2, p0  }
0x20: {  	[sflag:s8] =	ssyncset.s32 @!p0 $0xFFFFF086;
	s6 =	sadd.s32 @!p0 s3, s7;
	s7 =	simm.s32 @!p0 $0x108  }
0x21: {  	s3 =	sadd.s32 s3, s9;
	s6 =	sadd.s32 @!p0 $0x88, s6;
	s7 =	simm.s32 @p2 $0x1082  }
0x22: {  	[simem:s7], [sflag:s8] =	dma.local @!p0 [hbm:s6], $0xF7A  }
0x23: {  	s9 =	sor.u32 $0xD0000000, s2;
	s6 =	simm.s32 $0x108;
	_ =	swait.ge @!p0 [sflag:s8], $0x0  }
0x24: {  	s3 =	sadd.s32 $0x88, s3;
	s6 =	simm.s32 @!p1 $0x1082;
	[sflag:s4] =	ssyncset.s32 $0xFFFFF086  }
0x25: {  	[simem:s6], [sflag:s4] =	dma.local [hbm:s3], $0xF7A  }
0x26: {  	[smem:$0x3F64] =	sst s1;
	(tag) =	ssettag s2;
	_ =	strace s9  }
0x27: {  	s1 =	sld [smem:$0x3F74]  }
0x28: {  	s2 =	sld [smem:$0x3F75]  }
0x29: {  	s4 =	sld [smem:$0x3F77]  }
0x2a: {  	p0 =	seq.s32 s5, $0x0;
	s5 =	sld [smem:$0x3F78]  }
0x2b: {  	s6 =	sld [smem:$0x3F79]  }
0x2c: {  	s7 =	sld [smem:$0x3F7A]  }
0x2d: {  	s3 =	simm.s32 $0x108;
	s8 =	sld [smem:$0x3F7B]  }
0x2e: {  	s3 =	simm.s32 @!p0 $0x1082;
	s9 =	sld [smem:$0x3F7C]  }
0x2f: {  	lr =	sadd.s32 s0, s3;
	s0 =	sld [smem:$0x3F73]  }
0x30: {  	s3 =	sld [smem:$0x3F76]  }
0x31: {  	[smem:$0x3F7F] =	sst s10  }
0x32: {  	s10 =	sld [smem:$0x3F7D];
	_ =	sdelay $0x3  }
0x33: {  	p0 =	seq.s32 s10, $0x1;
	s10 =	sld [smem:$0x3F7F];
	_ =	sdelay $0x3  }
0x34: {  	[smem:$0x3F7F] =	sst s10  }
0x35: {  	s10 =	sld [smem:$0x3F7E];
	_ =	sdelay $0x3  }
0x36: {  	p1 =	seq.s32 s10, $0x1;
	s10 =	sld [smem:$0x3F7F];
	_ =	sdelay $0x3  }
0x37: {  	[smem:$0x3F7F] =	sst s10  }
0x38: {  	s10 =	sld [smem:$0x3F80]  }
0x39: {  	_ = 	snop;
	(pc) =	sbr.ind lr, $3  }
0x3a: {  	_ = 	snop  }
0x3b: {  	_ = 	snop  }
0x3c: {  	p2 =	seq.s32 s10, $0x1;
	s10 =	sld [smem:$0x3F7F]  }
0x3d: {  	_ =	shalt  }
0x3e: {  	_ =	shalt  }
0x3f: {  	_ =	shalt  }
0x40: {  	_ =	shalt  }
0x41: {  	_ =	shalt  }
0x42: {  	_ =	shalt  }
0x43: {  	_ =	shalt  }
0x44: {  	_ =	shalt  }
0x45: {  	_ =	shalt  }
0x46: {  	_ =	shalt  }
0x47: {  	_ =	shalt  }
0x48: {  	_ =	shalt  }
0x49: {  	_ =	shalt  }
0x4a: {  	_ =	shalt  }
0x4b: {  	_ =	shalt  }
0x4c: {  	_ =	shalt  }
0x4d: {  	_ =	shalt  }
0x4e: {  	_ =	shalt  }
0x4f: {  	_ =	shalt  }
0x50: {  	_ =	shalt  }
0x51: {  	_ =	shalt  }
0x52: {  	_ =	shalt  }
0x53: {  	_ =	shalt  }
0x54: {  	_ =	shalt  }
0x55: {  	_ =	shalt  }
0x56: {  	_ =	shalt  }
0x57: {  	_ =	shalt  }
0x58: {  	_ =	shalt  }
0x59: {  	_ =	shalt  }
0x5a: {  	_ =	shalt  }
0x5b: {  	_ =	shalt  }
0x5c: {  	_ =	shalt  }
0x5d: {  	_ =	shalt  }
0x5e: {  	_ =	shalt  }
0x5f: {  	_ =	shalt  }
0x60: {  	_ =	shalt  }
0x61: {  	_ =	shalt  }
0x62: {  	_ =	shalt  }
0x63: {  	_ =	shalt  }
0x64: {  	_ =	shalt  }
0x65: {  	_ =	shalt  }
0x66: {  	_ =	shalt  }
0x67: {  	_ =	shalt  }
0x68: {  	_ =	shalt  }
0x69: {  	_ =	shalt  }
0x6a: {  	_ =	shalt  }
0x6b: {  	_ =	shalt  }
0x6c: {  	_ =	shalt  }
0x6d: {  	_ =	shalt  }
0x6e: {  	_ =	shalt  }
0x6f: {  	_ =	shalt  }
0x70: {  	_ =	shalt  }
0x71: {  	_ =	shalt  }
0x72: {  	_ =	shalt  }
0x73: {  	_ =	shalt  }
0x74: {  	_ =	shalt  }
0x75: {  	_ =	shalt  }
0x76: {  	_ =	shalt  }
0x77: {  	_ =	shalt  }
0x78: {  	_ =	shalt  }
0x79: {  	_ =	shalt  }
0x7a: {  	_ =	shalt  }
0x7b: {  	_ =	shalt  }
0x7c: {  	_ =	shalt  }
0x7d: {  	_ =	shalt  }
0x7e: {  	_ =	shalt  }
0x7f: {  	_ =	shalt  }
0x80: {  	_ =	shalt  }
0x81: {  	_ =	shalt  }
0x82: {  	_ =	shalt  }
0x83: {  	_ =	shalt  }
0x84: {  	_ =	shalt  }
0x85: {  	_ =	shalt  }
0x86: {  	_ =	shalt  }
0x87: {  	_ =	shalt  }
.Lfunc_end0:
.L_simem_size_0:
called_computation.2_lowered:
.L_overlay_start_0:
0x88: {  	s2 =	sld [smem:$0x3FD9]  }
0x89: {  	s3 =	sld [smem:$0x3FFE];
	_ =	sdelay $0x1  }
0x8a: {  	s1 =	srdreg.scid  }
0x8b: {  	s0 =	sand.u32 $0x1, s1  }
0x8c: {  	s14 =	sshll.u32 s0, $0xA;
	s2 =	sadd.s32 s3, s2  }
0x8d: {  	s2 =	sadd.s32 s2, s14  }
0x8e: {  	[smem:$0x3F8B] =	sst s2  }
0x8f: {  	_ = 	snop  }
0x90: {  	s2 =	sld [smem:$0x3FD0];
	_ =	sdelay $0x2  }
0x91: {  	s15 =	simm.s32 $0xA;
	s4 =	simm.s32 $0x10  }
0x92: {  	[smem:s4], [sflag:s15] =	dma.local [hbm:s2], $0x1  }
0x93: {  	_ =	swait.eq [sflag:s15], $0x1  }
0x94: {  	[sflag:s15] =	ssyncset.done $0x0  }
0x95: {  	[sflag:s15] =	ssyncadd.s32 $0xFFFFFFFF  }
0x96: {  	s16 =	sld [smem:$0x11];
	(tm) =	ssettm $0x1  }
0x97: {  	s17 =	sld [smem:$0x3FFB];
	_ =	sdelay $0x3  }
0x98: {  	_ =	strace s17  }
0x99: {  	s3 =	sld [smem:$0x3FFC];
	_ =	sdelay $0x3  }
0x9a: {  	_ =	strace s3  }
0x9b: {  	s3 =	sld [smem:$0x3FFD];
	_ =	sdelay $0x3  }
0x9c: {  	_ =	strace s3  }
0x9d: {  	_ =	strace $0x8FFFFFFF  }
0x9e: {  	s18 =	sld [smem:$0x3FDB];
	_ =	sdelay $0x1  }
0x9f: {  	s19 =	simm.s32 $_scs_section_size  }
0xa0: {  	s5 =	simm.s32 $_size__tile_overlayer_lowered;
	s6 =	simm.s32 $_tile_overlayer_lowered  }
0xa1: {  	s22 =	simm.s32 $0x1BFF;
	s21 =	sshll.u32 s6, $0x1;
	s3 =	sadd.s32 s19, s18  }
0xa2: {  	s7 =	simm.s32 $0x0;
	s20 =	sshll.u32 s5, $0x1;
	s5 =	sadd.s32 s21, s3  }
0xa3: {  	[timem:s7], [sflag:s22] =	dma.local [hbm:s5], s20  }
0xa4: {  	_ =	swait.ge [sflag:s22], s20  }
0xa5: {  	s4 =	ssub.s32 $0x0, s20;
	[sflag:s22] =	ssyncset.done $0x0  }
0xa6: {  	[sflag:s22] =	ssyncadd.s32 s4;
	_ =	sdelay $0x1  }
0xa7: {  	s23 =	simm.s32 $0x1B8B  }
0xa8: {  	_ =	swait.ge [sflag:s23], $0x1  }
0xa9: {  	[sflag:s23] =	ssyncset.done $0x0  }
0xaa: {  	s25 =	simm.s32 $0x1B8E;
	s24 =	sld [smem:$0x3FFE];
	[sflag:s23] =	ssyncadd.s32 $0xFFFFFFFF  }
0xab: {  	s26 =	simm.s32 $execute0_lowered;
	[smem:$0x3FD2] =	sst s25  }
0xac: {  	s5 =	sshll.u32 s26, $0x1;
	_ =	strace $0x8000004C;
	[dreg:$0x1] =	wrdreg $0xFFFFFFFF  }
0xad: {  	s28 =	simm.s32 $_size_execute0_lowered;
	s3 =	sadd.s32 s3, s5;
	[dreg:$0x0] =	wrdreg $0x0  }
0xae: {  	s5 =	sshll.u32 s28, $0x1;
	[dreg:$0x2] =	wrdreg s3  }
0xaf: {  	[dreg:$0x3] =	wrdreg s5  }
0xb0: {  	[dreg:$0x4] =	wrdreg $0xC0  }
0xb1: {  	_ =	task [dreg:s7], $0x5FFFF  }
0xb2: {  	[dreg:$0x1] =	wrdreg $0xFFFFFFFF  }
0xb3: {  	[dreg:$0x0] =	wrdreg $0x60  }
0xb4: {  	[dreg:$0x2] =	wrdreg s16  }
0xb5: {  	[dreg:$0x3] =	wrdreg s24  }
0xb6: {  	[dreg:$0x4] =	wrdreg $0x9  }
0xb7: {  	_ =	task.clear_ibuf [dreg:s7], $0x5FFFF;
	_ =	strace $0x9000004C  }
0xb8: {  	s29 =	simm.s32 $0x9;
	_ =	strace $0x8000004E  }
0xb9: {  	_ =	swait.ge [sflag:s29], $0x1  }
0xba: {  	[sflag:s29] =	ssyncadd.s32 $0xFFFFFFFF  }
0xbb: {  	_ =	strace $0x9000004E  }
0xbc: {  	_ =	sfence  }
0xbd: {  	s30 =	sld [smem:$0x0];
	_ =	sdelay $0x2  }
0xbe: {  	s31 =	sshll.u32 s1, $0xD;
	s1 =	sshrl.u32 s1, $0x2  }
0xbf: {  	s3 =	sand.u32 $0x4000, s31;
	s1 =	sadd.s32 s1, s30  }
0xc0: {  	s0 =	sor.u32 s3, s0;
	s1 =	sshll.u32 s1, $0x11  }
0xc1: {  	s0 =	sor.u32 s1, s0  }
0xc2: {  	s0 =	sadd.s32 $0x8F2B, s0  }
0xc3: {  	[sflag:s0] =	ssyncadd.remote.s32 $0x1  }
0xc4: {  	_ =	sfence.sel $0xFFFF  }
0xc5: {  	[dreg:$0x0] =	wrdreg $0xFFFFFFFF;
	(pc) =	sbr.abs _section_cstart, $3  }
0xc6: {  	[dreg:$0x1] =	wrdreg $0xFFFFFFFF  }
0xc7: {  	_ =	task.clear_ibuf [dreg:s7], $0x2FFFF;
	_ =	strace $0x9FFFFFFF  }
0xc8: {  	(tm) =	ssettm $0x7FFFFFFF  }
0xc9: {  	_ =	shalt  }
tec
execute0_lowered:
.L_overlay_start_1:
0x0: {  	(tag) =	ssettag $0x1  }
0x1: {  	s2 =	rddreg [dreg:$0x0];
	s1 =	srdreg.scid  }
0x2: {  	s0 =	stileid.u32;
	s5 =	rddreg [dreg:$0x1]  }
0x3: {  	s3 =	simm.s32 $0x0;
	s15 =	simm.s32 $0x4F00;
	s16 =	simm.s32 $0x7700  }
0x4: {  	s17 =	simm.s32 $0x9F00;
	s18 =	simm.s32 $0xC700;
	s19 =	simm.s32 $0x1  }
0x5: {  	s20 =	simm.s32 $0x2;
	s21 =	simm.s32 $0x26C0;
	s22 =	simm.s32 $0x4E40  }
0x6: {  	s23 =	simm.s32 $0x0;
	s8 =	sand.u32 $0x1, s1;
	s1 =	rddreg [dreg:$0x2]  }
0x7: {  	s4 =	sshll.u32 s0, $0x1;
	[smem:$0x7FF] =	sst s3;
	s13 =	smul.u32 $0x4E200, s0  }
0x8: {  	s10 =	sadd.s32 $0x7A600, s5;
	s6 =	sor.u32 s8, s4;
	s14 =	smul.u32 $0x27100, s8  }
0x9: {  	s12 =	sadd.s32 $0x55C600, s5;
	s9 =	ssub.s32 $0x2, s8;
	s7 =	smul.u32 $0x2710, s6  }
0xa: {  	_ =	strace $0x8000004D;
	s6 =	smul.u32 $0x138800, s6;
	s11 =	sshrl.u32 s9, $0x1  }
0xb: {  	s4 =	sadd.s32 $0x53400, s5;
	s31 =	sadd.s32 s13, s12;
	s9 =	ssub.s32 s9, s11  }
0xc: {  	s11 =	sadd.s32 s14, s31;
	s7 =	sshrl.u32 s7, $0x3;
	s6 =	sshrl.u32 s6, $0x3  }
0xd: {  	s9 =	smax.u32 s9, $0x1;
	s7 =	sadd.s32 s7, s5;
	s30 =	sadd.s32 $0x26C00, s6  }
0xe: {  	s5 =	sadd.s32 $0x1CC00, s7;
	s6 =	sadd.s32 $0x12E00, s7;
	s7 =	sadd.s32 s10, s30  }
0xf: {  	s8 =	sadd.s32 s12, s30;
	s10 =	sadd.s32 s13, s10;
	s12 =	simm.s32 $0x3  }
0x10: {  	s13 =	simm.s32 $0x2780;
	s10 =	sadd.s32 s14, s10;
	s14 =	simm.s32 $0x50  }
.LBB2_1:
0x11: {  	[tilespmem:s3], [sflag:$0x3] =	stream.linear.gather [hbm4b:s5+s3], $0x2710, $0x38;
	[tilespmem:$0xEF00] =	vst v63  }
0x12: {  	_ =	swait.ge [sflag:s12], $0x2710  }
0x13: {  	[sflag:s12] =	ssyncset.done $0x0  }
0x14: {  	[sflag:s12] =	ssyncadd.s32 $0xFFFFD8F0  }
0x15: {  	[tilespmem:s13], [sflag:$0x3] =	stream.linear.gather [hbm4b:s6+s3], $0x2710, $0x38;
	[tilespmem:$0xEF00] =	vst v63  }
0x16: {  	_ =	swait.ge [sflag:s12], $0x2710  }
0x17: {  	[sflag:s12] =	ssyncset.done $0x0  }
0x18: {  	s24 =	simm.s32 $0x0;
	[sflag:s12] =	ssyncadd.s32 $0xFFFFD8F0  }
0x19: {  	[tilespmem:s15], [sflag:$0x1] =	stream.indirect.gather [hbm4b:s2+s14], $0x80, s24, s14, $0xb8;
	[tilespmem:$0xEF00] =	vst v63  }
0x1a: {  	s30 =	simm.s32 $0x2780  }
0x1b: {  	[tilespmem:s16], [sflag:$0x1] =	stream.indirect.gather [hbm4b:s4+s14], $0x80, s30, s14, $0xb8;
	[tilespmem:$0xEF00] =	vst v63  }
0x1c: {  	_ = 	snop  }
0x1d: {  	[tilespmem:s17], [sflag:$0x1] =	stream.indirect.gather [hbm4b:s2+s14], $0x80, s14, s14, $0xb8;
	[tilespmem:$0xEF00] =	vst v63  }
0x1e: {  	s24 =	simm.s32 $0x27D0  }
0x1f: {  	[tilespmem:s18], [sflag:$0x1] =	stream.indirect.gather [hbm4b:s4+s14], $0x80, s24, s14, $0xb8;
	[tilespmem:$0xEF00] =	vst v63  }
0x20: {  	_ =	swait.ge [sflag:s19], $0x2800  }
0x21: {  	[sflag:s19] =	ssyncset.done $0x0  }
0x22: {  	[sflag:s19] =	ssyncadd.s32 $0xFFFFD800  }
0x23: {  	_ =	swait.ge [sflag:s19], $0x2800  }
0x24: {  	[sflag:s19] =	ssyncset.done $0x0  }
0x25: {  	[sflag:s19] =	ssyncadd.s32 $0xFFFFD800  }
0x26: {  	_ =	swait.ge [sflag:s19], $0x2800  }
0x27: {  	[sflag:s19] =	ssyncset.done $0x0  }
0x28: {  	[sflag:s19] =	ssyncadd.s32 $0xFFFFD800  }
0x29: {  	_ =	swait.ge [sflag:s19], $0x2800  }
0x2a: {  	[sflag:s19] =	ssyncset.done $0x0  }
0x2b: {  	s25 =	sadd.s32 $0x0, s10;
	[sflag:s19] =	ssyncadd.s32 $0xFFFFD800  }
0x2c: {  	[hbm4b:s25+s3] =	stream.linear.scatter [tilespmem:s15], [sflag:$0x2], $0x2800, $0x38;
	[tilespmem:$0xEF00] =	vst v63  }
0x2d: {  	s26 =	sadd.s32 $0x0, s11  }
0x2e: {  	[hbm4b:s26+s3] =	stream.linear.scatter [tilespmem:s16], [sflag:$0x2], $0x2800, $0x38;
	[tilespmem:$0xEF00] =	vst v63  }
0x2f: {  	s25 =	sadd.s32 $0x500, s25  }
0x30: {  	[hbm4b:s25+s3] =	stream.linear.scatter [tilespmem:s17], [sflag:$0x2], $0x2800, $0x38;
	[tilespmem:$0xEF00] =	vst v63  }
0x31: {  	s31 =	sadd.s32 $0x500, s26  }
0x32: {  	[hbm4b:s31+s3] =	stream.linear.scatter [tilespmem:s18], [sflag:$0x2], $0x2800, $0x38;
	[tilespmem:$0xEF00] =	vst v63  }
0x33: {  	_ =	swait.ge [sflag:s20], $0x2800  }
0x34: {  	[sflag:s20] =	ssyncset.done $0x0  }
0x35: {  	[sflag:s20] =	ssyncadd.s32 $0xFFFFD800  }
0x36: {  	_ =	swait.ge [sflag:s20], $0x2800  }
0x37: {  	[sflag:s20] =	ssyncset.done $0x0  }
0x38: {  	[sflag:s20] =	ssyncadd.s32 $0xFFFFD800  }
0x39: {  	_ =	swait.ge [sflag:s20], $0x2800  }
0x3a: {  	[sflag:s20] =	ssyncset.done $0x0  }
0x3b: {  	[sflag:s20] =	ssyncadd.s32 $0xFFFFD800  }
0x3c: {  	s28 =	simm.s32 $0x1400;
	_ =	swait.ge [sflag:s20], $0x2800  }
0x3d: {  	s26 =	simm.s32 $0xF0;
	s25 =	simm.s32 $0xA00;
	[sflag:s20] =	ssyncset.done $0x0  }
.LBB2_2:
0x3e: {  	s29 =	sadd.s32 $0xFFFFFFB0, s26  }
0x3f: {  	[sflag:s20] =	ssyncadd.s32 $0xFFFFD800;
	s24 =	sadd.s32 $0xA0, s24;
	s30 =	smov.u32 s28  }
0x40: {  	[tilespmem:s15], [sflag:$0x1] =	stream.indirect.gather [hbm4b:s2+s14], $0x80, s29, s14, $0xb8;
	[tilespmem:$0xEF00] =	vst v63  }
0x41: {  	p0 =	sne.s32 s28, $0x26200;
	s28 =	sadd.s32 $0xA00, s28;
	s29 =	sadd.s32 $0xFFFFFFB0, s24  }
0x42: {  	[tilespmem:s16], [sflag:$0x1] =	stream.indirect.gather [hbm4b:s4+s14], $0x80, s29, s14, $0xb8;
	[tilespmem:$0xEF00] =	vst v63  }
0x43: {  	_ = 	snop  }
0x44: {  	[tilespmem:s17], [sflag:$0x1] =	stream.indirect.gather [hbm4b:s2+s14], $0x80, s26, s14, $0xb8;
	[tilespmem:$0xEF00] =	vst v63  }
0x45: {  	_ = 	snop  }
0x46: {  	[tilespmem:s18], [sflag:$0x1] =	stream.indirect.gather [hbm4b:s4+s14], $0x80, s24, s14, $0xb8;
	[tilespmem:$0xEF00] =	vst v63  }
0x47: {  	_ =	swait.ge [sflag:s19], $0x2800  }
0x48: {  	[sflag:s19] =	ssyncset.done $0x0  }
0x49: {  	[sflag:s19] =	ssyncadd.s32 $0xFFFFD800  }
0x4a: {  	_ =	swait.ge [sflag:s19], $0x2800  }
0x4b: {  	[sflag:s19] =	ssyncset.done $0x0  }
0x4c: {  	[sflag:s19] =	ssyncadd.s32 $0xFFFFD800  }
0x4d: {  	_ =	swait.ge [sflag:s19], $0x2800  }
0x4e: {  	[sflag:s19] =	ssyncset.done $0x0  }
0x4f: {  	[sflag:s19] =	ssyncadd.s32 $0xFFFFD800  }
0x50: {  	_ =	swait.ge [sflag:s19], $0x2800  }
0x51: {  	[sflag:s19] =	ssyncset.done $0x0  }
0x52: {  	s29 =	sadd.s32 s25, s10;
	[sflag:s19] =	ssyncadd.s32 $0xFFFFD800  }
0x53: {  	[hbm4b:s29+s3] =	stream.linear.scatter [tilespmem:s15], [sflag:$0x2], $0x2800, $0x38;
	[tilespmem:$0xEF00] =	vst v63  }
0x54: {  	s31 =	sadd.s32 s25, s11;
	s25 =	smov.u32 s30  }
0x55: {  	[hbm4b:s31+s3] =	stream.linear.scatter [tilespmem:s16], [sflag:$0x2], $0x2800, $0x38;
	[tilespmem:$0xEF00] =	vst v63  }
0x56: {  	s29 =	sadd.s32 $0x500, s29  }
0x57: {  	[hbm4b:s29+s3] =	stream.linear.scatter [tilespmem:s17], [sflag:$0x2], $0x2800, $0x38;
	[tilespmem:$0xEF00] =	vst v63  }
0x58: {  	s29 =	sadd.s32 $0x500, s31  }
0x59: {  	[hbm4b:s29+s3] =	stream.linear.scatter [tilespmem:s18], [sflag:$0x2], $0x2800, $0x38;
	[tilespmem:$0xEF00] =	vst v63  }
0x5a: {  	_ =	swait.ge [sflag:s20], $0x2800  }
0x5b: {  	[sflag:s20] =	ssyncset.done $0x0  }
0x5c: {  	[sflag:s20] =	ssyncadd.s32 $0xFFFFD800  }
0x5d: {  	_ =	swait.ge [sflag:s20], $0x2800  }
0x5e: {  	[sflag:s20] =	ssyncset.done $0x0  }
0x5f: {  	[sflag:s20] =	ssyncadd.s32 $0xFFFFD800  }
.Ltmp0:
0x60: {  	_ =	swait.ge [sflag:s20], $0x2800;
	(pc) =	sbr.rel @p0 .LBB2_2-.Ltmp0, $4  }
0x61: {  	[sflag:s20] =	ssyncset.done $0x0  }
0x62: {  	[sflag:s20] =	ssyncadd.s32 $0xFFFFD800  }
0x63: {  	_ =	swait.ge [sflag:s20], $0x2800  }
0x64: {  	s26 =	sadd.s32 $0xA0, s26;
	[sflag:s20] =	ssyncset.done $0x0  }
0x65: {  	s28 =	sadd.s32 $0xFFFFFFB0, s26;
	[sflag:s20] =	ssyncadd.s32 $0xFFFFD800;
	s24 =	sadd.s32 $0xA0, s24  }
0x66: {  	[tilespmem:s15], [sflag:$0x1] =	stream.indirect.gather [hbm4b:s2+s14], $0x80, s28, s14, $0xb8;
	[tilespmem:$0xEF00] =	vst v63  }
0x67: {  	s31 =	sadd.s32 $0xFFFFFFB0, s24  }
0x68: {  	[tilespmem:s16], [sflag:$0x1] =	stream.indirect.gather [hbm4b:s4+s14], $0x80, s31, s14, $0xb8;
	[tilespmem:$0xEF00] =	vst v63  }
0x69: {  	_ = 	snop  }
0x6a: {  	[tilespmem:s17], [sflag:$0x1] =	stream.indirect.gather [hbm4b:s2+s14], $0x80, s26, s14, $0xb8;
	[tilespmem:$0xEF00] =	vst v63  }
0x6b: {  	_ = 	snop  }
0x6c: {  	[tilespmem:s18], [sflag:$0x1] =	stream.indirect.gather [hbm4b:s4+s14], $0x80, s24, s14, $0xb8;
	[tilespmem:$0xEF00] =	vst v63  }
0x6d: {  	_ =	swait.ge [sflag:s19], $0x2800  }
0x6e: {  	[sflag:s19] =	ssyncset.done $0x0  }
0x6f: {  	[sflag:s19] =	ssyncadd.s32 $0xFFFFD800  }
0x70: {  	_ =	swait.ge [sflag:s19], $0x2800  }
0x71: {  	[sflag:s19] =	ssyncset.done $0x0  }
0x72: {  	[sflag:s19] =	ssyncadd.s32 $0xFFFFD800  }
0x73: {  	_ =	swait.ge [sflag:s19], $0x2800  }
0x74: {  	[sflag:s19] =	ssyncset.done $0x0  }
0x75: {  	[sflag:s19] =	ssyncadd.s32 $0xFFFFD800  }
0x76: {  	_ =	swait.ge [sflag:s19], $0x2800  }
0x77: {  	[sflag:s19] =	ssyncset.done $0x0  }
0x78: {  	s29 =	sadd.s32 s25, s10;
	[sflag:s19] =	ssyncadd.s32 $0xFFFFD800  }
0x79: {  	[hbm4b:s29+s3] =	stream.linear.scatter [tilespmem:s15], [sflag:$0x2], $0x2800, $0x38;
	[tilespmem:$0xEF00] =	vst v63  }
0x7a: {  	s30 =	sadd.s32 s25, s11  }
0x7b: {  	[hbm4b:s30+s3] =	stream.linear.scatter [tilespmem:s16], [sflag:$0x2], $0x2800, $0x38;
	[tilespmem:$0xEF00] =	vst v63  }
0x7c: {  	s24 =	sadd.s32 $0x500, s29  }
0x7d: {  	[hbm4b:s24+s3] =	stream.linear.scatter [tilespmem:s17], [sflag:$0x2], $0x2800, $0x38;
	[tilespmem:$0xEF00] =	vst v63  }
0x7e: {  	s31 =	sadd.s32 $0x500, s30  }
0x7f: {  	[hbm4b:s31+s3] =	stream.linear.scatter [tilespmem:s18], [sflag:$0x2], $0x2800, $0x38;
	[tilespmem:$0xEF00] =	vst v63  }
0x80: {  	_ =	swait.ge [sflag:s20], $0x2800  }
0x81: {  	[sflag:s20] =	ssyncset.done $0x0  }
0x82: {  	[sflag:s20] =	ssyncadd.s32 $0xFFFFD800  }
0x83: {  	_ =	swait.ge [sflag:s20], $0x2800  }
0x84: {  	[sflag:s20] =	ssyncset.done $0x0  }
0x85: {  	[sflag:s20] =	ssyncadd.s32 $0xFFFFD800  }
0x86: {  	_ =	swait.ge [sflag:s20], $0x2800  }
0x87: {  	[sflag:s20] =	ssyncset.done $0x0  }
0x88: {  	[sflag:s20] =	ssyncadd.s32 $0xFFFFD800  }
0x89: {  	_ =	swait.ge [sflag:s20], $0x2800  }
0x8a: {  	[sflag:s20] =	ssyncset.done $0x0  }
0x8b: {  	[sflag:s20] =	ssyncadd.s32 $0xFFFFD800  }
0x8c: {  	[tilespmem:s15], [sflag:$0x1] =	stream.indirect.gather [hbm4b:s2+s14], $0x80, s21, s14, $0xb8;
	[tilespmem:$0xEF00] =	vst v63  }
0x8d: {  	_ = 	snop  }
0x8e: {  	[tilespmem:s16], [sflag:$0x1] =	stream.indirect.gather [hbm4b:s4+s14], $0x80, s22, s14, $0xb8;
	[tilespmem:$0xEF00] =	vst v63  }
0x8f: {  	_ = 	snop  }
0x90: {  	[tilespmem:s17], [sflag:$0x1] =	stream.indirect.gather [hbm4b:s2+s14], $0x80, s21, s14, $0xb8;
	[tilespmem:$0xEF00] =	vst v63  }
0x91: {  	_ = 	snop  }
0x92: {  	[tilespmem:s18], [sflag:$0x1] =	stream.indirect.gather [hbm4b:s4+s14], $0x80, s22, s14, $0xb8;
	[tilespmem:$0xEF00] =	vst v63  }
0x93: {  	_ =	swait.ge [sflag:s19], $0x2800  }
0x94: {  	[sflag:s19] =	ssyncset.done $0x0  }
0x95: {  	[sflag:s19] =	ssyncadd.s32 $0xFFFFD800  }
0x96: {  	_ =	swait.ge [sflag:s19], $0x2800  }
0x97: {  	[sflag:s19] =	ssyncset.done $0x0  }
0x98: {  	[sflag:s19] =	ssyncadd.s32 $0xFFFFD800  }
0x99: {  	_ =	swait.ge [sflag:s19], $0x2800  }
0x9a: {  	[sflag:s19] =	ssyncset.done $0x0  }
0x9b: {  	[sflag:s19] =	ssyncadd.s32 $0xFFFFD800  }
0x9c: {  	_ =	swait.ge [sflag:s19], $0x2800  }
0x9d: {  	[sflag:s19] =	ssyncset.done $0x0  }
0x9e: {  	[sflag:s19] =	ssyncadd.s32 $0xFFFFD800  }
0x9f: {  	[hbm4b:s7+s3] =	stream.linear.scatter [tilespmem:s15], [sflag:$0x2], $0x2800, $0x38;
	[tilespmem:$0xEF00] =	vst v63  }
0xa0: {  	_ = 	snop  }
0xa1: {  	[hbm4b:s8+s3] =	stream.linear.scatter [tilespmem:s16], [sflag:$0x2], $0x2800, $0x38;
	[tilespmem:$0xEF00] =	vst v63  }
0xa2: {  	_ = 	snop  }
0xa3: {  	[hbm4b:s7+s3] =	stream.linear.scatter [tilespmem:s17], [sflag:$0x2], $0x2800, $0x38;
	[tilespmem:$0xEF00] =	vst v63  }
0xa4: {  	_ = 	snop  }
0xa5: {  	[hbm4b:s8+s3] =	stream.linear.scatter [tilespmem:s18], [sflag:$0x2], $0x2800, $0x38;
	[tilespmem:$0xEF00] =	vst v63  }
0xa6: {  	_ =	swait.ge [sflag:s20], $0x2800  }
0xa7: {  	[sflag:s20] =	ssyncset.done $0x0  }
0xa8: {  	[sflag:s20] =	ssyncadd.s32 $0xFFFFD800  }
0xa9: {  	_ =	swait.ge [sflag:s20], $0x2800  }
0xaa: {  	[sflag:s20] =	ssyncset.done $0x0  }
0xab: {  	s23 =	sadd.s32 $0x1, s23;
	[sflag:s20] =	ssyncadd.s32 $0xFFFFD800  }
0xac: {  	p0 =	sne.s32 s23, s9;
	_ =	swait.ge [sflag:s20], $0x2800  }
.Ltmp1:
0xad: {  	[sflag:s20] =	ssyncset.done $0x0;
	(pc) =	sbr.rel @p0 .LBB2_1-.Ltmp1, $4  }
0xae: {  	[sflag:s20] =	ssyncadd.s32 $0xFFFFD800  }
0xaf: {  	_ =	swait.ge [sflag:s20], $0x2800  }
0xb0: {  	[sflag:s20] =	ssyncset.done $0x0  }
0xb1: {  	[sflag:s20] =	ssyncadd.s32 $0xFFFFD800  }
0xb2: {  	_ =	sfence.sel $0x180000  }
0xb3: {  	[bflag:$0x0] =	sbarrier.arrive $0xFFFF  }
0xb4: {  	p0 =	sne.s32 s0, $0x0;
	_ =	strace $0x9000004D  }
0xb5: {  	s0 =	sadd.s32 @!p0 $0x100000, s1;
	[bflag:$0x2] =	sbarrier.arrive $0xFFFF  }
0xb6: {  	[sflag:s0] =	ssyncadd.tile.s32 @!p0 $0x1;
	_ =	shalt  }
.Lfunc_end2:
_tile_overlayer_lowered:
.L_overlay_start_2:
0xb7: {  	(tag) =	ssettag $0x2  }
0xb8: {  	s0 =	rddreg [dreg:$0x0];
	s2 =	stileid.u32  }
0xb9: {  	s1 =	rddreg [dreg:$0x1];
	p0 =	sne.s32 s2, $0x0  }
0xba: {  	s3 =	rddreg [dreg:$0x2];
	[bflag:$0x3] =	sbarrier.arrive $0xFFFF;
	s2 =	simm.s32 @!p0 $0x1C03  }
0xbb: {  	[timem:s3], [sflag:s2] =	dma.local @!p0 [hbm:s0], s1  }
0xbc: {  	s0 =	simm.s32 @!p0 $0x3  }
0xbd: {  	_ =	swait.ge @!p0 [sflag:s0], s1  }
0xbe: {  	s1 =	ssub.s32 @!p0 $0x0, s1;
	[sflag:s0] =	ssyncset.done @!p0 $0x0  }
0xbf: {  	[sflag:s0] =	ssyncadd.s32 @!p0 s1  }
0xc0: {  	[bflag:$0x3] =	sbarrier.arrive $0xFFFF  }
0xc1: {  	_ =	shalt  }

// kernel: kernel.29.cloned.1.call-start
scs
__scs_entry_jumppad:
0x0: {  	(pc) =	sbr.rel $0x88, $3  }
0x1: {  	(tag) =	ssettag $0x0;
	lr =	simm.s32 $0x1  }
0x2: {  	[smem:$0x3F64] =	sst lr;
	_ =	strace $0xD0000000  }
0x3: {  	_ = 	snop  }
0x4: {  	_ = 	snop  }
0x5: {  	_ = 	snop  }
0x6: {  	_ = 	snop  }
0x7: {  	_ = 	snop  }
__scs_overlays_trampoline_lowered:
0x8: {  	[smem:$0x3F73] =	sst s0  }
0x9: {  	[smem:$0x3F74] =	sst s1  }
0xa: {  	[smem:$0x3F75] =	sst s2  }
0xb: {  	[smem:$0x3F76] =	sst s3  }
0xc: {  	[smem:$0x3F77] =	sst s4  }
0xd: {  	[smem:$0x3F78] =	sst s5  }
0xe: {  	[smem:$0x3F79] =	sst s6  }
0xf: {  	[smem:$0x3F7A] =	sst s7  }
0x10: {  	[smem:$0x3F7B] =	sst s8  }
0x11: {  	[smem:$0x3F7C] =	sst s9;
	s0 =	simm.s32 @!p0 $0x0  }
0x12: {  	s1 =	sld [smem:$0x3F62];
	s0 =	simm.s32 @p0 $0x1  }
0x13: {  	[smem:$0x3F7D] =	sst s0;
	s0 =	simm.s32 @!p1 $0x0  }
0x14: {  	s2 =	sld [smem:$0x3F61];
	s0 =	simm.s32 @p1 $0x1  }
0x15: {  	[smem:$0x3F7E] =	sst s0;
	s0 =	simm.s32 @!p2 $0x0  }
0x16: {  	s3 =	sld [smem:$0x3FDB];
	s0 =	simm.s32 @p2 $0x1  }
0x17: {  	s4 =	simm.s32 $0x1BF5;
	[smem:$0x3F80] =	sst s0  }
0x18: {  	s0 =	sld [smem:$0x3F63];
	_ =	swait.ge [sflag:s4], $0x0  }
0x19: {  	s7 =	sld [smem:$0x3F64]  }
0x1a: {  	s8 =	sadd.s32 $0xFFFFE003, lr  }
0x1b: {  	s9 =	sadd.s32 $0xFFFFFEF7, lr;
	s5 =	simm.s32 $0xFFFFFFFF;
	p2 =	slt.u32 s8, $0xFFFFF086  }
0x1c: {  	p1 =	slt.u32 s9, $0xF7A;
	s5 =	simm.s32 @!p2 $0x0  }
0x1d: {  	s5 =	simm.s32 @p1 $0x1;
	p0 =	seq.s32 s7, s2  }
0x1e: {  	s7 =	smul.u32 @!p0 $0xF7A, s2;
	p2 =	seq.s32 @!p0 s5, $0x0  }
0x1f: {  	s9 =	smul.u32 $0xF7A, s1;
	s8 =	simm.s32 @!p0 $0x1BF5;
	p2 =	por !p2, p0  }
0x20: {  	[sflag:s8] =	ssyncset.s32 @!p0 $0xFFFFF086;
	s6 =	sadd.s32 @!p0 s3, s7;
	s7 =	simm.s32 @!p0 $0x108  }
0x21: {  	s3 =	sadd.s32 s3, s9;
	s6 =	sadd.s32 @!p0 $0x88, s6;
	s7 =	simm.s32 @p2 $0x1082  }
0x22: {  	[simem:s7], [sflag:s8] =	dma.local @!p0 [hbm:s6], $0xF7A  }
0x23: {  	s9 =	sor.u32 $0xD0000000, s2;
	s6 =	simm.s32 $0x108;
	_ =	swait.ge @!p0 [sflag:s8], $0x0  }
0x24: {  	s3 =	sadd.s32 $0x88, s3;
	s6 =	simm.s32 @!p1 $0x1082;
	[sflag:s4] =	ssyncset.s32 $0xFFFFF086  }
0x25: {  	[simem:s6], [sflag:s4] =	dma.local [hbm:s3], $0xF7A  }
0x26: {  	[smem:$0x3F64] =	sst s1;
	(tag) =	ssettag s2;
	_ =	strace s9  }
0x27: {  	s1 =	sld [smem:$0x3F74]  }
0x28: {  	s2 =	sld [smem:$0x3F75]  }
0x29: {  	s4 =	sld [smem:$0x3F77]  }
0x2a: {  	p0 =	seq.s32 s5, $0x0;
	s5 =	sld [smem:$0x3F78]  }
0x2b: {  	s6 =	sld [smem:$0x3F79]  }
0x2c: {  	s7 =	sld [smem:$0x3F7A]  }
0x2d: {  	s3 =	simm.s32 $0x108;
	s8 =	sld [smem:$0x3F7B]  }
0x2e: {  	s3 =	simm.s32 @!p0 $0x1082;
	s9 =	sld [smem:$0x3F7C]  }
0x2f: {  	lr =	sadd.s32 s0, s3;
	s0 =	sld [smem:$0x3F73]  }
0x30: {  	s3 =	sld [smem:$0x3F76]  }
0x31: {  	[smem:$0x3F7F] =	sst s10  }
0x32: {  	s10 =	sld [smem:$0x3F7D];
	_ =	sdelay $0x3  }
0x33: {  	p0 =	seq.s32 s10, $0x1;
	s10 =	sld [smem:$0x3F7F];
	_ =	sdelay $0x3  }
0x34: {  	[smem:$0x3F7F] =	sst s10  }
0x35: {  	s10 =	sld [smem:$0x3F7E];
	_ =	sdelay $0x3  }
0x36: {  	p1 =	seq.s32 s10, $0x1;
	s10 =	sld [smem:$0x3F7F];
	_ =	sdelay $0x3  }
0x37: {  	[smem:$0x3F7F] =	sst s10  }
0x38: {  	s10 =	sld [smem:$0x3F80]  }
0x39: {  	_ = 	snop;
	(pc) =	sbr.ind lr, $3  }
0x3a: {  	_ = 	snop  }
0x3b: {  	_ = 	snop  }
0x3c: {  	p2 =	seq.s32 s10, $0x1;
	s10 =	sld [smem:$0x3F7F]  }
0x3d: {  	_ =	shalt  }
0x3e: {  	_ =	shalt  }
0x3f: {  	_ =	shalt  }
0x40: {  	_ =	shalt  }
0x41: {  	_ =	shalt  }
0x42: {  	_ =	shalt  }
0x43: {  	_ =	shalt  }
0x44: {  	_ =	shalt  }
0x45: {  	_ =	shalt  }
0x46: {  	_ =	shalt  }
0x47: {  	_ =	shalt  }
0x48: {  	_ =	shalt  }
0x49: {  	_ =	shalt  }
0x4a: {  	_ =	shalt  }
0x4b: {  	_ =	shalt  }
0x4c: {  	_ =	shalt  }
0x4d: {  	_ =	shalt  }
0x4e: {  	_ =	shalt  }
0x4f: {  	_ =	shalt  }
0x50: {  	_ =	shalt  }
0x51: {  	_ =	shalt  }
0x52: {  	_ =	shalt  }
0x53: {  	_ =	shalt  }
0x54: {  	_ =	shalt  }
0x55: {  	_ =	shalt  }
0x56: {  	_ =	shalt  }
0x57: {  	_ =	shalt  }
0x58: {  	_ =	shalt  }
0x59: {  	_ =	shalt  }
0x5a: {  	_ =	shalt  }
0x5b: {  	_ =	shalt  }
0x5c: {  	_ =	shalt  }
0x5d: {  	_ =	shalt  }
0x5e: {  	_ =	shalt  }
0x5f: {  	_ =	shalt  }
0x60: {  	_ =	shalt  }
0x61: {  	_ =	shalt  }
0x62: {  	_ =	shalt  }
0x63: {  	_ =	shalt  }
0x64: {  	_ =	shalt  }
0x65: {  	_ =	shalt  }
0x66: {  	_ =	shalt  }
0x67: {  	_ =	shalt  }
0x68: {  	_ =	shalt  }
0x69: {  	_ =	shalt  }
0x6a: {  	_ =	shalt  }
0x6b: {  	_ =	shalt  }
0x6c: {  	_ =	shalt  }
0x6d: {  	_ =	shalt  }
0x6e: {  	_ =	shalt  }
0x6f: {  	_ =	shalt  }
0x70: {  	_ =	shalt  }
0x71: {  	_ =	shalt  }
0x72: {  	_ =	shalt  }
0x73: {  	_ =	shalt  }
0x74: {  	_ =	shalt  }
0x75: {  	_ =	shalt  }
0x76: {  	_ =	shalt  }
0x77: {  	_ =	shalt  }
0x78: {  	_ =	shalt  }
0x79: {  	_ =	shalt  }
0x7a: {  	_ =	shalt  }
0x7b: {  	_ =	shalt  }
0x7c: {  	_ =	shalt  }
0x7d: {  	_ =	shalt  }
0x7e: {  	_ =	shalt  }
0x7f: {  	_ =	shalt  }
0x80: {  	_ =	shalt  }
0x81: {  	_ =	shalt  }
0x82: {  	_ =	shalt  }
0x83: {  	_ =	shalt  }
0x84: {  	_ =	shalt  }
0x85: {  	_ =	shalt  }
0x86: {  	_ =	shalt  }
0x87: {  	_ =	shalt  }
.Lfunc_end0:
.L_simem_size_0:
called_computation.3_lowered:
.L_overlay_start_0:
0x88: {  	s2 =	sld [smem:$0x3FD9]  }
0x89: {  	s3 =	sld [smem:$0x3FFE];
	_ =	sdelay $0x1  }
0x8a: {  	s1 =	srdreg.scid  }
0x8b: {  	s0 =	sand.u32 $0x1, s1  }
0x8c: {  	s14 =	sshll.u32 s0, $0xA;
	s2 =	sadd.s32 s3, s2  }
0x8d: {  	s2 =	sadd.s32 s2, s14  }
0x8e: {  	[smem:$0x3F8B] =	sst s2  }
0x8f: {  	_ = 	snop  }
0x90: {  	s2 =	sld [smem:$0x3FD0];
	_ =	sdelay $0x2  }
0x91: {  	s15 =	simm.s32 $0xA;
	s4 =	simm.s32 $0x10  }
0x92: {  	[smem:s4], [sflag:s15] =	dma.local [hbm:s2], $0x1  }
0x93: {  	_ =	swait.eq [sflag:s15], $0x1  }
0x94: {  	[sflag:s15] =	ssyncset.done $0x0  }
0x95: {  	[sflag:s15] =	ssyncadd.s32 $0xFFFFFFFF  }
0x96: {  	s16 =	sld [smem:$0x11];
	(tm) =	ssettm $0x1  }
0x97: {  	s17 =	sld [smem:$0x3FFB];
	_ =	sdelay $0x3  }
0x98: {  	_ =	strace s17  }
0x99: {  	s3 =	sld [smem:$0x3FFC];
	_ =	sdelay $0x3  }
0x9a: {  	_ =	strace s3  }
0x9b: {  	s3 =	sld [smem:$0x3FFD];
	_ =	sdelay $0x3  }
0x9c: {  	_ =	strace s3  }
0x9d: {  	_ =	strace $0x8FFFFFFF  }
0x9e: {  	s18 =	sld [smem:$0x3FDB];
	_ =	sdelay $0x1  }
0x9f: {  	s19 =	simm.s32 $_scs_section_size  }
0xa0: {  	s5 =	simm.s32 $_size__tile_overlayer_lowered;
	s6 =	simm.s32 $_tile_overlayer_lowered  }
0xa1: {  	s22 =	simm.s32 $0x1BFF;
	s21 =	sshll.u32 s6, $0x1;
	s3 =	sadd.s32 s19, s18  }
0xa2: {  	s7 =	simm.s32 $0x0;
	s20 =	sshll.u32 s5, $0x1;
	s5 =	sadd.s32 s21, s3  }
0xa3: {  	[timem:s7], [sflag:s22] =	dma.local [hbm:s5], s20  }
0xa4: {  	_ =	swait.ge [sflag:s22], s20  }
0xa5: {  	s4 =	ssub.s32 $0x0, s20;
	[sflag:s22] =	ssyncset.done $0x0  }
0xa6: {  	[sflag:s22] =	ssyncadd.s32 s4;
	_ =	sdelay $0x1  }
0xa7: {  	s23 =	simm.s32 $0x1B8B  }
0xa8: {  	_ =	swait.ge [sflag:s23], $0x1  }
0xa9: {  	[sflag:s23] =	ssyncset.done $0x0  }
0xaa: {  	s25 =	simm.s32 $0x1B8E;
	s24 =	sld [smem:$0x3FFE];
	[sflag:s23] =	ssyncadd.s32 $0xFFFFFFFF  }
0xab: {  	s26 =	simm.s32 $execute0_lowered;
	[smem:$0x3FD2] =	sst s25  }
0xac: {  	s5 =	sshll.u32 s26, $0x1;
	_ =	strace $0x8000004F;
	[dreg:$0x1] =	wrdreg $0xFFFFFFFF  }
0xad: {  	s28 =	simm.s32 $_size_execute0_lowered;
	s3 =	sadd.s32 s3, s5;
	[dreg:$0x0] =	wrdreg $0x0  }
0xae: {  	s5 =	sshll.u32 s28, $0x1;
	[dreg:$0x2] =	wrdreg s3  }
0xaf: {  	[dreg:$0x3] =	wrdreg s5  }
0xb0: {  	[dreg:$0x4] =	wrdreg $0xC0  }
0xb1: {  	_ =	task [dreg:s7], $0x5FFFF  }
0xb2: {  	[dreg:$0x1] =	wrdreg $0xFFFFFFFF  }
0xb3: {  	[dreg:$0x0] =	wrdreg $0x60  }
0xb4: {  	[dreg:$0x2] =	wrdreg s16  }
0xb5: {  	[dreg:$0x3] =	wrdreg s24  }
0xb6: {  	[dreg:$0x4] =	wrdreg $0x90000  }
0xb7: {  	[dreg:$0x5] =	wrdreg $0x9  }
0xb8: {  	_ =	task.clear_ibuf [dreg:s7], $0x6FFFF;
	_ =	strace $0x9000004F  }
0xb9: {  	s29 =	simm.s32 $0x9;
	_ =	strace $0x80000051  }
0xba: {  	_ =	swait.ge [sflag:s29], $0x1  }
0xbb: {  	[sflag:s29] =	ssyncadd.s32 $0xFFFFFFFF  }
0xbc: {  	_ =	strace $0x90000051  }
0xbd: {  	_ =	sfence  }
0xbe: {  	s30 =	sld [smem:$0x0];
	_ =	sdelay $0x2  }
0xbf: {  	s31 =	sshll.u32 s1, $0xD;
	s1 =	sshrl.u32 s1, $0x2  }
0xc0: {  	s3 =	sand.u32 $0x4000, s31;
	s1 =	sadd.s32 s1, s30  }
0xc1: {  	s0 =	sor.u32 s3, s0;
	s1 =	sshll.u32 s1, $0x11  }
0xc2: {  	s0 =	sor.u32 s1, s0  }
0xc3: {  	s0 =	sadd.s32 $0x8F2B, s0  }
0xc4: {  	[sflag:s0] =	ssyncadd.remote.s32 $0x1  }
0xc5: {  	_ =	sfence.sel $0xFFFF  }
0xc6: {  	[dreg:$0x0] =	wrdreg $0xFFFFFFFF;
	(pc) =	sbr.abs _section_cstart, $3  }
0xc7: {  	[dreg:$0x1] =	wrdreg $0xFFFFFFFF  }
0xc8: {  	_ =	task.clear_ibuf [dreg:s7], $0x2FFFF;
	_ =	strace $0x9FFFFFFF  }
0xc9: {  	(tm) =	ssettm $0x7FFFFFFF  }
tec
execute0_lowered:
.L_overlay_start_1:
0x0: {  	(tag) =	ssettag $0x1  }
0x1: {  	s10 =	rddreg [dreg:$0x0]  }
0x2: {  	s5 =	rddreg [dreg:$0x1];
	s1 =	srdreg.scid  }
0x3: {  	s0 =	stileid.u32;
	s2 =	rddreg [dreg:$0x2]  }
0x4: {  	s3 =	simm.s32 $0x0;
	s16 =	simm.s32 $0x6800;
	s17 =	simm.s32 $0x1  }
0x5: {  	s18 =	simm.s32 $0x50;
	s19 =	simm.s32 $0x3E00;
	s20 =	simm.s32 $0x0  }
0x6: {  	s9 =	sand.u32 $0x1, s1;
	s4 =	sshll.u32 s0, $0x1;
	s11 =	smul.u32 $0x4F000, s0  }
0x7: {  	s1 =	rddreg [dreg:$0x3];
	s12 =	sadd.s32 $0xA73400, s5;
	s28 =	smul.u32 $0x13C00, s0  }
0x8: {  	[smem:$0x7FF] =	sst s3;
	s15 =	sadd.s32 $0x128400, s2;
	s30 =	smul.u32 $0x4E200, s0  }
0x9: {  	p0 =	seq.s32 s0, $0xF;
	s6 =	sor.u32 s9, s4;
	s26 =	smul.u32 $0x138800, s9  }
0xa: {  	_ =	strace $0x80000050;
	s8 =	ssub.s32 $0x2, s9;
	s31 =	smul.u32 $0x27100, s9  }
0xb: {  	s4 =	sshll.u32 s6, $0xB;
	s24 =	sshrl.u32 s8, $0x1;
	s6 =	smul.u32 $0x138800, s6  }
0xc: {  	s25 =	sshrl.u32 s11, $0x2;
	s11 =	sshrl.u32 @p0 s15, $0x3;
	s15 =	simm.s32 $0x4000  }
0xd: {  	s7 =	sadd.s32 s4, s5;
	s4 =	sadd.s32 $0x50C00, s5;
	s13 =	ssub.s32 s8, s24  }
0xe: {  	s14 =	sadd.s32 s25, s2;
	s29 =	sadd.s32 s28, s26;
	s8 =	sshrl.u32 s26, $0x3  }
0xf: {  	s6 =	sshrl.u32 s6, $0x3;
	s5 =	sadd.s32 $0xA63400, s7;
	s7 =	sshrl.u32 s29, $0x3  }
0x10: {  	s8 =	sadd.s32 s12, s8;
	s9 =	smax.u32 s13, $0x1;
	s13 =	sshrl.u32 @!p0 s14, $0x3  }
0x11: {  	s14 =	simm.s32 $0x2;
	s6 =	sadd.s32 s10, s6;
	s7 =	sadd.s32 s12, s7  }
0x12: {  	s8 =	sadd.s32 $0x25080, s8;
	s10 =	sadd.s32 s30, s10;
	s12 =	sshll.u32 @!p0 s0, $0x6  }
0x13: {  	s6 =	sadd.s32 $0x26C00, s6;
	s10 =	sadd.s32 s31, s10;
	s12 =	sor.u32 @!p0 $0x1C02, s12  }
.LBB2_1:
0x14: {  	s21 =	simm.s32 @p0 $0x1FC2  }
0x15: {  	[spmem:s11], [sflag:s21] =	dma.local @p0 [hbm:s4], $0x2080  }
0x16: {  	s21 =	simm.s32 @p0 $0x2  }
0x17: {  	_ =	swait.ge @p0 [sflag:s21], $0x2080  }
0x18: {  	[sflag:s21] =	ssyncset.done @p0 $0x0  }
0x19: {  	[sflag:s21] =	ssyncadd.s32 @p0 $0xFFFFDF80;
	s21 =	simm.s32 @!p0 $0x2  }
0x1a: {  	[spmem:s13], [sflag:s12] =	dma.local @!p0 [hbm:s4], $0x2780  }
0x1b: {  	_ =	swait.ge @!p0 [sflag:s21], $0x2780  }
0x1c: {  	[sflag:s21] =	ssyncset.done @!p0 $0x0  }
0x1d: {  	[sflag:s21] =	ssyncadd.s32 @!p0 $0xFFFFD880  }
0x1e: {  	[tilespmem:s3], [sflag:$0x2] =	stream.linear.gather [hbm4b:s5+s3], $0x3E80, $0x38;
	[tilespmem:$0x1C880] =	vst v63  }
0x1f: {  	_ =	swait.ge [sflag:s14], $0x3E80  }
0x20: {  	[sflag:s14] =	ssyncset.done $0x0  }
0x21: {  	[sflag:s14] =	ssyncadd.s32 $0xFFFFC180  }
0x22: {  	[bflag:$0x0] =	sbarrier.arrive $0xFFFF  }
0x23: {  	[tilespmem:s15], [sflag:$0x1] =	stream.linear.gather [hbm4b:s10+s3], $0x2800, $0x38;
	[tilespmem:$0x1C880] =	vst v63  }
0x24: {  	s29 =	sadd.s32 $0x500, s10  }
0x25: {  	[tilespmem:s16], [sflag:$0x1] =	stream.linear.gather [hbm4b:s29+s3], $0x2800, $0x38;
	[tilespmem:$0x1C880] =	vst v63  }
0x26: {  	_ =	swait.ge [sflag:s17], $0x2800  }
0x27: {  	[sflag:s17] =	ssyncset.done $0x0  }
0x28: {  	s30 =	simm.s32 $0x0;
	[sflag:s17] =	ssyncadd.s32 $0xFFFFD800  }
0x29: {  	[spmem:s2] =	stream.indirect.scatter.add.f32 [tilespmem:s15], [sflag:$0x2], $0x80, s30, s18, $0xb8;
	[tilespmem:$0x1C880] =	vst v63  }
0x2a: {  	_ =	swait.ge [sflag:s14], $0x2800  }
0x2b: {  	[sflag:s14] =	ssyncset.done $0x0  }
0x2c: {  	[sflag:s14] =	ssyncadd.s32 $0xFFFFD800  }
0x2d: {  	_ =	swait.ge [sflag:s17], $0x2800  }
0x2e: {  	[sflag:s17] =	ssyncset.done $0x0  }
0x2f: {  	s31 =	simm.s32 $0x80;
	[sflag:s17] =	ssyncadd.s32 $0xFFFFD800  }
0x30: {  	[spmem:s2] =	stream.indirect.scatter.add.f32 [tilespmem:s16], [sflag:$0x2], $0x80, s31, s18, $0xb8;
	[tilespmem:$0x1C880] =	vst v63  }
0x31: {  	_ =	swait.ge [sflag:s14], $0x2800  }
0x32: {  	s22 =	smov.u32 s10;
	s21 =	simm.s32 $0x400;
	[sflag:s14] =	ssyncset.done $0x0  }
.LBB2_2:
0x33: {  	p1 =	sne.s32 s21, $0xF400;
	[sflag:s14] =	ssyncadd.s32 $0xFFFFD800;
	s22 =	sadd.s32 $0xA00, s22  }
0x34: {  	[tilespmem:s15], [sflag:$0x1] =	stream.linear.gather [hbm4b:s22+s3], $0x2800, $0x38;
	[tilespmem:$0x1C880] =	vst v63  }
0x35: {  	s24 =	smov.u32 s21;
	s21 =	sadd.s32 $0x400, s21;
	s23 =	sadd.s32 $0x500, s22  }
0x36: {  	[tilespmem:s16], [sflag:$0x1] =	stream.linear.gather [hbm4b:s23+s3], $0x2800, $0x38;
	[tilespmem:$0x1C880] =	vst v63  }
0x37: {  	_ =	swait.ge [sflag:s17], $0x2800  }
0x38: {  	[sflag:s17] =	ssyncset.done $0x0  }
0x39: {  	s23 =	sshra.s32 s24, $0x2;
	[sflag:s17] =	ssyncadd.s32 $0xFFFFD800  }
0x3a: {  	[spmem:s2] =	stream.indirect.scatter.add.f32 [tilespmem:s15], [sflag:$0x2], $0x80, s23, s18, $0xb8;
	[tilespmem:$0x1C880] =	vst v63  }
0x3b: {  	_ =	swait.ge [sflag:s14], $0x2800  }
0x3c: {  	[sflag:s14] =	ssyncset.done $0x0  }
0x3d: {  	[sflag:s14] =	ssyncadd.s32 $0xFFFFD800  }
0x3e: {  	_ =	swait.ge [sflag:s17], $0x2800  }
.Ltmp0:
0x3f: {  	[sflag:s17] =	ssyncset.done $0x0;
	(pc) =	sbr.rel @p1 .LBB2_2-.Ltmp0, $4  }
0x40: {  	s23 =	sadd.s32 $0x80, s23;
	[sflag:s17] =	ssyncadd.s32 $0xFFFFD800  }
0x41: {  	[spmem:s2] =	stream.indirect.scatter.add.f32 [tilespmem:s16], [sflag:$0x2], $0x80, s23, s18, $0xb8;
	[tilespmem:$0x1C880] =	vst v63  }
0x42: {  	_ =	swait.ge [sflag:s14], $0x2800  }
0x43: {  	[sflag:s14] =	ssyncset.done $0x0  }
0x44: {  	[sflag:s14] =	ssyncadd.s32 $0xFFFFD800  }
0x45: {  	[tilespmem:s15], [sflag:$0x1] =	stream.linear.gather [hbm4b:s6+s3], $0x2800, $0x38;
	[tilespmem:$0x1C880] =	vst v63  }
0x46: {  	_ =	swait.ge [sflag:s17], $0x2800  }
0x47: {  	[sflag:s17] =	ssyncset.done $0x0  }
0x48: {  	[sflag:s17] =	ssyncadd.s32 $0xFFFFD800  }
0x49: {  	[spmem:s2] =	stream.indirect.scatter.add.f32 [tilespmem:s15], [sflag:$0x2], $0x80, s19, s18, $0xb8;
	[tilespmem:$0x1C880] =	vst v63  }
0x4a: {  	_ =	swait.ge [sflag:s14], $0x2800  }
0x4b: {  	[sflag:s14] =	ssyncset.done $0x0  }
0x4c: {  	[sflag:s14] =	ssyncadd.s32 $0xFFFFD800  }
0x4d: {  	s21 =	simm.s32 @p0 $0x1FC2;
	[bflag:$0x0] =	sbarrier.arrive $0xFFFF  }
0x4e: {  	[hbm:s8], [sflag:s21] =	dma.local @p0 [spmem:s11], $0x2080  }
0x4f: {  	s21 =	simm.s32 @p0 $0x2  }
0x50: {  	s20 =	sadd.s32 $0x1, s20;
	_ =	swait.ge @p0 [sflag:s21], $0x2080  }
0x51: {  	p1 =	sne.s32 s20, s9;
	[sflag:s21] =	ssyncset.done @p0 $0x0  }
.Ltmp1:
0x52: {  	[sflag:s21] =	ssyncadd.s32 @p0 $0xFFFFDF80;
	s21 =	simm.s32 @!p0 $0x2;
	(pc) =	sbr.rel @p1 .LBB2_1-.Ltmp1, $4  }
0x53: {  	[hbm:s7], [sflag:s12] =	dma.local @!p0 [spmem:s13], $0x2780  }
0x54: {  	_ =	swait.ge @!p0 [sflag:s21], $0x2780  }
0x55: {  	[sflag:s21] =	ssyncset.done @!p0 $0x0  }
0x56: {  	[sflag:s21] =	ssyncadd.s32 @!p0 $0xFFFFD880  }
0x57: {  	_ =	sfence.sel $0x180000  }
0x58: {  	[bflag:$0x0] =	sbarrier.arrive $0xFFFF  }
0x59: {  	p0 =	sne.s32 s0, $0x0;
	_ =	strace $0x90000050  }
0x5a: {  	s0 =	sadd.s32 @!p0 $0x100000, s1;
	[bflag:$0x2] =	sbarrier.arrive $0xFFFF  }
0x5b: {  	[sflag:s0] =	ssyncadd.tile.s32 @!p0 $0x1;
	_ =	shalt  }
.Lfunc_end2:
_tile_overlayer_lowered:
.L_overlay_start_2:
0x5c: {  	(tag) =	ssettag $0x2  }
0x5d: {  	s0 =	rddreg [dreg:$0x0];
	s2 =	stileid.u32  }
0x5e: {  	s1 =	rddreg [dreg:$0x1];
	p0 =	sne.s32 s2, $0x0  }
0x5f: {  	s3 =	rddreg [dreg:$0x2];
	[bflag:$0x3] =	sbarrier.arrive $0xFFFF;
	s2 =	simm.s32 @!p0 $0x1C02  }
0x60: {  	[timem:s3], [sflag:s2] =	dma.local @!p0 [hbm:s0], s1  }
0x61: {  	s0 =	simm.s32 @!p0 $0x2  }
0x62: {  	_ =	swait.ge @!p0 [sflag:s0], s1  }
0x63: {  	s1 =	ssub.s32 @!p0 $0x0, s1;
	[sflag:s0] =	ssyncset.done @!p0 $0x0  }
0x64: {  	[sflag:s0] =	ssyncadd.s32 @!p0 s1  }
0x65: {  	[bflag:$0x3] =	sbarrier.arrive $0xFFFF  }
0x66: {  	_ =	shalt  }

// kernel: kernel.32.cloned.1.call-start
scs
__scs_entry_jumppad:
0x0: {  	(pc) =	sbr.rel $0x88, $3  }
0x1: {  	(tag) =	ssettag $0x0;
	lr =	simm.s32 $0x1  }
0x2: {  	[smem:$0x3F64] =	sst lr;
	_ =	strace $0xD0000000  }
0x3: {  	_ = 	snop  }
0x4: {  	_ = 	snop  }
0x5: {  	_ = 	snop  }
0x6: {  	_ = 	snop  }
0x7: {  	_ = 	snop  }
__scs_overlays_trampoline_lowered:
0x8: {  	[smem:$0x3F73] =	sst s0  }
0x9: {  	[smem:$0x3F74] =	sst s1  }
0xa: {  	[smem:$0x3F75] =	sst s2  }
0xb: {  	[smem:$0x3F76] =	sst s3  }
0xc: {  	[smem:$0x3F77] =	sst s4  }
0xd: {  	[smem:$0x3F78] =	sst s5  }
0xe: {  	[smem:$0x3F79] =	sst s6  }
0xf: {  	[smem:$0x3F7A] =	sst s7  }
0x10: {  	[smem:$0x3F7B] =	sst s8  }
0x11: {  	[smem:$0x3F7C] =	sst s9;
	s0 =	simm.s32 @!p0 $0x0  }
0x12: {  	s1 =	sld [smem:$0x3F62];
	s0 =	simm.s32 @p0 $0x1  }
0x13: {  	[smem:$0x3F7D] =	sst s0;
	s0 =	simm.s32 @!p1 $0x0  }
0x14: {  	s2 =	sld [smem:$0x3F61];
	s0 =	simm.s32 @p1 $0x1  }
0x15: {  	[smem:$0x3F7E] =	sst s0;
	s0 =	simm.s32 @!p2 $0x0  }
0x16: {  	s3 =	sld [smem:$0x3FDB];
	s0 =	simm.s32 @p2 $0x1  }
0x17: {  	s4 =	simm.s32 $0x1BF5;
	[smem:$0x3F80] =	sst s0  }
0x18: {  	s0 =	sld [smem:$0x3F63];
	_ =	swait.ge [sflag:s4], $0x0  }
0x19: {  	s7 =	sld [smem:$0x3F64]  }
0x1a: {  	s8 =	sadd.s32 $0xFFFFE003, lr  }
0x1b: {  	s9 =	sadd.s32 $0xFFFFFEF7, lr;
	s5 =	simm.s32 $0xFFFFFFFF;
	p2 =	slt.u32 s8, $0xFFFFF086  }
0x1c: {  	p1 =	slt.u32 s9, $0xF7A;
	s5 =	simm.s32 @!p2 $0x0  }
0x1d: {  	s5 =	simm.s32 @p1 $0x1;
	p0 =	seq.s32 s7, s2  }
0x1e: {  	s7 =	smul.u32 @!p0 $0xF7A, s2;
	p2 =	seq.s32 @!p0 s5, $0x0  }
0x1f: {  	s9 =	smul.u32 $0xF7A, s1;
	s8 =	simm.s32 @!p0 $0x1BF5;
	p2 =	por !p2, p0  }
0x20: {  	[sflag:s8] =	ssyncset.s32 @!p0 $0xFFFFF086;
	s6 =	sadd.s32 @!p0 s3, s7;
	s7 =	simm.s32 @!p0 $0x108  }
0x21: {  	s3 =	sadd.s32 s3, s9;
	s6 =	sadd.s32 @!p0 $0x88, s6;
	s7 =	simm.s32 @p2 $0x1082  }
0x22: {  	[simem:s7], [sflag:s8] =	dma.local @!p0 [hbm:s6], $0xF7A  }
0x23: {  	s9 =	sor.u32 $0xD0000000, s2;
	s6 =	simm.s32 $0x108;
	_ =	swait.ge @!p0 [sflag:s8], $0x0  }
0x24: {  	s3 =	sadd.s32 $0x88, s3;
	s6 =	simm.s32 @!p1 $0x1082;
	[sflag:s4] =	ssyncset.s32 $0xFFFFF086  }
0x25: {  	[simem:s6], [sflag:s4] =	dma.local [hbm:s3], $0xF7A  }
0x26: {  	[smem:$0x3F64] =	sst s1;
	(tag) =	ssettag s2;
	_ =	strace s9  }
0x27: {  	s1 =	sld [smem:$0x3F74]  }
0x28: {  	s2 =	sld [smem:$0x3F75]  }
0x29: {  	s4 =	sld [smem:$0x3F77]  }
0x2a: {  	p0 =	seq.s32 s5, $0x0;
	s5 =	sld [smem:$0x3F78]  }
0x2b: {  	s6 =	sld [smem:$0x3F79]  }
0x2c: {  	s7 =	sld [smem:$0x3F7A]  }
0x2d: {  	s3 =	simm.s32 $0x108;
	s8 =	sld [smem:$0x3F7B]  }
0x2e: {  	s3 =	simm.s32 @!p0 $0x1082;
	s9 =	sld [smem:$0x3F7C]  }
0x2f: {  	lr =	sadd.s32 s0, s3;
	s0 =	sld [smem:$0x3F73]  }
0x30: {  	s3 =	sld [smem:$0x3F76]  }
0x31: {  	[smem:$0x3F7F] =	sst s10  }
0x32: {  	s10 =	sld [smem:$0x3F7D];
	_ =	sdelay $0x3  }
0x33: {  	p0 =	seq.s32 s10, $0x1;
	s10 =	sld [smem:$0x3F7F];
	_ =	sdelay $0x3  }
0x34: {  	[smem:$0x3F7F] =	sst s10  }
0x35: {  	s10 =	sld [smem:$0x3F7E];
	_ =	sdelay $0x3  }
0x36: {  	p1 =	seq.s32 s10, $0x1;
	s10 =	sld [smem:$0x3F7F];
	_ =	sdelay $0x3  }
0x37: {  	[smem:$0x3F7F] =	sst s10  }
0x38: {  	s10 =	sld [smem:$0x3F80]  }
0x39: {  	_ = 	snop;
	(pc) =	sbr.ind lr, $3  }
0x3a: {  	_ = 	snop  }
0x3b: {  	_ = 	snop  }
0x3c: {  	p2 =	seq.s32 s10, $0x1;
	s10 =	sld [smem:$0x3F7F]  }
0x3d: {  	_ =	shalt  }
0x3e: {  	_ =	shalt  }
0x3f: {  	_ =	shalt  }
0x40: {  	_ =	shalt  }
0x41: {  	_ =	shalt  }
0x42: {  	_ =	shalt  }
0x43: {  	_ =	shalt  }
0x44: {  	_ =	shalt  }
0x45: {  	_ =	shalt  }
0x46: {  	_ =	shalt  }
0x47: {  	_ =	shalt  }
0x48: {  	_ =	shalt  }
0x49: {  	_ =	shalt  }
0x4a: {  	_ =	shalt  }
0x4b: {  	_ =	shalt  }
0x4c: {  	_ =	shalt  }
0x4d: {  	_ =	shalt  }
0x4e: {  	_ =	shalt  }
0x4f: {  	_ =	shalt  }
0x50: {  	_ =	shalt  }
0x51: {  	_ =	shalt  }
0x52: {  	_ =	shalt  }
0x53: {  	_ =	shalt  }
0x54: {  	_ =	shalt  }
0x55: {  	_ =	shalt  }
0x56: {  	_ =	shalt  }
0x57: {  	_ =	shalt  }
0x58: {  	_ =	shalt  }
0x59: {  	_ =	shalt  }
0x5a: {  	_ =	shalt  }
0x5b: {  	_ =	shalt  }
0x5c: {  	_ =	shalt  }
0x5d: {  	_ =	shalt  }
0x5e: {  	_ =	shalt  }
0x5f: {  	_ =	shalt  }
0x60: {  	_ =	shalt  }
0x61: {  	_ =	shalt  }
0x62: {  	_ =	shalt  }
0x63: {  	_ =	shalt  }
0x64: {  	_ =	shalt  }
0x65: {  	_ =	shalt  }
0x66: {  	_ =	shalt  }
0x67: {  	_ =	shalt  }
0x68: {  	_ =	shalt  }
0x69: {  	_ =	shalt  }
0x6a: {  	_ =	shalt  }
0x6b: {  	_ =	shalt  }
0x6c: {  	_ =	shalt  }
0x6d: {  	_ =	shalt  }
0x6e: {  	_ =	shalt  }
0x6f: {  	_ =	shalt  }
0x70: {  	_ =	shalt  }
0x71: {  	_ =	shalt  }
0x72: {  	_ =	shalt  }
0x73: {  	_ =	shalt  }
0x74: {  	_ =	shalt  }
0x75: {  	_ =	shalt  }
0x76: {  	_ =	shalt  }
0x77: {  	_ =	shalt  }
0x78: {  	_ =	shalt  }
0x79: {  	_ =	shalt  }
0x7a: {  	_ =	shalt  }
0x7b: {  	_ =	shalt  }
0x7c: {  	_ =	shalt  }
0x7d: {  	_ =	shalt  }
0x7e: {  	_ =	shalt  }
0x7f: {  	_ =	shalt  }
0x80: {  	_ =	shalt  }
0x81: {  	_ =	shalt  }
0x82: {  	_ =	shalt  }
0x83: {  	_ =	shalt  }
0x84: {  	_ =	shalt  }
0x85: {  	_ =	shalt  }
0x86: {  	_ =	shalt  }
0x87: {  	_ =	shalt  }
.Lfunc_end0:
.L_simem_size_0:
called_computation.4_lowered:
.L_overlay_start_0:
0x88: {  	s2 =	sld [smem:$0x3FD9]  }
0x89: {  	s3 =	sld [smem:$0x3FFE];
	_ =	sdelay $0x1  }
0x8a: {  	s1 =	srdreg.scid  }
0x8b: {  	s0 =	sand.u32 $0x1, s1  }
0x8c: {  	s14 =	sshll.u32 s0, $0xA;
	s2 =	sadd.s32 s3, s2  }
0x8d: {  	s2 =	sadd.s32 s2, s14  }
0x8e: {  	[smem:$0x3F8B] =	sst s2  }
0x8f: {  	_ = 	snop  }
0x90: {  	s2 =	sld [smem:$0x3FD0];
	_ =	sdelay $0x2  }
0x91: {  	s15 =	simm.s32 $0xA;
	s4 =	simm.s32 $0x10  }
0x92: {  	[smem:s4], [sflag:s15] =	dma.local [hbm:s2], $0x1  }
0x93: {  	_ =	swait.eq [sflag:s15], $0x1  }
0x94: {  	[sflag:s15] =	ssyncset.done $0x0  }
0x95: {  	[sflag:s15] =	ssyncadd.s32 $0xFFFFFFFF  }
0x96: {  	s16 =	sld [smem:$0x11];
	(tm) =	ssettm $0x1  }
0x97: {  	s17 =	sld [smem:$0x3FFB];
	_ =	sdelay $0x3  }
0x98: {  	_ =	strace s17  }
0x99: {  	s3 =	sld [smem:$0x3FFC];
	_ =	sdelay $0x3  }
0x9a: {  	_ =	strace s3  }
0x9b: {  	s3 =	sld [smem:$0x3FFD];
	_ =	sdelay $0x3  }
0x9c: {  	_ =	strace s3  }
0x9d: {  	_ =	strace $0x8FFFFFFF  }
0x9e: {  	s18 =	sld [smem:$0x3FDB];
	_ =	sdelay $0x1  }
0x9f: {  	s19 =	simm.s32 $_scs_section_size  }
0xa0: {  	s5 =	simm.s32 $_size__tile_overlayer_lowered;
	s6 =	simm.s32 $_tile_overlayer_lowered  }
0xa1: {  	s22 =	simm.s32 $0x1BFF;
	s21 =	sshll.u32 s6, $0x1;
	s3 =	sadd.s32 s19, s18  }
0xa2: {  	s7 =	simm.s32 $0x0;
	s20 =	sshll.u32 s5, $0x1;
	s5 =	sadd.s32 s21, s3  }
0xa3: {  	[timem:s7], [sflag:s22] =	dma.local [hbm:s5], s20  }
0xa4: {  	_ =	swait.ge [sflag:s22], s20  }
0xa5: {  	s4 =	ssub.s32 $0x0, s20;
	[sflag:s22] =	ssyncset.done $0x0  }
0xa6: {  	[sflag:s22] =	ssyncadd.s32 s4;
	_ =	sdelay $0x1  }
0xa7: {  	s23 =	simm.s32 $0x1B8B  }
0xa8: {  	_ =	swait.ge [sflag:s23], $0x1  }
0xa9: {  	[sflag:s23] =	ssyncset.done $0x0  }
0xaa: {  	s25 =	simm.s32 $0x1B8E;
	s24 =	sld [smem:$0x3FFE];
	[sflag:s23] =	ssyncadd.s32 $0xFFFFFFFF  }
0xab: {  	s26 =	simm.s32 $execute0_lowered;
	[smem:$0x3FD2] =	sst s25  }
0xac: {  	s5 =	sshll.u32 s26, $0x1;
	_ =	strace $0x80000052;
	[dreg:$0x1] =	wrdreg $0xFFFFFFFF  }
0xad: {  	s28 =	simm.s32 $_size_execute0_lowered;
	s3 =	sadd.s32 s3, s5;
	[dreg:$0x0] =	wrdreg $0x0  }
0xae: {  	s5 =	sshll.u32 s28, $0x1;
	[dreg:$0x2] =	wrdreg s3  }
0xaf: {  	[dreg:$0x3] =	wrdreg s5  }
0xb0: {  	[dreg:$0x4] =	wrdreg $0xC0  }
0xb1: {  	_ =	task [dreg:s7], $0x5FFFF  }
0xb2: {  	[dreg:$0x1] =	wrdreg $0xFFFFFFFF  }
0xb3: {  	[dreg:$0x0] =	wrdreg $0x60  }
0xb4: {  	[dreg:$0x2] =	wrdreg s16  }
0xb5: {  	[dreg:$0x3] =	wrdreg s24  }
0xb6: {  	[dreg:$0x4] =	wrdreg $0x9  }
0xb7: {  	_ =	task.clear_ibuf [dreg:s7], $0x5FFFF;
	_ =	strace $0x90000052  }
0xb8: {  	s29 =	simm.s32 $0x9;
	_ =	strace $0x80000054  }
0xb9: {  	_ =	swait.ge [sflag:s29], $0x1  }
0xba: {  	[sflag:s29] =	ssyncadd.s32 $0xFFFFFFFF  }
0xbb: {  	_ =	strace $0x90000054  }
0xbc: {  	_ =	sfence  }
0xbd: {  	s30 =	sld [smem:$0x0];
	_ =	sdelay $0x2  }
0xbe: {  	s31 =	sshll.u32 s1, $0xD;
	s1 =	sshrl.u32 s1, $0x2  }
0xbf: {  	s3 =	sand.u32 $0x4000, s31;
	s1 =	sadd.s32 s1, s30  }
0xc0: {  	s0 =	sor.u32 s3, s0;
	s1 =	sshll.u32 s1, $0x11  }
0xc1: {  	s0 =	sor.u32 s1, s0  }
0xc2: {  	s0 =	sadd.s32 $0x8F2B, s0  }
0xc3: {  	[sflag:s0] =	ssyncadd.remote.s32 $0x1  }
0xc4: {  	_ =	sfence.sel $0xFFFF  }
0xc5: {  	[dreg:$0x0] =	wrdreg $0xFFFFFFFF;
	(pc) =	sbr.abs _section_cstart, $3  }
0xc6: {  	[dreg:$0x1] =	wrdreg $0xFFFFFFFF  }
0xc7: {  	_ =	task.clear_ibuf [dreg:s7], $0x2FFFF;
	_ =	strace $0x9FFFFFFF  }
0xc8: {  	(tm) =	ssettm $0x7FFFFFFF  }
0xc9: {  	_ =	shalt  }
tec
execute0_lowered:
.L_overlay_start_1:
0x0: {  	(tag) =	ssettag $0x1  }
0x1: {  	s2 =	rddreg [dreg:$0x0];
	s1 =	srdreg.scid  }
0x2: {  	s0 =	stileid.u32;
	s5 =	rddreg [dreg:$0x1]  }
0x3: {  	s3 =	simm.s32 $0x0;
	s15 =	simm.s32 $0x4F00;
	s16 =	simm.s32 $0x7700  }
0x4: {  	s17 =	simm.s32 $0x9F00;
	s18 =	simm.s32 $0xC700;
	s19 =	simm.s32 $0x1  }
0x5: {  	s20 =	simm.s32 $0x2;
	s21 =	simm.s32 $0x26C0;
	s22 =	simm.s32 $0x4E40  }
0x6: {  	s23 =	simm.s32 $0x0;
	s8 =	sand.u32 $0x1, s1;
	s1 =	rddreg [dreg:$0x2]  }
0x7: {  	s4 =	sshll.u32 s0, $0x1;
	[smem:$0x7FF] =	sst s3;
	s13 =	smul.u32 $0x4E200, s0  }
0x8: {  	s10 =	sadd.s32 $0x53400, s5;
	s6 =	sor.u32 s8, s4;
	s14 =	smul.u32 $0x27100, s8  }
0x9: {  	s12 =	sadd.s32 $0x535400, s5;
	s9 =	ssub.s32 $0x2, s8;
	s7 =	smul.u32 $0x2710, s6  }
0xa: {  	_ =	strace $0x80000053;
	s6 =	smul.u32 $0x138800, s6;
	s11 =	sshrl.u32 s9, $0x1  }
0xb: {  	s4 =	sadd.s32 $0xA73400, s5;
	s31 =	sadd.s32 s13, s12;
	s9 =	ssub.s32 s9, s11  }
0xc: {  	s11 =	sadd.s32 s14, s31;
	s7 =	sshrl.u32 s7, $0x3;
	s6 =	sshrl.u32 s6, $0x3  }
0xd: {  	s9 =	smax.u32 s9, $0x1;
	s7 =	sadd.s32 s7, s5;
	s30 =	sadd.s32 $0x26C00, s6  }
0xe: {  	s5 =	sadd.s32 $0x1CC00, s7;
	s6 =	sadd.s32 $0x12E00, s7;
	s7 =	sadd.s32 s10, s30  }
0xf: {  	s8 =	sadd.s32 s12, s30;
	s10 =	sadd.s32 s13, s10;
	s12 =	simm.s32 $0x3  }
0x10: {  	s13 =	simm.s32 $0x2780;
	s10 =	sadd.s32 s14, s10;
	s14 =	simm.s32 $0x50  }
.LBB2_1:
0x11: {  	[tilespmem:s3], [sflag:$0x3] =	stream.linear.gather [hbm4b:s5+s3], $0x2710, $0x38;
	[tilespmem:$0xEF00] =	vst v63  }
0x12: {  	_ =	swait.ge [sflag:s12], $0x2710  }
0x13: {  	[sflag:s12] =	ssyncset.done $0x0  }
0x14: {  	[sflag:s12] =	ssyncadd.s32 $0xFFFFD8F0  }
0x15: {  	[tilespmem:s13], [sflag:$0x3] =	stream.linear.gather [hbm4b:s6+s3], $0x2710, $0x38;
	[tilespmem:$0xEF00] =	vst v63  }
0x16: {  	_ =	swait.ge [sflag:s12], $0x2710  }
0x17: {  	[sflag:s12] =	ssyncset.done $0x0  }
0x18: {  	s24 =	simm.s32 $0x0;
	[sflag:s12] =	ssyncadd.s32 $0xFFFFD8F0  }
0x19: {  	[tilespmem:s15], [sflag:$0x1] =	stream.indirect.gather [hbm4b:s2+s14], $0x80, s24, s14, $0xb8;
	[tilespmem:$0xEF00] =	vst v63  }
0x1a: {  	s30 =	simm.s32 $0x2780  }
0x1b: {  	[tilespmem:s16], [sflag:$0x1] =	stream.indirect.gather [hbm4b:s4+s14], $0x80, s30, s14, $0xb8;
	[tilespmem:$0xEF00] =	vst v63  }
0x1c: {  	_ = 	snop  }
0x1d: {  	[tilespmem:s17], [sflag:$0x1] =	stream.indirect.gather [hbm4b:s2+s14], $0x80, s14, s14, $0xb8;
	[tilespmem:$0xEF00] =	vst v63  }
0x1e: {  	s24 =	simm.s32 $0x27D0  }
0x1f: {  	[tilespmem:s18], [sflag:$0x1] =	stream.indirect.gather [hbm4b:s4+s14], $0x80, s24, s14, $0xb8;
	[tilespmem:$0xEF00] =	vst v63  }
0x20: {  	_ =	swait.ge [sflag:s19], $0x2800  }
0x21: {  	[sflag:s19] =	ssyncset.done $0x0  }
0x22: {  	[sflag:s19] =	ssyncadd.s32 $0xFFFFD800  }
0x23: {  	_ =	swait.ge [sflag:s19], $0x2800  }
0x24: {  	[sflag:s19] =	ssyncset.done $0x0  }
0x25: {  	[sflag:s19] =	ssyncadd.s32 $0xFFFFD800  }
0x26: {  	_ =	swait.ge [sflag:s19], $0x2800  }
0x27: {  	[sflag:s19] =	ssyncset.done $0x0  }
0x28: {  	[sflag:s19] =	ssyncadd.s32 $0xFFFFD800  }
0x29: {  	_ =	swait.ge [sflag:s19], $0x2800  }
0x2a: {  	[sflag:s19] =	ssyncset.done $0x0  }
0x2b: {  	s25 =	sadd.s32 $0x0, s10;
	[sflag:s19] =	ssyncadd.s32 $0xFFFFD800  }
0x2c: {  	[hbm4b:s25+s3] =	stream.linear.scatter [tilespmem:s15], [sflag:$0x2], $0x2800, $0x38;
	[tilespmem:$0xEF00] =	vst v63  }
0x2d: {  	s26 =	sadd.s32 $0x0, s11  }
0x2e: {  	[hbm4b:s26+s3] =	stream.linear.scatter [tilespmem:s16], [sflag:$0x2], $0x2800, $0x38;
	[tilespmem:$0xEF00] =	vst v63  }
0x2f: {  	s25 =	sadd.s32 $0x500, s25  }
0x30: {  	[hbm4b:s25+s3] =	stream.linear.scatter [tilespmem:s17], [sflag:$0x2], $0x2800, $0x38;
	[tilespmem:$0xEF00] =	vst v63  }
0x31: {  	s31 =	sadd.s32 $0x500, s26  }
0x32: {  	[hbm4b:s31+s3] =	stream.linear.scatter [tilespmem:s18], [sflag:$0x2], $0x2800, $0x38;
	[tilespmem:$0xEF00] =	vst v63  }
0x33: {  	_ =	swait.ge [sflag:s20], $0x2800  }
0x34: {  	[sflag:s20] =	ssyncset.done $0x0  }
0x35: {  	[sflag:s20] =	ssyncadd.s32 $0xFFFFD800  }
0x36: {  	_ =	swait.ge [sflag:s20], $0x2800  }
0x37: {  	[sflag:s20] =	ssyncset.done $0x0  }
0x38: {  	[sflag:s20] =	ssyncadd.s32 $0xFFFFD800  }
0x39: {  	_ =	swait.ge [sflag:s20], $0x2800  }
0x3a: {  	[sflag:s20] =	ssyncset.done $0x0  }
0x3b: {  	[sflag:s20] =	ssyncadd.s32 $0xFFFFD800  }
0x3c: {  	s28 =	simm.s32 $0x1400;
	_ =	swait.ge [sflag:s20], $0x2800  }
0x3d: {  	s26 =	simm.s32 $0xF0;
	s25 =	simm.s32 $0xA00;
	[sflag:s20] =	ssyncset.done $0x0  }
.LBB2_2:
0x3e: {  	s29 =	sadd.s32 $0xFFFFFFB0, s26  }
0x3f: {  	[sflag:s20] =	ssyncadd.s32 $0xFFFFD800;
	s24 =	sadd.s32 $0xA0, s24;
	s30 =	smov.u32 s28  }
0x40: {  	[tilespmem:s15], [sflag:$0x1] =	stream.indirect.gather [hbm4b:s2+s14], $0x80, s29, s14, $0xb8;
	[tilespmem:$0xEF00] =	vst v63  }
0x41: {  	p0 =	sne.s32 s28, $0x26200;
	s28 =	sadd.s32 $0xA00, s28;
	s29 =	sadd.s32 $0xFFFFFFB0, s24  }
0x42: {  	[tilespmem:s16], [sflag:$0x1] =	stream.indirect.gather [hbm4b:s4+s14], $0x80, s29, s14, $0xb8;
	[tilespmem:$0xEF00] =	vst v63  }
0x43: {  	_ = 	snop  }
0x44: {  	[tilespmem:s17], [sflag:$0x1] =	stream.indirect.gather [hbm4b:s2+s14], $0x80, s26, s14, $0xb8;
	[tilespmem:$0xEF00] =	vst v63  }
0x45: {  	_ = 	snop  }
0x46: {  	[tilespmem:s18], [sflag:$0x1] =	stream.indirect.gather [hbm4b:s4+s14], $0x80, s24, s14, $0xb8;
	[tilespmem:$0xEF00] =	vst v63  }
0x47: {  	_ =	swait.ge [sflag:s19], $0x2800  }
0x48: {  	[sflag:s19] =	ssyncset.done $0x0  }
0x49: {  	[sflag:s19] =	ssyncadd.s32 $0xFFFFD800  }
0x4a: {  	_ =	swait.ge [sflag:s19], $0x2800  }
0x4b: {  	[sflag:s19] =	ssyncset.done $0x0  }
0x4c: {  	[sflag:s19] =	ssyncadd.s32 $0xFFFFD800  }
0x4d: {  	_ =	swait.ge [sflag:s19], $0x2800  }
0x4e: {  	[sflag:s19] =	ssyncset.done $0x0  }
0x4f: {  	[sflag:s19] =	ssyncadd.s32 $0xFFFFD800  }
0x50: {  	_ =	swait.ge [sflag:s19], $0x2800  }
0x51: {  	[sflag:s19] =	ssyncset.done $0x0  }
0x52: {  	s29 =	sadd.s32 s25, s10;
	[sflag:s19] =	ssyncadd.s32 $0xFFFFD800  }
0x53: {  	[hbm4b:s29+s3] =	stream.linear.scatter [tilespmem:s15], [sflag:$0x2], $0x2800, $0x38;
	[tilespmem:$0xEF00] =	vst v63  }
0x54: {  	s31 =	sadd.s32 s25, s11;
	s25 =	smov.u32 s30  }
0x55: {  	[hbm4b:s31+s3] =	stream.linear.scatter [tilespmem:s16], [sflag:$0x2], $0x2800, $0x38;
	[tilespmem:$0xEF00] =	vst v63  }
0x56: {  	s29 =	sadd.s32 $0x500, s29  }
0x57: {  	[hbm4b:s29+s3] =	stream.linear.scatter [tilespmem:s17], [sflag:$0x2], $0x2800, $0x38;
	[tilespmem:$0xEF00] =	vst v63  }
0x58: {  	s29 =	sadd.s32 $0x500, s31  }
0x59: {  	[hbm4b:s29+s3] =	stream.linear.scatter [tilespmem:s18], [sflag:$0x2], $0x2800, $0x38;
	[tilespmem:$0xEF00] =	vst v63  }
0x5a: {  	_ =	swait.ge [sflag:s20], $0x2800  }
0x5b: {  	[sflag:s20] =	ssyncset.done $0x0  }
0x5c: {  	[sflag:s20] =	ssyncadd.s32 $0xFFFFD800  }
0x5d: {  	_ =	swait.ge [sflag:s20], $0x2800  }
0x5e: {  	[sflag:s20] =	ssyncset.done $0x0  }
0x5f: {  	[sflag:s20] =	ssyncadd.s32 $0xFFFFD800  }
.Ltmp0:
0x60: {  	_ =	swait.ge [sflag:s20], $0x2800;
	(pc) =	sbr.rel @p0 .LBB2_2-.Ltmp0, $4  }
0x61: {  	[sflag:s20] =	ssyncset.done $0x0  }
0x62: {  	[sflag:s20] =	ssyncadd.s32 $0xFFFFD800  }
0x63: {  	_ =	swait.ge [sflag:s20], $0x2800  }
0x64: {  	s26 =	sadd.s32 $0xA0, s26;
	[sflag:s20] =	ssyncset.done $0x0  }
0x65: {  	s28 =	sadd.s32 $0xFFFFFFB0, s26;
	[sflag:s20] =	ssyncadd.s32 $0xFFFFD800;
	s24 =	sadd.s32 $0xA0, s24  }
0x66: {  	[tilespmem:s15], [sflag:$0x1] =	stream.indirect.gather [hbm4b:s2+s14], $0x80, s28, s14, $0xb8;
	[tilespmem:$0xEF00] =	vst v63  }
0x67: {  	s31 =	sadd.s32 $0xFFFFFFB0, s24  }
0x68: {  	[tilespmem:s16], [sflag:$0x1] =	stream.indirect.gather [hbm4b:s4+s14], $0x80, s31, s14, $0xb8;
	[tilespmem:$0xEF00] =	vst v63  }
0x69: {  	_ = 	snop  }
0x6a: {  	[tilespmem:s17], [sflag:$0x1] =	stream.indirect.gather [hbm4b:s2+s14], $0x80, s26, s14, $0xb8;
	[tilespmem:$0xEF00] =	vst v63  }
0x6b: {  	_ = 	snop  }
0x6c: {  	[tilespmem:s18], [sflag:$0x1] =	stream.indirect.gather [hbm4b:s4+s14], $0x80, s24, s14, $0xb8;
	[tilespmem:$0xEF00] =	vst v63  }
0x6d: {  	_ =	swait.ge [sflag:s19], $0x2800  }
0x6e: {  	[sflag:s19] =	ssyncset.done $0x0  }
0x6f: {  	[sflag:s19] =	ssyncadd.s32 $0xFFFFD800  }
0x70: {  	_ =	swait.ge [sflag:s19], $0x2800  }
0x71: {  	[sflag:s19] =	ssyncset.done $0x0  }
0x72: {  	[sflag:s19] =	ssyncadd.s32 $0xFFFFD800  }
0x73: {  	_ =	swait.ge [sflag:s19], $0x2800  }
0x74: {  	[sflag:s19] =	ssyncset.done $0x0  }
0x75: {  	[sflag:s19] =	ssyncadd.s32 $0xFFFFD800  }
0x76: {  	_ =	swait.ge [sflag:s19], $0x2800  }
0x77: {  	[sflag:s19] =	ssyncset.done $0x0  }
0x78: {  	s29 =	sadd.s32 s25, s10;
	[sflag:s19] =	ssyncadd.s32 $0xFFFFD800  }
0x79: {  	[hbm4b:s29+s3] =	stream.linear.scatter [tilespmem:s15], [sflag:$0x2], $0x2800, $0x38;
	[tilespmem:$0xEF00] =	vst v63  }
0x7a: {  	s30 =	sadd.s32 s25, s11  }
0x7b: {  	[hbm4b:s30+s3] =	stream.linear.scatter [tilespmem:s16], [sflag:$0x2], $0x2800, $0x38;
	[tilespmem:$0xEF00] =	vst v63  }
0x7c: {  	s24 =	sadd.s32 $0x500, s29  }
0x7d: {  	[hbm4b:s24+s3] =	stream.linear.scatter [tilespmem:s17], [sflag:$0x2], $0x2800, $0x38;
	[tilespmem:$0xEF00] =	vst v63  }
0x7e: {  	s31 =	sadd.s32 $0x500, s30  }
0x7f: {  	[hbm4b:s31+s3] =	stream.linear.scatter [tilespmem:s18], [sflag:$0x2], $0x2800, $0x38;
	[tilespmem:$0xEF00] =	vst v63  }
0x80: {  	_ =	swait.ge [sflag:s20], $0x2800  }
0x81: {  	[sflag:s20] =	ssyncset.done $0x0  }
0x82: {  	[sflag:s20] =	ssyncadd.s32 $0xFFFFD800  }
0x83: {  	_ =	swait.ge [sflag:s20], $0x2800  }
0x84: {  	[sflag:s20] =	ssyncset.done $0x0  }
0x85: {  	[sflag:s20] =	ssyncadd.s32 $0xFFFFD800  }
0x86: {  	_ =	swait.ge [sflag:s20], $0x2800  }
0x87: {  	[sflag:s20] =	ssyncset.done $0x0  }
0x88: {  	[sflag:s20] =	ssyncadd.s32 $0xFFFFD800  }
0x89: {  	_ =	swait.ge [sflag:s20], $0x2800  }
0x8a: {  	[sflag:s20] =	ssyncset.done $0x0  }
0x8b: {  	[sflag:s20] =	ssyncadd.s32 $0xFFFFD800  }
0x8c: {  	[tilespmem:s15], [sflag:$0x1] =	stream.indirect.gather [hbm4b:s2+s14], $0x80, s21, s14, $0xb8;
	[tilespmem:$0xEF00] =	vst v63  }
0x8d: {  	_ = 	snop  }
0x8e: {  	[tilespmem:s16], [sflag:$0x1] =	stream.indirect.gather [hbm4b:s4+s14], $0x80, s22, s14, $0xb8;
	[tilespmem:$0xEF00] =	vst v63  }
0x8f: {  	_ = 	snop  }
0x90: {  	[tilespmem:s17], [sflag:$0x1] =	stream.indirect.gather [hbm4b:s2+s14], $0x80, s21, s14, $0xb8;
	[tilespmem:$0xEF00] =	vst v63  }
0x91: {  	_ = 	snop  }
0x92: {  	[tilespmem:s18], [sflag:$0x1] =	stream.indirect.gather [hbm4b:s4+s14], $0x80, s22, s14, $0xb8;
	[tilespmem:$0xEF00] =	vst v63  }
0x93: {  	_ =	swait.ge [sflag:s19], $0x2800  }
0x94: {  	[sflag:s19] =	ssyncset.done $0x0  }
0x95: {  	[sflag:s19] =	ssyncadd.s32 $0xFFFFD800  }
0x96: {  	_ =	swait.ge [sflag:s19], $0x2800  }
0x97: {  	[sflag:s19] =	ssyncset.done $0x0  }
0x98: {  	[sflag:s19] =	ssyncadd.s32 $0xFFFFD800  }
0x99: {  	_ =	swait.ge [sflag:s19], $0x2800  }
0x9a: {  	[sflag:s19] =	ssyncset.done $0x0  }
0x9b: {  	[sflag:s19] =	ssyncadd.s32 $0xFFFFD800  }
0x9c: {  	_ =	swait.ge [sflag:s19], $0x2800  }
0x9d: {  	[sflag:s19] =	ssyncset.done $0x0  }
0x9e: {  	[sflag:s19] =	ssyncadd.s32 $0xFFFFD800  }
0x9f: {  	[hbm4b:s7+s3] =	stream.linear.scatter [tilespmem:s15], [sflag:$0x2], $0x2800, $0x38;
	[tilespmem:$0xEF00] =	vst v63  }
0xa0: {  	_ = 	snop  }
0xa1: {  	[hbm4b:s8+s3] =	stream.linear.scatter [tilespmem:s16], [sflag:$0x2], $0x2800, $0x38;
	[tilespmem:$0xEF00] =	vst v63  }
0xa2: {  	_ = 	snop  }
0xa3: {  	[hbm4b:s7+s3] =	stream.linear.scatter [tilespmem:s17], [sflag:$0x2], $0x2800, $0x38;
	[tilespmem:$0xEF00] =	vst v63  }
0xa4: {  	_ = 	snop  }
0xa5: {  	[hbm4b:s8+s3] =	stream.linear.scatter [tilespmem:s18], [sflag:$0x2], $0x2800, $0x38;
	[tilespmem:$0xEF00] =	vst v63  }
0xa6: {  	_ =	swait.ge [sflag:s20], $0x2800  }
0xa7: {  	[sflag:s20] =	ssyncset.done $0x0  }
0xa8: {  	[sflag:s20] =	ssyncadd.s32 $0xFFFFD800  }
0xa9: {  	_ =	swait.ge [sflag:s20], $0x2800  }
0xaa: {  	[sflag:s20] =	ssyncset.done $0x0  }
0xab: {  	s23 =	sadd.s32 $0x1, s23;
	[sflag:s20] =	ssyncadd.s32 $0xFFFFD800  }
0xac: {  	p0 =	sne.s32 s23, s9;
	_ =	swait.ge [sflag:s20], $0x2800  }
.Ltmp1:
0xad: {  	[sflag:s20] =	ssyncset.done $0x0;
	(pc) =	sbr.rel @p0 .LBB2_1-.Ltmp1, $4  }
0xae: {  	[sflag:s20] =	ssyncadd.s32 $0xFFFFD800  }
0xaf: {  	_ =	swait.ge [sflag:s20], $0x2800  }
0xb0: {  	[sflag:s20] =	ssyncset.done $0x0  }
0xb1: {  	[sflag:s20] =	ssyncadd.s32 $0xFFFFD800  }
0xb2: {  	_ =	sfence.sel $0x180000  }
0xb3: {  	[bflag:$0x0] =	sbarrier.arrive $0xFFFF  }
0xb4: {  	p0 =	sne.s32 s0, $0x0;
	_ =	strace $0x90000053  }
0xb5: {  	s0 =	sadd.s32 @!p0 $0x100000, s1;
	[bflag:$0x2] =	sbarrier.arrive $0xFFFF  }
0xb6: {  	[sflag:s0] =	ssyncadd.tile.s32 @!p0 $0x1;
	_ =	shalt  }
.Lfunc_end2:
_tile_overlayer_lowered:
.L_overlay_start_2:
0xb7: {  	(tag) =	ssettag $0x2  }
0xb8: {  	s0 =	rddreg [dreg:$0x0];
	s2 =	stileid.u32  }
0xb9: {  	s1 =	rddreg [dreg:$0x1];
	p0 =	sne.s32 s2, $0x0  }
0xba: {  	s3 =	rddreg [dreg:$0x2];
	[bflag:$0x3] =	sbarrier.arrive $0xFFFF;
	s2 =	simm.s32 @!p0 $0x1C03  }
0xbb: {  	[timem:s3], [sflag:s2] =	dma.local @!p0 [hbm:s0], s1  }
0xbc: {  	s0 =	simm.s32 @!p0 $0x3  }
0xbd: {  	_ =	swait.ge @!p0 [sflag:s0], s1  }
0xbe: {  	s1 =	ssub.s32 @!p0 $0x0, s1;
	[sflag:s0] =	ssyncset.done @!p0 $0x0  }
0xbf: {  	[sflag:s0] =	ssyncadd.s32 @!p0 s1  }
0xc0: {  	[bflag:$0x3] =	sbarrier.arrive $0xFFFF  }
0xc1: {  	_ =	shalt  }

// kernel: kernel.35.cloned.1.call-start
scs
__scs_entry_jumppad:
0x0: {  	(pc) =	sbr.rel $0x88, $3  }
0x1: {  	(tag) =	ssettag $0x0;
	lr =	simm.s32 $0x1  }
0x2: {  	[smem:$0x3F64] =	sst lr;
	_ =	strace $0xD0000000  }
0x3: {  	_ = 	snop  }
0x4: {  	_ = 	snop  }
0x5: {  	_ = 	snop  }
0x6: {  	_ = 	snop  }
0x7: {  	_ = 	snop  }
__scs_overlays_trampoline_lowered:
0x8: {  	[smem:$0x3F73] =	sst s0  }
0x9: {  	[smem:$0x3F74] =	sst s1  }
0xa: {  	[smem:$0x3F75] =	sst s2  }
0xb: {  	[smem:$0x3F76] =	sst s3  }
0xc: {  	[smem:$0x3F77] =	sst s4  }
0xd: {  	[smem:$0x3F78] =	sst s5  }
0xe: {  	[smem:$0x3F79] =	sst s6  }
0xf: {  	[smem:$0x3F7A] =	sst s7  }
0x10: {  	[smem:$0x3F7B] =	sst s8  }
0x11: {  	[smem:$0x3F7C] =	sst s9;
	s0 =	simm.s32 @!p0 $0x0  }
0x12: {  	s1 =	sld [smem:$0x3F62];
	s0 =	simm.s32 @p0 $0x1  }
0x13: {  	[smem:$0x3F7D] =	sst s0;
	s0 =	simm.s32 @!p1 $0x0  }
0x14: {  	s2 =	sld [smem:$0x3F61];
	s0 =	simm.s32 @p1 $0x1  }
0x15: {  	[smem:$0x3F7E] =	sst s0;
	s0 =	simm.s32 @!p2 $0x0  }
0x16: {  	s3 =	sld [smem:$0x3FDB];
	s0 =	simm.s32 @p2 $0x1  }
0x17: {  	s4 =	simm.s32 $0x1BF5;
	[smem:$0x3F80] =	sst s0  }
0x18: {  	s0 =	sld [smem:$0x3F63];
	_ =	swait.ge [sflag:s4], $0x0  }
0x19: {  	s7 =	sld [smem:$0x3F64]  }
0x1a: {  	s8 =	sadd.s32 $0xFFFFE003, lr  }
0x1b: {  	s9 =	sadd.s32 $0xFFFFFEF7, lr;
	s5 =	simm.s32 $0xFFFFFFFF;
	p2 =	slt.u32 s8, $0xFFFFF086  }
0x1c: {  	p1 =	slt.u32 s9, $0xF7A;
	s5 =	simm.s32 @!p2 $0x0  }
0x1d: {  	s5 =	simm.s32 @p1 $0x1;
	p0 =	seq.s32 s7, s2  }
0x1e: {  	s7 =	smul.u32 @!p0 $0xF7A, s2;
	p2 =	seq.s32 @!p0 s5, $0x0  }
0x1f: {  	s9 =	smul.u32 $0xF7A, s1;
	s8 =	simm.s32 @!p0 $0x1BF5;
	p2 =	por !p2, p0  }
0x20: {  	[sflag:s8] =	ssyncset.s32 @!p0 $0xFFFFF086;
	s6 =	sadd.s32 @!p0 s3, s7;
	s7 =	simm.s32 @!p0 $0x108  }
0x21: {  	s3 =	sadd.s32 s3, s9;
	s6 =	sadd.s32 @!p0 $0x88, s6;
	s7 =	simm.s32 @p2 $0x1082  }
0x22: {  	[simem:s7], [sflag:s8] =	dma.local @!p0 [hbm:s6], $0xF7A  }
0x23: {  	s9 =	sor.u32 $0xD0000000, s2;
	s6 =	simm.s32 $0x108;
	_ =	swait.ge @!p0 [sflag:s8], $0x0  }
0x24: {  	s3 =	sadd.s32 $0x88, s3;
	s6 =	simm.s32 @!p1 $0x1082;
	[sflag:s4] =	ssyncset.s32 $0xFFFFF086  }
0x25: {  	[simem:s6], [sflag:s4] =	dma.local [hbm:s3], $0xF7A  }
0x26: {  	[smem:$0x3F64] =	sst s1;
	(tag) =	ssettag s2;
	_ =	strace s9  }
0x27: {  	s1 =	sld [smem:$0x3F74]  }
0x28: {  	s2 =	sld [smem:$0x3F75]  }
0x29: {  	s4 =	sld [smem:$0x3F77]  }
0x2a: {  	p0 =	seq.s32 s5, $0x0;
	s5 =	sld [smem:$0x3F78]  }
0x2b: {  	s6 =	sld [smem:$0x3F79]  }
0x2c: {  	s7 =	sld [smem:$0x3F7A]  }
0x2d: {  	s3 =	simm.s32 $0x108;
	s8 =	sld [smem:$0x3F7B]  }
0x2e: {  	s3 =	simm.s32 @!p0 $0x1082;
	s9 =	sld [smem:$0x3F7C]  }
0x2f: {  	lr =	sadd.s32 s0, s3;
	s0 =	sld [smem:$0x3F73]  }
0x30: {  	s3 =	sld [smem:$0x3F76]  }
0x31: {  	[smem:$0x3F7F] =	sst s10  }
0x32: {  	s10 =	sld [smem:$0x3F7D];
	_ =	sdelay $0x3  }
0x33: {  	p0 =	seq.s32 s10, $0x1;
	s10 =	sld [smem:$0x3F7F];
	_ =	sdelay $0x3  }
0x34: {  	[smem:$0x3F7F] =	sst s10  }
0x35: {  	s10 =	sld [smem:$0x3F7E];
	_ =	sdelay $0x3  }
0x36: {  	p1 =	seq.s32 s10, $0x1;
	s10 =	sld [smem:$0x3F7F];
	_ =	sdelay $0x3  }
0x37: {  	[smem:$0x3F7F] =	sst s10  }
0x38: {  	s10 =	sld [smem:$0x3F80]  }
0x39: {  	_ = 	snop;
	(pc) =	sbr.ind lr, $3  }
0x3a: {  	_ = 	snop  }
0x3b: {  	_ = 	snop  }
0x3c: {  	p2 =	seq.s32 s10, $0x1;
	s10 =	sld [smem:$0x3F7F]  }
0x3d: {  	_ =	shalt  }
0x3e: {  	_ =	shalt  }
0x3f: {  	_ =	shalt  }
0x40: {  	_ =	shalt  }
0x41: {  	_ =	shalt  }
0x42: {  	_ =	shalt  }
0x43: {  	_ =	shalt  }
0x44: {  	_ =	shalt  }
0x45: {  	_ =	shalt  }
0x46: {  	_ =	shalt  }
0x47: {  	_ =	shalt  }
0x48: {  	_ =	shalt  }
0x49: {  	_ =	shalt  }
0x4a: {  	_ =	shalt  }
0x4b: {  	_ =	shalt  }
0x4c: {  	_ =	shalt  }
0x4d: {  	_ =	shalt  }
0x4e: {  	_ =	shalt  }
0x4f: {  	_ =	shalt  }
0x50: {  	_ =	shalt  }
0x51: {  	_ =	shalt  }
0x52: {  	_ =	shalt  }
0x53: {  	_ =	shalt  }
0x54: {  	_ =	shalt  }
0x55: {  	_ =	shalt  }
0x56: {  	_ =	shalt  }
0x57: {  	_ =	shalt  }
0x58: {  	_ =	shalt  }
0x59: {  	_ =	shalt  }
0x5a: {  	_ =	shalt  }
0x5b: {  	_ =	shalt  }
0x5c: {  	_ =	shalt  }
0x5d: {  	_ =	shalt  }
0x5e: {  	_ =	shalt  }
0x5f: {  	_ =	shalt  }
0x60: {  	_ =	shalt  }
0x61: {  	_ =	shalt  }
0x62: {  	_ =	shalt  }
0x63: {  	_ =	shalt  }
0x64: {  	_ =	shalt  }
0x65: {  	_ =	shalt  }
0x66: {  	_ =	shalt  }
0x67: {  	_ =	shalt  }
0x68: {  	_ =	shalt  }
0x69: {  	_ =	shalt  }
0x6a: {  	_ =	shalt  }
0x6b: {  	_ =	shalt  }
0x6c: {  	_ =	shalt  }
0x6d: {  	_ =	shalt  }
0x6e: {  	_ =	shalt  }
0x6f: {  	_ =	shalt  }
0x70: {  	_ =	shalt  }
0x71: {  	_ =	shalt  }
0x72: {  	_ =	shalt  }
0x73: {  	_ =	shalt  }
0x74: {  	_ =	shalt  }
0x75: {  	_ =	shalt  }
0x76: {  	_ =	shalt  }
0x77: {  	_ =	shalt  }
0x78: {  	_ =	shalt  }
0x79: {  	_ =	shalt  }
0x7a: {  	_ =	shalt  }
0x7b: {  	_ =	shalt  }
0x7c: {  	_ =	shalt  }
0x7d: {  	_ =	shalt  }
0x7e: {  	_ =	shalt  }
0x7f: {  	_ =	shalt  }
0x80: {  	_ =	shalt  }
0x81: {  	_ =	shalt  }
0x82: {  	_ =	shalt  }
0x83: {  	_ =	shalt  }
0x84: {  	_ =	shalt  }
0x85: {  	_ =	shalt  }
0x86: {  	_ =	shalt  }
0x87: {  	_ =	shalt  }
.Lfunc_end0:
.L_simem_size_0:
called_computation.5_lowered:
.L_overlay_start_0:
0x88: {  	s2 =	sld [smem:$0x3FD9]  }
0x89: {  	s3 =	sld [smem:$0x3FFE];
	_ =	sdelay $0x1  }
0x8a: {  	s1 =	srdreg.scid  }
0x8b: {  	s0 =	sand.u32 $0x1, s1  }
0x8c: {  	s14 =	sshll.u32 s0, $0xA;
	s2 =	sadd.s32 s3, s2  }
0x8d: {  	s2 =	sadd.s32 s2, s14  }
0x8e: {  	[smem:$0x3F8B] =	sst s2  }
0x8f: {  	_ = 	snop  }
0x90: {  	s2 =	sld [smem:$0x3FD0];
	_ =	sdelay $0x2  }
0x91: {  	s15 =	simm.s32 $0xA;
	s4 =	simm.s32 $0x10  }
0x92: {  	[smem:s4], [sflag:s15] =	dma.local [hbm:s2], $0x1  }
0x93: {  	_ =	swait.eq [sflag:s15], $0x1  }
0x94: {  	[sflag:s15] =	ssyncset.done $0x0  }
0x95: {  	[sflag:s15] =	ssyncadd.s32 $0xFFFFFFFF  }
0x96: {  	s16 =	sld [smem:$0x11];
	(tm) =	ssettm $0x1  }
0x97: {  	s17 =	sld [smem:$0x3FFB];
	_ =	sdelay $0x3  }
0x98: {  	_ =	strace s17  }
0x99: {  	s3 =	sld [smem:$0x3FFC];
	_ =	sdelay $0x3  }
0x9a: {  	_ =	strace s3  }
0x9b: {  	s3 =	sld [smem:$0x3FFD];
	_ =	sdelay $0x3  }
0x9c: {  	_ =	strace s3  }
0x9d: {  	_ =	strace $0x8FFFFFFF  }
0x9e: {  	s18 =	sld [smem:$0x3FDB];
	_ =	sdelay $0x1  }
0x9f: {  	s19 =	simm.s32 $_scs_section_size  }
0xa0: {  	s5 =	simm.s32 $_size__tile_overlayer_lowered;
	s6 =	simm.s32 $_tile_overlayer_lowered  }
0xa1: {  	s22 =	simm.s32 $0x1BFF;
	s21 =	sshll.u32 s6, $0x1;
	s3 =	sadd.s32 s19, s18  }
0xa2: {  	s7 =	simm.s32 $0x0;
	s20 =	sshll.u32 s5, $0x1;
	s5 =	sadd.s32 s21, s3  }
0xa3: {  	[timem:s7], [sflag:s22] =	dma.local [hbm:s5], s20  }
0xa4: {  	_ =	swait.ge [sflag:s22], s20  }
0xa5: {  	s4 =	ssub.s32 $0x0, s20;
	[sflag:s22] =	ssyncset.done $0x0  }
0xa6: {  	[sflag:s22] =	ssyncadd.s32 s4;
	_ =	sdelay $0x1  }
0xa7: {  	s23 =	simm.s32 $0x1B8B  }
0xa8: {  	_ =	swait.ge [sflag:s23], $0x1  }
0xa9: {  	[sflag:s23] =	ssyncset.done $0x0  }
0xaa: {  	s25 =	simm.s32 $0x1B8E;
	s24 =	sld [smem:$0x3FFE];
	[sflag:s23] =	ssyncadd.s32 $0xFFFFFFFF  }
0xab: {  	s26 =	simm.s32 $execute0_lowered;
	[smem:$0x3FD2] =	sst s25  }
0xac: {  	s5 =	sshll.u32 s26, $0x1;
	_ =	strace $0x80000055;
	[dreg:$0x1] =	wrdreg $0xFFFFFFFF  }
0xad: {  	s28 =	simm.s32 $_size_execute0_lowered;
	s3 =	sadd.s32 s3, s5;
	[dreg:$0x0] =	wrdreg $0x0  }
0xae: {  	s5 =	sshll.u32 s28, $0x1;
	[dreg:$0x2] =	wrdreg s3  }
0xaf: {  	[dreg:$0x3] =	wrdreg s5  }
0xb0: {  	[dreg:$0x4] =	wrdreg $0xC0  }
0xb1: {  	_ =	task [dreg:s7], $0x5FFFF  }
0xb2: {  	[dreg:$0x1] =	wrdreg $0xFFFFFFFF  }
0xb3: {  	[dreg:$0x0] =	wrdreg $0x60  }
0xb4: {  	[dreg:$0x2] =	wrdreg s16  }
0xb5: {  	[dreg:$0x3] =	wrdreg s24  }
0xb6: {  	[dreg:$0x4] =	wrdreg $0x90000  }
0xb7: {  	[dreg:$0x5] =	wrdreg $0x9  }
0xb8: {  	_ =	task.clear_ibuf [dreg:s7], $0x6FFFF;
	_ =	strace $0x90000055  }
0xb9: {  	s29 =	simm.s32 $0x9;
	_ =	strace $0x80000057  }
0xba: {  	_ =	swait.ge [sflag:s29], $0x1  }
0xbb: {  	[sflag:s29] =	ssyncadd.s32 $0xFFFFFFFF  }
0xbc: {  	_ =	strace $0x90000057  }
0xbd: {  	_ =	sfence  }
0xbe: {  	s30 =	sld [smem:$0x0];
	_ =	sdelay $0x2  }
0xbf: {  	s31 =	sshll.u32 s1, $0xD;
	s1 =	sshrl.u32 s1, $0x2  }
0xc0: {  	s3 =	sand.u32 $0x4000, s31;
	s1 =	sadd.s32 s1, s30  }
0xc1: {  	s0 =	sor.u32 s3, s0;
	s1 =	sshll.u32 s1, $0x11  }
0xc2: {  	s0 =	sor.u32 s1, s0  }
0xc3: {  	s0 =	sadd.s32 $0x8F2B, s0  }
0xc4: {  	[sflag:s0] =	ssyncadd.remote.s32 $0x1  }
0xc5: {  	_ =	sfence.sel $0xFFFF  }
0xc6: {  	[dreg:$0x0] =	wrdreg $0xFFFFFFFF;
	(pc) =	sbr.abs _section_cstart, $3  }
0xc7: {  	[dreg:$0x1] =	wrdreg $0xFFFFFFFF  }
0xc8: {  	_ =	task.clear_ibuf [dreg:s7], $0x2FFFF;
	_ =	strace $0x9FFFFFFF  }
0xc9: {  	(tm) =	ssettm $0x7FFFFFFF  }
tec
execute0_lowered:
.L_overlay_start_1:
0x0: {  	(tag) =	ssettag $0x1  }
0x1: {  	s10 =	rddreg [dreg:$0x0]  }
0x2: {  	s5 =	rddreg [dreg:$0x1];
	s1 =	srdreg.scid  }
0x3: {  	s0 =	stileid.u32;
	s2 =	rddreg [dreg:$0x2]  }
0x4: {  	s3 =	simm.s32 $0x0;
	s16 =	simm.s32 $0x6800;
	s17 =	simm.s32 $0x1  }
0x5: {  	s18 =	simm.s32 $0x50;
	s19 =	simm.s32 $0x3E00;
	s20 =	simm.s32 $0x0  }
0x6: {  	s9 =	sand.u32 $0x1, s1;
	s1 =	rddreg [dreg:$0x3];
	s11 =	smul.u32 $0x4F000, s0  }
0x7: {  	s4 =	sshll.u32 s0, $0x1;
	[smem:$0x7FF] =	sst s3;
	s28 =	smul.u32 $0x13C00, s0  }
0x8: {  	s12 =	sadd.s32 $0x53400, s5;
	s15 =	sadd.s32 $0x128400, s2;
	s30 =	smul.u32 $0x4E200, s0  }
0x9: {  	p0 =	seq.s32 s0, $0xF;
	s6 =	sor.u32 s9, s4;
	s26 =	smul.u32 $0x138800, s9  }
0xa: {  	_ =	strace $0x80000056;
	s8 =	ssub.s32 $0x2, s9;
	s31 =	smul.u32 $0x27100, s9  }
0xb: {  	s4 =	sshll.u32 s6, $0xB;
	s24 =	sshrl.u32 s8, $0x1;
	s6 =	smul.u32 $0x138800, s6  }
0xc: {  	s25 =	sshrl.u32 s11, $0x2;
	s11 =	sshrl.u32 @p0 s15, $0x3;
	s15 =	simm.s32 $0x4000  }
0xd: {  	s7 =	sadd.s32 s4, s5;
	s4 =	sadd.s32 $0x50C00, s5;
	s13 =	ssub.s32 s8, s24  }
0xe: {  	s14 =	sadd.s32 s25, s2;
	s29 =	sadd.s32 s28, s26;
	s8 =	sshrl.u32 s26, $0x3  }
0xf: {  	s6 =	sshrl.u32 s6, $0x3;
	s5 =	sadd.s32 $0xA63400, s7;
	s7 =	sshrl.u32 s29, $0x3  }
0x10: {  	s8 =	sadd.s32 s12, s8;
	s9 =	smax.u32 s13, $0x1;
	s13 =	sshrl.u32 @!p0 s14, $0x3  }
0x11: {  	s14 =	simm.s32 $0x2;
	s6 =	sadd.s32 s10, s6;
	s7 =	sadd.s32 s12, s7  }
0x12: {  	s8 =	sadd.s32 $0x25080, s8;
	s10 =	sadd.s32 s30, s10;
	s12 =	sshll.u32 @!p0 s0, $0x6  }
0x13: {  	s6 =	sadd.s32 $0x26C00, s6;
	s10 =	sadd.s32 s31, s10;
	s12 =	sor.u32 @!p0 $0x1C02, s12  }
.LBB2_1:
0x14: {  	s21 =	simm.s32 @p0 $0x1FC2  }
0x15: {  	[spmem:s11], [sflag:s21] =	dma.local @p0 [hbm:s4], $0x2080  }
0x16: {  	s21 =	simm.s32 @p0 $0x2  }
0x17: {  	_ =	swait.ge @p0 [sflag:s21], $0x2080  }
0x18: {  	[sflag:s21] =	ssyncset.done @p0 $0x0  }
0x19: {  	[sflag:s21] =	ssyncadd.s32 @p0 $0xFFFFDF80;
	s21 =	simm.s32 @!p0 $0x2  }
0x1a: {  	[spmem:s13], [sflag:s12] =	dma.local @!p0 [hbm:s4], $0x2780  }
0x1b: {  	_ =	swait.ge @!p0 [sflag:s21], $0x2780  }
0x1c: {  	[sflag:s21] =	ssyncset.done @!p0 $0x0  }
0x1d: {  	[sflag:s21] =	ssyncadd.s32 @!p0 $0xFFFFD880  }
0x1e: {  	[tilespmem:s3], [sflag:$0x2] =	stream.linear.gather [hbm4b:s5+s3], $0x3E80, $0x38;
	[tilespmem:$0x1C880] =	vst v63  }
0x1f: {  	_ =	swait.ge [sflag:s14], $0x3E80  }
0x20: {  	[sflag:s14] =	ssyncset.done $0x0  }
0x21: {  	[sflag:s14] =	ssyncadd.s32 $0xFFFFC180  }
0x22: {  	[bflag:$0x0] =	sbarrier.arrive $0xFFFF  }
0x23: {  	[tilespmem:s15], [sflag:$0x1] =	stream.linear.gather [hbm4b:s10+s3], $0x2800, $0x38;
	[tilespmem:$0x1C880] =	vst v63  }
0x24: {  	s29 =	sadd.s32 $0x500, s10  }
0x25: {  	[tilespmem:s16], [sflag:$0x1] =	stream.linear.gather [hbm4b:s29+s3], $0x2800, $0x38;
	[tilespmem:$0x1C880] =	vst v63  }
0x26: {  	_ =	swait.ge [sflag:s17], $0x2800  }
0x27: {  	[sflag:s17] =	ssyncset.done $0x0  }
0x28: {  	s30 =	simm.s32 $0x0;
	[sflag:s17] =	ssyncadd.s32 $0xFFFFD800  }
0x29: {  	[spmem:s2] =	stream.indirect.scatter.add.f32 [tilespmem:s15], [sflag:$0x2], $0x80, s30, s18, $0xb8;
	[tilespmem:$0x1C880] =	vst v63  }
0x2a: {  	_ =	swait.ge [sflag:s14], $0x2800  }
0x2b: {  	[sflag:s14] =	ssyncset.done $0x0  }
0x2c: {  	[sflag:s14] =	ssyncadd.s32 $0xFFFFD800  }
0x2d: {  	_ =	swait.ge [sflag:s17], $0x2800  }
0x2e: {  	[sflag:s17] =	ssyncset.done $0x0  }
0x2f: {  	s31 =	simm.s32 $0x80;
	[sflag:s17] =	ssyncadd.s32 $0xFFFFD800  }
0x30: {  	[spmem:s2] =	stream.indirect.scatter.add.f32 [tilespmem:s16], [sflag:$0x2], $0x80, s31, s18, $0xb8;
	[tilespmem:$0x1C880] =	vst v63  }
0x31: {  	_ =	swait.ge [sflag:s14], $0x2800  }
0x32: {  	s22 =	smov.u32 s10;
	s21 =	simm.s32 $0x400;
	[sflag:s14] =	ssyncset.done $0x0  }
.LBB2_2:
0x33: {  	p1 =	sne.s32 s21, $0xF400;
	[sflag:s14] =	ssyncadd.s32 $0xFFFFD800;
	s22 =	sadd.s32 $0xA00, s22  }
0x34: {  	[tilespmem:s15], [sflag:$0x1] =	stream.linear.gather [hbm4b:s22+s3], $0x2800, $0x38;
	[tilespmem:$0x1C880] =	vst v63  }
0x35: {  	s24 =	smov.u32 s21;
	s21 =	sadd.s32 $0x400, s21;
	s23 =	sadd.s32 $0x500, s22  }
0x36: {  	[tilespmem:s16], [sflag:$0x1] =	stream.linear.gather [hbm4b:s23+s3], $0x2800, $0x38;
	[tilespmem:$0x1C880] =	vst v63  }
0x37: {  	_ =	swait.ge [sflag:s17], $0x2800  }
0x38: {  	[sflag:s17] =	ssyncset.done $0x0  }
0x39: {  	s23 =	sshra.s32 s24, $0x2;
	[sflag:s17] =	ssyncadd.s32 $0xFFFFD800  }
0x3a: {  	[spmem:s2] =	stream.indirect.scatter.add.f32 [tilespmem:s15], [sflag:$0x2], $0x80, s23, s18, $0xb8;
	[tilespmem:$0x1C880] =	vst v63  }
0x3b: {  	_ =	swait.ge [sflag:s14], $0x2800  }
0x3c: {  	[sflag:s14] =	ssyncset.done $0x0  }
0x3d: {  	[sflag:s14] =	ssyncadd.s32 $0xFFFFD800  }
0x3e: {  	_ =	swait.ge [sflag:s17], $0x2800  }
.Ltmp0:
0x3f: {  	[sflag:s17] =	ssyncset.done $0x0;
	(pc) =	sbr.rel @p1 .LBB2_2-.Ltmp0, $4  }
0x40: {  	s23 =	sadd.s32 $0x80, s23;
	[sflag:s17] =	ssyncadd.s32 $0xFFFFD800  }
0x41: {  	[spmem:s2] =	stream.indirect.scatter.add.f32 [tilespmem:s16], [sflag:$0x2], $0x80, s23, s18, $0xb8;
	[tilespmem:$0x1C880] =	vst v63  }
0x42: {  	_ =	swait.ge [sflag:s14], $0x2800  }
0x43: {  	[sflag:s14] =	ssyncset.done $0x0  }
0x44: {  	[sflag:s14] =	ssyncadd.s32 $0xFFFFD800  }
0x45: {  	[tilespmem:s15], [sflag:$0x1] =	stream.linear.gather [hbm4b:s6+s3], $0x2800, $0x38;
	[tilespmem:$0x1C880] =	vst v63  }
0x46: {  	_ =	swait.ge [sflag:s17], $0x2800  }
0x47: {  	[sflag:s17] =	ssyncset.done $0x0  }
0x48: {  	[sflag:s17] =	ssyncadd.s32 $0xFFFFD800  }
0x49: {  	[spmem:s2] =	stream.indirect.scatter.add.f32 [tilespmem:s15], [sflag:$0x2], $0x80, s19, s18, $0xb8;
	[tilespmem:$0x1C880] =	vst v63  }
0x4a: {  	_ =	swait.ge [sflag:s14], $0x2800  }
0x4b: {  	[sflag:s14] =	ssyncset.done $0x0  }
0x4c: {  	[sflag:s14] =	ssyncadd.s32 $0xFFFFD800  }
0x4d: {  	s21 =	simm.s32 @p0 $0x1FC2;
	[bflag:$0x0] =	sbarrier.arrive $0xFFFF  }
0x4e: {  	[hbm:s8], [sflag:s21] =	dma.local @p0 [spmem:s11], $0x2080  }
0x4f: {  	s21 =	simm.s32 @p0 $0x2  }
0x50: {  	s20 =	sadd.s32 $0x1, s20;
	_ =	swait.ge @p0 [sflag:s21], $0x2080  }
0x51: {  	p1 =	sne.s32 s20, s9;
	[sflag:s21] =	ssyncset.done @p0 $0x0  }
.Ltmp1:
0x52: {  	[sflag:s21] =	ssyncadd.s32 @p0 $0xFFFFDF80;
	s21 =	simm.s32 @!p0 $0x2;
	(pc) =	sbr.rel @p1 .LBB2_1-.Ltmp1, $4  }
0x53: {  	[hbm:s7], [sflag:s12] =	dma.local @!p0 [spmem:s13], $0x2780  }
0x54: {  	_ =	swait.ge @!p0 [sflag:s21], $0x2780  }
0x55: {  	[sflag:s21] =	ssyncset.done @!p0 $0x0  }
0x56: {  	[sflag:s21] =	ssyncadd.s32 @!p0 $0xFFFFD880  }
0x57: {  	_ =	sfence.sel $0x180000  }
0x58: {  	[bflag:$0x0] =	sbarrier.arrive $0xFFFF  }
0x59: {  	p0 =	sne.s32 s0, $0x0;
	_ =	strace $0x90000056  }
0x5a: {  	s0 =	sadd.s32 @!p0 $0x100000, s1;
	[bflag:$0x2] =	sbarrier.arrive $0xFFFF  }
0x5b: {  	[sflag:s0] =	ssyncadd.tile.s32 @!p0 $0x1;
	_ =	shalt  }
.Lfunc_end2:
_tile_overlayer_lowered:
.L_overlay_start_2:
0x5c: {  	(tag) =	ssettag $0x2  }
0x5d: {  	s0 =	rddreg [dreg:$0x0];
	s2 =	stileid.u32  }
0x5e: {  	s1 =	rddreg [dreg:$0x1];
	p0 =	sne.s32 s2, $0x0  }
0x5f: {  	s3 =	rddreg [dreg:$0x2];
	[bflag:$0x3] =	sbarrier.arrive $0xFFFF;
	s2 =	simm.s32 @!p0 $0x1C02  }
0x60: {  	[timem:s3], [sflag:s2] =	dma.local @!p0 [hbm:s0], s1  }
0x61: {  	s0 =	simm.s32 @!p0 $0x2  }
0x62: {  	_ =	swait.ge @!p0 [sflag:s0], s1  }
0x63: {  	s1 =	ssub.s32 @!p0 $0x0, s1;
	[sflag:s0] =	ssyncset.done @!p0 $0x0  }
0x64: {  	[sflag:s0] =	ssyncadd.s32 @!p0 s1  }
0x65: {  	[bflag:$0x3] =	sbarrier.arrive $0xFFFF  }
0x66: {  	_ =	shalt  }

// kernel: kernel.38.cloned.1.call-start
scs
__scs_entry_jumppad:
0x0: {  	(pc) =	sbr.rel $0x88, $3  }
0x1: {  	(tag) =	ssettag $0x0;
	lr =	simm.s32 $0x1  }
0x2: {  	[smem:$0x3F64] =	sst lr;
	_ =	strace $0xD0000000  }
0x3: {  	_ = 	snop  }
0x4: {  	_ = 	snop  }
0x5: {  	_ = 	snop  }
0x6: {  	_ = 	snop  }
0x7: {  	_ = 	snop  }
__scs_overlays_trampoline_lowered:
0x8: {  	[smem:$0x3F73] =	sst s0  }
0x9: {  	[smem:$0x3F74] =	sst s1  }
0xa: {  	[smem:$0x3F75] =	sst s2  }
0xb: {  	[smem:$0x3F76] =	sst s3  }
0xc: {  	[smem:$0x3F77] =	sst s4  }
0xd: {  	[smem:$0x3F78] =	sst s5  }
0xe: {  	[smem:$0x3F79] =	sst s6  }
0xf: {  	[smem:$0x3F7A] =	sst s7  }
0x10: {  	[smem:$0x3F7B] =	sst s8  }
0x11: {  	[smem:$0x3F7C] =	sst s9;
	s0 =	simm.s32 @!p0 $0x0  }
0x12: {  	s1 =	sld [smem:$0x3F62];
	s0 =	simm.s32 @p0 $0x1  }
0x13: {  	[smem:$0x3F7D] =	sst s0;
	s0 =	simm.s32 @!p1 $0x0  }
0x14: {  	s2 =	sld [smem:$0x3F61];
	s0 =	simm.s32 @p1 $0x1  }
0x15: {  	[smem:$0x3F7E] =	sst s0;
	s0 =	simm.s32 @!p2 $0x0  }
0x16: {  	s3 =	sld [smem:$0x3FDB];
	s0 =	simm.s32 @p2 $0x1  }
0x17: {  	s4 =	simm.s32 $0x1BF5;
	[smem:$0x3F80] =	sst s0  }
0x18: {  	s0 =	sld [smem:$0x3F63];
	_ =	swait.ge [sflag:s4], $0x0  }
0x19: {  	s7 =	sld [smem:$0x3F64]  }
0x1a: {  	s8 =	sadd.s32 $0xFFFFE003, lr  }
0x1b: {  	s9 =	sadd.s32 $0xFFFFFEF7, lr;
	s5 =	simm.s32 $0xFFFFFFFF;
	p2 =	slt.u32 s8, $0xFFFFF086  }
0x1c: {  	p1 =	slt.u32 s9, $0xF7A;
	s5 =	simm.s32 @!p2 $0x0  }
0x1d: {  	s5 =	simm.s32 @p1 $0x1;
	p0 =	seq.s32 s7, s2  }
0x1e: {  	s7 =	smul.u32 @!p0 $0xF7A, s2;
	p2 =	seq.s32 @!p0 s5, $0x0  }
0x1f: {  	s9 =	smul.u32 $0xF7A, s1;
	s8 =	simm.s32 @!p0 $0x1BF5;
	p2 =	por !p2, p0  }
0x20: {  	[sflag:s8] =	ssyncset.s32 @!p0 $0xFFFFF086;
	s6 =	sadd.s32 @!p0 s3, s7;
	s7 =	simm.s32 @!p0 $0x108  }
0x21: {  	s3 =	sadd.s32 s3, s9;
	s6 =	sadd.s32 @!p0 $0x88, s6;
	s7 =	simm.s32 @p2 $0x1082  }
0x22: {  	[simem:s7], [sflag:s8] =	dma.local @!p0 [hbm:s6], $0xF7A  }
0x23: {  	s9 =	sor.u32 $0xD0000000, s2;
	s6 =	simm.s32 $0x108;
	_ =	swait.ge @!p0 [sflag:s8], $0x0  }
0x24: {  	s3 =	sadd.s32 $0x88, s3;
	s6 =	simm.s32 @!p1 $0x1082;
	[sflag:s4] =	ssyncset.s32 $0xFFFFF086  }
0x25: {  	[simem:s6], [sflag:s4] =	dma.local [hbm:s3], $0xF7A  }
0x26: {  	[smem:$0x3F64] =	sst s1;
	(tag) =	ssettag s2;
	_ =	strace s9  }
0x27: {  	s1 =	sld [smem:$0x3F74]  }
0x28: {  	s2 =	sld [smem:$0x3F75]  }
0x29: {  	s4 =	sld [smem:$0x3F77]  }
0x2a: {  	p0 =	seq.s32 s5, $0x0;
	s5 =	sld [smem:$0x3F78]  }
0x2b: {  	s6 =	sld [smem:$0x3F79]  }
0x2c: {  	s7 =	sld [smem:$0x3F7A]  }
0x2d: {  	s3 =	simm.s32 $0x108;
	s8 =	sld [smem:$0x3F7B]  }
0x2e: {  	s3 =	simm.s32 @!p0 $0x1082;
	s9 =	sld [smem:$0x3F7C]  }
0x2f: {  	lr =	sadd.s32 s0, s3;
	s0 =	sld [smem:$0x3F73]  }
0x30: {  	s3 =	sld [smem:$0x3F76]  }
0x31: {  	[smem:$0x3F7F] =	sst s10  }
0x32: {  	s10 =	sld [smem:$0x3F7D];
	_ =	sdelay $0x3  }
0x33: {  	p0 =	seq.s32 s10, $0x1;
	s10 =	sld [smem:$0x3F7F];
	_ =	sdelay $0x3  }
0x34: {  	[smem:$0x3F7F] =	sst s10  }
0x35: {  	s10 =	sld [smem:$0x3F7E];
	_ =	sdelay $0x3  }
0x36: {  	p1 =	seq.s32 s10, $0x1;
	s10 =	sld [smem:$0x3F7F];
	_ =	sdelay $0x3  }
0x37: {  	[smem:$0x3F7F] =	sst s10  }
0x38: {  	s10 =	sld [smem:$0x3F80]  }
0x39: {  	_ = 	snop;
	(pc) =	sbr.ind lr, $3  }
0x3a: {  	_ = 	snop  }
0x3b: {  	_ = 	snop  }
0x3c: {  	p2 =	seq.s32 s10, $0x1;
	s10 =	sld [smem:$0x3F7F]  }
0x3d: {  	_ =	shalt  }
0x3e: {  	_ =	shalt  }
0x3f: {  	_ =	shalt  }
0x40: {  	_ =	shalt  }
0x41: {  	_ =	shalt  }
0x42: {  	_ =	shalt  }
0x43: {  	_ =	shalt  }
0x44: {  	_ =	shalt  }
0x45: {  	_ =	shalt  }
0x46: {  	_ =	shalt  }
0x47: {  	_ =	shalt  }
0x48: {  	_ =	shalt  }
0x49: {  	_ =	shalt  }
0x4a: {  	_ =	shalt  }
0x4b: {  	_ =	shalt  }
0x4c: {  	_ =	shalt  }
0x4d: {  	_ =	shalt  }
0x4e: {  	_ =	shalt  }
0x4f: {  	_ =	shalt  }
0x50: {  	_ =	shalt  }
0x51: {  	_ =	shalt  }
0x52: {  	_ =	shalt  }
0x53: {  	_ =	shalt  }
0x54: {  	_ =	shalt  }
0x55: {  	_ =	shalt  }
0x56: {  	_ =	shalt  }
0x57: {  	_ =	shalt  }
0x58: {  	_ =	shalt  }
0x59: {  	_ =	shalt  }
0x5a: {  	_ =	shalt  }
0x5b: {  	_ =	shalt  }
0x5c: {  	_ =	shalt  }
0x5d: {  	_ =	shalt  }
0x5e: {  	_ =	shalt  }
0x5f: {  	_ =	shalt  }
0x60: {  	_ =	shalt  }
0x61: {  	_ =	shalt  }
0x62: {  	_ =	shalt  }
0x63: {  	_ =	shalt  }
0x64: {  	_ =	shalt  }
0x65: {  	_ =	shalt  }
0x66: {  	_ =	shalt  }
0x67: {  	_ =	shalt  }
0x68: {  	_ =	shalt  }
0x69: {  	_ =	shalt  }
0x6a: {  	_ =	shalt  }
0x6b: {  	_ =	shalt  }
0x6c: {  	_ =	shalt  }
0x6d: {  	_ =	shalt  }
0x6e: {  	_ =	shalt  }
0x6f: {  	_ =	shalt  }
0x70: {  	_ =	shalt  }
0x71: {  	_ =	shalt  }
0x72: {  	_ =	shalt  }
0x73: {  	_ =	shalt  }
0x74: {  	_ =	shalt  }
0x75: {  	_ =	shalt  }
0x76: {  	_ =	shalt  }
0x77: {  	_ =	shalt  }
0x78: {  	_ =	shalt  }
0x79: {  	_ =	shalt  }
0x7a: {  	_ =	shalt  }
0x7b: {  	_ =	shalt  }
0x7c: {  	_ =	shalt  }
0x7d: {  	_ =	shalt  }
0x7e: {  	_ =	shalt  }
0x7f: {  	_ =	shalt  }
0x80: {  	_ =	shalt  }
0x81: {  	_ =	shalt  }
0x82: {  	_ =	shalt  }
0x83: {  	_ =	shalt  }
0x84: {  	_ =	shalt  }
0x85: {  	_ =	shalt  }
0x86: {  	_ =	shalt  }
0x87: {  	_ =	shalt  }
.Lfunc_end0:
.L_simem_size_0:
called_computation.6_lowered:
.L_overlay_start_0:
0x88: {  	s2 =	sld [smem:$0x3FD9]  }
0x89: {  	s3 =	sld [smem:$0x3FFE];
	_ =	sdelay $0x1  }
0x8a: {  	s1 =	srdreg.scid  }
0x8b: {  	s0 =	sand.u32 $0x1, s1  }
0x8c: {  	s14 =	sshll.u32 s0, $0xA;
	s2 =	sadd.s32 s3, s2  }
0x8d: {  	s2 =	sadd.s32 s2, s14  }
0x8e: {  	[smem:$0x3F8B] =	sst s2  }
0x8f: {  	_ = 	snop  }
0x90: {  	s2 =	sld [smem:$0x3FD0];
	_ =	sdelay $0x2  }
0x91: {  	s15 =	simm.s32 $0xA;
	s4 =	simm.s32 $0x10  }
0x92: {  	[smem:s4], [sflag:s15] =	dma.local [hbm:s2], $0x1  }
0x93: {  	_ =	swait.eq [sflag:s15], $0x1  }
0x94: {  	[sflag:s15] =	ssyncset.done $0x0  }
0x95: {  	[sflag:s15] =	ssyncadd.s32 $0xFFFFFFFF  }
0x96: {  	s16 =	sld [smem:$0x11];
	(tm) =	ssettm $0x1  }
0x97: {  	s17 =	sld [smem:$0x3FFB];
	_ =	sdelay $0x3  }
0x98: {  	_ =	strace s17  }
0x99: {  	s3 =	sld [smem:$0x3FFC];
	_ =	sdelay $0x3  }
0x9a: {  	_ =	strace s3  }
0x9b: {  	s3 =	sld [smem:$0x3FFD];
	_ =	sdelay $0x3  }
0x9c: {  	_ =	strace s3  }
0x9d: {  	_ =	strace $0x8FFFFFFF  }
0x9e: {  	s18 =	sld [smem:$0x3FDB];
	_ =	sdelay $0x1  }
0x9f: {  	s19 =	simm.s32 $_scs_section_size  }
0xa0: {  	s5 =	simm.s32 $_size__tile_overlayer_lowered;
	s6 =	simm.s32 $_tile_overlayer_lowered  }
0xa1: {  	s22 =	simm.s32 $0x1BFF;
	s21 =	sshll.u32 s6, $0x1;
	s3 =	sadd.s32 s19, s18  }
0xa2: {  	s7 =	simm.s32 $0x0;
	s20 =	sshll.u32 s5, $0x1;
	s5 =	sadd.s32 s21, s3  }
0xa3: {  	[timem:s7], [sflag:s22] =	dma.local [hbm:s5], s20  }
0xa4: {  	_ =	swait.ge [sflag:s22], s20  }
0xa5: {  	s4 =	ssub.s32 $0x0, s20;
	[sflag:s22] =	ssyncset.done $0x0  }
0xa6: {  	[sflag:s22] =	ssyncadd.s32 s4;
	_ =	sdelay $0x1  }
0xa7: {  	s23 =	simm.s32 $0x1B8B  }
0xa8: {  	_ =	swait.ge [sflag:s23], $0x1  }
0xa9: {  	[sflag:s23] =	ssyncset.done $0x0  }
0xaa: {  	s25 =	simm.s32 $0x1B8E;
	s24 =	sld [smem:$0x3FFE];
	[sflag:s23] =	ssyncadd.s32 $0xFFFFFFFF  }
0xab: {  	s26 =	simm.s32 $execute0_lowered;
	[smem:$0x3FD2] =	sst s25  }
0xac: {  	s5 =	sshll.u32 s26, $0x1;
	_ =	strace $0x80000058;
	[dreg:$0x1] =	wrdreg $0xFFFFFFFF  }
0xad: {  	s28 =	simm.s32 $_size_execute0_lowered;
	s3 =	sadd.s32 s3, s5;
	[dreg:$0x0] =	wrdreg $0x0  }
0xae: {  	s5 =	sshll.u32 s28, $0x1;
	[dreg:$0x2] =	wrdreg s3  }
0xaf: {  	[dreg:$0x3] =	wrdreg s5  }
0xb0: {  	[dreg:$0x4] =	wrdreg $0xC0  }
0xb1: {  	_ =	task [dreg:s7], $0x5FFFF  }
0xb2: {  	[dreg:$0x1] =	wrdreg $0xFFFFFFFF  }
0xb3: {  	[dreg:$0x0] =	wrdreg $0x60  }
0xb4: {  	[dreg:$0x2] =	wrdreg s16  }
0xb5: {  	[dreg:$0x3] =	wrdreg s24  }
0xb6: {  	[dreg:$0x4] =	wrdreg $0x9  }
0xb7: {  	_ =	task.clear_ibuf [dreg:s7], $0x5FFFF;
	_ =	strace $0x90000058  }
0xb8: {  	s29 =	simm.s32 $0x9;
	_ =	strace $0x8000005A  }
0xb9: {  	_ =	swait.ge [sflag:s29], $0x1  }
0xba: {  	[sflag:s29] =	ssyncadd.s32 $0xFFFFFFFF  }
0xbb: {  	_ =	strace $0x9000005A  }
0xbc: {  	_ =	sfence  }
0xbd: {  	s30 =	sld [smem:$0x0];
	_ =	sdelay $0x2  }
0xbe: {  	s31 =	sshll.u32 s1, $0xD;
	s1 =	sshrl.u32 s1, $0x2  }
0xbf: {  	s3 =	sand.u32 $0x4000, s31;
	s1 =	sadd.s32 s1, s30  }
0xc0: {  	s0 =	sor.u32 s3, s0;
	s1 =	sshll.u32 s1, $0x11  }
0xc1: {  	s0 =	sor.u32 s1, s0  }
0xc2: {  	s0 =	sadd.s32 $0x8F2B, s0  }
0xc3: {  	[sflag:s0] =	ssyncadd.remote.s32 $0x1  }
0xc4: {  	_ =	sfence.sel $0xFFFF  }
0xc5: {  	[dreg:$0x0] =	wrdreg $0xFFFFFFFF;
	(pc) =	sbr.abs _section_cstart, $3  }
0xc6: {  	[dreg:$0x1] =	wrdreg $0xFFFFFFFF  }
0xc7: {  	_ =	task.clear_ibuf [dreg:s7], $0x2FFFF;
	_ =	strace $0x9FFFFFFF  }
0xc8: {  	(tm) =	ssettm $0x7FFFFFFF  }
0xc9: {  	_ =	shalt  }
tec
execute0_lowered:
.L_overlay_start_1:
0x0: {  	(tag) =	ssettag $0x1  }
0x1: {  	s2 =	rddreg [dreg:$0x0];
	s1 =	srdreg.scid  }
0x2: {  	s0 =	stileid.u32;
	s5 =	rddreg [dreg:$0x1]  }
0x3: {  	s3 =	simm.s32 $0x0;
	s15 =	simm.s32 $0x4F00;
	s16 =	simm.s32 $0x7700  }
0x4: {  	s17 =	simm.s32 $0x9F00;
	s18 =	simm.s32 $0xC700;
	s19 =	simm.s32 $0x1  }
0x5: {  	s20 =	simm.s32 $0x2;
	s21 =	simm.s32 $0x26C0;
	s22 =	simm.s32 $0x4E40  }
0x6: {  	s23 =	simm.s32 $0x0;
	s8 =	sand.u32 $0x1, s1;
	s1 =	rddreg [dreg:$0x2]  }
0x7: {  	s4 =	sshll.u32 s0, $0x1;
	[smem:$0x7FF] =	sst s3;
	s13 =	smul.u32 $0x4E200, s0  }
0x8: {  	s10 =	sadd.s32 $0x7A600, s5;
	s6 =	sor.u32 s8, s4;
	s14 =	smul.u32 $0x27100, s8  }
0x9: {  	s12 =	sadd.s32 $0x55C600, s5;
	s9 =	ssub.s32 $0x2, s8;
	s7 =	smul.u32 $0x2710, s6  }
0xa: {  	_ =	strace $0x80000059;
	s6 =	smul.u32 $0x138800, s6;
	s11 =	sshrl.u32 s9, $0x1  }
0xb: {  	s4 =	sadd.s32 $0x53400, s5;
	s31 =	sadd.s32 s13, s12;
	s9 =	ssub.s32 s9, s11  }
0xc: {  	s11 =	sadd.s32 s14, s31;
	s7 =	sshrl.u32 s7, $0x3;
	s6 =	sshrl.u32 s6, $0x3  }
0xd: {  	s9 =	smax.u32 s9, $0x1;
	s7 =	sadd.s32 s7, s5;
	s30 =	sadd.s32 $0x26C00, s6  }
0xe: {  	s5 =	sadd.s32 $0x1CC00, s7;
	s6 =	sadd.s32 $0x12E00, s7;
	s7 =	sadd.s32 s10, s30  }
0xf: {  	s8 =	sadd.s32 s12, s30;
	s10 =	sadd.s32 s13, s10;
	s12 =	simm.s32 $0x3  }
0x10: {  	s13 =	simm.s32 $0x2780;
	s10 =	sadd.s32 s14, s10;
	s14 =	simm.s32 $0x50  }
.LBB2_1:
0x11: {  	[tilespmem:s3], [sflag:$0x3] =	stream.linear.gather [hbm4b:s5+s3], $0x2710, $0x38;
	[tilespmem:$0xEF00] =	vst v63  }
0x12: {  	_ =	swait.ge [sflag:s12], $0x2710  }
0x13: {  	[sflag:s12] =	ssyncset.done $0x0  }
0x14: {  	[sflag:s12] =	ssyncadd.s32 $0xFFFFD8F0  }
0x15: {  	[tilespmem:s13], [sflag:$0x3] =	stream.linear.gather [hbm4b:s6+s3], $0x2710, $0x38;
	[tilespmem:$0xEF00] =	vst v63  }
0x16: {  	_ =	swait.ge [sflag:s12], $0x2710  }
0x17: {  	[sflag:s12] =	ssyncset.done $0x0  }
0x18: {  	s24 =	simm.s32 $0x0;
	[sflag:s12] =	ssyncadd.s32 $0xFFFFD8F0  }
0x19: {  	[tilespmem:s15], [sflag:$0x1] =	stream.indirect.gather [hbm4b:s2+s14], $0x80, s24, s14, $0xb8;
	[tilespmem:$0xEF00] =	vst v63  }
0x1a: {  	s30 =	simm.s32 $0x2780  }
0x1b: {  	[tilespmem:s16], [sflag:$0x1] =	stream.indirect.gather [hbm4b:s4+s14], $0x80, s30, s14, $0xb8;
	[tilespmem:$0xEF00] =	vst v63  }
0x1c: {  	_ = 	snop  }
0x1d: {  	[tilespmem:s17], [sflag:$0x1] =	stream.indirect.gather [hbm4b:s2+s14], $0x80, s14, s14, $0xb8;
	[tilespmem:$0xEF00] =	vst v63  }
0x1e: {  	s24 =	simm.s32 $0x27D0  }
0x1f: {  	[tilespmem:s18], [sflag:$0x1] =	stream.indirect.gather [hbm4b:s4+s14], $0x80, s24, s14, $0xb8;
	[tilespmem:$0xEF00] =	vst v63  }
0x20: {  	_ =	swait.ge [sflag:s19], $0x2800  }
0x21: {  	[sflag:s19] =	ssyncset.done $0x0  }
0x22: {  	[sflag:s19] =	ssyncadd.s32 $0xFFFFD800  }
0x23: {  	_ =	swait.ge [sflag:s19], $0x2800  }
0x24: {  	[sflag:s19] =	ssyncset.done $0x0  }
0x25: {  	[sflag:s19] =	ssyncadd.s32 $0xFFFFD800  }
0x26: {  	_ =	swait.ge [sflag:s19], $0x2800  }
0x27: {  	[sflag:s19] =	ssyncset.done $0x0  }
0x28: {  	[sflag:s19] =	ssyncadd.s32 $0xFFFFD800  }
0x29: {  	_ =	swait.ge [sflag:s19], $0x2800  }
0x2a: {  	[sflag:s19] =	ssyncset.done $0x0  }
0x2b: {  	s25 =	sadd.s32 $0x0, s10;
	[sflag:s19] =	ssyncadd.s32 $0xFFFFD800  }
0x2c: {  	[hbm4b:s25+s3] =	stream.linear.scatter [tilespmem:s15], [sflag:$0x2], $0x2800, $0x38;
	[tilespmem:$0xEF00] =	vst v63  }
0x2d: {  	s26 =	sadd.s32 $0x0, s11  }
0x2e: {  	[hbm4b:s26+s3] =	stream.linear.scatter [tilespmem:s16], [sflag:$0x2], $0x2800, $0x38;
	[tilespmem:$0xEF00] =	vst v63  }
0x2f: {  	s25 =	sadd.s32 $0x500, s25  }
0x30: {  	[hbm4b:s25+s3] =	stream.linear.scatter [tilespmem:s17], [sflag:$0x2], $0x2800, $0x38;
	[tilespmem:$0xEF00] =	vst v63  }
0x31: {  	s31 =	sadd.s32 $0x500, s26  }
0x32: {  	[hbm4b:s31+s3] =	stream.linear.scatter [tilespmem:s18], [sflag:$0x2], $0x2800, $0x38;
	[tilespmem:$0xEF00] =	vst v63  }
0x33: {  	_ =	swait.ge [sflag:s20], $0x2800  }
0x34: {  	[sflag:s20] =	ssyncset.done $0x0  }
0x35: {  	[sflag:s20] =	ssyncadd.s32 $0xFFFFD800  }
0x36: {  	_ =	swait.ge [sflag:s20], $0x2800  }
0x37: {  	[sflag:s20] =	ssyncset.done $0x0  }
0x38: {  	[sflag:s20] =	ssyncadd.s32 $0xFFFFD800  }
0x39: {  	_ =	swait.ge [sflag:s20], $0x2800  }
0x3a: {  	[sflag:s20] =	ssyncset.done $0x0  }
0x3b: {  	[sflag:s20] =	ssyncadd.s32 $0xFFFFD800  }
0x3c: {  	s28 =	simm.s32 $0x1400;
	_ =	swait.ge [sflag:s20], $0x2800  }
0x3d: {  	s26 =	simm.s32 $0xF0;
	s25 =	simm.s32 $0xA00;
	[sflag:s20] =	ssyncset.done $0x0  }
.LBB2_2:
0x3e: {  	s29 =	sadd.s32 $0xFFFFFFB0, s26  }
0x3f: {  	[sflag:s20] =	ssyncadd.s32 $0xFFFFD800;
	s24 =	sadd.s32 $0xA0, s24;
	s30 =	smov.u32 s28  }
0x40: {  	[tilespmem:s15], [sflag:$0x1] =	stream.indirect.gather [hbm4b:s2+s14], $0x80, s29, s14, $0xb8;
	[tilespmem:$0xEF00] =	vst v63  }
0x41: {  	p0 =	sne.s32 s28, $0x26200;
	s28 =	sadd.s32 $0xA00, s28;
	s29 =	sadd.s32 $0xFFFFFFB0, s24  }
0x42: {  	[tilespmem:s16], [sflag:$0x1] =	stream.indirect.gather [hbm4b:s4+s14], $0x80, s29, s14, $0xb8;
	[tilespmem:$0xEF00] =	vst v63  }
0x43: {  	_ = 	snop  }
0x44: {  	[tilespmem:s17], [sflag:$0x1] =	stream.indirect.gather [hbm4b:s2+s14], $0x80, s26, s14, $0xb8;
	[tilespmem:$0xEF00] =	vst v63  }
0x45: {  	_ = 	snop  }
0x46: {  	[tilespmem:s18], [sflag:$0x1] =	stream.indirect.gather [hbm4b:s4+s14], $0x80, s24, s14, $0xb8;
	[tilespmem:$0xEF00] =	vst v63  }
0x47: {  	_ =	swait.ge [sflag:s19], $0x2800  }
0x48: {  	[sflag:s19] =	ssyncset.done $0x0  }
0x49: {  	[sflag:s19] =	ssyncadd.s32 $0xFFFFD800  }
0x4a: {  	_ =	swait.ge [sflag:s19], $0x2800  }
0x4b: {  	[sflag:s19] =	ssyncset.done $0x0  }
0x4c: {  	[sflag:s19] =	ssyncadd.s32 $0xFFFFD800  }
0x4d: {  	_ =	swait.ge [sflag:s19], $0x2800  }
0x4e: {  	[sflag:s19] =	ssyncset.done $0x0  }
0x4f: {  	[sflag:s19] =	ssyncadd.s32 $0xFFFFD800  }
0x50: {  	_ =	swait.ge [sflag:s19], $0x2800  }
0x51: {  	[sflag:s19] =	ssyncset.done $0x0  }
0x52: {  	s29 =	sadd.s32 s25, s10;
	[sflag:s19] =	ssyncadd.s32 $0xFFFFD800  }
0x53: {  	[hbm4b:s29+s3] =	stream.linear.scatter [tilespmem:s15], [sflag:$0x2], $0x2800, $0x38;
	[tilespmem:$0xEF00] =	vst v63  }
0x54: {  	s31 =	sadd.s32 s25, s11;
	s25 =	smov.u32 s30  }
0x55: {  	[hbm4b:s31+s3] =	stream.linear.scatter [tilespmem:s16], [sflag:$0x2], $0x2800, $0x38;
	[tilespmem:$0xEF00] =	vst v63  }
0x56: {  	s29 =	sadd.s32 $0x500, s29  }
0x57: {  	[hbm4b:s29+s3] =	stream.linear.scatter [tilespmem:s17], [sflag:$0x2], $0x2800, $0x38;
	[tilespmem:$0xEF00] =	vst v63  }
0x58: {  	s29 =	sadd.s32 $0x500, s31  }
0x59: {  	[hbm4b:s29+s3] =	stream.linear.scatter [tilespmem:s18], [sflag:$0x2], $0x2800, $0x38;
	[tilespmem:$0xEF00] =	vst v63  }
0x5a: {  	_ =	swait.ge [sflag:s20], $0x2800  }
0x5b: {  	[sflag:s20] =	ssyncset.done $0x0  }
0x5c: {  	[sflag:s20] =	ssyncadd.s32 $0xFFFFD800  }
0x5d: {  	_ =	swait.ge [sflag:s20], $0x2800  }
0x5e: {  	[sflag:s20] =	ssyncset.done $0x0  }
0x5f: {  	[sflag:s20] =	ssyncadd.s32 $0xFFFFD800  }
.Ltmp0:
0x60: {  	_ =	swait.ge [sflag:s20], $0x2800;
	(pc) =	sbr.rel @p0 .LBB2_2-.Ltmp0, $4  }
0x61: {  	[sflag:s20] =	ssyncset.done $0x0  }
0x62: {  	[sflag:s20] =	ssyncadd.s32 $0xFFFFD800  }
0x63: {  	_ =	swait.ge [sflag:s20], $0x2800  }
0x64: {  	s26 =	sadd.s32 $0xA0, s26;
	[sflag:s20] =	ssyncset.done $0x0  }
0x65: {  	s28 =	sadd.s32 $0xFFFFFFB0, s26;
	[sflag:s20] =	ssyncadd.s32 $0xFFFFD800;
	s24 =	sadd.s32 $0xA0, s24  }
0x66: {  	[tilespmem:s15], [sflag:$0x1] =	stream.indirect.gather [hbm4b:s2+s14], $0x80, s28, s14, $0xb8;
	[tilespmem:$0xEF00] =	vst v63  }
0x67: {  	s31 =	sadd.s32 $0xFFFFFFB0, s24  }
0x68: {  	[tilespmem:s16], [sflag:$0x1] =	stream.indirect.gather [hbm4b:s4+s14], $0x80, s31, s14, $0xb8;
	[tilespmem:$0xEF00] =	vst v63  }
0x69: {  	_ = 	snop  }
0x6a: {  	[tilespmem:s17], [sflag:$0x1] =	stream.indirect.gather [hbm4b:s2+s14], $0x80, s26, s14, $0xb8;
	[tilespmem:$0xEF00] =	vst v63  }
0x6b: {  	_ = 	snop  }
0x6c: {  	[tilespmem:s18], [sflag:$0x1] =	stream.indirect.gather [hbm4b:s4+s14], $0x80, s24, s14, $0xb8;
	[tilespmem:$0xEF00] =	vst v63  }
0x6d: {  	_ =	swait.ge [sflag:s19], $0x2800  }
0x6e: {  	[sflag:s19] =	ssyncset.done $0x0  }
0x6f: {  	[sflag:s19] =	ssyncadd.s32 $0xFFFFD800  }
0x70: {  	_ =	swait.ge [sflag:s19], $0x2800  }
0x71: {  	[sflag:s19] =	ssyncset.done $0x0  }
0x72: {  	[sflag:s19] =	ssyncadd.s32 $0xFFFFD800  }
0x73: {  	_ =	swait.ge [sflag:s19], $0x2800  }
0x74: {  	[sflag:s19] =	ssyncset.done $0x0  }
0x75: {  	[sflag:s19] =	ssyncadd.s32 $0xFFFFD800  }
0x76: {  	_ =	swait.ge [sflag:s19], $0x2800  }
0x77: {  	[sflag:s19] =	ssyncset.done $0x0  }
0x78: {  	s29 =	sadd.s32 s25, s10;
	[sflag:s19] =	ssyncadd.s32 $0xFFFFD800  }
0x79: {  	[hbm4b:s29+s3] =	stream.linear.scatter [tilespmem:s15], [sflag:$0x2], $0x2800, $0x38;
	[tilespmem:$0xEF00] =	vst v63  }
0x7a: {  	s30 =	sadd.s32 s25, s11  }
0x7b: {  	[hbm4b:s30+s3] =	stream.linear.scatter [tilespmem:s16], [sflag:$0x2], $0x2800, $0x38;
	[tilespmem:$0xEF00] =	vst v63  }
0x7c: {  	s24 =	sadd.s32 $0x500, s29  }
0x7d: {  	[hbm4b:s24+s3] =	stream.linear.scatter [tilespmem:s17], [sflag:$0x2], $0x2800, $0x38;
	[tilespmem:$0xEF00] =	vst v63  }
0x7e: {  	s31 =	sadd.s32 $0x500, s30  }
0x7f: {  	[hbm4b:s31+s3] =	stream.linear.scatter [tilespmem:s18], [sflag:$0x2], $0x2800, $0x38;
	[tilespmem:$0xEF00] =	vst v63  }
0x80: {  	_ =	swait.ge [sflag:s20], $0x2800  }
0x81: {  	[sflag:s20] =	ssyncset.done $0x0  }
0x82: {  	[sflag:s20] =	ssyncadd.s32 $0xFFFFD800  }
0x83: {  	_ =	swait.ge [sflag:s20], $0x2800  }
0x84: {  	[sflag:s20] =	ssyncset.done $0x0  }
0x85: {  	[sflag:s20] =	ssyncadd.s32 $0xFFFFD800  }
0x86: {  	_ =	swait.ge [sflag:s20], $0x2800  }
0x87: {  	[sflag:s20] =	ssyncset.done $0x0  }
0x88: {  	[sflag:s20] =	ssyncadd.s32 $0xFFFFD800  }
0x89: {  	_ =	swait.ge [sflag:s20], $0x2800  }
0x8a: {  	[sflag:s20] =	ssyncset.done $0x0  }
0x8b: {  	[sflag:s20] =	ssyncadd.s32 $0xFFFFD800  }
0x8c: {  	[tilespmem:s15], [sflag:$0x1] =	stream.indirect.gather [hbm4b:s2+s14], $0x80, s21, s14, $0xb8;
	[tilespmem:$0xEF00] =	vst v63  }
0x8d: {  	_ = 	snop  }
0x8e: {  	[tilespmem:s16], [sflag:$0x1] =	stream.indirect.gather [hbm4b:s4+s14], $0x80, s22, s14, $0xb8;
	[tilespmem:$0xEF00] =	vst v63  }
0x8f: {  	_ = 	snop  }
0x90: {  	[tilespmem:s17], [sflag:$0x1] =	stream.indirect.gather [hbm4b:s2+s14], $0x80, s21, s14, $0xb8;
	[tilespmem:$0xEF00] =	vst v63  }
0x91: {  	_ = 	snop  }
0x92: {  	[tilespmem:s18], [sflag:$0x1] =	stream.indirect.gather [hbm4b:s4+s14], $0x80, s22, s14, $0xb8;
	[tilespmem:$0xEF00] =	vst v63  }
0x93: {  	_ =	swait.ge [sflag:s19], $0x2800  }
0x94: {  	[sflag:s19] =	ssyncset.done $0x0  }
0x95: {  	[sflag:s19] =	ssyncadd.s32 $0xFFFFD800  }
0x96: {  	_ =	swait.ge [sflag:s19], $0x2800  }
0x97: {  	[sflag:s19] =	ssyncset.done $0x0  }
0x98: {  	[sflag:s19] =	ssyncadd.s32 $0xFFFFD800  }
0x99: {  	_ =	swait.ge [sflag:s19], $0x2800  }
0x9a: {  	[sflag:s19] =	ssyncset.done $0x0  }
0x9b: {  	[sflag:s19] =	ssyncadd.s32 $0xFFFFD800  }
0x9c: {  	_ =	swait.ge [sflag:s19], $0x2800  }
0x9d: {  	[sflag:s19] =	ssyncset.done $0x0  }
0x9e: {  	[sflag:s19] =	ssyncadd.s32 $0xFFFFD800  }
0x9f: {  	[hbm4b:s7+s3] =	stream.linear.scatter [tilespmem:s15], [sflag:$0x2], $0x2800, $0x38;
	[tilespmem:$0xEF00] =	vst v63  }
0xa0: {  	_ = 	snop  }
0xa1: {  	[hbm4b:s8+s3] =	stream.linear.scatter [tilespmem:s16], [sflag:$0x2], $0x2800, $0x38;
	[tilespmem:$0xEF00] =	vst v63  }
0xa2: {  	_ = 	snop  }
0xa3: {  	[hbm4b:s7+s3] =	stream.linear.scatter [tilespmem:s17], [sflag:$0x2], $0x2800, $0x38;
	[tilespmem:$0xEF00] =	vst v63  }
0xa4: {  	_ = 	snop  }
0xa5: {  	[hbm4b:s8+s3] =	stream.linear.scatter [tilespmem:s18], [sflag:$0x2], $0x2800, $0x38;
	[tilespmem:$0xEF00] =	vst v63  }
0xa6: {  	_ =	swait.ge [sflag:s20], $0x2800  }
0xa7: {  	[sflag:s20] =	ssyncset.done $0x0  }
0xa8: {  	[sflag:s20] =	ssyncadd.s32 $0xFFFFD800  }
0xa9: {  	_ =	swait.ge [sflag:s20], $0x2800  }
0xaa: {  	[sflag:s20] =	ssyncset.done $0x0  }
0xab: {  	s23 =	sadd.s32 $0x1, s23;
	[sflag:s20] =	ssyncadd.s32 $0xFFFFD800  }
0xac: {  	p0 =	sne.s32 s23, s9;
	_ =	swait.ge [sflag:s20], $0x2800  }
.Ltmp1:
0xad: {  	[sflag:s20] =	ssyncset.done $0x0;
	(pc) =	sbr.rel @p0 .LBB2_1-.Ltmp1, $4  }
0xae: {  	[sflag:s20] =	ssyncadd.s32 $0xFFFFD800  }
0xaf: {  	_ =	swait.ge [sflag:s20], $0x2800  }
0xb0: {  	[sflag:s20] =	ssyncset.done $0x0  }
0xb1: {  	[sflag:s20] =	ssyncadd.s32 $0xFFFFD800  }
0xb2: {  	_ =	sfence.sel $0x180000  }
0xb3: {  	[bflag:$0x0] =	sbarrier.arrive $0xFFFF  }
0xb4: {  	p0 =	sne.s32 s0, $0x0;
	_ =	strace $0x90000059  }
0xb5: {  	s0 =	sadd.s32 @!p0 $0x100000, s1;
	[bflag:$0x2] =	sbarrier.arrive $0xFFFF  }
0xb6: {  	[sflag:s0] =	ssyncadd.tile.s32 @!p0 $0x1;
	_ =	shalt  }
.Lfunc_end2:
_tile_overlayer_lowered:
.L_overlay_start_2:
0xb7: {  	(tag) =	ssettag $0x2  }
0xb8: {  	s0 =	rddreg [dreg:$0x0];
	s2 =	stileid.u32  }
0xb9: {  	s1 =	rddreg [dreg:$0x1];
	p0 =	sne.s32 s2, $0x0  }
0xba: {  	s3 =	rddreg [dreg:$0x2];
	[bflag:$0x3] =	sbarrier.arrive $0xFFFF;
	s2 =	simm.s32 @!p0 $0x1C03  }
0xbb: {  	[timem:s3], [sflag:s2] =	dma.local @!p0 [hbm:s0], s1  }
0xbc: {  	s0 =	simm.s32 @!p0 $0x3  }
0xbd: {  	_ =	swait.ge @!p0 [sflag:s0], s1  }
0xbe: {  	s1 =	ssub.s32 @!p0 $0x0, s1;
	[sflag:s0] =	ssyncset.done @!p0 $0x0  }
0xbf: {  	[sflag:s0] =	ssyncadd.s32 @!p0 s1  }
0xc0: {  	[bflag:$0x3] =	sbarrier.arrive $0xFFFF  }
0xc1: {  	_ =	shalt  }

// kernel: kernel.41.cloned.1.call-start
scs
__scs_entry_jumppad:
0x0: {  	(pc) =	sbr.rel $0x88, $3  }
0x1: {  	(tag) =	ssettag $0x0;
	lr =	simm.s32 $0x1  }
0x2: {  	[smem:$0x3F64] =	sst lr;
	_ =	strace $0xD0000000  }
0x3: {  	_ = 	snop  }
0x4: {  	_ = 	snop  }
0x5: {  	_ = 	snop  }
0x6: {  	_ = 	snop  }
0x7: {  	_ = 	snop  }
__scs_overlays_trampoline_lowered:
0x8: {  	[smem:$0x3F73] =	sst s0  }
0x9: {  	[smem:$0x3F74] =	sst s1  }
0xa: {  	[smem:$0x3F75] =	sst s2  }
0xb: {  	[smem:$0x3F76] =	sst s3  }
0xc: {  	[smem:$0x3F77] =	sst s4  }
0xd: {  	[smem:$0x3F78] =	sst s5  }
0xe: {  	[smem:$0x3F79] =	sst s6  }
0xf: {  	[smem:$0x3F7A] =	sst s7  }
0x10: {  	[smem:$0x3F7B] =	sst s8  }
0x11: {  	[smem:$0x3F7C] =	sst s9;
	s0 =	simm.s32 @!p0 $0x0  }
0x12: {  	s1 =	sld [smem:$0x3F62];
	s0 =	simm.s32 @p0 $0x1  }
0x13: {  	[smem:$0x3F7D] =	sst s0;
	s0 =	simm.s32 @!p1 $0x0  }
0x14: {  	s2 =	sld [smem:$0x3F61];
	s0 =	simm.s32 @p1 $0x1  }
0x15: {  	[smem:$0x3F7E] =	sst s0;
	s0 =	simm.s32 @!p2 $0x0  }
0x16: {  	s3 =	sld [smem:$0x3FDB];
	s0 =	simm.s32 @p2 $0x1  }
0x17: {  	s4 =	simm.s32 $0x1BF5;
	[smem:$0x3F80] =	sst s0  }
0x18: {  	s0 =	sld [smem:$0x3F63];
	_ =	swait.ge [sflag:s4], $0x0  }
0x19: {  	s7 =	sld [smem:$0x3F64]  }
0x1a: {  	s8 =	sadd.s32 $0xFFFFE003, lr  }
0x1b: {  	s9 =	sadd.s32 $0xFFFFFEF7, lr;
	s5 =	simm.s32 $0xFFFFFFFF;
	p2 =	slt.u32 s8, $0xFFFFF086  }
0x1c: {  	p1 =	slt.u32 s9, $0xF7A;
	s5 =	simm.s32 @!p2 $0x0  }
0x1d: {  	s5 =	simm.s32 @p1 $0x1;
	p0 =	seq.s32 s7, s2  }
0x1e: {  	s7 =	smul.u32 @!p0 $0xF7A, s2;
	p2 =	seq.s32 @!p0 s5, $0x0  }
0x1f: {  	s9 =	smul.u32 $0xF7A, s1;
	s8 =	simm.s32 @!p0 $0x1BF5;
	p2 =	por !p2, p0  }
0x20: {  	[sflag:s8] =	ssyncset.s32 @!p0 $0xFFFFF086;
	s6 =	sadd.s32 @!p0 s3, s7;
	s7 =	simm.s32 @!p0 $0x108  }
0x21: {  	s3 =	sadd.s32 s3, s9;
	s6 =	sadd.s32 @!p0 $0x88, s6;
	s7 =	simm.s32 @p2 $0x1082  }
0x22: {  	[simem:s7], [sflag:s8] =	dma.local @!p0 [hbm:s6], $0xF7A  }
0x23: {  	s9 =	sor.u32 $0xD0000000, s2;
	s6 =	simm.s32 $0x108;
	_ =	swait.ge @!p0 [sflag:s8], $0x0  }
0x24: {  	s3 =	sadd.s32 $0x88, s3;
	s6 =	simm.s32 @!p1 $0x1082;
	[sflag:s4] =	ssyncset.s32 $0xFFFFF086  }
0x25: {  	[simem:s6], [sflag:s4] =	dma.local [hbm:s3], $0xF7A  }
0x26: {  	[smem:$0x3F64] =	sst s1;
	(tag) =	ssettag s2;
	_ =	strace s9  }
0x27: {  	s1 =	sld [smem:$0x3F74]  }
0x28: {  	s2 =	sld [smem:$0x3F75]  }
0x29: {  	s4 =	sld [smem:$0x3F77]  }
0x2a: {  	p0 =	seq.s32 s5, $0x0;
	s5 =	sld [smem:$0x3F78]  }
0x2b: {  	s6 =	sld [smem:$0x3F79]  }
0x2c: {  	s7 =	sld [smem:$0x3F7A]  }
0x2d: {  	s3 =	simm.s32 $0x108;
	s8 =	sld [smem:$0x3F7B]  }
0x2e: {  	s3 =	simm.s32 @!p0 $0x1082;
	s9 =	sld [smem:$0x3F7C]  }
0x2f: {  	lr =	sadd.s32 s0, s3;
	s0 =	sld [smem:$0x3F73]  }
0x30: {  	s3 =	sld [smem:$0x3F76]  }
0x31: {  	[smem:$0x3F7F] =	sst s10  }
0x32: {  	s10 =	sld [smem:$0x3F7D];
	_ =	sdelay $0x3  }
0x33: {  	p0 =	seq.s32 s10, $0x1;
	s10 =	sld [smem:$0x3F7F];
	_ =	sdelay $0x3  }
0x34: {  	[smem:$0x3F7F] =	sst s10  }
0x35: {  	s10 =	sld [smem:$0x3F7E];
	_ =	sdelay $0x3  }
0x36: {  	p1 =	seq.s32 s10, $0x1;
	s10 =	sld [smem:$0x3F7F];
	_ =	sdelay $0x3  }
0x37: {  	[smem:$0x3F7F] =	sst s10  }
0x38: {  	s10 =	sld [smem:$0x3F80]  }
0x39: {  	_ = 	snop;
	(pc) =	sbr.ind lr, $3  }
0x3a: {  	_ = 	snop  }
0x3b: {  	_ = 	snop  }
0x3c: {  	p2 =	seq.s32 s10, $0x1;
	s10 =	sld [smem:$0x3F7F]  }
0x3d: {  	_ =	shalt  }
0x3e: {  	_ =	shalt  }
0x3f: {  	_ =	shalt  }
0x40: {  	_ =	shalt  }
0x41: {  	_ =	shalt  }
0x42: {  	_ =	shalt  }
0x43: {  	_ =	shalt  }
0x44: {  	_ =	shalt  }
0x45: {  	_ =	shalt  }
0x46: {  	_ =	shalt  }
0x47: {  	_ =	shalt  }
0x48: {  	_ =	shalt  }
0x49: {  	_ =	shalt  }
0x4a: {  	_ =	shalt  }
0x4b: {  	_ =	shalt  }
0x4c: {  	_ =	shalt  }
0x4d: {  	_ =	shalt  }
0x4e: {  	_ =	shalt  }
0x4f: {  	_ =	shalt  }
0x50: {  	_ =	shalt  }
0x51: {  	_ =	shalt  }
0x52: {  	_ =	shalt  }
0x53: {  	_ =	shalt  }
0x54: {  	_ =	shalt  }
0x55: {  	_ =	shalt  }
0x56: {  	_ =	shalt  }
0x57: {  	_ =	shalt  }
0x58: {  	_ =	shalt  }
0x59: {  	_ =	shalt  }
0x5a: {  	_ =	shalt  }
0x5b: {  	_ =	shalt  }
0x5c: {  	_ =	shalt  }
0x5d: {  	_ =	shalt  }
0x5e: {  	_ =	shalt  }
0x5f: {  	_ =	shalt  }
0x60: {  	_ =	shalt  }
0x61: {  	_ =	shalt  }
0x62: {  	_ =	shalt  }
0x63: {  	_ =	shalt  }
0x64: {  	_ =	shalt  }
0x65: {  	_ =	shalt  }
0x66: {  	_ =	shalt  }
0x67: {  	_ =	shalt  }
0x68: {  	_ =	shalt  }
0x69: {  	_ =	shalt  }
0x6a: {  	_ =	shalt  }
0x6b: {  	_ =	shalt  }
0x6c: {  	_ =	shalt  }
0x6d: {  	_ =	shalt  }
0x6e: {  	_ =	shalt  }
0x6f: {  	_ =	shalt  }
0x70: {  	_ =	shalt  }
0x71: {  	_ =	shalt  }
0x72: {  	_ =	shalt  }
0x73: {  	_ =	shalt  }
0x74: {  	_ =	shalt  }
0x75: {  	_ =	shalt  }
0x76: {  	_ =	shalt  }
0x77: {  	_ =	shalt  }
0x78: {  	_ =	shalt  }
0x79: {  	_ =	shalt  }
0x7a: {  	_ =	shalt  }
0x7b: {  	_ =	shalt  }
0x7c: {  	_ =	shalt  }
0x7d: {  	_ =	shalt  }
0x7e: {  	_ =	shalt  }
0x7f: {  	_ =	shalt  }
0x80: {  	_ =	shalt  }
0x81: {  	_ =	shalt  }
0x82: {  	_ =	shalt  }
0x83: {  	_ =	shalt  }
0x84: {  	_ =	shalt  }
0x85: {  	_ =	shalt  }
0x86: {  	_ =	shalt  }
0x87: {  	_ =	shalt  }
.Lfunc_end0:
.L_simem_size_0:
called_computation.7_lowered:
.L_overlay_start_0:
0x88: {  	s2 =	sld [smem:$0x3FD9]  }
0x89: {  	s3 =	sld [smem:$0x3FFE];
	_ =	sdelay $0x1  }
0x8a: {  	s1 =	srdreg.scid  }
0x8b: {  	s0 =	sand.u32 $0x1, s1  }
0x8c: {  	s16 =	sshll.u32 s0, $0xA;
	s2 =	sadd.s32 s3, s2  }
0x8d: {  	s2 =	sadd.s32 s2, s16  }
0x8e: {  	[smem:$0x3F8B] =	sst s2  }
0x8f: {  	_ = 	snop  }
0x90: {  	(tm) =	ssettm $0x1  }
0x91: {  	s17 =	sld [smem:$0x3FFB];
	_ =	sdelay $0x3  }
0x92: {  	_ =	strace s17  }
0x93: {  	s2 =	sld [smem:$0x3FFC];
	_ =	sdelay $0x3  }
0x94: {  	_ =	strace s2  }
0x95: {  	s2 =	sld [smem:$0x3FFD];
	_ =	sdelay $0x3  }
0x96: {  	_ =	strace s2  }
0x97: {  	_ =	strace $0x8FFFFFFF  }
0x98: {  	s18 =	sld [smem:$0x3FDB];
	_ =	sdelay $0x1  }
0x99: {  	s19 =	simm.s32 $_scs_section_size  }
0x9a: {  	s4 =	simm.s32 $_size__tile_overlayer_lowered;
	s5 =	simm.s32 $_tile_overlayer_lowered  }
0x9b: {  	s22 =	simm.s32 $0x1BFF;
	s21 =	sshll.u32 s5, $0x1;
	s2 =	sadd.s32 s19, s18  }
0x9c: {  	s6 =	simm.s32 $0x0;
	s20 =	sshll.u32 s4, $0x1;
	s4 =	sadd.s32 s21, s2  }
0x9d: {  	[timem:s6], [sflag:s22] =	dma.local [hbm:s4], s20  }
0x9e: {  	_ =	swait.ge [sflag:s22], s20  }
0x9f: {  	s3 =	ssub.s32 $0x0, s20;
	[sflag:s22] =	ssyncset.done $0x0  }
0xa0: {  	[sflag:s22] =	ssyncadd.s32 s3;
	_ =	sdelay $0x1  }
0xa1: {  	s23 =	simm.s32 $0x1B8B  }
0xa2: {  	_ =	swait.ge [sflag:s23], $0x1  }
0xa3: {  	[sflag:s23] =	ssyncset.done $0x0  }
0xa4: {  	s25 =	simm.s32 $0x1B8E;
	s24 =	sld [smem:$0x3FFE];
	[sflag:s23] =	ssyncadd.s32 $0xFFFFFFFF  }
0xa5: {  	s26 =	simm.s32 $execute0_lowered;
	[smem:$0x3FD2] =	sst s25  }
0xa6: {  	s4 =	sshll.u32 s26, $0x1;
	_ =	strace $0x8000005B;
	[dreg:$0x1] =	wrdreg $0xFFFFFFFF  }
0xa7: {  	s28 =	simm.s32 $_size_execute0_lowered;
	s2 =	sadd.s32 s2, s4;
	[dreg:$0x0] =	wrdreg $0x0  }
0xa8: {  	s4 =	sshll.u32 s28, $0x1;
	[dreg:$0x2] =	wrdreg s2  }
0xa9: {  	[dreg:$0x3] =	wrdreg s4  }
0xaa: {  	[dreg:$0x4] =	wrdreg $0xC0  }
0xab: {  	_ =	task [dreg:s6], $0x5FFFF  }
0xac: {  	[dreg:$0x1] =	wrdreg $0xFFFFFFFF  }
0xad: {  	[dreg:$0x0] =	wrdreg $0x60  }
0xae: {  	[dreg:$0x2] =	wrdreg s24  }
0xaf: {  	[dreg:$0x3] =	wrdreg $0x90000  }
0xb0: {  	[dreg:$0x4] =	wrdreg $0x9  }
0xb1: {  	_ =	task.clear_ibuf [dreg:s6], $0x5FFFF;
	_ =	strace $0x9000005B  }
0xb2: {  	s29 =	simm.s32 $0x9;
	_ =	strace $0x8000005D  }
0xb3: {  	_ =	swait.ge [sflag:s29], $0x1  }
0xb4: {  	[sflag:s29] =	ssyncadd.s32 $0xFFFFFFFF  }
0xb5: {  	_ =	strace $0x9000005D  }
0xb6: {  	_ =	sfence  }
0xb7: {  	s30 =	sld [smem:$0x0];
	_ =	sdelay $0x2  }
0xb8: {  	s31 =	sshll.u32 s1, $0xD;
	s1 =	sshrl.u32 s1, $0x2  }
0xb9: {  	s3 =	sand.u32 $0x4000, s31;
	s1 =	sadd.s32 s1, s30  }
0xba: {  	s0 =	sor.u32 s3, s0;
	s1 =	sshll.u32 s1, $0x11  }
0xbb: {  	s0 =	sor.u32 s1, s0  }
0xbc: {  	s0 =	sadd.s32 $0x8F2B, s0  }
0xbd: {  	[sflag:s0] =	ssyncadd.remote.s32 $0x1  }
0xbe: {  	_ =	sfence.sel $0xFFFF  }
0xbf: {  	[dreg:$0x0] =	wrdreg $0xFFFFFFFF;
	(pc) =	sbr.abs _section_cstart, $3  }
0xc0: {  	[dreg:$0x1] =	wrdreg $0xFFFFFFFF  }
0xc1: {  	_ =	task.clear_ibuf [dreg:s6], $0x2FFFF;
	_ =	strace $0x9FFFFFFF  }
0xc2: {  	(tm) =	ssettm $0x7FFFFFFF  }
0xc3: {  	_ =	shalt  }
tec
execute0_lowered:
.L_overlay_start_1:
0x0: {  	(tag) =	ssettag $0x1  }
0x1: {  	s5 =	rddreg [dreg:$0x0];
	s1 =	srdreg.scid  }
0x2: {  	s0 =	stileid.u32;
	s2 =	rddreg [dreg:$0x1];
	s3 =	simm.s32 $0x0  }
0x3: {  	s16 =	simm.s32 $0x6800;
	s17 =	simm.s32 $0x1;
	s18 =	simm.s32 $0x50  }
0x4: {  	s19 =	simm.s32 $0x3E00;
	s20 =	simm.s32 $0x0;
	s9 =	sand.u32 $0x1, s1  }
0x5: {  	s4 =	sshll.u32 s0, $0x1;
	s10 =	sadd.s32 $0xCE4400, s5;
	s11 =	smul.u32 $0x4F000, s0  }
0x6: {  	s1 =	rddreg [dreg:$0x2];
	s12 =	sadd.s32 $0xA73400, s5;
	s28 =	smul.u32 $0x13C00, s0  }
0x7: {  	[smem:$0x7FF] =	sst s3;
	s15 =	sadd.s32 $0x128400, s2;
	s30 =	smul.u32 $0x4E200, s0  }
0x8: {  	p0 =	seq.s32 s0, $0xF;
	s6 =	sor.u32 s9, s4;
	s26 =	smul.u32 $0x138800, s9  }
0x9: {  	_ =	strace $0x8000005C;
	s8 =	ssub.s32 $0x2, s9;
	s31 =	smul.u32 $0x27100, s9  }
0xa: {  	s4 =	sshll.u32 s6, $0xB;
	s24 =	sshrl.u32 s8, $0x1;
	s6 =	smul.u32 $0x138800, s6  }
0xb: {  	s25 =	sshrl.u32 s11, $0x2;
	s11 =	sshrl.u32 @p0 s15, $0x3;
	s15 =	simm.s32 $0x4000  }
0xc: {  	s7 =	sadd.s32 s4, s5;
	s4 =	sadd.s32 $0x50C00, s5;
	s13 =	ssub.s32 s8, s24  }
0xd: {  	s14 =	sadd.s32 s25, s2;
	s29 =	sadd.s32 s28, s26;
	s8 =	sshrl.u32 s26, $0x3  }
0xe: {  	s6 =	sshrl.u32 s6, $0x3;
	s5 =	sadd.s32 $0xA63400, s7;
	s7 =	sshrl.u32 s29, $0x3  }
0xf: {  	s8 =	sadd.s32 s12, s8;
	s9 =	smax.u32 s13, $0x1;
	s13 =	sshrl.u32 @!p0 s14, $0x3  }
0x10: {  	s14 =	simm.s32 $0x2;
	s6 =	sadd.s32 s10, s6;
	s7 =	sadd.s32 s12, s7  }
0x11: {  	s8 =	sadd.s32 $0x25080, s8;
	s10 =	sadd.s32 s30, s10;
	s12 =	sshll.u32 @!p0 s0, $0x6  }
0x12: {  	s6 =	sadd.s32 $0x26C00, s6;
	s10 =	sadd.s32 s31, s10;
	s12 =	sor.u32 @!p0 $0x1C02, s12  }
.LBB2_1:
0x13: {  	s21 =	simm.s32 @p0 $0x1FC2  }
0x14: {  	[spmem:s11], [sflag:s21] =	dma.local @p0 [hbm:s4], $0x2080  }
0x15: {  	s21 =	simm.s32 @p0 $0x2  }
0x16: {  	_ =	swait.ge @p0 [sflag:s21], $0x2080  }
0x17: {  	[sflag:s21] =	ssyncset.done @p0 $0x0  }
0x18: {  	[sflag:s21] =	ssyncadd.s32 @p0 $0xFFFFDF80;
	s21 =	simm.s32 @!p0 $0x2  }
0x19: {  	[spmem:s13], [sflag:s12] =	dma.local @!p0 [hbm:s4], $0x2780  }
0x1a: {  	_ =	swait.ge @!p0 [sflag:s21], $0x2780  }
0x1b: {  	[sflag:s21] =	ssyncset.done @!p0 $0x0  }
0x1c: {  	[sflag:s21] =	ssyncadd.s32 @!p0 $0xFFFFD880  }
0x1d: {  	[tilespmem:s3], [sflag:$0x2] =	stream.linear.gather [hbm4b:s5+s3], $0x3E80, $0x38;
	[tilespmem:$0x1C880] =	vst v63  }
0x1e: {  	_ =	swait.ge [sflag:s14], $0x3E80  }
0x1f: {  	[sflag:s14] =	ssyncset.done $0x0  }
0x20: {  	[sflag:s14] =	ssyncadd.s32 $0xFFFFC180  }
0x21: {  	[bflag:$0x0] =	sbarrier.arrive $0xFFFF  }
0x22: {  	[tilespmem:s15], [sflag:$0x1] =	stream.linear.gather [hbm4b:s10+s3], $0x2800, $0x38;
	[tilespmem:$0x1C880] =	vst v63  }
0x23: {  	s29 =	sadd.s32 $0x500, s10  }
0x24: {  	[tilespmem:s16], [sflag:$0x1] =	stream.linear.gather [hbm4b:s29+s3], $0x2800, $0x38;
	[tilespmem:$0x1C880] =	vst v63  }
0x25: {  	_ =	swait.ge [sflag:s17], $0x2800  }
0x26: {  	[sflag:s17] =	ssyncset.done $0x0  }
0x27: {  	s30 =	simm.s32 $0x0;
	[sflag:s17] =	ssyncadd.s32 $0xFFFFD800  }
0x28: {  	[spmem:s2] =	stream.indirect.scatter.add.f32 [tilespmem:s15], [sflag:$0x2], $0x80, s30, s18, $0xb8;
	[tilespmem:$0x1C880] =	vst v63  }
0x29: {  	_ =	swait.ge [sflag:s14], $0x2800  }
0x2a: {  	[sflag:s14] =	ssyncset.done $0x0  }
0x2b: {  	[sflag:s14] =	ssyncadd.s32 $0xFFFFD800  }
0x2c: {  	_ =	swait.ge [sflag:s17], $0x2800  }
0x2d: {  	[sflag:s17] =	ssyncset.done $0x0  }
0x2e: {  	s31 =	simm.s32 $0x80;
	[sflag:s17] =	ssyncadd.s32 $0xFFFFD800  }
0x2f: {  	[spmem:s2] =	stream.indirect.scatter.add.f32 [tilespmem:s16], [sflag:$0x2], $0x80, s31, s18, $0xb8;
	[tilespmem:$0x1C880] =	vst v63  }
0x30: {  	_ =	swait.ge [sflag:s14], $0x2800  }
0x31: {  	s22 =	smov.u32 s10;
	s21 =	simm.s32 $0x400;
	[sflag:s14] =	ssyncset.done $0x0  }
.LBB2_2:
0x32: {  	p1 =	sne.s32 s21, $0xF400;
	[sflag:s14] =	ssyncadd.s32 $0xFFFFD800;
	s22 =	sadd.s32 $0xA00, s22  }
0x33: {  	[tilespmem:s15], [sflag:$0x1] =	stream.linear.gather [hbm4b:s22+s3], $0x2800, $0x38;
	[tilespmem:$0x1C880] =	vst v63  }
0x34: {  	s24 =	smov.u32 s21;
	s21 =	sadd.s32 $0x400, s21;
	s23 =	sadd.s32 $0x500, s22  }
0x35: {  	[tilespmem:s16], [sflag:$0x1] =	stream.linear.gather [hbm4b:s23+s3], $0x2800, $0x38;
	[tilespmem:$0x1C880] =	vst v63  }
0x36: {  	_ =	swait.ge [sflag:s17], $0x2800  }
0x37: {  	[sflag:s17] =	ssyncset.done $0x0  }
0x38: {  	s23 =	sshra.s32 s24, $0x2;
	[sflag:s17] =	ssyncadd.s32 $0xFFFFD800  }
0x39: {  	[spmem:s2] =	stream.indirect.scatter.add.f32 [tilespmem:s15], [sflag:$0x2], $0x80, s23, s18, $0xb8;
	[tilespmem:$0x1C880] =	vst v63  }
0x3a: {  	_ =	swait.ge [sflag:s14], $0x2800  }
0x3b: {  	[sflag:s14] =	ssyncset.done $0x0  }
0x3c: {  	[sflag:s14] =	ssyncadd.s32 $0xFFFFD800  }
0x3d: {  	_ =	swait.ge [sflag:s17], $0x2800  }
.Ltmp0:
0x3e: {  	[sflag:s17] =	ssyncset.done $0x0;
	(pc) =	sbr.rel @p1 .LBB2_2-.Ltmp0, $4  }
0x3f: {  	s23 =	sadd.s32 $0x80, s23;
	[sflag:s17] =	ssyncadd.s32 $0xFFFFD800  }
0x40: {  	[spmem:s2] =	stream.indirect.scatter.add.f32 [tilespmem:s16], [sflag:$0x2], $0x80, s23, s18, $0xb8;
	[tilespmem:$0x1C880] =	vst v63  }
0x41: {  	_ =	swait.ge [sflag:s14], $0x2800  }
0x42: {  	[sflag:s14] =	ssyncset.done $0x0  }
0x43: {  	[sflag:s14] =	ssyncadd.s32 $0xFFFFD800  }
0x44: {  	[tilespmem:s15], [sflag:$0x1] =	stream.linear.gather [hbm4b:s6+s3], $0x2800, $0x38;
	[tilespmem:$0x1C880] =	vst v63  }
0x45: {  	_ =	swait.ge [sflag:s17], $0x2800  }
0x46: {  	[sflag:s17] =	ssyncset.done $0x0  }
0x47: {  	[sflag:s17] =	ssyncadd.s32 $0xFFFFD800  }
0x48: {  	[spmem:s2] =	stream.indirect.scatter.add.f32 [tilespmem:s15], [sflag:$0x2], $0x80, s19, s18, $0xb8;
	[tilespmem:$0x1C880] =	vst v63  }
0x49: {  	_ =	swait.ge [sflag:s14], $0x2800  }
0x4a: {  	[sflag:s14] =	ssyncset.done $0x0  }
0x4b: {  	[sflag:s14] =	ssyncadd.s32 $0xFFFFD800  }
0x4c: {  	s21 =	simm.s32 @p0 $0x1FC2;
	[bflag:$0x0] =	sbarrier.arrive $0xFFFF  }
0x4d: {  	[hbm:s8], [sflag:s21] =	dma.local @p0 [spmem:s11], $0x2080  }
0x4e: {  	s21 =	simm.s32 @p0 $0x2  }
0x4f: {  	s20 =	sadd.s32 $0x1, s20;
	_ =	swait.ge @p0 [sflag:s21], $0x2080  }
0x50: {  	p1 =	sne.s32 s20, s9;
	[sflag:s21] =	ssyncset.done @p0 $0x0  }
.Ltmp1:
0x51: {  	[sflag:s21] =	ssyncadd.s32 @p0 $0xFFFFDF80;
	s21 =	simm.s32 @!p0 $0x2;
	(pc) =	sbr.rel @p1 .LBB2_1-.Ltmp1, $4  }
0x52: {  	[hbm:s7], [sflag:s12] =	dma.local @!p0 [spmem:s13], $0x2780  }
0x53: {  	_ =	swait.ge @!p0 [sflag:s21], $0x2780  }
0x54: {  	[sflag:s21] =	ssyncset.done @!p0 $0x0  }
0x55: {  	[sflag:s21] =	ssyncadd.s32 @!p0 $0xFFFFD880  }
0x56: {  	_ =	sfence.sel $0x180000  }
0x57: {  	[bflag:$0x0] =	sbarrier.arrive $0xFFFF  }
0x58: {  	p0 =	sne.s32 s0, $0x0;
	_ =	strace $0x9000005C  }
0x59: {  	s0 =	sadd.s32 @!p0 $0x100000, s1;
	[bflag:$0x2] =	sbarrier.arrive $0xFFFF  }
0x5a: {  	[sflag:s0] =	ssyncadd.tile.s32 @!p0 $0x1;
	_ =	shalt  }
.Lfunc_end2:
_tile_overlayer_lowered:
.L_overlay_start_2:
0x5b: {  	(tag) =	ssettag $0x2  }
0x5c: {  	s0 =	rddreg [dreg:$0x0];
	s2 =	stileid.u32  }
0x5d: {  	s1 =	rddreg [dreg:$0x1];
	p0 =	sne.s32 s2, $0x0  }
0x5e: {  	s3 =	rddreg [dreg:$0x2];
	[bflag:$0x3] =	sbarrier.arrive $0xFFFF;
	s2 =	simm.s32 @!p0 $0x1C02  }
0x5f: {  	[timem:s3], [sflag:s2] =	dma.local @!p0 [hbm:s0], s1  }
0x60: {  	s0 =	simm.s32 @!p0 $0x2  }
0x61: {  	_ =	swait.ge @!p0 [sflag:s0], s1  }
0x62: {  	s1 =	ssub.s32 @!p0 $0x0, s1;
	[sflag:s0] =	ssyncset.done @!p0 $0x0  }
0x63: {  	[sflag:s0] =	ssyncadd.s32 @!p0 s1  }
0x64: {  	[bflag:$0x3] =	sbarrier.arrive $0xFFFF  }
0x65: {  	_ =	shalt  }

</sc_bundles>
